<compile_context>
chip_gen: v7x
topology: tpu7x:2x2x1
jax: 0.10.2.dev20260603
libtpu: 0.0.44.dev20260713+nightly
codegen_flags: <defaults>
</compile_context>

<pallas_src>
import dataclasses
import functools

import jax
import jax.numpy as jnp
from jax import lax
from jax.experimental import pallas as pl
from jax.experimental.pallas import tpu as pltpu
from jax.experimental.pallas import tpu_sc as plsc

_N, _D, _H, _B = 100000, 128, 64, 512
_NW = 32
_CH = 128
_NCH = 25
_RPW = _CH * _NCH
_NP = _NW * _RPW
_BLK = 4096
_NBLK = _NP // _BLK
_EW = 128


def _tc_scores_body(mask_base, x_ref, w1_ref, b1_ref, w2_ref, b2_ref,
                    wout_ref, eout_ref):
    pid = pl.program_id(0)
    xb = x_ref[...]
    h = jnp.tanh(
        lax.dot_general(xb, w1_ref[...], (((1,), (0,)), ((), ())),
                        precision=lax.Precision.DEFAULT,
                        preferred_element_type=jnp.float32)
        + b1_ref[...])
    s = jnp.sum(h * w2_ref[...], axis=1, keepdims=True) + b2_ref[...]
    e = jnp.exp(s)
    wout_ref[...] = xb * e
    rows1 = mask_base + pid * _BLK + lax.broadcasted_iota(jnp.int32, (_BLK,), 0)
    eout_ref[...] = jnp.where(rows1 < _N, e[:, 0], 0.0)


def _tc_scores(x, W1, b1r, w2r, b2r, off_in, mask_blk, nblk):
    body = functools.partial(_tc_scores_body, mask_blk * _BLK)
    return pl.pallas_call(
        body,
        grid=(nblk,),
        in_specs=[
            pl.BlockSpec((_BLK, _D), lambda i: (i + off_in, 0)),
            pl.BlockSpec((_D, _H), lambda i: (0, 0)),
            pl.BlockSpec((1, _H), lambda i: (0, 0)),
            pl.BlockSpec((1, _H), lambda i: (0, 0)),
            pl.BlockSpec((1, 1), lambda i: (0, 0)),
        ],
        out_specs=[
            pl.BlockSpec((_BLK, _D), lambda i: (i, 0)),
            pl.BlockSpec((_BLK,), lambda i: (i,)),
        ],
        out_shape=[
            jax.ShapeDtypeStruct((nblk * _BLK, _D), jnp.float32),
            jax.ShapeDtypeStruct((nblk * _BLK,), jnp.float32),
        ],
    )(x, W1, b1r, w2r, b2r)


def _sc_compiler_params():
    cp = pltpu.CompilerParams()
    if "needs_layout_passes" in pltpu.CompilerParams.__dataclass_fields__:
        cp = dataclasses.replace(cp, needs_layout_passes=False)
    return cp


def _sc_pool(weighted, e1d, wtail, etail, batch_p, zw, base, nch, has_tail):
    rpw = nch * _CH
    nch_t = nch + (1 if has_tail else 0)
    tail_base = base + _NW * rpw
    mesh = plsc.VectorSubcoreMesh(core_axis_name="c", subcore_axis_name="s")

    @functools.partial(
        pl.kernel,
        out_type=[jax.ShapeDtypeStruct((2, _B, _D), jnp.float32),
                  jax.ShapeDtypeStruct((_NW * _B,), jnp.float32)],
        mesh=mesh,
        scratch_types=[
            pltpu.VMEM((2, _CH, _D), jnp.float32),
            pltpu.VMEM((2, _CH), jnp.float32),
            pltpu.VMEM((2, _CH), jnp.int32),
            pltpu.VMEM((_B // 16, _D), jnp.float32),
            pltpu.VMEM((_B,), jnp.float32),
            pltpu.VMEM_SHARED((_B, _D), jnp.float32),
            pltpu.SemaphoreType.DMA,
            pltpu.SemaphoreType.DMA,
        ],
        compiler_params=_sc_compiler_params(),
    )
    def k(w_hbm, e_hbm, wt_hbm, et_hbm, b_hbm, zw_hbm, ow_hbm, od_hbm,
          wbuf, ebuf, idx, stgw, den, accw, sem0, sem1):
        cid = lax.axis_index("c")
        sid = lax.axis_index("s")
        wid = cid * 16 + sid
        stripe = pl.ds(sid * (_B // 16), _B // 16)

        pltpu.sync_copy(zw_hbm.at[stripe], stgw)
        pltpu.sync_copy(stgw, accw.at[stripe])

        @pl.loop(0, _B, step=16)
        def _(j):
            den[pl.ds(j, 16)] = jnp.zeros((16,), jnp.float32)

        plsc.subcore_barrier()

        iota16 = lax.broadcasted_iota(jnp.int32, (16,), 0)

        gdn = lax.GatherDimensionNumbers(
            offset_dims=(), collapsed_slice_dims=(0,), start_index_map=(0,))

        def _take16(x, i):
            return lax.gather(x, i[:, None], gdn, (1,),
                              mode=lax.GatherScatterMode.PROMISE_IN_BOUNDS)

        def _start_loads(kk, buf, sem):
            def _main():
                r0 = wid * rpw + kk * _CH
                pltpu.async_copy(b_hbm.at[pl.ds(base + r0, _CH)], idx.at[buf], sem)
                pltpu.async_copy(w_hbm.at[pl.ds(r0, _CH)], wbuf.at[buf], sem)
                pltpu.async_copy(e_hbm.at[pl.ds(r0, _CH)], ebuf.at[buf], sem)

            if has_tail:
                @pl.when(kk < nch)
                def _():
                    _main()

                @pl.when(kk >= nch)
                def _():
                    rt = wid * _CH
                    pltpu.async_copy(b_hbm.at[pl.ds(tail_base + rt, _CH)], idx.at[buf], sem)
                    pltpu.async_copy(wt_hbm.at[pl.ds(rt, _CH)], wbuf.at[buf], sem)
                    pltpu.async_copy(et_hbm.at[pl.ds(rt, _CH)], ebuf.at[buf], sem)
            else:
                _main()

        def _drain_loads(kk, buf, sem):
            def _main():
                r0 = wid * rpw + kk * _CH
                pltpu.make_async_copy(b_hbm.at[pl.ds(base + r0, _CH)], idx.at[buf], sem).wait()
                pltpu.make_async_copy(w_hbm.at[pl.ds(r0, _CH)], wbuf.at[buf], sem).wait()
                pltpu.make_async_copy(e_hbm.at[pl.ds(r0, _CH)], ebuf.at[buf], sem).wait()

            if has_tail:
                @pl.when(kk < nch)
                def _():
                    _main()

                @pl.when(kk >= nch)
                def _():
                    rt = wid * _CH
                    pltpu.make_async_copy(b_hbm.at[pl.ds(tail_base + rt, _CH)], idx.at[buf], sem).wait()
                    pltpu.make_async_copy(wt_hbm.at[pl.ds(rt, _CH)], wbuf.at[buf], sem).wait()
                    pltpu.make_async_copy(et_hbm.at[pl.ds(rt, _CH)], ebuf.at[buf], sem).wait()
            else:
                _main()

        def _add(buf):
            pltpu.sync_copy(wbuf.at[buf], accw.at[idx.at[buf]], add=True)
            for v in range(_CH // 16):
                sl = pl.ds(v * 16, 16)
                ev = ebuf[buf, sl]
                iv = idx[buf, sl]
                prefix = plsc.cumsum(ev)
                prev = _take16(iv, jnp.maximum(iota16 - 1, 0))
                boundary = jnp.logical_or(iota16 == 0, iv != prev)
                start = plsc.cummax(jnp.where(boundary, iota16, 0))
                b0 = _take16(prefix - ev, start)
                runsum = prefix - b0
                nxt = _take16(iv, jnp.minimum(iota16 + 1, 15))
                last = jnp.logical_or(iota16 == 15, iv != nxt)
                plsc.addupdate_scatter(den, [iv], runsum, mask=last)

        _start_loads(0, 0, sem0)

        @pl.loop(0, nch_t)
        def _(kk):
            @pl.when(kk % 2 == 0)
            def _():
                @pl.when(kk + 1 < nch_t)
                def _():
                    _start_loads(kk + 1, 1, sem1)
                _drain_loads(kk, 0, sem0)
                _add(0)

            @pl.when(kk % 2 == 1)
            def _():
                @pl.when(kk + 1 < nch_t)
                def _():
                    _start_loads(kk + 1, 0, sem0)
                _drain_loads(kk, 1, sem1)
                _add(1)

        plsc.subcore_barrier()
        pltpu.sync_copy(accw.at[stripe], stgw)
        pltpu.sync_copy(stgw, ow_hbm.at[cid, stripe])
        pltpu.sync_copy(den, od_hbm.at[pl.ds(wid * _B, _B)])

    return k(weighted, e1d, wtail, etail, batch_p, zw)


def _combine_body(pw1_ref, d1_ref, pw2_ref, d2_ref, out_ref):
    num = pw1_ref[0] + pw1_ref[1] + pw2_ref[0] + pw2_ref[1]
    dsum = d1_ref[...] + d2_ref[...]
    ones = jnp.ones((_NW, 1), jnp.float32)
    den = lax.dot_general(dsum, ones, (((0,), (0,)), ((), ())),
                          preferred_element_type=jnp.float32)
    out_ref[...] = jnp.where(den > 0.0, num / den, 0.0)


def _combine(pw1, d1, pw2, d2):
    return pl.pallas_call(
        _combine_body,
        out_shape=jax.ShapeDtypeStruct((_B, _D), jnp.float32),
    )(pw1, d1, pw2, d2)


def kernel(x, batch, W1, b1, W2, b2):
    bi = batch.astype(jnp.int32)
    batch_p = jnp.zeros((_NP,), jnp.int32).at[:_N].set(bi)
    b1r = b1.reshape(1, _H)
    w2r = W2.reshape(1, _H)
    b2r = b2.reshape(1, 1)
    zw = jnp.zeros((_B, _D), jnp.float32)
    n_main = 24 * _BLK
    x_tail = jnp.zeros((_BLK, _D), jnp.float32).at[: _N - n_main].set(x[n_main:])
    half = n_main // 2
    nch = 12
    wa1, ea1 = _tc_scores(x, W1, b1r, w2r, b2r, 0, 0, 12)
    wa2, ea2 = _tc_scores(x, W1, b1r, w2r, b2r, 12, 12, 12)
    wc, ec = _tc_scores(x_tail, W1, b1r, w2r, b2r, 0, 24, 1)
    dummy_w = jnp.zeros((8, _D), jnp.float32)
    dummy_e = jnp.zeros((8,), jnp.float32)
    pw1, d1 = _sc_pool(wa1, ea1, dummy_w, dummy_e, batch_p, zw, 0, nch, False)
    pw2, d2 = _sc_pool(wa2, ea2, wc, ec, batch_p, zw, half, nch, True)
    return _combine(pw1, d1.reshape(_NW, _B), pw2, d2.reshape(_NW, _B))

# --- scband reference (transcript-rebuilt; emitter-appended) ---
"""Pipeline reference for scband-attention-pool-54717883351315 (READ-ONLY COPY).

The authoritative reference and input builder live on the scoring server;
editing this copy changes nothing except your own understanding.
"""

import jax, jax.numpy as jnp
import numpy as np

N = 100000
D = 128
H = 64
B = 512

def setup_inputs(seed: int = 0) -> dict:
    key = jax.random.key(seed)
    k1, k2, k3, k4, k5, k6 = jax.random.split(key, 6)
    x = jax.random.normal(k1, (N, D), dtype=jnp.float32)
    batch = jnp.sort(jax.random.randint(k2, (N,), 0, B, dtype=jnp.int64))
    # guarantee segment ids span [0, B-1] so output shape is deterministic
    batch = batch.at[0].set(0).at[-1].set(B - 1)
    lim1 = 1.0 / np.sqrt(D)
    lim2 = 1.0 / np.sqrt(H)
    W1 = jax.random.uniform(k3, (D, H), minval=-lim1, maxval=lim1, dtype=jnp.float32)
    b1 = jax.random.uniform(k4, (H,), minval=-lim1, maxval=lim1, dtype=jnp.float32)
    W2 = jax.random.uniform(k5, (H, 1), minval=-lim2, maxval=lim2, dtype=jnp.float32)
    b2 = jax.random.uniform(k6, (1,), minval=-lim2, maxval=lim2, dtype=jnp.float32)
    return {"x": x, "batch": batch, "W1": W1, "b1": b1, "W2": W2, "b2": b2}

def reference(x, batch, W1, b1, W2, b2):
    # attn MLP: Linear(D,64) -> Tanh -> Linear(64,1)
    scores = jnp.tanh(x @ W1 + b1) @ W2 + b2            # (N, 1)
    s = scores[:, 0]                                     # (N,)
    num_seg = B
    # segment-wise softmax (pyg_softmax): subtract per-segment max for stability
    seg_max = jax.ops.segment_max(s, batch, num_segments=num_seg)
    s_exp = jnp.exp(s - seg_max[batch])
    denom = jax.ops.segment_sum(s_exp, batch, num_segments=num_seg)
    attn = (s_exp / denom[batch])[:, None]               # (N, 1)
    weighted = attn * x                                   # (N, D)
    out = jax.ops.segment_sum(weighted, batch, num_segments=num_seg)  # (B, D)
    return out

if __name__ == "__main__":
    import jax
    _d = setup_inputs()
    print(jax.jit(kernel)(*tuple(_d.values())))

</pallas_src>

<mosaic_0001>
#map = affine_map<(d0, d1) -> (0, 0)>
#map1 = affine_map<(d0, d1) -> (0)>
#map2 = affine_map<(d0, d1) -> (0, 0, 0)>
module attributes {stable_mosaic.version = 14 : i64} {
  func.func @k(%arg0: i32, %arg1: i32, %arg2: memref<49152x128xf32, #tpu.memory_space<hbm>>, %arg3: memref<49152xf32, #tpu.memory_space<hbm>>, %arg4: memref<4096x128xf32, #tpu.memory_space<hbm>>, %arg5: memref<4096xf32, #tpu.memory_space<hbm>>, %arg6: memref<102400xi32, #tpu.memory_space<hbm>>, %arg7: memref<512x128xf32, #tpu.memory_space<hbm>>, %arg8: memref<2x512x128xf32, #tpu.memory_space<hbm>>, %arg9: memref<16384xf32, #tpu.memory_space<hbm>>, %arg10: memref<2x128x128xf32, #tpu.memory_space<vmem>>, %arg11: memref<2x128xf32, #tpu.memory_space<vmem>>, %arg12: memref<2x128xi32, #tpu.memory_space<vmem>>, %arg13: memref<32x128xf32, #tpu.memory_space<vmem>>, %arg14: memref<512xf32, #tpu.memory_space<vmem>>, %arg15: memref<512x128xf32, #tpu.memory_space<vmem_shared>>, %arg16: memref<!tpu.dma_semaphore, #tpu.memory_space<semaphore_mem>>, %arg17: memref<!tpu.dma_semaphore, #tpu.memory_space<semaphore_mem>>) attributes {dimension_semantics = [#tpu.dimension_semantics<core_parallel>, #tpu.dimension_semantics<subcore_parallel>], iteration_bounds = array<i64: 2, 16>, scalar_prefetch = 0 : i64, scratch_operands = 8 : i64, tpu.core_type = #tpu.core_type<sc_vector_subcore>, window_params = [{transform_indices = #map}, {transform_indices = #map1}, {transform_indices = #map}, {transform_indices = #map1}, {transform_indices = #map1}, {transform_indices = #map}, {transform_indices = #map2}, {transform_indices = #map1}]} {
    %mul3A = arith.constant 16 : i32
    %mul3A_0 = arith.muli %arg0, %mul3A : i32
    %add3A = arith.addi %mul3A_0, %arg1 : i32
    %mul3A_1 = arith.constant 32 : i32
    %mul3A_2 = arith.muli %arg1, %mul3A_1 : i32
    "tpu.region"() ({
      %run_scoped3A = tpu.sem_alloc : memref<!tpu.dma_semaphore, #tpu.memory_space<semaphore_mem>>
      %dma_start3A_51 = arith.constant 0 : i32
      %dma_start3A_52 = tpu.memref_slice %arg7[%mul3A_2, %dma_start3A_51] : memref<512x128xf32, #tpu.memory_space<hbm>> -> memref<32x128xf32, #tpu.memory_space<hbm>>
      %dma_start3A_53 = arith.constant 0 : i32
      %dma_start3A_54 = tpu.memref_slice %arg7[%mul3A_2, %dma_start3A_53] : memref<512x128xf32, #tpu.memory_space<hbm>> -> memref<32x128xf32, #tpu.memory_space<hbm>>
      tpu.enqueue_dma source(%dma_start3A_54 : memref<32x128xf32, #tpu.memory_space<hbm>>) target(%arg13 : memref<32x128xf32, #tpu.memory_space<vmem>>) target_semaphore(%run_scoped3A : memref<!tpu.dma_semaphore, #tpu.memory_space<semaphore_mem>>)
      %dma_wait3A = arith.constant 0 : i32
      %dma_wait3A_55 = tpu.memref_slice %arg7[%mul3A_2, %dma_wait3A] : memref<512x128xf32, #tpu.memory_space<hbm>> -> memref<32x128xf32, #tpu.memory_space<hbm>>
      %dma_wait3A_56 = arith.constant 0 : i32
      %dma_wait3A_57 = tpu.memref_slice %arg7[%mul3A_2, %dma_wait3A_56] : memref<512x128xf32, #tpu.memory_space<hbm>> -> memref<32x128xf32, #tpu.memory_space<hbm>>
      tpu.wait_dma2 semaphore(%run_scoped3A : memref<!tpu.dma_semaphore, #tpu.memory_space<semaphore_mem>>) src(%dma_wait3A_57 : memref<32x128xf32, #tpu.memory_space<hbm>>) dst(%arg13 : memref<32x128xf32, #tpu.memory_space<vmem>>)
      tpu.yield
    }) : () -> ()
    "tpu.region"() ({
      %run_scoped3A = tpu.sem_alloc : memref<!tpu.dma_semaphore, #tpu.memory_space<semaphore_mem>>
      %dma_start3A_51 = arith.constant 0 : i32
      %dma_start3A_52 = tpu.memref_slice %arg15[%mul3A_2, %dma_start3A_51] : memref<512x128xf32, #tpu.memory_space<vmem_shared>> -> memref<32x128xf32, #tpu.memory_space<vmem_shared>>
      %dma_start3A_53 = arith.constant 0 : i32
      %dma_start3A_54 = tpu.memref_slice %arg15[%mul3A_2, %dma_start3A_53] : memref<512x128xf32, #tpu.memory_space<vmem_shared>> -> memref<32x128xf32, #tpu.memory_space<vmem_shared>>
      tpu.enqueue_dma source(%arg13 : memref<32x128xf32, #tpu.memory_space<vmem>>) target(%dma_start3A_54 : memref<32x128xf32, #tpu.memory_space<vmem_shared>>) target_semaphore(%run_scoped3A : memref<!tpu.dma_semaphore, #tpu.memory_space<semaphore_mem>>)
      %dma_wait3A = arith.constant 0 : i32
      %dma_wait3A_55 = tpu.memref_slice %arg15[%mul3A_2, %dma_wait3A] : memref<512x128xf32, #tpu.memory_space<vmem_shared>> -> memref<32x128xf32, #tpu.memory_space<vmem_shared>>
      %dma_wait3A_56 = arith.constant 0 : i32
      %dma_wait3A_57 = tpu.memref_slice %arg15[%mul3A_2, %dma_wait3A_56] : memref<512x128xf32, #tpu.memory_space<vmem_shared>> -> memref<32x128xf32, #tpu.memory_space<vmem_shared>>
      tpu.wait_dma2 semaphore(%run_scoped3A : memref<!tpu.dma_semaphore, #tpu.memory_space<semaphore_mem>>) src(%arg13 : memref<32x128xf32, #tpu.memory_space<vmem>>) dst(%dma_wait3A_57 : memref<32x128xf32, #tpu.memory_space<vmem_shared>>)
      tpu.yield
    }) : () -> ()
    %scan3A = arith.constant 0 : i32
    %scan3A_3 = arith.constant 32 : i32
    %scan3A_4 = arith.addi %scan3A, %scan3A_3 : i32
    %scan3A_5 = arith.constant 1 : i32
    scf.for %scan3A_51 = %scan3A to %scan3A_4 step %scan3A_5  : i32 {
      %mul3A_52 = arith.constant 16 : i32
      %mul3A_53 = arith.muli %scan3A_51, %mul3A_52 : i32
      %add3A_54 = arith.constant 0 : i32
      %add3A_55 = arith.addi %add3A_54, %mul3A_53 : i32
      %broadcast_in_dim3A = arith.constant 0.000000e+00 : f32
      %broadcast_in_dim3A_56 = vector.broadcast %broadcast_in_dim3A : f32 to vector<16xf32>
      %swap3A = arith.index_cast %add3A_55 : i32 to index
      %swap3A_57 = tpu.vector_load %arg14[%swap3A] {strides = array<i32>} : memref<512xf32, #tpu.memory_space<vmem>>, vector<16xf32>,
      tpu.vector_store %arg14[%swap3A], %broadcast_in_dim3A_56 {strides = array<i32>} : memref<512xf32, #tpu.memory_space<vmem>>, vector<16xf32>,
    }
    %scan3A_6 = arith.constant 32 : i32
    %barrier3A = arith.constant 0 : index
    tpu.barrier barrier_id(%barrier3A)
    %iota3A = tpu.iota {dimensions = array<i32: 0>} : vector<16xi32>
    %mul3A_7 = arith.constant 1536 : i32
    %mul3A_8 = arith.muli %add3A, %mul3A_7 : i32
    %add3A_9 = arith.constant 0 : i32
    %add3A_10 = arith.addi %mul3A_8, %add3A_9 : i32
    %add3A_11 = arith.constant 49152 : i32
    %add3A_12 = arith.addi %add3A_11, %add3A_10 : i32
    %dma_start3A = arith.constant 0 : i32
    %dma_start3A_13 = arith.constant 0 : i32
    %dma_start3A_14 = tpu.memref_slice %arg12[%dma_start3A, %dma_start3A_13] : memref<2x128xi32, #tpu.memory_space<vmem>> -> memref<1x128xi32, #tpu.memory_space<vmem>>
    %dma_start3A_15 = tpu.memref_squeeze %dma_start3A_14 : memref<1x128xi32, #tpu.memory_space<vmem>> -> memref<128xi32, #tpu.memory_space<vmem>>
    %dma_start3A_16 = tpu.memref_slice %arg6[%add3A_12] : memref<102400xi32, #tpu.memory_space<hbm>> -> memref<128xi32, #tpu.memory_space<hbm>>
    %dma_start3A_17 = arith.constant 0 : i32
    %dma_start3A_18 = tpu.memref_slice %arg12[%dma_start3A, %dma_start3A_17] : memref<2x128xi32, #tpu.memory_space<vmem>> -> memref<1x128xi32, #tpu.memory_space<vmem>>
    %dma_start3A_19 = tpu.memref_squeeze %dma_start3A_18 : memref<1x128xi32, #tpu.memory_space<vmem>> -> memref<128xi32, #tpu.memory_space<vmem>>
    %dma_start3A_20 = tpu.memref_slice %arg6[%add3A_12] : memref<102400xi32, #tpu.memory_space<hbm>> -> memref<128xi32, #tpu.memory_space<hbm>>
    tpu.enqueue_dma source(%dma_start3A_20 : memref<128xi32, #tpu.memory_space<hbm>>) target(%dma_start3A_19 : memref<128xi32, #tpu.memory_space<vmem>>) target_semaphore(%arg16 : memref<!tpu.dma_semaphore, #tpu.memory_space<semaphore_mem>>)
    %dma_start3A_21 = arith.constant 0 : i32
    %dma_start3A_22 = arith.constant 0 : i32
    %dma_start3A_23 = arith.constant 0 : i32
    %dma_start3A_24 = tpu.memref_slice %arg10[%dma_start3A_21, %dma_start3A_22, %dma_start3A_23] : memref<2x128x128xf32, #tpu.memory_space<vmem>> -> memref<1x128x128xf32, #tpu.memory_space<vmem>>
    %dma_start3A_25 = tpu.memref_squeeze %dma_start3A_24 : memref<1x128x128xf32, #tpu.memory_space<vmem>> -> memref<128x128xf32, #tpu.memory_space<vmem>>
    %dma_start3A_26 = arith.constant 0 : i32
    %dma_start3A_27 = tpu.memref_slice %arg2[%add3A_10, %dma_start3A_26] : memref<49152x128xf32, #tpu.memory_space<hbm>> -> memref<128x128xf32, #tpu.memory_space<hbm>>
    %dma_start3A_28 = arith.constant 0 : i32
    %dma_start3A_29 = arith.constant 0 : i32
    %dma_start3A_30 = tpu.memref_slice %arg10[%dma_start3A_21, %dma_start3A_28, %dma_start3A_29] : memref<2x128x128xf32, #tpu.memory_space<vmem>> -> memref<1x128x128xf32, #tpu.memory_space<vmem>>
    %dma_start3A_31 = tpu.memref_squeeze %dma_start3A_30 : memref<1x128x128xf32, #tpu.memory_space<vmem>> -> memref<128x128xf32, #tpu.memory_space<vmem>>
    %dma_start3A_32 = arith.constant 0 : i32
    %dma_start3A_33 = tpu.memref_slice %arg2[%add3A_10, %dma_start3A_32] : memref<49152x128xf32, #tpu.memory_space<hbm>> -> memref<128x128xf32, #tpu.memory_space<hbm>>
    tpu.enqueue_dma source(%dma_start3A_33 : memref<128x128xf32, #tpu.memory_space<hbm>>) target(%dma_start3A_31 : memref<128x128xf32, #tpu.memory_space<vmem>>) target_semaphore(%arg16 : memref<!tpu.dma_semaphore, #tpu.memory_space<semaphore_mem>>)
    %dma_start3A_34 = arith.constant 0 : i32
    %dma_start3A_35 = arith.constant 0 : i32
    %dma_start3A_36 = tpu.memref_slice %arg11[%dma_start3A_34, %dma_start3A_35] : memref<2x128xf32, #tpu.memory_space<vmem>> -> memref<1x128xf32, #tpu.memory_space<vmem>>
    %dma_start3A_37 = tpu.memref_squeeze %dma_start3A_36 : memref<1x128xf32, #tpu.memory_space<vmem>> -> memref<128xf32, #tpu.memory_space<vmem>>
    %dma_start3A_38 = tpu.memref_slice %arg3[%add3A_10] : memref<49152xf32, #tpu.memory_space<hbm>> -> memref<128xf32, #tpu.memory_space<hbm>>
    %dma_start3A_39 = arith.constant 0 : i32
    %dma_start3A_40 = tpu.memref_slice %arg11[%dma_start3A_34, %dma_start3A_39] : memref<2x128xf32, #tpu.memory_space<vmem>> -> memref<1x128xf32, #tpu.memory_space<vmem>>
    %dma_start3A_41 = tpu.memref_squeeze %dma_start3A_40 : memref<1x128xf32, #tpu.memory_space<vmem>> -> memref<128xf32, #tpu.memory_space<vmem>>
    %dma_start3A_42 = tpu.memref_slice %arg3[%add3A_10] : memref<49152xf32, #tpu.memory_space<hbm>> -> memref<128xf32, #tpu.memory_space<hbm>>
    tpu.enqueue_dma source(%dma_start3A_42 : memref<128xf32, #tpu.memory_space<hbm>>) target(%dma_start3A_41 : memref<128xf32, #tpu.memory_space<vmem>>) target_semaphore(%arg16 : memref<!tpu.dma_semaphore, #tpu.memory_space<semaphore_mem>>)
    %scan3A_43 = arith.constant 0 : i32
    %scan3A_44 = arith.constant 13 : i32
    %scan3A_45 = arith.addi %scan3A_43, %scan3A_44 : i32
    %scan3A_46 = arith.constant 1 : i32
    scf.for %scan3A_51 = %scan3A_43 to %scan3A_45 step %scan3A_46  : i32 {
      %mul3A_52 = arith.constant 1 : i32
      %mul3A_53 = arith.muli %scan3A_51, %mul3A_52 : i32
      %add3A_54 = arith.constant 0 : i32
      %add3A_55 = arith.addi %add3A_54, %mul3A_53 : i32
      %jit3A = arith.constant 2 : i32
      %eq3A = arith.constant 0 : i32
      %eq3A_56 = arith.cmpi eq, %jit3A, %eq3A : i32
      %jit3A_57 = arith.constant 1 : i32
      %select_n3A = arith.select %eq3A_56, %jit3A_57, %jit3A : i32
      %rem3A = arith.remsi %add3A_55, %select_n3A : i32
      %ne3A = arith.constant 0 : i32
      %ne3A_58 = arith.cmpi ne, %rem3A, %ne3A : i32
      %lt3A = arith.constant 0 : i32
      %lt3A_59 = arith.cmpi slt, %rem3A, %lt3A : i32
      %lt3A_60 = arith.constant 0 : i32
      %lt3A_61 = arith.cmpi slt, %select_n3A, %lt3A_60 : i32
      %ne3A_62 = arith.xori %lt3A_59, %lt3A_61 : i1
      %and3A = arith.andi %ne3A_62, %ne3A_58 : i1
      %add3A_63 = arith.addi %rem3A, %select_n3A : i32
      %select_n3A_64 = arith.select %and3A, %add3A_63, %rem3A : i32
      %eq3A_65 = arith.constant 0 : i32
      %eq3A_66 = arith.cmpi eq, %select_n3A_64, %eq3A_65 : i32
      %convert_element_type3A = arith.extui %eq3A_66 : i1 to i32
      %cond3A = arith.constant 0 : i32
      %cond3A_67 = arith.cmpi ne, %convert_element_type3A, %cond3A : i32
      scf.if %cond3A_67 {
        %add3A_89 = arith.constant 1 : i32
        %add3A_90 = arith.addi %add3A_55, %add3A_89 : i32
        %lt3A_91 = arith.constant 13 : i32
        %lt3A_92 = arith.cmpi slt, %add3A_90, %lt3A_91 : i32
        %convert_element_type3A_93 = arith.extui %lt3A_92 : i1 to i32
        %cond3A_94 = arith.constant 0 : i32
        %cond3A_95 = arith.cmpi ne, %convert_element_type3A_93, %cond3A_94 : i32
        scf.if %cond3A_95 {
          %add3A_529 = arith.constant 1 : i32
          %add3A_530 = arith.addi %add3A_55, %add3A_529 : i32
          %lt3A_531 = arith.constant 12 : i32
          %lt3A_532 = arith.cmpi slt, %add3A_530, %lt3A_531 : i32
          %convert_element_type3A_533 = arith.extui %lt3A_532 : i1 to i32
          %cond3A_534 = arith.constant 0 : i32
          %cond3A_535 = arith.cmpi ne, %convert_element_type3A_533, %cond3A_534 : i32
          scf.if %cond3A_535 {
            %mul3A_541 = arith.constant 1536 : i32
            %mul3A_542 = arith.muli %add3A, %mul3A_541 : i32
            %mul3A_543 = arith.constant 128 : i32
            %mul3A_544 = arith.muli %add3A_530, %mul3A_543 : i32
            %add3A_545 = arith.addi %mul3A_542, %mul3A_544 : i32
            %add3A_546 = arith.constant 49152 : i32
            %add3A_547 = arith.addi %add3A_546, %add3A_545 : i32
            %dma_start3A_548 = arith.constant 1 : i32
            %dma_start3A_549 = arith.constant 0 : i32
            %dma_start3A_550 = tpu.memref_slice %arg12[%dma_start3A_548, %dma_start3A_549] : memref<2x128xi32, #tpu.memory_space<vmem>> -> memref<1x128xi32, #tpu.memory_space<vmem>>
            %dma_start3A_551 = tpu.memref_squeeze %dma_start3A_550 : memref<1x128xi32, #tpu.memory_space<vmem>> -> memref<128xi32, #tpu.memory_space<vmem>>
            %dma_start3A_552 = tpu.memref_slice %arg6[%add3A_547] : memref<102400xi32, #tpu.memory_space<hbm>> -> memref<128xi32, #tpu.memory_space<hbm>>
            %dma_start3A_553 = arith.constant 0 : i32
            %dma_start3A_554 = tpu.memref_slice %arg12[%dma_start3A_548, %dma_start3A_553] : memref<2x128xi32, #tpu.memory_space<vmem>> -> memref<1x128xi32, #tpu.memory_space<vmem>>
            %dma_start3A_555 = tpu.memref_squeeze %dma_start3A_554 : memref<1x128xi32, #tpu.memory_space<vmem>> -> memref<128xi32, #tpu.memory_space<vmem>>
            %dma_start3A_556 = tpu.memref_slice %arg6[%add3A_547] : memref<102400xi32, #tpu.memory_space<hbm>> -> memref<128xi32, #tpu.memory_space<hbm>>
            tpu.enqueue_dma source(%dma_start3A_556 : memref<128xi32, #tpu.memory_space<hbm>>) target(%dma_start3A_555 : memref<128xi32, #tpu.memory_space<vmem>>) target_semaphore(%arg17 : memref<!tpu.dma_semaphore, #tpu.memory_space<semaphore_mem>>)
            %dma_start3A_557 = arith.constant 1 : i32
            %dma_start3A_558 = arith.constant 0 : i32
            %dma_start3A_559 = arith.constant 0 : i32
            %dma_start3A_560 = tpu.memref_slice %arg10[%dma_start3A_557, %dma_start3A_558, %dma_start3A_559] : memref<2x128x128xf32, #tpu.memory_space<vmem>> -> memref<1x128x128xf32, #tpu.memory_space<vmem>>
            %dma_start3A_561 = tpu.memref_squeeze %dma_start3A_560 : memref<1x128x128xf32, #tpu.memory_space<vmem>> -> memref<128x128xf32, #tpu.memory_space<vmem>>
            %dma_start3A_562 = arith.constant 0 : i32
            %dma_start3A_563 = tpu.memref_slice %arg2[%add3A_545, %dma_start3A_562] : memref<49152x128xf32, #tpu.memory_space<hbm>> -> memref<128x128xf32, #tpu.memory_space<hbm>>
            %dma_start3A_564 = arith.constant 0 : i32
            %dma_start3A_565 = arith.constant 0 : i32
            %dma_start3A_566 = tpu.memref_slice %arg10[%dma_start3A_557, %dma_start3A_564, %dma_start3A_565] : memref<2x128x128xf32, #tpu.memory_space<vmem>> -> memref<1x128x128xf32, #tpu.memory_space<vmem>>
            %dma_start3A_567 = tpu.memref_squeeze %dma_start3A_566 : memref<1x128x128xf32, #tpu.memory_space<vmem>> -> memref<128x128xf32, #tpu.memory_space<vmem>>
            %dma_start3A_568 = arith.constant 0 : i32
            %dma_start3A_569 = tpu.memref_slice %arg2[%add3A_545, %dma_start3A_568] : memref<49152x128xf32, #tpu.memory_space<hbm>> -> memref<128x128xf32, #tpu.memory_space<hbm>>
            tpu.enqueue_dma source(%dma_start3A_569 : memref<128x128xf32, #tpu.memory_space<hbm>>) target(%dma_start3A_567 : memref<128x128xf32, #tpu.memory_space<vmem>>) target_semaphore(%arg17 : memref<!tpu.dma_semaphore, #tpu.memory_space<semaphore_mem>>)
            %dma_start3A_570 = arith.constant 1 : i32
            %dma_start3A_571 = arith.constant 0 : i32
            %dma_start3A_572 = tpu.memref_slice %arg11[%dma_start3A_570, %dma_start3A_571] : memref<2x128xf32, #tpu.memory_space<vmem>> -> memref<1x128xf32, #tpu.memory_space<vmem>>
            %dma_start3A_573 = tpu.memref_squeeze %dma_start3A_572 : memref<1x128xf32, #tpu.memory_space<vmem>> -> memref<128xf32, #tpu.memory_space<vmem>>
            %dma_start3A_574 = tpu.memref_slice %arg3[%add3A_545] : memref<49152xf32, #tpu.memory_space<hbm>> -> memref<128xf32, #tpu.memory_space<hbm>>
            %dma_start3A_575 = arith.constant 0 : i32
            %dma_start3A_576 = tpu.memref_slice %arg11[%dma_start3A_570, %dma_start3A_575] : memref<2x128xf32, #tpu.memory_space<vmem>> -> memref<1x128xf32, #tpu.memory_space<vmem>>
            %dma_start3A_577 = tpu.memref_squeeze %dma_start3A_576 : memref<1x128xf32, #tpu.memory_space<vmem>> -> memref<128xf32, #tpu.memory_space<vmem>>
            %dma_start3A_578 = tpu.memref_slice %arg3[%add3A_545] : memref<49152xf32, #tpu.memory_space<hbm>> -> memref<128xf32, #tpu.memory_space<hbm>>
            tpu.enqueue_dma source(%dma_start3A_578 : memref<128xf32, #tpu.memory_space<hbm>>) target(%dma_start3A_577 : memref<128xf32, #tpu.memory_space<vmem>>) target_semaphore(%arg17 : memref<!tpu.dma_semaphore, #tpu.memory_space<semaphore_mem>>)
          } else {
          }
          %ge3A_536 = arith.constant 12 : i32
          %ge3A_537 = arith.cmpi sge, %add3A_530, %ge3A_536 : i32
          %convert_element_type3A_538 = arith.extui %ge3A_537 : i1 to i32
          %cond3A_539 = arith.constant 0 : i32
          %cond3A_540 = arith.cmpi ne, %convert_element_type3A_538, %cond3A_539 : i32
          scf.if %cond3A_540 {
            %mul3A_541 = arith.constant 128 : i32
            %mul3A_542 = arith.muli %add3A, %mul3A_541 : i32
            %add3A_543 = arith.constant 98304 : i32
            %add3A_544 = arith.addi %add3A_543, %mul3A_542 : i32
            %dma_start3A_545 = arith.constant 1 : i32
            %dma_start3A_546 = arith.constant 0 : i32
            %dma_start3A_547 = tpu.memref_slice %arg12[%dma_start3A_545, %dma_start3A_546] : memref<2x128xi32, #tpu.memory_space<vmem>> -> memref<1x128xi32, #tpu.memory_space<vmem>>
            %dma_start3A_548 = tpu.memref_squeeze %dma_start3A_547 : memref<1x128xi32, #tpu.memory_space<vmem>> -> memref<128xi32, #tpu.memory_space<vmem>>
            %dma_start3A_549 = tpu.memref_slice %arg6[%add3A_544] : memref<102400xi32, #tpu.memory_space<hbm>> -> memref<128xi32, #tpu.memory_space<hbm>>
            %dma_start3A_550 = arith.constant 0 : i32
            %dma_start3A_551 = tpu.memref_slice %arg12[%dma_start3A_545, %dma_start3A_550] : memref<2x128xi32, #tpu.memory_space<vmem>> -> memref<1x128xi32, #tpu.memory_space<vmem>>
            %dma_start3A_552 = tpu.memref_squeeze %dma_start3A_551 : memref<1x128xi32, #tpu.memory_space<vmem>> -> memref<128xi32, #tpu.memory_space<vmem>>
            %dma_start3A_553 = tpu.memref_slice %arg6[%add3A_544] : memref<102400xi32, #tpu.memory_space<hbm>> -> memref<128xi32, #tpu.memory_space<hbm>>
            tpu.enqueue_dma source(%dma_start3A_553 : memref<128xi32, #tpu.memory_space<hbm>>) target(%dma_start3A_552 : memref<128xi32, #tpu.memory_space<vmem>>) target_semaphore(%arg17 : memref<!tpu.dma_semaphore, #tpu.memory_space<semaphore_mem>>)
            %dma_start3A_554 = arith.constant 1 : i32
            %dma_start3A_555 = arith.constant 0 : i32
            %dma_start3A_556 = arith.constant 0 : i32
            %dma_start3A_557 = tpu.memref_slice %arg10[%dma_start3A_554, %dma_start3A_555, %dma_start3A_556] : memref<2x128x128xf32, #tpu.memory_space<vmem>> -> memref<1x128x128xf32, #tpu.memory_space<vmem>>
            %dma_start3A_558 = tpu.memref_squeeze %dma_start3A_557 : memref<1x128x128xf32, #tpu.memory_space<vmem>> -> memref<128x128xf32, #tpu.memory_space<vmem>>
            %dma_start3A_559 = arith.constant 0 : i32
            %dma_start3A_560 = tpu.memref_slice %arg4[%mul3A_542, %dma_start3A_559] : memref<4096x128xf32, #tpu.memory_space<hbm>> -> memref<128x128xf32, #tpu.memory_space<hbm>>
            %dma_start3A_561 = arith.constant 0 : i32
            %dma_start3A_562 = arith.constant 0 : i32
            %dma_start3A_563 = tpu.memref_slice %arg10[%dma_start3A_554, %dma_start3A_561, %dma_start3A_562] : memref<2x128x128xf32, #tpu.memory_space<vmem>> -> memref<1x128x128xf32, #tpu.memory_space<vmem>>
            %dma_start3A_564 = tpu.memref_squeeze %dma_start3A_563 : memref<1x128x128xf32, #tpu.memory_space<vmem>> -> memref<128x128xf32, #tpu.memory_space<vmem>>
            %dma_start3A_565 = arith.constant 0 : i32
            %dma_start3A_566 = tpu.memref_slice %arg4[%mul3A_542, %dma_start3A_565] : memref<4096x128xf32, #tpu.memory_space<hbm>> -> memref<128x128xf32, #tpu.memory_space<hbm>>
            tpu.enqueue_dma source(%dma_start3A_566 : memref<128x128xf32, #tpu.memory_space<hbm>>) target(%dma_start3A_564 : memref<128x128xf32, #tpu.memory_space<vmem>>) target_semaphore(%arg17 : memref<!tpu.dma_semaphore, #tpu.memory_space<semaphore_mem>>)
            %dma_start3A_567 = arith.constant 1 : i32
            %dma_start3A_568 = arith.constant 0 : i32
            %dma_start3A_569 = tpu.memref_slice %arg11[%dma_start3A_567, %dma_start3A_568] : memref<2x128xf32, #tpu.memory_space<vmem>> -> memref<1x128xf32, #tpu.memory_space<vmem>>
            %dma_start3A_570 = tpu.memref_squeeze %dma_start3A_569 : memref<1x128xf32, #tpu.memory_space<vmem>> -> memref<128xf32, #tpu.memory_space<vmem>>
            %dma_start3A_571 = tpu.memref_slice %arg5[%mul3A_542] : memref<4096xf32, #tpu.memory_space<hbm>> -> memref<128xf32, #tpu.memory_space<hbm>>
            %dma_start3A_572 = arith.constant 0 : i32
            %dma_start3A_573 = tpu.memref_slice %arg11[%dma_start3A_567, %dma_start3A_572] : memref<2x128xf32, #tpu.memory_space<vmem>> -> memref<1x128xf32, #tpu.memory_space<vmem>>
            %dma_start3A_574 = tpu.memref_squeeze %dma_start3A_573 : memref<1x128xf32, #tpu.memory_space<vmem>> -> memref<128xf32, #tpu.memory_space<vmem>>
            %dma_start3A_575 = tpu.memref_slice %arg5[%mul3A_542] : memref<4096xf32, #tpu.memory_space<hbm>> -> memref<128xf32, #tpu.memory_space<hbm>>
            tpu.enqueue_dma source(%dma_start3A_575 : memref<128xf32, #tpu.memory_space<hbm>>) target(%dma_start3A_574 : memref<128xf32, #tpu.memory_space<vmem>>) target_semaphore(%arg17 : memref<!tpu.dma_semaphore, #tpu.memory_space<semaphore_mem>>)
          } else {
          }
        } else {
        }
        %lt3A_96 = arith.constant 12 : i32
        %lt3A_97 = arith.cmpi slt, %add3A_55, %lt3A_96 : i32
        %convert_element_type3A_98 = arith.extui %lt3A_97 : i1 to i32
        %cond3A_99 = arith.constant 0 : i32
        %cond3A_100 = arith.cmpi ne, %convert_element_type3A_98, %cond3A_99 : i32
        scf.if %cond3A_100 {
          %mul3A_529 = arith.constant 1536 : i32
          %mul3A_530 = arith.muli %add3A, %mul3A_529 : i32
          %mul3A_531 = arith.constant 128 : i32
          %mul3A_532 = arith.muli %add3A_55, %mul3A_531 : i32
          %add3A_533 = arith.addi %mul3A_530, %mul3A_532 : i32
          %add3A_534 = arith.constant 49152 : i32
          %add3A_535 = arith.addi %add3A_534, %add3A_533 : i32
          %dma_wait3A = arith.constant 0 : i32
          %dma_wait3A_536 = arith.constant 0 : i32
          %dma_wait3A_537 = tpu.memref_slice %arg12[%dma_wait3A, %dma_wait3A_536] : memref<2x128xi32, #tpu.memory_space<vmem>> -> memref<1x128xi32, #tpu.memory_space<vmem>>
          %dma_wait3A_538 = tpu.memref_squeeze %dma_wait3A_537 : memref<1x128xi32, #tpu.memory_space<vmem>> -> memref<128xi32, #tpu.memory_space<vmem>>
          %dma_wait3A_539 = tpu.memref_slice %arg6[%add3A_535] : memref<102400xi32, #tpu.memory_space<hbm>> -> memref<128xi32, #tpu.memory_space<hbm>>
          %dma_wait3A_540 = arith.constant 0 : i32
          %dma_wait3A_541 = tpu.memref_slice %arg12[%dma_wait3A, %dma_wait3A_540] : memref<2x128xi32, #tpu.memory_space<vmem>> -> memref<1x128xi32, #tpu.memory_space<vmem>>
          %dma_wait3A_542 = tpu.memref_squeeze %dma_wait3A_541 : memref<1x128xi32, #tpu.memory_space<vmem>> -> memref<128xi32, #tpu.memory_space<vmem>>
          %dma_wait3A_543 = tpu.memref_slice %arg6[%add3A_535] : memref<102400xi32, #tpu.memory_space<hbm>> -> memref<128xi32, #tpu.memory_space<hbm>>
          tpu.wait_dma2 semaphore(%arg16 : memref<!tpu.dma_semaphore, #tpu.memory_space<semaphore_mem>>) src(%dma_wait3A_543 : memref<128xi32, #tpu.memory_space<hbm>>) dst(%dma_wait3A_542 : memref<128xi32, #tpu.memory_space<vmem>>)
          %dma_wait3A_544 = arith.constant 0 : i32
          %dma_wait3A_545 = arith.constant 0 : i32
          %dma_wait3A_546 = arith.constant 0 : i32
          %dma_wait3A_547 = tpu.memref_slice %arg10[%dma_wait3A_544, %dma_wait3A_545, %dma_wait3A_546] : memref<2x128x128xf32, #tpu.memory_space<vmem>> -> memref<1x128x128xf32, #tpu.memory_space<vmem>>
          %dma_wait3A_548 = tpu.memref_squeeze %dma_wait3A_547 : memref<1x128x128xf32, #tpu.memory_space<vmem>> -> memref<128x128xf32, #tpu.memory_space<vmem>>
          %dma_wait3A_549 = arith.constant 0 : i32
          %dma_wait3A_550 = tpu.memref_slice %arg2[%add3A_533, %dma_wait3A_549] : memref<49152x128xf32, #tpu.memory_space<hbm>> -> memref<128x128xf32, #tpu.memory_space<hbm>>
          %dma_wait3A_551 = arith.constant 0 : i32
          %dma_wait3A_552 = arith.constant 0 : i32
          %dma_wait3A_553 = tpu.memref_slice %arg10[%dma_wait3A_544, %dma_wait3A_551, %dma_wait3A_552] : memref<2x128x128xf32, #tpu.memory_space<vmem>> -> memref<1x128x128xf32, #tpu.memory_space<vmem>>
          %dma_wait3A_554 = tpu.memref_squeeze %dma_wait3A_553 : memref<1x128x128xf32, #tpu.memory_space<vmem>> -> memref<128x128xf32, #tpu.memory_space<vmem>>
          %dma_wait3A_555 = arith.constant 0 : i32
          %dma_wait3A_556 = tpu.memref_slice %arg2[%add3A_533, %dma_wait3A_555] : memref<49152x128xf32, #tpu.memory_space<hbm>> -> memref<128x128xf32, #tpu.memory_space<hbm>>
          tpu.wait_dma2 semaphore(%arg16 : memref<!tpu.dma_semaphore, #tpu.memory_space<semaphore_mem>>) src(%dma_wait3A_556 : memref<128x128xf32, #tpu.memory_space<hbm>>) dst(%dma_wait3A_554 : memref<128x128xf32, #tpu.memory_space<vmem>>)
          %dma_wait3A_557 = arith.constant 0 : i32
          %dma_wait3A_558 = arith.constant 0 : i32
          %dma_wait3A_559 = tpu.memref_slice %arg11[%dma_wait3A_557, %dma_wait3A_558] : memref<2x128xf32, #tpu.memory_space<vmem>> -> memref<1x128xf32, #tpu.memory_space<vmem>>
          %dma_wait3A_560 = tpu.memref_squeeze %dma_wait3A_559 : memref<1x128xf32, #tpu.memory_space<vmem>> -> memref<128xf32, #tpu.memory_space<vmem>>
          %dma_wait3A_561 = tpu.memref_slice %arg3[%add3A_533] : memref<49152xf32, #tpu.memory_space<hbm>> -> memref<128xf32, #tpu.memory_space<hbm>>
          %dma_wait3A_562 = arith.constant 0 : i32
          %dma_wait3A_563 = tpu.memref_slice %arg11[%dma_wait3A_557, %dma_wait3A_562] : memref<2x128xf32, #tpu.memory_space<vmem>> -> memref<1x128xf32, #tpu.memory_space<vmem>>
          %dma_wait3A_564 = tpu.memref_squeeze %dma_wait3A_563 : memref<1x128xf32, #tpu.memory_space<vmem>> -> memref<128xf32, #tpu.memory_space<vmem>>
          %dma_wait3A_565 = tpu.memref_slice %arg3[%add3A_533] : memref<49152xf32, #tpu.memory_space<hbm>> -> memref<128xf32, #tpu.memory_space<hbm>>
          tpu.wait_dma2 semaphore(%arg16 : memref<!tpu.dma_semaphore, #tpu.memory_space<semaphore_mem>>) src(%dma_wait3A_565 : memref<128xf32, #tpu.memory_space<hbm>>) dst(%dma_wait3A_564 : memref<128xf32, #tpu.memory_space<vmem>>)
        } else {
        }
        %ge3A = arith.constant 12 : i32
        %ge3A_101 = arith.cmpi sge, %add3A_55, %ge3A : i32
        %convert_element_type3A_102 = arith.extui %ge3A_101 : i1 to i32
        %cond3A_103 = arith.constant 0 : i32
        %cond3A_104 = arith.cmpi ne, %convert_element_type3A_102, %cond3A_103 : i32
        scf.if %cond3A_104 {
          %mul3A_529 = arith.constant 128 : i32
          %mul3A_530 = arith.muli %add3A, %mul3A_529 : i32
          %add3A_531 = arith.constant 98304 : i32
          %add3A_532 = arith.addi %add3A_531, %mul3A_530 : i32
          %dma_wait3A = arith.constant 0 : i32
          %dma_wait3A_533 = arith.constant 0 : i32
          %dma_wait3A_534 = tpu.memref_slice %arg12[%dma_wait3A, %dma_wait3A_533] : memref<2x128xi32, #tpu.memory_space<vmem>> -> memref<1x128xi32, #tpu.memory_space<vmem>>
          %dma_wait3A_535 = tpu.memref_squeeze %dma_wait3A_534 : memref<1x128xi32, #tpu.memory_space<vmem>> -> memref<128xi32, #tpu.memory_space<vmem>>
          %dma_wait3A_536 = tpu.memref_slice %arg6[%add3A_532] : memref<102400xi32, #tpu.memory_space<hbm>> -> memref<128xi32, #tpu.memory_space<hbm>>
          %dma_wait3A_537 = arith.constant 0 : i32
          %dma_wait3A_538 = tpu.memref_slice %arg12[%dma_wait3A, %dma_wait3A_537] : memref<2x128xi32, #tpu.memory_space<vmem>> -> memref<1x128xi32, #tpu.memory_space<vmem>>
          %dma_wait3A_539 = tpu.memref_squeeze %dma_wait3A_538 : memref<1x128xi32, #tpu.memory_space<vmem>> -> memref<128xi32, #tpu.memory_space<vmem>>
          %dma_wait3A_540 = tpu.memref_slice %arg6[%add3A_532] : memref<102400xi32, #tpu.memory_space<hbm>> -> memref<128xi32, #tpu.memory_space<hbm>>
          tpu.wait_dma2 semaphore(%arg16 : memref<!tpu.dma_semaphore, #tpu.memory_space<semaphore_mem>>) src(%dma_wait3A_540 : memref<128xi32, #tpu.memory_space<hbm>>) dst(%dma_wait3A_539 : memref<128xi32, #tpu.memory_space<vmem>>)
          %dma_wait3A_541 = arith.constant 0 : i32
          %dma_wait3A_542 = arith.constant 0 : i32
          %dma_wait3A_543 = arith.constant 0 : i32
          %dma_wait3A_544 = tpu.memref_slice %arg10[%dma_wait3A_541, %dma_wait3A_542, %dma_wait3A_543] : memref<2x128x128xf32, #tpu.memory_space<vmem>> -> memref<1x128x128xf32, #tpu.memory_space<vmem>>
          %dma_wait3A_545 = tpu.memref_squeeze %dma_wait3A_544 : memref<1x128x128xf32, #tpu.memory_space<vmem>> -> memref<128x128xf32, #tpu.memory_space<vmem>>
          %dma_wait3A_546 = arith.constant 0 : i32
          %dma_wait3A_547 = tpu.memref_slice %arg4[%mul3A_530, %dma_wait3A_546] : memref<4096x128xf32, #tpu.memory_space<hbm>> -> memref<128x128xf32, #tpu.memory_space<hbm>>
          %dma_wait3A_548 = arith.constant 0 : i32
          %dma_wait3A_549 = arith.constant 0 : i32
          %dma_wait3A_550 = tpu.memref_slice %arg10[%dma_wait3A_541, %dma_wait3A_548, %dma_wait3A_549] : memref<2x128x128xf32, #tpu.memory_space<vmem>> -> memref<1x128x128xf32, #tpu.memory_space<vmem>>
          %dma_wait3A_551 = tpu.memref_squeeze %dma_wait3A_550 : memref<1x128x128xf32, #tpu.memory_space<vmem>> -> memref<128x128xf32, #tpu.memory_space<vmem>>
          %dma_wait3A_552 = arith.constant 0 : i32
          %dma_wait3A_553 = tpu.memref_slice %arg4[%mul3A_530, %dma_wait3A_552] : memref<4096x128xf32, #tpu.memory_space<hbm>> -> memref<128x128xf32, #tpu.memory_space<hbm>>
          tpu.wait_dma2 semaphore(%arg16 : memref<!tpu.dma_semaphore, #tpu.memory_space<semaphore_mem>>) src(%dma_wait3A_553 : memref<128x128xf32, #tpu.memory_space<hbm>>) dst(%dma_wait3A_551 : memref<128x128xf32, #tpu.memory_space<vmem>>)
          %dma_wait3A_554 = arith.constant 0 : i32
          %dma_wait3A_555 = arith.constant 0 : i32
          %dma_wait3A_556 = tpu.memref_slice %arg11[%dma_wait3A_554, %dma_wait3A_555] : memref<2x128xf32, #tpu.memory_space<vmem>> -> memref<1x128xf32, #tpu.memory_space<vmem>>
          %dma_wait3A_557 = tpu.memref_squeeze %dma_wait3A_556 : memref<1x128xf32, #tpu.memory_space<vmem>> -> memref<128xf32, #tpu.memory_space<vmem>>
          %dma_wait3A_558 = tpu.memref_slice %arg5[%mul3A_530] : memref<4096xf32, #tpu.memory_space<hbm>> -> memref<128xf32, #tpu.memory_space<hbm>>
          %dma_wait3A_559 = arith.constant 0 : i32
          %dma_wait3A_560 = tpu.memref_slice %arg11[%dma_wait3A_554, %dma_wait3A_559] : memref<2x128xf32, #tpu.memory_space<vmem>> -> memref<1x128xf32, #tpu.memory_space<vmem>>
          %dma_wait3A_561 = tpu.memref_squeeze %dma_wait3A_560 : memref<1x128xf32, #tpu.memory_space<vmem>> -> memref<128xf32, #tpu.memory_space<vmem>>
          %dma_wait3A_562 = tpu.memref_slice %arg5[%mul3A_530] : memref<4096xf32, #tpu.memory_space<hbm>> -> memref<128xf32, #tpu.memory_space<hbm>>
          tpu.wait_dma2 semaphore(%arg16 : memref<!tpu.dma_semaphore, #tpu.memory_space<semaphore_mem>>) src(%dma_wait3A_562 : memref<128xf32, #tpu.memory_space<hbm>>) dst(%dma_wait3A_561 : memref<128xf32, #tpu.memory_space<vmem>>)
        } else {
        }
        %run_scoped3A = arith.constant 0 : i32
        %run_scoped3A_105 = arith.constant 0 : i32
        "tpu.region"() ({
          %run_scoped3A_529 = tpu.sem_alloc : memref<!tpu.dma_semaphore, #tpu.memory_space<semaphore_mem>>
          %dma_start3A_530 = arith.constant 0 : i32
          %dma_start3A_531 = arith.constant 0 : i32
          %dma_start3A_532 = tpu.memref_slice %arg10[%run_scoped3A, %dma_start3A_530, %dma_start3A_531] : memref<2x128x128xf32, #tpu.memory_space<vmem>> -> memref<1x128x128xf32, #tpu.memory_space<vmem>>
          %dma_start3A_533 = tpu.memref_squeeze %dma_start3A_532 : memref<1x128x128xf32, #tpu.memory_space<vmem>> -> memref<128x128xf32, #tpu.memory_space<vmem>>
          %dma_start3A_534 = arith.constant 0 : i32
          %dma_start3A_535 = tpu.memref_slice %arg12[%run_scoped3A_105, %dma_start3A_534] : memref<2x128xi32, #tpu.memory_space<vmem>> -> memref<1x128xi32, #tpu.memory_space<vmem>>
          %dma_start3A_536 = tpu.memref_squeeze %dma_start3A_535 : memref<1x128xi32, #tpu.memory_space<vmem>> -> memref<128xi32, #tpu.memory_space<vmem>>
          %dma_start3A_537 = arith.constant 0 : i32
          %dma_start3A_538 = arith.constant 0 : i32
          %dma_start3A_539 = tpu.memref_slice %arg15[%dma_start3A_537, %dma_start3A_538] : memref<512x128xf32, #tpu.memory_space<vmem_shared>> -> memref<512x128xf32, #tpu.memory_space<vmem_shared>>
          tpu.enqueue_indirect_dma source(%dma_start3A_533 : memref<128x128xf32, #tpu.memory_space<vmem>>) target(%dma_start3A_539 : memref<512x128xf32, #tpu.memory_space<vmem_shared>>) offsets(%dma_start3A_536 : memref<128xi32, #tpu.memory_space<vmem>>) semaphore(%run_scoped3A_529 : memref<!tpu.dma_semaphore, #tpu.memory_space<semaphore_mem>>) {add = true}
          %dma_wait3A = arith.constant 0 : i32
          %dma_wait3A_540 = arith.constant 0 : i32
          %dma_wait3A_541 = tpu.memref_slice %arg10[%run_scoped3A, %dma_wait3A, %dma_wait3A_540] : memref<2x128x128xf32, #tpu.memory_space<vmem>> -> memref<1x128x128xf32, #tpu.memory_space<vmem>>
          %dma_wait3A_542 = tpu.memref_squeeze %dma_wait3A_541 : memref<1x128x128xf32, #tpu.memory_space<vmem>> -> memref<128x128xf32, #tpu.memory_space<vmem>>
          %dma_wait3A_543 = arith.constant 0 : i32
          %dma_wait3A_544 = tpu.memref_slice %arg12[%run_scoped3A_105, %dma_wait3A_543] : memref<2x128xi32, #tpu.memory_space<vmem>> -> memref<1x128xi32, #tpu.memory_space<vmem>>
          %dma_wait3A_545 = tpu.memref_squeeze %dma_wait3A_544 : memref<1x128xi32, #tpu.memory_space<vmem>> -> memref<128xi32, #tpu.memory_space<vmem>>
          %dma_wait3A_546 = arith.constant 0 : i32
          %dma_wait3A_547 = arith.constant 0 : i32
          %dma_wait3A_548 = tpu.memref_slice %arg15[%dma_wait3A_546, %dma_wait3A_547] : memref<512x128xf32, #tpu.memory_space<vmem_shared>> -> memref<512x128xf32, #tpu.memory_space<vmem_shared>>
          tpu.wait_indirect_dma semaphore(%run_scoped3A_529 : memref<!tpu.dma_semaphore, #tpu.memory_space<semaphore_mem>>) src(%dma_wait3A_542 : memref<128x128xf32, #tpu.memory_space<vmem>>) dst(%dma_wait3A_548 : memref<512x128xf32, #tpu.memory_space<vmem_shared>>)
          tpu.yield
        }) : () -> ()
        %get3A = arith.constant 0 : i32
        %get3A_106 = arith.index_cast %get3A : i32 to index
        %get3A_107 = arith.constant 0 : index
        %get3A_108 = tpu.vector_load %arg11[%get3A_106, %get3A_107] {strides = array<i32>} : memref<2x128xf32, #tpu.memory_space<vmem>>, vector<16xf32>,
        %get3A_109 = arith.constant 0 : i32
        %get3A_110 = arith.index_cast %get3A_109 : i32 to index
        %get3A_111 = arith.constant 0 : index
        %get3A_112 = tpu.vector_load %arg12[%get3A_110, %get3A_111] {strides = array<i32>} : memref<2x128xi32, #tpu.memory_space<vmem>>, vector<16xi32>,
        %broadcast_in_dim3A = arith.constant true
        %broadcast_in_dim3A_113 = vector.broadcast %broadcast_in_dim3A : i1 to vector<16xi1>
        %masked_cumsum3A = tpu.scan <sum>, %get3A_108 masked %broadcast_in_dim3A_113 : vector<16xf32>, vector<16xi1> -> vector<16xf32>
        %sub3A = arith.constant 1 : i32
        %sub3A_114 = vector.broadcast %sub3A : i32 to vector<16xi32>
        %sub3A_115 = arith.subi %iota3A, %sub3A_114 : vector<16xi32>
        %max3A = arith.constant 0 : i32
        %max3A_116 = vector.broadcast %max3A : i32 to vector<16xi32>
        %max3A_117 = arith.maxsi %sub3A_115, %max3A_116 : vector<16xi32>
        %broadcast_in_dim3A_118 = vector.shape_cast %max3A_117 : vector<16xi32> to vector<16x1xi32>
        %gather3A = vector.shape_cast %broadcast_in_dim3A_118 : vector<16x1xi32> to vector<16xi32>
        %gather3A_119 = tpu.dynamic_gather %get3A_112[%gather3A] in [0] : vector<16xi32>, vector<16xi32> -> vector<16xi32>
        %eq3A_120 = arith.constant 0 : i32
        %eq3A_121 = vector.broadcast %eq3A_120 : i32 to vector<16xi32>
        %eq3A_122 = arith.cmpi eq, %iota3A, %eq3A_121 : vector<16xi32>
        %ne3A_123 = arith.cmpi ne, %get3A_112, %gather3A_119 : vector<16xi32>
        %or3A = arith.ori %eq3A_122, %ne3A_123 : vector<16xi1>
        %jit3A_124 = arith.constant 0 : i32
        %broadcast_in_dim3A_125 = vector.broadcast %jit3A_124 : i32 to vector<16xi32>
        %select_n3A_126 = arith.select %or3A, %iota3A, %broadcast_in_dim3A_125 : vector<16xi1>, vector<16xi32>
        %broadcast_in_dim3A_127 = arith.constant true
        %broadcast_in_dim3A_128 = vector.broadcast %broadcast_in_dim3A_127 : i1 to vector<16xi1>
        %masked_cummax3A = arith.constant -2147483648 : i32
        %masked_cummax3A_129 = vector.broadcast %masked_cummax3A : i32 to vector<16xi32>
        %masked_cummax3A_130 = arith.xori %select_n3A_126, %masked_cummax3A_129 : vector<16xi32>
        %masked_cummax3A_131 = tpu.scan <max>, %masked_cummax3A_130 masked %broadcast_in_dim3A_128 : vector<16xi32>, vector<16xi1> -> vector<16xi32>
        %masked_cummax3A_132 = arith.xori %masked_cummax3A_131, %masked_cummax3A_129 : vector<16xi32>
        %sub3A_133 = arith.subf %masked_cumsum3A, %get3A_108 : vector<16xf32>
        %broadcast_in_dim3A_134 = vector.shape_cast %masked_cummax3A_132 : vector<16xi32> to vector<16x1xi32>
        %gather3A_135 = vector.shape_cast %broadcast_in_dim3A_134 : vector<16x1xi32> to vector<16xi32>
        %gather3A_136 = tpu.dynamic_gather %sub3A_133[%gather3A_135] in [0] : vector<16xf32>, vector<16xi32> -> vector<16xf32>
        %sub3A_137 = arith.subf %masked_cumsum3A, %gather3A_136 : vector<16xf32>
        %add3A_138 = arith.constant 1 : i32
        %add3A_139 = vector.broadcast %add3A_138 : i32 to vector<16xi32>
        %add3A_140 = arith.addi %iota3A, %add3A_139 : vector<16xi32>
        %min3A = arith.constant 15 : i32
        %min3A_141 = vector.broadcast %min3A : i32 to vector<16xi32>
        %min3A_142 = arith.minsi %add3A_140, %min3A_141 : vector<16xi32>
        %broadcast_in_dim3A_143 = vector.shape_cast %min3A_142 : vector<16xi32> to vector<16x1xi32>
        %gather3A_144 = vector.shape_cast %broadcast_in_dim3A_143 : vector<16x1xi32> to vector<16xi32>
        %gather3A_145 = tpu.dynamic_gather %get3A_112[%gather3A_144] in [0] : vector<16xi32>, vector<16xi32> -> vector<16xi32>
        %eq3A_146 = arith.constant 15 : i32
        %eq3A_147 = vector.broadcast %eq3A_146 : i32 to vector<16xi32>
        %eq3A_148 = arith.cmpi eq, %iota3A, %eq3A_147 : vector<16xi32>
        %ne3A_149 = arith.cmpi ne, %get3A_112, %gather3A_145 : vector<16xi32>
        %or3A_150 = arith.ori %eq3A_148, %ne3A_149 : vector<16xi1>
        tpu.vector_store_idx %arg14[%get3A_112], %sub3A_137 masked %or3A_150 {add = true} : memref<512xf32, #tpu.memory_space<vmem>>[vector<16xi32>], vector<16xf32>, vector<16xi1>
        %get3A_151 = arith.constant 0 : i32
        %get3A_152 = arith.index_cast %get3A_151 : i32 to index
        %get3A_153 = arith.constant 16 : index
        %get3A_154 = tpu.vector_load %arg11[%get3A_152, %get3A_153] {strides = array<i32>} : memref<2x128xf32, #tpu.memory_space<vmem>>, vector<16xf32>,
        %get3A_155 = arith.constant 0 : i32
        %get3A_156 = arith.index_cast %get3A_155 : i32 to index
        %get3A_157 = arith.constant 16 : index
        %get3A_158 = tpu.vector_load %arg12[%get3A_156, %get3A_157] {strides = array<i32>} : memref<2x128xi32, #tpu.memory_space<vmem>>, vector<16xi32>,
        %broadcast_in_dim3A_159 = arith.constant true
        %broadcast_in_dim3A_160 = vector.broadcast %broadcast_in_dim3A_159 : i1 to vector<16xi1>
        %masked_cumsum3A_161 = tpu.scan <sum>, %get3A_154 masked %broadcast_in_dim3A_160 : vector<16xf32>, vector<16xi1> -> vector<16xf32>
        %sub3A_162 = arith.constant 1 : i32
        %sub3A_163 = vector.broadcast %sub3A_162 : i32 to vector<16xi32>
        %sub3A_164 = arith.subi %iota3A, %sub3A_163 : vector<16xi32>
        %max3A_165 = arith.constant 0 : i32
        %max3A_166 = vector.broadcast %max3A_165 : i32 to vector<16xi32>
        %max3A_167 = arith.maxsi %sub3A_164, %max3A_166 : vector<16xi32>
        %broadcast_in_dim3A_168 = vector.shape_cast %max3A_167 : vector<16xi32> to vector<16x1xi32>
        %gather3A_169 = vector.shape_cast %broadcast_in_dim3A_168 : vector<16x1xi32> to vector<16xi32>
        %gather3A_170 = tpu.dynamic_gather %get3A_158[%gather3A_169] in [0] : vector<16xi32>, vector<16xi32> -> vector<16xi32>
        %eq3A_171 = arith.constant 0 : i32
        %eq3A_172 = vector.broadcast %eq3A_171 : i32 to vector<16xi32>
        %eq3A_173 = arith.cmpi eq, %iota3A, %eq3A_172 : vector<16xi32>
        %ne3A_174 = arith.cmpi ne, %get3A_158, %gather3A_170 : vector<16xi32>
        %or3A_175 = arith.ori %eq3A_173, %ne3A_174 : vector<16xi1>
        %jit3A_176 = arith.constant 0 : i32
        %broadcast_in_dim3A_177 = vector.broadcast %jit3A_176 : i32 to vector<16xi32>
        %select_n3A_178 = arith.select %or3A_175, %iota3A, %broadcast_in_dim3A_177 : vector<16xi1>, vector<16xi32>
        %broadcast_in_dim3A_179 = arith.constant true
        %broadcast_in_dim3A_180 = vector.broadcast %broadcast_in_dim3A_179 : i1 to vector<16xi1>
        %masked_cummax3A_181 = arith.constant -2147483648 : i32
        %masked_cummax3A_182 = vector.broadcast %masked_cummax3A_181 : i32 to vector<16xi32>
        %masked_cummax3A_183 = arith.xori %select_n3A_178, %masked_cummax3A_182 : vector<16xi32>
        %masked_cummax3A_184 = tpu.scan <max>, %masked_cummax3A_183 masked %broadcast_in_dim3A_180 : vector<16xi32>, vector<16xi1> -> vector<16xi32>
        %masked_cummax3A_185 = arith.xori %masked_cummax3A_184, %masked_cummax3A_182 : vector<16xi32>
        %sub3A_186 = arith.subf %masked_cumsum3A_161, %get3A_154 : vector<16xf32>
        %broadcast_in_dim3A_187 = vector.shape_cast %masked_cummax3A_185 : vector<16xi32> to vector<16x1xi32>
        %gather3A_188 = vector.shape_cast %broadcast_in_dim3A_187 : vector<16x1xi32> to vector<16xi32>
        %gather3A_189 = tpu.dynamic_gather %sub3A_186[%gather3A_188] in [0] : vector<16xf32>, vector<16xi32> -> vector<16xf32>
        %sub3A_190 = arith.subf %masked_cumsum3A_161, %gather3A_189 : vector<16xf32>
        %add3A_191 = arith.constant 1 : i32
        %add3A_192 = vector.broadcast %add3A_191 : i32 to vector<16xi32>
        %add3A_193 = arith.addi %iota3A, %add3A_192 : vector<16xi32>
        %min3A_194 = arith.constant 15 : i32
        %min3A_195 = vector.broadcast %min3A_194 : i32 to vector<16xi32>
        %min3A_196 = arith.minsi %add3A_193, %min3A_195 : vector<16xi32>
        %broadcast_in_dim3A_197 = vector.shape_cast %min3A_196 : vector<16xi32> to vector<16x1xi32>
        %gather3A_198 = vector.shape_cast %broadcast_in_dim3A_197 : vector<16x1xi32> to vector<16xi32>
        %gather3A_199 = tpu.dynamic_gather %get3A_158[%gather3A_198] in [0] : vector<16xi32>, vector<16xi32> -> vector<16xi32>
        %eq3A_200 = arith.constant 15 : i32
        %eq3A_201 = vector.broadcast %eq3A_200 : i32 to vector<16xi32>
        %eq3A_202 = arith.cmpi eq, %iota3A, %eq3A_201 : vector<16xi32>
        %ne3A_203 = arith.cmpi ne, %get3A_158, %gather3A_199 : vector<16xi32>
        %or3A_204 = arith.ori %eq3A_202, %ne3A_203 : vector<16xi1>
        tpu.vector_store_idx %arg14[%get3A_158], %sub3A_190 masked %or3A_204 {add = true} : memref<512xf32, #tpu.memory_space<vmem>>[vector<16xi32>], vector<16xf32>, vector<16xi1>
        %get3A_205 = arith.constant 0 : i32
        %get3A_206 = arith.index_cast %get3A_205 : i32 to index
        %get3A_207 = arith.constant 32 : index
        %get3A_208 = tpu.vector_load %arg11[%get3A_206, %get3A_207] {strides = array<i32>} : memref<2x128xf32, #tpu.memory_space<vmem>>, vector<16xf32>,
        %get3A_209 = arith.constant 0 : i32
        %get3A_210 = arith.index_cast %get3A_209 : i32 to index
        %get3A_211 = arith.constant 32 : index
        %get3A_212 = tpu.vector_load %arg12[%get3A_210, %get3A_211] {strides = array<i32>} : memref<2x128xi32, #tpu.memory_space<vmem>>, vector<16xi32>,
        %broadcast_in_dim3A_213 = arith.constant true
        %broadcast_in_dim3A_214 = vector.broadcast %broadcast_in_dim3A_213 : i1 to vector<16xi1>
        %masked_cumsum3A_215 = tpu.scan <sum>, %get3A_208 masked %broadcast_in_dim3A_214 : vector<16xf32>, vector<16xi1> -> vector<16xf32>
        %sub3A_216 = arith.constant 1 : i32
        %sub3A_217 = vector.broadcast %sub3A_216 : i32 to vector<16xi32>
        %sub3A_218 = arith.subi %iota3A, %sub3A_217 : vector<16xi32>
        %max3A_219 = arith.constant 0 : i32
        %max3A_220 = vector.broadcast %max3A_219 : i32 to vector<16xi32>
        %max3A_221 = arith.maxsi %sub3A_218, %max3A_220 : vector<16xi32>
        %broadcast_in_dim3A_222 = vector.shape_cast %max3A_221 : vector<16xi32> to vector<16x1xi32>
        %gather3A_223 = vector.shape_cast %broadcast_in_dim3A_222 : vector<16x1xi32> to vector<16xi32>
        %gather3A_224 = tpu.dynamic_gather %get3A_212[%gather3A_223] in [0] : vector<16xi32>, vector<16xi32> -> vector<16xi32>
        %eq3A_225 = arith.constant 0 : i32
        %eq3A_226 = vector.broadcast %eq3A_225 : i32 to vector<16xi32>
        %eq3A_227 = arith.cmpi eq, %iota3A, %eq3A_226 : vector<16xi32>
        %ne3A_228 = arith.cmpi ne, %get3A_212, %gather3A_224 : vector<16xi32>
        %or3A_229 = arith.ori %eq3A_227, %ne3A_228 : vector<16xi1>
        %jit3A_230 = arith.constant 0 : i32
        %broadcast_in_dim3A_231 = vector.broadcast %jit3A_230 : i32 to vector<16xi32>
        %select_n3A_232 = arith.select %or3A_229, %iota3A, %broadcast_in_dim3A_231 : vector<16xi1>, vector<16xi32>
        %broadcast_in_dim3A_233 = arith.constant true
        %broadcast_in_dim3A_234 = vector.broadcast %broadcast_in_dim3A_233 : i1 to vector<16xi1>
        %masked_cummax3A_235 = arith.constant -2147483648 : i32
        %masked_cummax3A_236 = vector.broadcast %masked_cummax3A_235 : i32 to vector<16xi32>
        %masked_cummax3A_237 = arith.xori %select_n3A_232, %masked_cummax3A_236 : vector<16xi32>
        %masked_cummax3A_238 = tpu.scan <max>, %masked_cummax3A_237 masked %broadcast_in_dim3A_234 : vector<16xi32>, vector<16xi1> -> vector<16xi32>
        %masked_cummax3A_239 = arith.xori %masked_cummax3A_238, %masked_cummax3A_236 : vector<16xi32>
        %sub3A_240 = arith.subf %masked_cumsum3A_215, %get3A_208 : vector<16xf32>
        %broadcast_in_dim3A_241 = vector.shape_cast %masked_cummax3A_239 : vector<16xi32> to vector<16x1xi32>
        %gather3A_242 = vector.shape_cast %broadcast_in_dim3A_241 : vector<16x1xi32> to vector<16xi32>
        %gather3A_243 = tpu.dynamic_gather %sub3A_240[%gather3A_242] in [0] : vector<16xf32>, vector<16xi32> -> vector<16xf32>
        %sub3A_244 = arith.subf %masked_cumsum3A_215, %gather3A_243 : vector<16xf32>
        %add3A_245 = arith.constant 1 : i32
        %add3A_246 = vector.broadcast %add3A_245 : i32 to vector<16xi32>
        %add3A_247 = arith.addi %iota3A, %add3A_246 : vector<16xi32>
        %min3A_248 = arith.constant 15 : i32
        %min3A_249 = vector.broadcast %min3A_248 : i32 to vector<16xi32>
        %min3A_250 = arith.minsi %add3A_247, %min3A_249 : vector<16xi32>
        %broadcast_in_dim3A_251 = vector.shape_cast %min3A_250 : vector<16xi32> to vector<16x1xi32>
        %gather3A_252 = vector.shape_cast %broadcast_in_dim3A_251 : vector<16x1xi32> to vector<16xi32>
        %gather3A_253 = tpu.dynamic_gather %get3A_212[%gather3A_252] in [0] : vector<16xi32>, vector<16xi32> -> vector<16xi32>
        %eq3A_254 = arith.constant 15 : i32
        %eq3A_255 = vector.broadcast %eq3A_254 : i32 to vector<16xi32>
        %eq3A_256 = arith.cmpi eq, %iota3A, %eq3A_255 : vector<16xi32>
        %ne3A_257 = arith.cmpi ne, %get3A_212, %gather3A_253 : vector<16xi32>
        %or3A_258 = arith.ori %eq3A_256, %ne3A_257 : vector<16xi1>
        tpu.vector_store_idx %arg14[%get3A_212], %sub3A_244 masked %or3A_258 {add = true} : memref<512xf32, #tpu.memory_space<vmem>>[vector<16xi32>], vector<16xf32>, vector<16xi1>
        %get3A_259 = arith.constant 0 : i32
        %get3A_260 = arith.index_cast %get3A_259 : i32 to index
        %get3A_261 = arith.constant 48 : index
        %get3A_262 = tpu.vector_load %arg11[%get3A_260, %get3A_261] {strides = array<i32>} : memref<2x128xf32, #tpu.memory_space<vmem>>, vector<16xf32>,
        %get3A_263 = arith.constant 0 : i32
        %get3A_264 = arith.index_cast %get3A_263 : i32 to index
        %get3A_265 = arith.constant 48 : index
        %get3A_266 = tpu.vector_load %arg12[%get3A_264, %get3A_265] {strides = array<i32>} : memref<2x128xi32, #tpu.memory_space<vmem>>, vector<16xi32>,
        %broadcast_in_dim3A_267 = arith.constant true
        %broadcast_in_dim3A_268 = vector.broadcast %broadcast_in_dim3A_267 : i1 to vector<16xi1>
        %masked_cumsum3A_269 = tpu.scan <sum>, %get3A_262 masked %broadcast_in_dim3A_268 : vector<16xf32>, vector<16xi1> -> vector<16xf32>
        %sub3A_270 = arith.constant 1 : i32
        %sub3A_271 = vector.broadcast %sub3A_270 : i32 to vector<16xi32>
        %sub3A_272 = arith.subi %iota3A, %sub3A_271 : vector<16xi32>
        %max3A_273 = arith.constant 0 : i32
        %max3A_274 = vector.broadcast %max3A_273 : i32 to vector<16xi32>
        %max3A_275 = arith.maxsi %sub3A_272, %max3A_274 : vector<16xi32>
        %broadcast_in_dim3A_276 = vector.shape_cast %max3A_275 : vector<16xi32> to vector<16x1xi32>
        %gather3A_277 = vector.shape_cast %broadcast_in_dim3A_276 : vector<16x1xi32> to vector<16xi32>
        %gather3A_278 = tpu.dynamic_gather %get3A_266[%gather3A_277] in [0] : vector<16xi32>, vector<16xi32> -> vector<16xi32>
        %eq3A_279 = arith.constant 0 : i32
        %eq3A_280 = vector.broadcast %eq3A_279 : i32 to vector<16xi32>
        %eq3A_281 = arith.cmpi eq, %iota3A, %eq3A_280 : vector<16xi32>
        %ne3A_282 = arith.cmpi ne, %get3A_266, %gather3A_278 : vector<16xi32>
        %or3A_283 = arith.ori %eq3A_281, %ne3A_282 : vector<16xi1>
        %jit3A_284 = arith.constant 0 : i32
        %broadcast_in_dim3A_285 = vector.broadcast %jit3A_284 : i32 to vector<16xi32>
        %select_n3A_286 = arith.select %or3A_283, %iota3A, %broadcast_in_dim3A_285 : vector<16xi1>, vector<16xi32>
        %broadcast_in_dim3A_287 = arith.constant true
        %broadcast_in_dim3A_288 = vector.broadcast %broadcast_in_dim3A_287 : i1 to vector<16xi1>
        %masked_cummax3A_289 = arith.constant -2147483648 : i32
        %masked_cummax3A_290 = vector.broadcast %masked_cummax3A_289 : i32 to vector<16xi32>
        %masked_cummax3A_291 = arith.xori %select_n3A_286, %masked_cummax3A_290 : vector<16xi32>
        %masked_cummax3A_292 = tpu.scan <max>, %masked_cummax3A_291 masked %broadcast_in_dim3A_288 : vector<16xi32>, vector<16xi1> -> vector<16xi32>
        %masked_cummax3A_293 = arith.xori %masked_cummax3A_292, %masked_cummax3A_290 : vector<16xi32>
        %sub3A_294 = arith.subf %masked_cumsum3A_269, %get3A_262 : vector<16xf32>
        %broadcast_in_dim3A_295 = vector.shape_cast %masked_cummax3A_293 : vector<16xi32> to vector<16x1xi32>
        %gather3A_296 = vector.shape_cast %broadcast_in_dim3A_295 : vector<16x1xi32> to vector<16xi32>
        %gather3A_297 = tpu.dynamic_gather %sub3A_294[%gather3A_296] in [0] : vector<16xf32>, vector<16xi32> -> vector<16xf32>
        %sub3A_298 = arith.subf %masked_cumsum3A_269, %gather3A_297 : vector<16xf32>
        %add3A_299 = arith.constant 1 : i32
        %add3A_300 = vector.broadcast %add3A_299 : i32 to vector<16xi32>
        %add3A_301 = arith.addi %iota3A, %add3A_300 : vector<16xi32>
        %min3A_302 = arith.constant 15 : i32
        %min3A_303 = vector.broadcast %min3A_302 : i32 to vector<16xi32>
        %min3A_304 = arith.minsi %add3A_301, %min3A_303 : vector<16xi32>
        %broadcast_in_dim3A_305 = vector.shape_cast %min3A_304 : vector<16xi32> to vector<16x1xi32>
        %gather3A_306 = vector.shape_cast %broadcast_in_dim3A_305 : vector<16x1xi32> to vector<16xi32>
        %gather3A_307 = tpu.dynamic_gather %get3A_266[%gather3A_306] in [0] : vector<16xi32>, vector<16xi32> -> vector<16xi32>
        %eq3A_308 = arith.constant 15 : i32
        %eq3A_309 = vector.broadcast %eq3A_308 : i32 to vector<16xi32>
        %eq3A_310 = arith.cmpi eq, %iota3A, %eq3A_309 : vector<16xi32>
        %ne3A_311 = arith.cmpi ne, %get3A_266, %gather3A_307 : vector<16xi32>
        %or3A_312 = arith.ori %eq3A_310, %ne3A_311 : vector<16xi1>
        tpu.vector_store_idx %arg14[%get3A_266], %sub3A_298 masked %or3A_312 {add = true} : memref<512xf32, #tpu.memory_space<vmem>>[vector<16xi32>], vector<16xf32>, vector<16xi1>
        %get3A_313 = arith.constant 0 : i32
        %get3A_314 = arith.index_cast %get3A_313 : i32 to index
        %get3A_315 = arith.constant 64 : index
        %get3A_316 = tpu.vector_load %arg11[%get3A_314, %get3A_315] {strides = array<i32>} : memref<2x128xf32, #tpu.memory_space<vmem>>, vector<16xf32>,
        %get3A_317 = arith.constant 0 : i32
        %get3A_318 = arith.index_cast %get3A_317 : i32 to index
        %get3A_319 = arith.constant 64 : index
        %get3A_320 = tpu.vector_load %arg12[%get3A_318, %get3A_319] {strides = array<i32>} : memref<2x128xi32, #tpu.memory_space<vmem>>, vector<16xi32>,
        %broadcast_in_dim3A_321 = arith.constant true
        %broadcast_in_dim3A_322 = vector.broadcast %broadcast_in_dim3A_321 : i1 to vector<16xi1>
        %masked_cumsum3A_323 = tpu.scan <sum>, %get3A_316 masked %broadcast_in_dim3A_322 : vector<16xf32>, vector<16xi1> -> vector<16xf32>
        %sub3A_324 = arith.constant 1 : i32
        %sub3A_325 = vector.broadcast %sub3A_324 : i32 to vector<16xi32>
        %sub3A_326 = arith.subi %iota3A, %sub3A_325 : vector<16xi32>
        %max3A_327 = arith.constant 0 : i32
        %max3A_328 = vector.broadcast %max3A_327 : i32 to vector<16xi32>
        %max3A_329 = arith.maxsi %sub3A_326, %max3A_328 : vector<16xi32>
        %broadcast_in_dim3A_330 = vector.shape_cast %max3A_329 : vector<16xi32> to vector<16x1xi32>
        %gather3A_331 = vector.shape_cast %broadcast_in_dim3A_330 : vector<16x1xi32> to vector<16xi32>
        %gather3A_332 = tpu.dynamic_gather %get3A_320[%gather3A_331] in [0] : vector<16xi32>, vector<16xi32> -> vector<16xi32>
        %eq3A_333 = arith.constant 0 : i32
        %eq3A_334 = vector.broadcast %eq3A_333 : i32 to vector<16xi32>
        %eq3A_335 = arith.cmpi eq, %iota3A, %eq3A_334 : vector<16xi32>
        %ne3A_336 = arith.cmpi ne, %get3A_320, %gather3A_332 : vector<16xi32>
        %or3A_337 = arith.ori %eq3A_335, %ne3A_336 : vector<16xi1>
        %jit3A_338 = arith.constant 0 : i32
        %broadcast_in_dim3A_339 = vector.broadcast %jit3A_338 : i32 to vector<16xi32>
        %select_n3A_340 = arith.select %or3A_337, %iota3A, %broadcast_in_dim3A_339 : vector<16xi1>, vector<16xi32>
        %broadcast_in_dim3A_341 = arith.constant true
        %broadcast_in_dim3A_342 = vector.broadcast %broadcast_in_dim3A_341 : i1 to vector<16xi1>
        %masked_cummax3A_343 = arith.constant -2147483648 : i32
        %masked_cummax3A_344 = vector.broadcast %masked_cummax3A_343 : i32 to vector<16xi32>
        %masked_cummax3A_345 = arith.xori %select_n3A_340, %masked_cummax3A_344 : vector<16xi32>
        %masked_cummax3A_346 = tpu.scan <max>, %masked_cummax3A_345 masked %broadcast_in_dim3A_342 : vector<16xi32>, vector<16xi1> -> vector<16xi32>
        %masked_cummax3A_347 = arith.xori %masked_cummax3A_346, %masked_cummax3A_344 : vector<16xi32>
        %sub3A_348 = arith.subf %masked_cumsum3A_323, %get3A_316 : vector<16xf32>
        %broadcast_in_dim3A_349 = vector.shape_cast %masked_cummax3A_347 : vector<16xi32> to vector<16x1xi32>
        %gather3A_350 = vector.shape_cast %broadcast_in_dim3A_349 : vector<16x1xi32> to vector<16xi32>
        %gather3A_351 = tpu.dynamic_gather %sub3A_348[%gather3A_350] in [0] : vector<16xf32>, vector<16xi32> -> vector<16xf32>
        %sub3A_352 = arith.subf %masked_cumsum3A_323, %gather3A_351 : vector<16xf32>
        %add3A_353 = arith.constant 1 : i32
        %add3A_354 = vector.broadcast %add3A_353 : i32 to vector<16xi32>
        %add3A_355 = arith.addi %iota3A, %add3A_354 : vector<16xi32>
        %min3A_356 = arith.constant 15 : i32
        %min3A_357 = vector.broadcast %min3A_356 : i32 to vector<16xi32>
        %min3A_358 = arith.minsi %add3A_355, %min3A_357 : vector<16xi32>
        %broadcast_in_dim3A_359 = vector.shape_cast %min3A_358 : vector<16xi32> to vector<16x1xi32>
        %gather3A_360 = vector.shape_cast %broadcast_in_dim3A_359 : vector<16x1xi32> to vector<16xi32>
        %gather3A_361 = tpu.dynamic_gather %get3A_320[%gather3A_360] in [0] : vector<16xi32>, vector<16xi32> -> vector<16xi32>
        %eq3A_362 = arith.constant 15 : i32
        %eq3A_363 = vector.broadcast %eq3A_362 : i32 to vector<16xi32>
        %eq3A_364 = arith.cmpi eq, %iota3A, %eq3A_363 : vector<16xi32>
        %ne3A_365 = arith.cmpi ne, %get3A_320, %gather3A_361 : vector<16xi32>
        %or3A_366 = arith.ori %eq3A_364, %ne3A_365 : vector<16xi1>
        tpu.vector_store_idx %arg14[%get3A_320], %sub3A_352 masked %or3A_366 {add = true} : memref<512xf32, #tpu.memory_space<vmem>>[vector<16xi32>], vector<16xf32>, vector<16xi1>
        %get3A_367 = arith.constant 0 : i32
        %get3A_368 = arith.index_cast %get3A_367 : i32 to index
        %get3A_369 = arith.constant 80 : index
        %get3A_370 = tpu.vector_load %arg11[%get3A_368, %get3A_369] {strides = array<i32>} : memref<2x128xf32, #tpu.memory_space<vmem>>, vector<16xf32>,
        %get3A_371 = arith.constant 0 : i32
        %get3A_372 = arith.index_cast %get3A_371 : i32 to index
        %get3A_373 = arith.constant 80 : index
        %get3A_374 = tpu.vector_load %arg12[%get3A_372, %get3A_373] {strides = array<i32>} : memref<2x128xi32, #tpu.memory_space<vmem>>, vector<16xi32>,
        %broadcast_in_dim3A_375 = arith.constant true
        %broadcast_in_dim3A_376 = vector.broadcast %broadcast_in_dim3A_375 : i1 to vector<16xi1>
        %masked_cumsum3A_377 = tpu.scan <sum>, %get3A_370 masked %broadcast_in_dim3A_376 : vector<16xf32>, vector<16xi1> -> vector<16xf32>
        %sub3A_378 = arith.constant 1 : i32
        %sub3A_379 = vector.broadcast %sub3A_378 : i32 to vector<16xi32>
        %sub3A_380 = arith.subi %iota3A, %sub3A_379 : vector<16xi32>
        %max3A_381 = arith.constant 0 : i32
        %max3A_382 = vector.broadcast %max3A_381 : i32 to vector<16xi32>
        %max3A_383 = arith.maxsi %sub3A_380, %max3A_382 : vector<16xi32>
        %broadcast_in_dim3A_384 = vector.shape_cast %max3A_383 : vector<16xi32> to vector<16x1xi32>
        %gather3A_385 = vector.shape_cast %broadcast_in_dim3A_384 : vector<16x1xi32> to vector<16xi32>
        %gather3A_386 = tpu.dynamic_gather %get3A_374[%gather3A_385] in [0] : vector<16xi32>, vector<16xi32> -> vector<16xi32>
        %eq3A_387 = arith.constant 0 : i32
        %eq3A_388 = vector.broadcast %eq3A_387 : i32 to vector<16xi32>
        %eq3A_389 = arith.cmpi eq, %iota3A, %eq3A_388 : vector<16xi32>
        %ne3A_390 = arith.cmpi ne, %get3A_374, %gather3A_386 : vector<16xi32>
        %or3A_391 = arith.ori %eq3A_389, %ne3A_390 : vector<16xi1>
        %jit3A_392 = arith.constant 0 : i32
        %broadcast_in_dim3A_393 = vector.broadcast %jit3A_392 : i32 to vector<16xi32>
        %select_n3A_394 = arith.select %or3A_391, %iota3A, %broadcast_in_dim3A_393 : vector<16xi1>, vector<16xi32>
        %broadcast_in_dim3A_395 = arith.constant true
        %broadcast_in_dim3A_396 = vector.broadcast %broadcast_in_dim3A_395 : i1 to vector<16xi1>
        %masked_cummax3A_397 = arith.constant -2147483648 : i32
        %masked_cummax3A_398 = vector.broadcast %masked_cummax3A_397 : i32 to vector<16xi32>
        %masked_cummax3A_399 = arith.xori %select_n3A_394, %masked_cummax3A_398 : vector<16xi32>
        %masked_cummax3A_400 = tpu.scan <max>, %masked_cummax3A_399 masked %broadcast_in_dim3A_396 : vector<16xi32>, vector<16xi1> -> vector<16xi32>
        %masked_cummax3A_401 = arith.xori %masked_cummax3A_400, %masked_cummax3A_398 : vector<16xi32>
        %sub3A_402 = arith.subf %masked_cumsum3A_377, %get3A_370 : vector<16xf32>
        %broadcast_in_dim3A_403 = vector.shape_cast %masked_cummax3A_401 : vector<16xi32> to vector<16x1xi32>
        %gather3A_404 = vector.shape_cast %broadcast_in_dim3A_403 : vector<16x1xi32> to vector<16xi32>
        %gather3A_405 = tpu.dynamic_gather %sub3A_402[%gather3A_404] in [0] : vector<16xf32>, vector<16xi32> -> vector<16xf32>
        %sub3A_406 = arith.subf %masked_cumsum3A_377, %gather3A_405 : vector<16xf32>
        %add3A_407 = arith.constant 1 : i32
        %add3A_408 = vector.broadcast %add3A_407 : i32 to vector<16xi32>
        %add3A_409 = arith.addi %iota3A, %add3A_408 : vector<16xi32>
        %min3A_410 = arith.constant 15 : i32
        %min3A_411 = vector.broadcast %min3A_410 : i32 to vector<16xi32>
        %min3A_412 = arith.minsi %add3A_409, %min3A_411 : vector<16xi32>
        %broadcast_in_dim3A_413 = vector.shape_cast %min3A_412 : vector<16xi32> to vector<16x1xi32>
        %gather3A_414 = vector.shape_cast %broadcast_in_dim3A_413 : vector<16x1xi32> to vector<16xi32>
        %gather3A_415 = tpu.dynamic_gather %get3A_374[%gather3A_414] in [0] : vector<16xi32>, vector<16xi32> -> vector<16xi32>
        %eq3A_416 = arith.constant 15 : i32
        %eq3A_417 = vector.broadcast %eq3A_416 : i32 to vector<16xi32>
        %eq3A_418 = arith.cmpi eq, %iota3A, %eq3A_417 : vector<16xi32>
        %ne3A_419 = arith.cmpi ne, %get3A_374, %gather3A_415 : vector<16xi32>
        %or3A_420 = arith.ori %eq3A_418, %ne3A_419 : vector<16xi1>
        tpu.vector_store_idx %arg14[%get3A_374], %sub3A_406 masked %or3A_420 {add = true} : memref<512xf32, #tpu.memory_space<vmem>>[vector<16xi32>], vector<16xf32>, vector<16xi1>
        %get3A_421 = arith.constant 0 : i32
        %get3A_422 = arith.index_cast %get3A_421 : i32 to index
        %get3A_423 = arith.constant 96 : index
        %get3A_424 = tpu.vector_load %arg11[%get3A_422, %get3A_423] {strides = array<i32>} : memref<2x128xf32, #tpu.memory_space<vmem>>, vector<16xf32>,
        %get3A_425 = arith.constant 0 : i32
        %get3A_426 = arith.index_cast %get3A_425 : i32 to index
        %get3A_427 = arith.constant 96 : index
        %get3A_428 = tpu.vector_load %arg12[%get3A_426, %get3A_427] {strides = array<i32>} : memref<2x128xi32, #tpu.memory_space<vmem>>, vector<16xi32>,
        %broadcast_in_dim3A_429 = arith.constant true
        %broadcast_in_dim3A_430 = vector.broadcast %broadcast_in_dim3A_429 : i1 to vector<16xi1>
        %masked_cumsum3A_431 = tpu.scan <sum>, %get3A_424 masked %broadcast_in_dim3A_430 : vector<16xf32>, vector<16xi1> -> vector<16xf32>
        %sub3A_432 = arith.constant 1 : i32
        %sub3A_433 = vector.broadcast %sub3A_432 : i32 to vector<16xi32>
        %sub3A_434 = arith.subi %iota3A, %sub3A_433 : vector<16xi32>
        %max3A_435 = arith.constant 0 : i32
        %max3A_436 = vector.broadcast %max3A_435 : i32 to vector<16xi32>
        %max3A_437 = arith.maxsi %sub3A_434, %max3A_436 : vector<16xi32>
        %broadcast_in_dim3A_438 = vector.shape_cast %max3A_437 : vector<16xi32> to vector<16x1xi32>
        %gather3A_439 = vector.shape_cast %broadcast_in_dim3A_438 : vector<16x1xi32> to vector<16xi32>
        %gather3A_440 = tpu.dynamic_gather %get3A_428[%gather3A_439] in [0] : vector<16xi32>, vector<16xi32> -> vector<16xi32>
        %eq3A_441 = arith.constant 0 : i32
        %eq3A_442 = vector.broadcast %eq3A_441 : i32 to vector<16xi32>
        %eq3A_443 = arith.cmpi eq, %iota3A, %eq3A_442 : vector<16xi32>
        %ne3A_444 = arith.cmpi ne, %get3A_428, %gather3A_440 : vector<16xi32>
        %or3A_445 = arith.ori %eq3A_443, %ne3A_444 : vector<16xi1>
        %jit3A_446 = arith.constant 0 : i32
        %broadcast_in_dim3A_447 = vector.broadcast %jit3A_446 : i32 to vector<16xi32>
        %select_n3A_448 = arith.select %or3A_445, %iota3A, %broadcast_in_dim3A_447 : vector<16xi1>, vector<16xi32>
        %broadcast_in_dim3A_449 = arith.constant true
        %broadcast_in_dim3A_450 = vector.broadcast %broadcast_in_dim3A_449 : i1 to vector<16xi1>
        %masked_cummax3A_451 = arith.constant -2147483648 : i32
        %masked_cummax3A_452 = vector.broadcast %masked_cummax3A_451 : i32 to vector<16xi32>
        %masked_cummax3A_453 = arith.xori %select_n3A_448, %masked_cummax3A_452 : vector<16xi32>
        %masked_cummax3A_454 = tpu.scan <max>, %masked_cummax3A_453 masked %broadcast_in_dim3A_450 : vector<16xi32>, vector<16xi1> -> vector<16xi32>
        %masked_cummax3A_455 = arith.xori %masked_cummax3A_454, %masked_cummax3A_452 : vector<16xi32>
        %sub3A_456 = arith.subf %masked_cumsum3A_431, %get3A_424 : vector<16xf32>
        %broadcast_in_dim3A_457 = vector.shape_cast %masked_cummax3A_455 : vector<16xi32> to vector<16x1xi32>
        %gather3A_458 = vector.shape_cast %broadcast_in_dim3A_457 : vector<16x1xi32> to vector<16xi32>
        %gather3A_459 = tpu.dynamic_gather %sub3A_456[%gather3A_458] in [0] : vector<16xf32>, vector<16xi32> -> vector<16xf32>
        %sub3A_460 = arith.subf %masked_cumsum3A_431, %gather3A_459 : vector<16xf32>
        %add3A_461 = arith.constant 1 : i32
        %add3A_462 = vector.broadcast %add3A_461 : i32 to vector<16xi32>
        %add3A_463 = arith.addi %iota3A, %add3A_462 : vector<16xi32>
        %min3A_464 = arith.constant 15 : i32
        %min3A_465 = vector.broadcast %min3A_464 : i32 to vector<16xi32>
        %min3A_466 = arith.minsi %add3A_463, %min3A_465 : vector<16xi32>
        %broadcast_in_dim3A_467 = vector.shape_cast %min3A_466 : vector<16xi32> to vector<16x1xi32>
        %gather3A_468 = vector.shape_cast %broadcast_in_dim3A_467 : vector<16x1xi32> to vector<16xi32>
        %gather3A_469 = tpu.dynamic_gather %get3A_428[%gather3A_468] in [0] : vector<16xi32>, vector<16xi32> -> vector<16xi32>
        %eq3A_470 = arith.constant 15 : i32
        %eq3A_471 = vector.broadcast %eq3A_470 : i32 to vector<16xi32>
        %eq3A_472 = arith.cmpi eq, %iota3A, %eq3A_471 : vector<16xi32>
        %ne3A_473 = arith.cmpi ne, %get3A_428, %gather3A_469 : vector<16xi32>
        %or3A_474 = arith.ori %eq3A_472, %ne3A_473 : vector<16xi1>
        tpu.vector_store_idx %arg14[%get3A_428], %sub3A_460 masked %or3A_474 {add = true} : memref<512xf32, #tpu.memory_space<vmem>>[vector<16xi32>], vector<16xf32>, vector<16xi1>
        %get3A_475 = arith.constant 0 : i32
        %get3A_476 = arith.index_cast %get3A_475 : i32 to index
        %get3A_477 = arith.constant 112 : index
        %get3A_478 = tpu.vector_load %arg11[%get3A_476, %get3A_477] {strides = array<i32>} : memref<2x128xf32, #tpu.memory_space<vmem>>, vector<16xf32>,
        %get3A_479 = arith.constant 0 : i32
        %get3A_480 = arith.index_cast %get3A_479 : i32 to index
        %get3A_481 = arith.constant 112 : index
        %get3A_482 = tpu.vector_load %arg12[%get3A_480, %get3A_481] {strides = array<i32>} : memref<2x128xi32, #tpu.memory_space<vmem>>, vector<16xi32>,
        %broadcast_in_dim3A_483 = arith.constant true
        %broadcast_in_dim3A_484 = vector.broadcast %broadcast_in_dim3A_483 : i1 to vector<16xi1>
        %masked_cumsum3A_485 = tpu.scan <sum>, %get3A_478 masked %broadcast_in_dim3A_484 : vector<16xf32>, vector<16xi1> -> vector<16xf32>
        %sub3A_486 = arith.constant 1 : i32
        %sub3A_487 = vector.broadcast %sub3A_486 : i32 to vector<16xi32>
        %sub3A_488 = arith.subi %iota3A, %sub3A_487 : vector<16xi32>
        %max3A_489 = arith.constant 0 : i32
        %max3A_490 = vector.broadcast %max3A_489 : i32 to vector<16xi32>
        %max3A_491 = arith.maxsi %sub3A_488, %max3A_490 : vector<16xi32>
        %broadcast_in_dim3A_492 = vector.shape_cast %max3A_491 : vector<16xi32> to vector<16x1xi32>
        %gather3A_493 = vector.shape_cast %broadcast_in_dim3A_492 : vector<16x1xi32> to vector<16xi32>
        %gather3A_494 = tpu.dynamic_gather %get3A_482[%gather3A_493] in [0] : vector<16xi32>, vector<16xi32> -> vector<16xi32>
        %eq3A_495 = arith.constant 0 : i32
        %eq3A_496 = vector.broadcast %eq3A_495 : i32 to vector<16xi32>
        %eq3A_497 = arith.cmpi eq, %iota3A, %eq3A_496 : vector<16xi32>
        %ne3A_498 = arith.cmpi ne, %get3A_482, %gather3A_494 : vector<16xi32>
        %or3A_499 = arith.ori %eq3A_497, %ne3A_498 : vector<16xi1>
        %jit3A_500 = arith.constant 0 : i32
        %broadcast_in_dim3A_501 = vector.broadcast %jit3A_500 : i32 to vector<16xi32>
        %select_n3A_502 = arith.select %or3A_499, %iota3A, %broadcast_in_dim3A_501 : vector<16xi1>, vector<16xi32>
        %broadcast_in_dim3A_503 = arith.constant true
        %broadcast_in_dim3A_504 = vector.broadcast %broadcast_in_dim3A_503 : i1 to vector<16xi1>
        %masked_cummax3A_505 = arith.constant -2147483648 : i32
        %masked_cummax3A_506 = vector.broadcast %masked_cummax3A_505 : i32 to vector<16xi32>
        %masked_cummax3A_507 = arith.xori %select_n3A_502, %masked_cummax3A_506 : vector<16xi32>
        %masked_cummax3A_508 = tpu.scan <max>, %masked_cummax3A_507 masked %broadcast_in_dim3A_504 : vector<16xi32>, vector<16xi1> -> vector<16xi32>
        %masked_cummax3A_509 = arith.xori %masked_cummax3A_508, %masked_cummax3A_506 : vector<16xi32>
        %sub3A_510 = arith.subf %masked_cumsum3A_485, %get3A_478 : vector<16xf32>
        %broadcast_in_dim3A_511 = vector.shape_cast %masked_cummax3A_509 : vector<16xi32> to vector<16x1xi32>
        %gather3A_512 = vector.shape_cast %broadcast_in_dim3A_511 : vector<16x1xi32> to vector<16xi32>
        %gather3A_513 = tpu.dynamic_gather %sub3A_510[%gather3A_512] in [0] : vector<16xf32>, vector<16xi32> -> vector<16xf32>
        %sub3A_514 = arith.subf %masked_cumsum3A_485, %gather3A_513 : vector<16xf32>
        %add3A_515 = arith.constant 1 : i32
        %add3A_516 = vector.broadcast %add3A_515 : i32 to vector<16xi32>
        %add3A_517 = arith.addi %iota3A, %add3A_516 : vector<16xi32>
        %min3A_518 = arith.constant 15 : i32
        %min3A_519 = vector.broadcast %min3A_518 : i32 to vector<16xi32>
        %min3A_520 = arith.minsi %add3A_517, %min3A_519 : vector<16xi32>
        %broadcast_in_dim3A_521 = vector.shape_cast %min3A_520 : vector<16xi32> to vector<16x1xi32>
        %gather3A_522 = vector.shape_cast %broadcast_in_dim3A_521 : vector<16x1xi32> to vector<16xi32>
        %gather3A_523 = tpu.dynamic_gather %get3A_482[%gather3A_522] in [0] : vector<16xi32>, vector<16xi32> -> vector<16xi32>
        %eq3A_524 = arith.constant 15 : i32
        %eq3A_525 = vector.broadcast %eq3A_524 : i32 to vector<16xi32>
        %eq3A_526 = arith.cmpi eq, %iota3A, %eq3A_525 : vector<16xi32>
        %ne3A_527 = arith.cmpi ne, %get3A_482, %gather3A_523 : vector<16xi32>
        %or3A_528 = arith.ori %eq3A_526, %ne3A_527 : vector<16xi1>
        tpu.vector_store_idx %arg14[%get3A_482], %sub3A_514 masked %or3A_528 {add = true} : memref<512xf32, #tpu.memory_space<vmem>>[vector<16xi32>], vector<16xf32>, vector<16xi1>
      } else {
      }
      %jit3A_68 = arith.constant 2 : i32
      %eq3A_69 = arith.constant 0 : i32
      %eq3A_70 = arith.cmpi eq, %jit3A_68, %eq3A_69 : i32
      %jit3A_71 = arith.constant 1 : i32
      %select_n3A_72 = arith.select %eq3A_70, %jit3A_71, %jit3A_68 : i32
      %rem3A_73 = arith.remsi %add3A_55, %select_n3A_72 : i32
      %ne3A_74 = arith.constant 0 : i32
      %ne3A_75 = arith.cmpi ne, %rem3A_73, %ne3A_74 : i32
      %lt3A_76 = arith.constant 0 : i32
      %lt3A_77 = arith.cmpi slt, %rem3A_73, %lt3A_76 : i32
      %lt3A_78 = arith.constant 0 : i32
      %lt3A_79 = arith.cmpi slt, %select_n3A_72, %lt3A_78 : i32
      %ne3A_80 = arith.xori %lt3A_77, %lt3A_79 : i1
      %and3A_81 = arith.andi %ne3A_80, %ne3A_75 : i1
      %add3A_82 = arith.addi %rem3A_73, %select_n3A_72 : i32
      %select_n3A_83 = arith.select %and3A_81, %add3A_82, %rem3A_73 : i32
      %eq3A_84 = arith.constant 1 : i32
      %eq3A_85 = arith.cmpi eq, %select_n3A_83, %eq3A_84 : i32
      %convert_element_type3A_86 = arith.extui %eq3A_85 : i1 to i32
      %cond3A_87 = arith.constant 0 : i32
      %cond3A_88 = arith.cmpi ne, %convert_element_type3A_86, %cond3A_87 : i32
      scf.if %cond3A_88 {
        %add3A_89 = arith.constant 1 : i32
        %add3A_90 = arith.addi %add3A_55, %add3A_89 : i32
        %lt3A_91 = arith.constant 13 : i32
        %lt3A_92 = arith.cmpi slt, %add3A_90, %lt3A_91 : i32
        %convert_element_type3A_93 = arith.extui %lt3A_92 : i1 to i32
        %cond3A_94 = arith.constant 0 : i32
        %cond3A_95 = arith.cmpi ne, %convert_element_type3A_93, %cond3A_94 : i32
        scf.if %cond3A_95 {
          %add3A_529 = arith.constant 1 : i32
          %add3A_530 = arith.addi %add3A_55, %add3A_529 : i32
          %lt3A_531 = arith.constant 12 : i32
          %lt3A_532 = arith.cmpi slt, %add3A_530, %lt3A_531 : i32
          %convert_element_type3A_533 = arith.extui %lt3A_532 : i1 to i32
          %cond3A_534 = arith.constant 0 : i32
          %cond3A_535 = arith.cmpi ne, %convert_element_type3A_533, %cond3A_534 : i32
          scf.if %cond3A_535 {
            %mul3A_541 = arith.constant 1536 : i32
            %mul3A_542 = arith.muli %add3A, %mul3A_541 : i32
            %mul3A_543 = arith.constant 128 : i32
            %mul3A_544 = arith.muli %add3A_530, %mul3A_543 : i32
            %add3A_545 = arith.addi %mul3A_542, %mul3A_544 : i32
            %add3A_546 = arith.constant 49152 : i32
            %add3A_547 = arith.addi %add3A_546, %add3A_545 : i32
            %dma_start3A_548 = arith.constant 0 : i32
            %dma_start3A_549 = arith.constant 0 : i32
            %dma_start3A_550 = tpu.memref_slice %arg12[%dma_start3A_548, %dma_start3A_549] : memref<2x128xi32, #tpu.memory_space<vmem>> -> memref<1x128xi32, #tpu.memory_space<vmem>>
            %dma_start3A_551 = tpu.memref_squeeze %dma_start3A_550 : memref<1x128xi32, #tpu.memory_space<vmem>> -> memref<128xi32, #tpu.memory_space<vmem>>
            %dma_start3A_552 = tpu.memref_slice %arg6[%add3A_547] : memref<102400xi32, #tpu.memory_space<hbm>> -> memref<128xi32, #tpu.memory_space<hbm>>
            %dma_start3A_553 = arith.constant 0 : i32
            %dma_start3A_554 = tpu.memref_slice %arg12[%dma_start3A_548, %dma_start3A_553] : memref<2x128xi32, #tpu.memory_space<vmem>> -> memref<1x128xi32, #tpu.memory_space<vmem>>
            %dma_start3A_555 = tpu.memref_squeeze %dma_start3A_554 : memref<1x128xi32, #tpu.memory_space<vmem>> -> memref<128xi32, #tpu.memory_space<vmem>>
            %dma_start3A_556 = tpu.memref_slice %arg6[%add3A_547] : memref<102400xi32, #tpu.memory_space<hbm>> -> memref<128xi32, #tpu.memory_space<hbm>>
            tpu.enqueue_dma source(%dma_start3A_556 : memref<128xi32, #tpu.memory_space<hbm>>) target(%dma_start3A_555 : memref<128xi32, #tpu.memory_space<vmem>>) target_semaphore(%arg16 : memref<!tpu.dma_semaphore, #tpu.memory_space<semaphore_mem>>)
            %dma_start3A_557 = arith.constant 0 : i32
            %dma_start3A_558 = arith.constant 0 : i32
            %dma_start3A_559 = arith.constant 0 : i32
            %dma_start3A_560 = tpu.memref_slice %arg10[%dma_start3A_557, %dma_start3A_558, %dma_start3A_559] : memref<2x128x128xf32, #tpu.memory_space<vmem>> -> memref<1x128x128xf32, #tpu.memory_space<vmem>>
            %dma_start3A_561 = tpu.memref_squeeze %dma_start3A_560 : memref<1x128x128xf32, #tpu.memory_space<vmem>> -> memref<128x128xf32, #tpu.memory_space<vmem>>
            %dma_start3A_562 = arith.constant 0 : i32
            %dma_start3A_563 = tpu.memref_slice %arg2[%add3A_545, %dma_start3A_562] : memref<49152x128xf32, #tpu.memory_space<hbm>> -> memref<128x128xf32, #tpu.memory_space<hbm>>
            %dma_start3A_564 = arith.constant 0 : i32
            %dma_start3A_565 = arith.constant 0 : i32
            %dma_start3A_566 = tpu.memref_slice %arg10[%dma_start3A_557, %dma_start3A_564, %dma_start3A_565] : memref<2x128x128xf32, #tpu.memory_space<vmem>> -> memref<1x128x128xf32, #tpu.memory_space<vmem>>
            %dma_start3A_567 = tpu.memref_squeeze %dma_start3A_566 : memref<1x128x128xf32, #tpu.memory_space<vmem>> -> memref<128x128xf32, #tpu.memory_space<vmem>>
            %dma_start3A_568 = arith.constant 0 : i32
            %dma_start3A_569 = tpu.memref_slice %arg2[%add3A_545, %dma_start3A_568] : memref<49152x128xf32, #tpu.memory_space<hbm>> -> memref<128x128xf32, #tpu.memory_space<hbm>>
            tpu.enqueue_dma source(%dma_start3A_569 : memref<128x128xf32, #tpu.memory_space<hbm>>) target(%dma_start3A_567 : memref<128x128xf32, #tpu.memory_space<vmem>>) target_semaphore(%arg16 : memref<!tpu.dma_semaphore, #tpu.memory_space<semaphore_mem>>)
            %dma_start3A_570 = arith.constant 0 : i32
            %dma_start3A_571 = arith.constant 0 : i32
            %dma_start3A_572 = tpu.memref_slice %arg11[%dma_start3A_570, %dma_start3A_571] : memref<2x128xf32, #tpu.memory_space<vmem>> -> memref<1x128xf32, #tpu.memory_space<vmem>>
            %dma_start3A_573 = tpu.memref_squeeze %dma_start3A_572 : memref<1x128xf32, #tpu.memory_space<vmem>> -> memref<128xf32, #tpu.memory_space<vmem>>
            %dma_start3A_574 = tpu.memref_slice %arg3[%add3A_545] : memref<49152xf32, #tpu.memory_space<hbm>> -> memref<128xf32, #tpu.memory_space<hbm>>
            %dma_start3A_575 = arith.constant 0 : i32
            %dma_start3A_576 = tpu.memref_slice %arg11[%dma_start3A_570, %dma_start3A_575] : memref<2x128xf32, #tpu.memory_space<vmem>> -> memref<1x128xf32, #tpu.memory_space<vmem>>
            %dma_start3A_577 = tpu.memref_squeeze %dma_start3A_576 : memref<1x128xf32, #tpu.memory_space<vmem>> -> memref<128xf32, #tpu.memory_space<vmem>>
            %dma_start3A_578 = tpu.memref_slice %arg3[%add3A_545] : memref<49152xf32, #tpu.memory_space<hbm>> -> memref<128xf32, #tpu.memory_space<hbm>>
            tpu.enqueue_dma source(%dma_start3A_578 : memref<128xf32, #tpu.memory_space<hbm>>) target(%dma_start3A_577 : memref<128xf32, #tpu.memory_space<vmem>>) target_semaphore(%arg16 : memref<!tpu.dma_semaphore, #tpu.memory_space<semaphore_mem>>)
          } else {
          }
          %ge3A_536 = arith.constant 12 : i32
          %ge3A_537 = arith.cmpi sge, %add3A_530, %ge3A_536 : i32
          %convert_element_type3A_538 = arith.extui %ge3A_537 : i1 to i32
          %cond3A_539 = arith.constant 0 : i32
          %cond3A_540 = arith.cmpi ne, %convert_element_type3A_538, %cond3A_539 : i32
          scf.if %cond3A_540 {
            %mul3A_541 = arith.constant 128 : i32
            %mul3A_542 = arith.muli %add3A, %mul3A_541 : i32
            %add3A_543 = arith.constant 98304 : i32
            %add3A_544 = arith.addi %add3A_543, %mul3A_542 : i32
            %dma_start3A_545 = arith.constant 0 : i32
            %dma_start3A_546 = arith.constant 0 : i32
            %dma_start3A_547 = tpu.memref_slice %arg12[%dma_start3A_545, %dma_start3A_546] : memref<2x128xi32, #tpu.memory_space<vmem>> -> memref<1x128xi32, #tpu.memory_space<vmem>>
            %dma_start3A_548 = tpu.memref_squeeze %dma_start3A_547 : memref<1x128xi32, #tpu.memory_space<vmem>> -> memref<128xi32, #tpu.memory_space<vmem>>
            %dma_start3A_549 = tpu.memref_slice %arg6[%add3A_544] : memref<102400xi32, #tpu.memory_space<hbm>> -> memref<128xi32, #tpu.memory_space<hbm>>
            %dma_start3A_550 = arith.constant 0 : i32
            %dma_start3A_551 = tpu.memref_slice %arg12[%dma_start3A_545, %dma_start3A_550] : memref<2x128xi32, #tpu.memory_space<vmem>> -> memref<1x128xi32, #tpu.memory_space<vmem>>
            %dma_start3A_552 = tpu.memref_squeeze %dma_start3A_551 : memref<1x128xi32, #tpu.memory_space<vmem>> -> memref<128xi32, #tpu.memory_space<vmem>>
            %dma_start3A_553 = tpu.memref_slice %arg6[%add3A_544] : memref<102400xi32, #tpu.memory_space<hbm>> -> memref<128xi32, #tpu.memory_space<hbm>>
            tpu.enqueue_dma source(%dma_start3A_553 : memref<128xi32, #tpu.memory_space<hbm>>) target(%dma_start3A_552 : memref<128xi32, #tpu.memory_space<vmem>>) target_semaphore(%arg16 : memref<!tpu.dma_semaphore, #tpu.memory_space<semaphore_mem>>)
            %dma_start3A_554 = arith.constant 0 : i32
            %dma_start3A_555 = arith.constant 0 : i32
            %dma_start3A_556 = arith.constant 0 : i32
            %dma_start3A_557 = tpu.memref_slice %arg10[%dma_start3A_554, %dma_start3A_555, %dma_start3A_556] : memref<2x128x128xf32, #tpu.memory_space<vmem>> -> memref<1x128x128xf32, #tpu.memory_space<vmem>>
            %dma_start3A_558 = tpu.memref_squeeze %dma_start3A_557 : memref<1x128x128xf32, #tpu.memory_space<vmem>> -> memref<128x128xf32, #tpu.memory_space<vmem>>
            %dma_start3A_559 = arith.constant 0 : i32
            %dma_start3A_560 = tpu.memref_slice %arg4[%mul3A_542, %dma_start3A_559] : memref<4096x128xf32, #tpu.memory_space<hbm>> -> memref<128x128xf32, #tpu.memory_space<hbm>>
            %dma_start3A_561 = arith.constant 0 : i32
            %dma_start3A_562 = arith.constant 0 : i32
            %dma_start3A_563 = tpu.memref_slice %arg10[%dma_start3A_554, %dma_start3A_561, %dma_start3A_562] : memref<2x128x128xf32, #tpu.memory_space<vmem>> -> memref<1x128x128xf32, #tpu.memory_space<vmem>>
            %dma_start3A_564 = tpu.memref_squeeze %dma_start3A_563 : memref<1x128x128xf32, #tpu.memory_space<vmem>> -> memref<128x128xf32, #tpu.memory_space<vmem>>
            %dma_start3A_565 = arith.constant 0 : i32
            %dma_start3A_566 = tpu.memref_slice %arg4[%mul3A_542, %dma_start3A_565] : memref<4096x128xf32, #tpu.memory_space<hbm>> -> memref<128x128xf32, #tpu.memory_space<hbm>>
            tpu.enqueue_dma source(%dma_start3A_566 : memref<128x128xf32, #tpu.memory_space<hbm>>) target(%dma_start3A_564 : memref<128x128xf32, #tpu.memory_space<vmem>>) target_semaphore(%arg16 : memref<!tpu.dma_semaphore, #tpu.memory_space<semaphore_mem>>)
            %dma_start3A_567 = arith.constant 0 : i32
            %dma_start3A_568 = arith.constant 0 : i32
            %dma_start3A_569 = tpu.memref_slice %arg11[%dma_start3A_567, %dma_start3A_568] : memref<2x128xf32, #tpu.memory_space<vmem>> -> memref<1x128xf32, #tpu.memory_space<vmem>>
            %dma_start3A_570 = tpu.memref_squeeze %dma_start3A_569 : memref<1x128xf32, #tpu.memory_space<vmem>> -> memref<128xf32, #tpu.memory_space<vmem>>
            %dma_start3A_571 = tpu.memref_slice %arg5[%mul3A_542] : memref<4096xf32, #tpu.memory_space<hbm>> -> memref<128xf32, #tpu.memory_space<hbm>>
            %dma_start3A_572 = arith.constant 0 : i32
            %dma_start3A_573 = tpu.memref_slice %arg11[%dma_start3A_567, %dma_start3A_572] : memref<2x128xf32, #tpu.memory_space<vmem>> -> memref<1x128xf32, #tpu.memory_space<vmem>>
            %dma_start3A_574 = tpu.memref_squeeze %dma_start3A_573 : memref<1x128xf32, #tpu.memory_space<vmem>> -> memref<128xf32, #tpu.memory_space<vmem>>
            %dma_start3A_575 = tpu.memref_slice %arg5[%mul3A_542] : memref<4096xf32, #tpu.memory_space<hbm>> -> memref<128xf32, #tpu.memory_space<hbm>>
            tpu.enqueue_dma source(%dma_start3A_575 : memref<128xf32, #tpu.memory_space<hbm>>) target(%dma_start3A_574 : memref<128xf32, #tpu.memory_space<vmem>>) target_semaphore(%arg16 : memref<!tpu.dma_semaphore, #tpu.memory_space<semaphore_mem>>)
          } else {
          }
        } else {
        }
        %lt3A_96 = arith.constant 12 : i32
        %lt3A_97 = arith.cmpi slt, %add3A_55, %lt3A_96 : i32
        %convert_element_type3A_98 = arith.extui %lt3A_97 : i1 to i32
        %cond3A_99 = arith.constant 0 : i32
        %cond3A_100 = arith.cmpi ne, %convert_element_type3A_98, %cond3A_99 : i32
        scf.if %cond3A_100 {
          %mul3A_529 = arith.constant 1536 : i32
          %mul3A_530 = arith.muli %add3A, %mul3A_529 : i32
          %mul3A_531 = arith.constant 128 : i32
          %mul3A_532 = arith.muli %add3A_55, %mul3A_531 : i32
          %add3A_533 = arith.addi %mul3A_530, %mul3A_532 : i32
          %add3A_534 = arith.constant 49152 : i32
          %add3A_535 = arith.addi %add3A_534, %add3A_533 : i32
          %dma_wait3A = arith.constant 1 : i32
          %dma_wait3A_536 = arith.constant 0 : i32
          %dma_wait3A_537 = tpu.memref_slice %arg12[%dma_wait3A, %dma_wait3A_536] : memref<2x128xi32, #tpu.memory_space<vmem>> -> memref<1x128xi32, #tpu.memory_space<vmem>>
          %dma_wait3A_538 = tpu.memref_squeeze %dma_wait3A_537 : memref<1x128xi32, #tpu.memory_space<vmem>> -> memref<128xi32, #tpu.memory_space<vmem>>
          %dma_wait3A_539 = tpu.memref_slice %arg6[%add3A_535] : memref<102400xi32, #tpu.memory_space<hbm>> -> memref<128xi32, #tpu.memory_space<hbm>>
          %dma_wait3A_540 = arith.constant 0 : i32
          %dma_wait3A_541 = tpu.memref_slice %arg12[%dma_wait3A, %dma_wait3A_540] : memref<2x128xi32, #tpu.memory_space<vmem>> -> memref<1x128xi32, #tpu.memory_space<vmem>>
          %dma_wait3A_542 = tpu.memref_squeeze %dma_wait3A_541 : memref<1x128xi32, #tpu.memory_space<vmem>> -> memref<128xi32, #tpu.memory_space<vmem>>
          %dma_wait3A_543 = tpu.memref_slice %arg6[%add3A_535] : memref<102400xi32, #tpu.memory_space<hbm>> -> memref<128xi32, #tpu.memory_space<hbm>>
          tpu.wait_dma2 semaphore(%arg17 : memref<!tpu.dma_semaphore, #tpu.memory_space<semaphore_mem>>) src(%dma_wait3A_543 : memref<128xi32, #tpu.memory_space<hbm>>) dst(%dma_wait3A_542 : memref<128xi32, #tpu.memory_space<vmem>>)
          %dma_wait3A_544 = arith.constant 1 : i32
          %dma_wait3A_545 = arith.constant 0 : i32
          %dma_wait3A_546 = arith.constant 0 : i32
          %dma_wait3A_547 = tpu.memref_slice %arg10[%dma_wait3A_544, %dma_wait3A_545, %dma_wait3A_546] : memref<2x128x128xf32, #tpu.memory_space<vmem>> -> memref<1x128x128xf32, #tpu.memory_space<vmem>>
          %dma_wait3A_548 = tpu.memref_squeeze %dma_wait3A_547 : memref<1x128x128xf32, #tpu.memory_space<vmem>> -> memref<128x128xf32, #tpu.memory_space<vmem>>
          %dma_wait3A_549 = arith.constant 0 : i32
          %dma_wait3A_550 = tpu.memref_slice %arg2[%add3A_533, %dma_wait3A_549] : memref<49152x128xf32, #tpu.memory_space<hbm>> -> memref<128x128xf32, #tpu.memory_space<hbm>>
          %dma_wait3A_551 = arith.constant 0 : i32
          %dma_wait3A_552 = arith.constant 0 : i32
          %dma_wait3A_553 = tpu.memref_slice %arg10[%dma_wait3A_544, %dma_wait3A_551, %dma_wait3A_552] : memref<2x128x128xf32, #tpu.memory_space<vmem>> -> memref<1x128x128xf32, #tpu.memory_space<vmem>>
          %dma_wait3A_554 = tpu.memref_squeeze %dma_wait3A_553 : memref<1x128x128xf32, #tpu.memory_space<vmem>> -> memref<128x128xf32, #tpu.memory_space<vmem>>
          %dma_wait3A_555 = arith.constant 0 : i32
          %dma_wait3A_556 = tpu.memref_slice %arg2[%add3A_533, %dma_wait3A_555] : memref<49152x128xf32, #tpu.memory_space<hbm>> -> memref<128x128xf32, #tpu.memory_space<hbm>>
          tpu.wait_dma2 semaphore(%arg17 : memref<!tpu.dma_semaphore, #tpu.memory_space<semaphore_mem>>) src(%dma_wait3A_556 : memref<128x128xf32, #tpu.memory_space<hbm>>) dst(%dma_wait3A_554 : memref<128x128xf32, #tpu.memory_space<vmem>>)
          %dma_wait3A_557 = arith.constant 1 : i32
          %dma_wait3A_558 = arith.constant 0 : i32
          %dma_wait3A_559 = tpu.memref_slice %arg11[%dma_wait3A_557, %dma_wait3A_558] : memref<2x128xf32, #tpu.memory_space<vmem>> -> memref<1x128xf32, #tpu.memory_space<vmem>>
          %dma_wait3A_560 = tpu.memref_squeeze %dma_wait3A_559 : memref<1x128xf32, #tpu.memory_space<vmem>> -> memref<128xf32, #tpu.memory_space<vmem>>
          %dma_wait3A_561 = tpu.memref_slice %arg3[%add3A_533] : memref<49152xf32, #tpu.memory_space<hbm>> -> memref<128xf32, #tpu.memory_space<hbm>>
          %dma_wait3A_562 = arith.constant 0 : i32
          %dma_wait3A_563 = tpu.memref_slice %arg11[%dma_wait3A_557, %dma_wait3A_562] : memref<2x128xf32, #tpu.memory_space<vmem>> -> memref<1x128xf32, #tpu.memory_space<vmem>>
          %dma_wait3A_564 = tpu.memref_squeeze %dma_wait3A_563 : memref<1x128xf32, #tpu.memory_space<vmem>> -> memref<128xf32, #tpu.memory_space<vmem>>
          %dma_wait3A_565 = tpu.memref_slice %arg3[%add3A_533] : memref<49152xf32, #tpu.memory_space<hbm>> -> memref<128xf32, #tpu.memory_space<hbm>>
          tpu.wait_dma2 semaphore(%arg17 : memref<!tpu.dma_semaphore, #tpu.memory_space<semaphore_mem>>) src(%dma_wait3A_565 : memref<128xf32, #tpu.memory_space<hbm>>) dst(%dma_wait3A_564 : memref<128xf32, #tpu.memory_space<vmem>>)
        } else {
        }
        %ge3A = arith.constant 12 : i32
        %ge3A_101 = arith.cmpi sge, %add3A_55, %ge3A : i32
        %convert_element_type3A_102 = arith.extui %ge3A_101 : i1 to i32
        %cond3A_103 = arith.constant 0 : i32
        %cond3A_104 = arith.cmpi ne, %convert_element_type3A_102, %cond3A_103 : i32
        scf.if %cond3A_104 {
          %mul3A_529 = arith.constant 128 : i32
          %mul3A_530 = arith.muli %add3A, %mul3A_529 : i32
          %add3A_531 = arith.constant 98304 : i32
          %add3A_532 = arith.addi %add3A_531, %mul3A_530 : i32
          %dma_wait3A = arith.constant 1 : i32
          %dma_wait3A_533 = arith.constant 0 : i32
          %dma_wait3A_534 = tpu.memref_slice %arg12[%dma_wait3A, %dma_wait3A_533] : memref<2x128xi32, #tpu.memory_space<vmem>> -> memref<1x128xi32, #tpu.memory_space<vmem>>
          %dma_wait3A_535 = tpu.memref_squeeze %dma_wait3A_534 : memref<1x128xi32, #tpu.memory_space<vmem>> -> memref<128xi32, #tpu.memory_space<vmem>>
          %dma_wait3A_536 = tpu.memref_slice %arg6[%add3A_532] : memref<102400xi32, #tpu.memory_space<hbm>> -> memref<128xi32, #tpu.memory_space<hbm>>
          %dma_wait3A_537 = arith.constant 0 : i32
          %dma_wait3A_538 = tpu.memref_slice %arg12[%dma_wait3A, %dma_wait3A_537] : memref<2x128xi32, #tpu.memory_space<vmem>> -> memref<1x128xi32, #tpu.memory_space<vmem>>
          %dma_wait3A_539 = tpu.memref_squeeze %dma_wait3A_538 : memref<1x128xi32, #tpu.memory_space<vmem>> -> memref<128xi32, #tpu.memory_space<vmem>>
          %dma_wait3A_540 = tpu.memref_slice %arg6[%add3A_532] : memref<102400xi32, #tpu.memory_space<hbm>> -> memref<128xi32, #tpu.memory_space<hbm>>
          tpu.wait_dma2 semaphore(%arg17 : memref<!tpu.dma_semaphore, #tpu.memory_space<semaphore_mem>>) src(%dma_wait3A_540 : memref<128xi32, #tpu.memory_space<hbm>>) dst(%dma_wait3A_539 : memref<128xi32, #tpu.memory_space<vmem>>)
          %dma_wait3A_541 = arith.constant 1 : i32
          %dma_wait3A_542 = arith.constant 0 : i32
          %dma_wait3A_543 = arith.constant 0 : i32
          %dma_wait3A_544 = tpu.memref_slice %arg10[%dma_wait3A_541, %dma_wait3A_542, %dma_wait3A_543] : memref<2x128x128xf32, #tpu.memory_space<vmem>> -> memref<1x128x128xf32, #tpu.memory_space<vmem>>
          %dma_wait3A_545 = tpu.memref_squeeze %dma_wait3A_544 : memref<1x128x128xf32, #tpu.memory_space<vmem>> -> memref<128x128xf32, #tpu.memory_space<vmem>>
          %dma_wait3A_546 = arith.constant 0 : i32
          %dma_wait3A_547 = tpu.memref_slice %arg4[%mul3A_530, %dma_wait3A_546] : memref<4096x128xf32, #tpu.memory_space<hbm>> -> memref<128x128xf32, #tpu.memory_space<hbm>>
          %dma_wait3A_548 = arith.constant 0 : i32
          %dma_wait3A_549 = arith.constant 0 : i32
          %dma_wait3A_550 = tpu.memref_slice %arg10[%dma_wait3A_541, %dma_wait3A_548, %dma_wait3A_549] : memref<2x128x128xf32, #tpu.memory_space<vmem>> -> memref<1x128x128xf32, #tpu.memory_space<vmem>>
          %dma_wait3A_551 = tpu.memref_squeeze %dma_wait3A_550 : memref<1x128x128xf32, #tpu.memory_space<vmem>> -> memref<128x128xf32, #tpu.memory_space<vmem>>
          %dma_wait3A_552 = arith.constant 0 : i32
          %dma_wait3A_553 = tpu.memref_slice %arg4[%mul3A_530, %dma_wait3A_552] : memref<4096x128xf32, #tpu.memory_space<hbm>> -> memref<128x128xf32, #tpu.memory_space<hbm>>
          tpu.wait_dma2 semaphore(%arg17 : memref<!tpu.dma_semaphore, #tpu.memory_space<semaphore_mem>>) src(%dma_wait3A_553 : memref<128x128xf32, #tpu.memory_space<hbm>>) dst(%dma_wait3A_551 : memref<128x128xf32, #tpu.memory_space<vmem>>)
          %dma_wait3A_554 = arith.constant 1 : i32
          %dma_wait3A_555 = arith.constant 0 : i32
          %dma_wait3A_556 = tpu.memref_slice %arg11[%dma_wait3A_554, %dma_wait3A_555] : memref<2x128xf32, #tpu.memory_space<vmem>> -> memref<1x128xf32, #tpu.memory_space<vmem>>
          %dma_wait3A_557 = tpu.memref_squeeze %dma_wait3A_556 : memref<1x128xf32, #tpu.memory_space<vmem>> -> memref<128xf32, #tpu.memory_space<vmem>>
          %dma_wait3A_558 = tpu.memref_slice %arg5[%mul3A_530] : memref<4096xf32, #tpu.memory_space<hbm>> -> memref<128xf32, #tpu.memory_space<hbm>>
          %dma_wait3A_559 = arith.constant 0 : i32
          %dma_wait3A_560 = tpu.memref_slice %arg11[%dma_wait3A_554, %dma_wait3A_559] : memref<2x128xf32, #tpu.memory_space<vmem>> -> memref<1x128xf32, #tpu.memory_space<vmem>>
          %dma_wait3A_561 = tpu.memref_squeeze %dma_wait3A_560 : memref<1x128xf32, #tpu.memory_space<vmem>> -> memref<128xf32, #tpu.memory_space<vmem>>
          %dma_wait3A_562 = tpu.memref_slice %arg5[%mul3A_530] : memref<4096xf32, #tpu.memory_space<hbm>> -> memref<128xf32, #tpu.memory_space<hbm>>
          tpu.wait_dma2 semaphore(%arg17 : memref<!tpu.dma_semaphore, #tpu.memory_space<semaphore_mem>>) src(%dma_wait3A_562 : memref<128xf32, #tpu.memory_space<hbm>>) dst(%dma_wait3A_561 : memref<128xf32, #tpu.memory_space<vmem>>)
        } else {
        }
        %run_scoped3A = arith.constant 1 : i32
        %run_scoped3A_105 = arith.constant 1 : i32
        "tpu.region"() ({
          %run_scoped3A_529 = tpu.sem_alloc : memref<!tpu.dma_semaphore, #tpu.memory_space<semaphore_mem>>
          %dma_start3A_530 = arith.constant 0 : i32
          %dma_start3A_531 = arith.constant 0 : i32
          %dma_start3A_532 = tpu.memref_slice %arg10[%run_scoped3A, %dma_start3A_530, %dma_start3A_531] : memref<2x128x128xf32, #tpu.memory_space<vmem>> -> memref<1x128x128xf32, #tpu.memory_space<vmem>>
          %dma_start3A_533 = tpu.memref_squeeze %dma_start3A_532 : memref<1x128x128xf32, #tpu.memory_space<vmem>> -> memref<128x128xf32, #tpu.memory_space<vmem>>
          %dma_start3A_534 = arith.constant 0 : i32
          %dma_start3A_535 = tpu.memref_slice %arg12[%run_scoped3A_105, %dma_start3A_534] : memref<2x128xi32, #tpu.memory_space<vmem>> -> memref<1x128xi32, #tpu.memory_space<vmem>>
          %dma_start3A_536 = tpu.memref_squeeze %dma_start3A_535 : memref<1x128xi32, #tpu.memory_space<vmem>> -> memref<128xi32, #tpu.memory_space<vmem>>
          %dma_start3A_537 = arith.constant 0 : i32
          %dma_start3A_538 = arith.constant 0 : i32
          %dma_start3A_539 = tpu.memref_slice %arg15[%dma_start3A_537, %dma_start3A_538] : memref<512x128xf32, #tpu.memory_space<vmem_shared>> -> memref<512x128xf32, #tpu.memory_space<vmem_shared>>
          tpu.enqueue_indirect_dma source(%dma_start3A_533 : memref<128x128xf32, #tpu.memory_space<vmem>>) target(%dma_start3A_539 : memref<512x128xf32, #tpu.memory_space<vmem_shared>>) offsets(%dma_start3A_536 : memref<128xi32, #tpu.memory_space<vmem>>) semaphore(%run_scoped3A_529 : memref<!tpu.dma_semaphore, #tpu.memory_space<semaphore_mem>>) {add = true}
          %dma_wait3A = arith.constant 0 : i32
          %dma_wait3A_540 = arith.constant 0 : i32
          %dma_wait3A_541 = tpu.memref_slice %arg10[%run_scoped3A, %dma_wait3A, %dma_wait3A_540] : memref<2x128x128xf32, #tpu.memory_space<vmem>> -> memref<1x128x128xf32, #tpu.memory_space<vmem>>
          %dma_wait3A_542 = tpu.memref_squeeze %dma_wait3A_541 : memref<1x128x128xf32, #tpu.memory_space<vmem>> -> memref<128x128xf32, #tpu.memory_space<vmem>>
          %dma_wait3A_543 = arith.constant 0 : i32
          %dma_wait3A_544 = tpu.memref_slice %arg12[%run_scoped3A_105, %dma_wait3A_543] : memref<2x128xi32, #tpu.memory_space<vmem>> -> memref<1x128xi32, #tpu.memory_space<vmem>>
          %dma_wait3A_545 = tpu.memref_squeeze %dma_wait3A_544 : memref<1x128xi32, #tpu.memory_space<vmem>> -> memref<128xi32, #tpu.memory_space<vmem>>
          %dma_wait3A_546 = arith.constant 0 : i32
          %dma_wait3A_547 = arith.constant 0 : i32
          %dma_wait3A_548 = tpu.memref_slice %arg15[%dma_wait3A_546, %dma_wait3A_547] : memref<512x128xf32, #tpu.memory_space<vmem_shared>> -> memref<512x128xf32, #tpu.memory_space<vmem_shared>>
          tpu.wait_indirect_dma semaphore(%run_scoped3A_529 : memref<!tpu.dma_semaphore, #tpu.memory_space<semaphore_mem>>) src(%dma_wait3A_542 : memref<128x128xf32, #tpu.memory_space<vmem>>) dst(%dma_wait3A_548 : memref<512x128xf32, #tpu.memory_space<vmem_shared>>)
          tpu.yield
        }) : () -> ()
        %get3A = arith.constant 1 : i32
        %get3A_106 = arith.index_cast %get3A : i32 to index
        %get3A_107 = arith.constant 0 : index
        %get3A_108 = tpu.vector_load %arg11[%get3A_106, %get3A_107] {strides = array<i32>} : memref<2x128xf32, #tpu.memory_space<vmem>>, vector<16xf32>,
        %get3A_109 = arith.constant 1 : i32
        %get3A_110 = arith.index_cast %get3A_109 : i32 to index
        %get3A_111 = arith.constant 0 : index
        %get3A_112 = tpu.vector_load %arg12[%get3A_110, %get3A_111] {strides = array<i32>} : memref<2x128xi32, #tpu.memory_space<vmem>>, vector<16xi32>,
        %broadcast_in_dim3A = arith.constant true
        %broadcast_in_dim3A_113 = vector.broadcast %broadcast_in_dim3A : i1 to vector<16xi1>
        %masked_cumsum3A = tpu.scan <sum>, %get3A_108 masked %broadcast_in_dim3A_113 : vector<16xf32>, vector<16xi1> -> vector<16xf32>
        %sub3A = arith.constant 1 : i32
        %sub3A_114 = vector.broadcast %sub3A : i32 to vector<16xi32>
        %sub3A_115 = arith.subi %iota3A, %sub3A_114 : vector<16xi32>
        %max3A = arith.constant 0 : i32
        %max3A_116 = vector.broadcast %max3A : i32 to vector<16xi32>
        %max3A_117 = arith.maxsi %sub3A_115, %max3A_116 : vector<16xi32>
        %broadcast_in_dim3A_118 = vector.shape_cast %max3A_117 : vector<16xi32> to vector<16x1xi32>
        %gather3A = vector.shape_cast %broadcast_in_dim3A_118 : vector<16x1xi32> to vector<16xi32>
        %gather3A_119 = tpu.dynamic_gather %get3A_112[%gather3A] in [0] : vector<16xi32>, vector<16xi32> -> vector<16xi32>
        %eq3A_120 = arith.constant 0 : i32
        %eq3A_121 = vector.broadcast %eq3A_120 : i32 to vector<16xi32>
        %eq3A_122 = arith.cmpi eq, %iota3A, %eq3A_121 : vector<16xi32>
        %ne3A_123 = arith.cmpi ne, %get3A_112, %gather3A_119 : vector<16xi32>
        %or3A = arith.ori %eq3A_122, %ne3A_123 : vector<16xi1>
        %jit3A_124 = arith.constant 0 : i32
        %broadcast_in_dim3A_125 = vector.broadcast %jit3A_124 : i32 to vector<16xi32>
        %select_n3A_126 = arith.select %or3A, %iota3A, %broadcast_in_dim3A_125 : vector<16xi1>, vector<16xi32>
        %broadcast_in_dim3A_127 = arith.constant true
        %broadcast_in_dim3A_128 = vector.broadcast %broadcast_in_dim3A_127 : i1 to vector<16xi1>
        %masked_cummax3A = arith.constant -2147483648 : i32
        %masked_cummax3A_129 = vector.broadcast %masked_cummax3A : i32 to vector<16xi32>
        %masked_cummax3A_130 = arith.xori %select_n3A_126, %masked_cummax3A_129 : vector<16xi32>
        %masked_cummax3A_131 = tpu.scan <max>, %masked_cummax3A_130 masked %broadcast_in_dim3A_128 : vector<16xi32>, vector<16xi1> -> vector<16xi32>
        %masked_cummax3A_132 = arith.xori %masked_cummax3A_131, %masked_cummax3A_129 : vector<16xi32>
        %sub3A_133 = arith.subf %masked_cumsum3A, %get3A_108 : vector<16xf32>
        %broadcast_in_dim3A_134 = vector.shape_cast %masked_cummax3A_132 : vector<16xi32> to vector<16x1xi32>
        %gather3A_135 = vector.shape_cast %broadcast_in_dim3A_134 : vector<16x1xi32> to vector<16xi32>
        %gather3A_136 = tpu.dynamic_gather %sub3A_133[%gather3A_135] in [0] : vector<16xf32>, vector<16xi32> -> vector<16xf32>
        %sub3A_137 = arith.subf %masked_cumsum3A, %gather3A_136 : vector<16xf32>
        %add3A_138 = arith.constant 1 : i32
        %add3A_139 = vector.broadcast %add3A_138 : i32 to vector<16xi32>
        %add3A_140 = arith.addi %iota3A, %add3A_139 : vector<16xi32>
        %min3A = arith.constant 15 : i32
        %min3A_141 = vector.broadcast %min3A : i32 to vector<16xi32>
        %min3A_142 = arith.minsi %add3A_140, %min3A_141 : vector<16xi32>
        %broadcast_in_dim3A_143 = vector.shape_cast %min3A_142 : vector<16xi32> to vector<16x1xi32>
        %gather3A_144 = vector.shape_cast %broadcast_in_dim3A_143 : vector<16x1xi32> to vector<16xi32>
        %gather3A_145 = tpu.dynamic_gather %get3A_112[%gather3A_144] in [0] : vector<16xi32>, vector<16xi32> -> vector<16xi32>
        %eq3A_146 = arith.constant 15 : i32
        %eq3A_147 = vector.broadcast %eq3A_146 : i32 to vector<16xi32>
        %eq3A_148 = arith.cmpi eq, %iota3A, %eq3A_147 : vector<16xi32>
        %ne3A_149 = arith.cmpi ne, %get3A_112, %gather3A_145 : vector<16xi32>
        %or3A_150 = arith.ori %eq3A_148, %ne3A_149 : vector<16xi1>
        tpu.vector_store_idx %arg14[%get3A_112], %sub3A_137 masked %or3A_150 {add = true} : memref<512xf32, #tpu.memory_space<vmem>>[vector<16xi32>], vector<16xf32>, vector<16xi1>
        %get3A_151 = arith.constant 1 : i32
        %get3A_152 = arith.index_cast %get3A_151 : i32 to index
        %get3A_153 = arith.constant 16 : index
        %get3A_154 = tpu.vector_load %arg11[%get3A_152, %get3A_153] {strides = array<i32>} : memref<2x128xf32, #tpu.memory_space<vmem>>, vector<16xf32>,
        %get3A_155 = arith.constant 1 : i32
        %get3A_156 = arith.index_cast %get3A_155 : i32 to index
        %get3A_157 = arith.constant 16 : index
        %get3A_158 = tpu.vector_load %arg12[%get3A_156, %get3A_157] {strides = array<i32>} : memref<2x128xi32, #tpu.memory_space<vmem>>, vector<16xi32>,
        %broadcast_in_dim3A_159 = arith.constant true
        %broadcast_in_dim3A_160 = vector.broadcast %broadcast_in_dim3A_159 : i1 to vector<16xi1>
        %masked_cumsum3A_161 = tpu.scan <sum>, %get3A_154 masked %broadcast_in_dim3A_160 : vector<16xf32>, vector<16xi1> -> vector<16xf32>
        %sub3A_162 = arith.constant 1 : i32
        %sub3A_163 = vector.broadcast %sub3A_162 : i32 to vector<16xi32>
        %sub3A_164 = arith.subi %iota3A, %sub3A_163 : vector<16xi32>
        %max3A_165 = arith.constant 0 : i32
        %max3A_166 = vector.broadcast %max3A_165 : i32 to vector<16xi32>
        %max3A_167 = arith.maxsi %sub3A_164, %max3A_166 : vector<16xi32>
        %broadcast_in_dim3A_168 = vector.shape_cast %max3A_167 : vector<16xi32> to vector<16x1xi32>
        %gather3A_169 = vector.shape_cast %broadcast_in_dim3A_168 : vector<16x1xi32> to vector<16xi32>
        %gather3A_170 = tpu.dynamic_gather %get3A_158[%gather3A_169] in [0] : vector<16xi32>, vector<16xi32> -> vector<16xi32>
        %eq3A_171 = arith.constant 0 : i32
        %eq3A_172 = vector.broadcast %eq3A_171 : i32 to vector<16xi32>
        %eq3A_173 = arith.cmpi eq, %iota3A, %eq3A_172 : vector<16xi32>
        %ne3A_174 = arith.cmpi ne, %get3A_158, %gather3A_170 : vector<16xi32>
        %or3A_175 = arith.ori %eq3A_173, %ne3A_174 : vector<16xi1>
        %jit3A_176 = arith.constant 0 : i32
        %broadcast_in_dim3A_177 = vector.broadcast %jit3A_176 : i32 to vector<16xi32>
        %select_n3A_178 = arith.select %or3A_175, %iota3A, %broadcast_in_dim3A_177 : vector<16xi1>, vector<16xi32>
        %broadcast_in_dim3A_179 = arith.constant true
        %broadcast_in_dim3A_180 = vector.broadcast %broadcast_in_dim3A_179 : i1 to vector<16xi1>
        %masked_cummax3A_181 = arith.constant -2147483648 : i32
        %masked_cummax3A_182 = vector.broadcast %masked_cummax3A_181 : i32 to vector<16xi32>
        %masked_cummax3A_183 = arith.xori %select_n3A_178, %masked_cummax3A_182 : vector<16xi32>
        %masked_cummax3A_184 = tpu.scan <max>, %masked_cummax3A_183 masked %broadcast_in_dim3A_180 : vector<16xi32>, vector<16xi1> -> vector<16xi32>
        %masked_cummax3A_185 = arith.xori %masked_cummax3A_184, %masked_cummax3A_182 : vector<16xi32>
        %sub3A_186 = arith.subf %masked_cumsum3A_161, %get3A_154 : vector<16xf32>
        %broadcast_in_dim3A_187 = vector.shape_cast %masked_cummax3A_185 : vector<16xi32> to vector<16x1xi32>
        %gather3A_188 = vector.shape_cast %broadcast_in_dim3A_187 : vector<16x1xi32> to vector<16xi32>
        %gather3A_189 = tpu.dynamic_gather %sub3A_186[%gather3A_188] in [0] : vector<16xf32>, vector<16xi32> -> vector<16xf32>
        %sub3A_190 = arith.subf %masked_cumsum3A_161, %gather3A_189 : vector<16xf32>
        %add3A_191 = arith.constant 1 : i32
        %add3A_192 = vector.broadcast %add3A_191 : i32 to vector<16xi32>
        %add3A_193 = arith.addi %iota3A, %add3A_192 : vector<16xi32>
        %min3A_194 = arith.constant 15 : i32
        %min3A_195 = vector.broadcast %min3A_194 : i32 to vector<16xi32>
        %min3A_196 = arith.minsi %add3A_193, %min3A_195 : vector<16xi32>
        %broadcast_in_dim3A_197 = vector.shape_cast %min3A_196 : vector<16xi32> to vector<16x1xi32>
        %gather3A_198 = vector.shape_cast %broadcast_in_dim3A_197 : vector<16x1xi32> to vector<16xi32>
        %gather3A_199 = tpu.dynamic_gather %get3A_158[%gather3A_198] in [0] : vector<16xi32>, vector<16xi32> -> vector<16xi32>
        %eq3A_200 = arith.constant 15 : i32
        %eq3A_201 = vector.broadcast %eq3A_200 : i32 to vector<16xi32>
        %eq3A_202 = arith.cmpi eq, %iota3A, %eq3A_201 : vector<16xi32>
        %ne3A_203 = arith.cmpi ne, %get3A_158, %gather3A_199 : vector<16xi32>
        %or3A_204 = arith.ori %eq3A_202, %ne3A_203 : vector<16xi1>
        tpu.vector_store_idx %arg14[%get3A_158], %sub3A_190 masked %or3A_204 {add = true} : memref<512xf32, #tpu.memory_space<vmem>>[vector<16xi32>], vector<16xf32>, vector<16xi1>
        %get3A_205 = arith.constant 1 : i32
        %get3A_206 = arith.index_cast %get3A_205 : i32 to index
        %get3A_207 = arith.constant 32 : index
        %get3A_208 = tpu.vector_load %arg11[%get3A_206, %get3A_207] {strides = array<i32>} : memref<2x128xf32, #tpu.memory_space<vmem>>, vector<16xf32>,
        %get3A_209 = arith.constant 1 : i32
        %get3A_210 = arith.index_cast %get3A_209 : i32 to index
        %get3A_211 = arith.constant 32 : index
        %get3A_212 = tpu.vector_load %arg12[%get3A_210, %get3A_211] {strides = array<i32>} : memref<2x128xi32, #tpu.memory_space<vmem>>, vector<16xi32>,
        %broadcast_in_dim3A_213 = arith.constant true
        %broadcast_in_dim3A_214 = vector.broadcast %broadcast_in_dim3A_213 : i1 to vector<16xi1>
        %masked_cumsum3A_215 = tpu.scan <sum>, %get3A_208 masked %broadcast_in_dim3A_214 : vector<16xf32>, vector<16xi1> -> vector<16xf32>
        %sub3A_216 = arith.constant 1 : i32
        %sub3A_217 = vector.broadcast %sub3A_216 : i32 to vector<16xi32>
        %sub3A_218 = arith.subi %iota3A, %sub3A_217 : vector<16xi32>
        %max3A_219 = arith.constant 0 : i32
        %max3A_220 = vector.broadcast %max3A_219 : i32 to vector<16xi32>
        %max3A_221 = arith.maxsi %sub3A_218, %max3A_220 : vector<16xi32>
        %broadcast_in_dim3A_222 = vector.shape_cast %max3A_221 : vector<16xi32> to vector<16x1xi32>
        %gather3A_223 = vector.shape_cast %broadcast_in_dim3A_222 : vector<16x1xi32> to vector<16xi32>
        %gather3A_224 = tpu.dynamic_gather %get3A_212[%gather3A_223] in [0] : vector<16xi32>, vector<16xi32> -> vector<16xi32>
        %eq3A_225 = arith.constant 0 : i32
        %eq3A_226 = vector.broadcast %eq3A_225 : i32 to vector<16xi32>
        %eq3A_227 = arith.cmpi eq, %iota3A, %eq3A_226 : vector<16xi32>
        %ne3A_228 = arith.cmpi ne, %get3A_212, %gather3A_224 : vector<16xi32>
        %or3A_229 = arith.ori %eq3A_227, %ne3A_228 : vector<16xi1>
        %jit3A_230 = arith.constant 0 : i32
        %broadcast_in_dim3A_231 = vector.broadcast %jit3A_230 : i32 to vector<16xi32>
        %select_n3A_232 = arith.select %or3A_229, %iota3A, %broadcast_in_dim3A_231 : vector<16xi1>, vector<16xi32>
        %broadcast_in_dim3A_233 = arith.constant true
        %broadcast_in_dim3A_234 = vector.broadcast %broadcast_in_dim3A_233 : i1 to vector<16xi1>
        %masked_cummax3A_235 = arith.constant -2147483648 : i32
        %masked_cummax3A_236 = vector.broadcast %masked_cummax3A_235 : i32 to vector<16xi32>
        %masked_cummax3A_237 = arith.xori %select_n3A_232, %masked_cummax3A_236 : vector<16xi32>
        %masked_cummax3A_238 = tpu.scan <max>, %masked_cummax3A_237 masked %broadcast_in_dim3A_234 : vector<16xi32>, vector<16xi1> -> vector<16xi32>
        %masked_cummax3A_239 = arith.xori %masked_cummax3A_238, %masked_cummax3A_236 : vector<16xi32>
        %sub3A_240 = arith.subf %masked_cumsum3A_215, %get3A_208 : vector<16xf32>
        %broadcast_in_dim3A_241 = vector.shape_cast %masked_cummax3A_239 : vector<16xi32> to vector<16x1xi32>
        %gather3A_242 = vector.shape_cast %broadcast_in_dim3A_241 : vector<16x1xi32> to vector<16xi32>
        %gather3A_243 = tpu.dynamic_gather %sub3A_240[%gather3A_242] in [0] : vector<16xf32>, vector<16xi32> -> vector<16xf32>
        %sub3A_244 = arith.subf %masked_cumsum3A_215, %gather3A_243 : vector<16xf32>
        %add3A_245 = arith.constant 1 : i32
        %add3A_246 = vector.broadcast %add3A_245 : i32 to vector<16xi32>
        %add3A_247 = arith.addi %iota3A, %add3A_246 : vector<16xi32>
        %min3A_248 = arith.constant 15 : i32
        %min3A_249 = vector.broadcast %min3A_248 : i32 to vector<16xi32>
        %min3A_250 = arith.minsi %add3A_247, %min3A_249 : vector<16xi32>
        %broadcast_in_dim3A_251 = vector.shape_cast %min3A_250 : vector<16xi32> to vector<16x1xi32>
        %gather3A_252 = vector.shape_cast %broadcast_in_dim3A_251 : vector<16x1xi32> to vector<16xi32>
        %gather3A_253 = tpu.dynamic_gather %get3A_212[%gather3A_252] in [0] : vector<16xi32>, vector<16xi32> -> vector<16xi32>
        %eq3A_254 = arith.constant 15 : i32
        %eq3A_255 = vector.broadcast %eq3A_254 : i32 to vector<16xi32>
        %eq3A_256 = arith.cmpi eq, %iota3A, %eq3A_255 : vector<16xi32>
        %ne3A_257 = arith.cmpi ne, %get3A_212, %gather3A_253 : vector<16xi32>
        %or3A_258 = arith.ori %eq3A_256, %ne3A_257 : vector<16xi1>
        tpu.vector_store_idx %arg14[%get3A_212], %sub3A_244 masked %or3A_258 {add = true} : memref<512xf32, #tpu.memory_space<vmem>>[vector<16xi32>], vector<16xf32>, vector<16xi1>
        %get3A_259 = arith.constant 1 : i32
        %get3A_260 = arith.index_cast %get3A_259 : i32 to index
        %get3A_261 = arith.constant 48 : index
        %get3A_262 = tpu.vector_load %arg11[%get3A_260, %get3A_261] {strides = array<i32>} : memref<2x128xf32, #tpu.memory_space<vmem>>, vector<16xf32>,
        %get3A_263 = arith.constant 1 : i32
        %get3A_264 = arith.index_cast %get3A_263 : i32 to index
        %get3A_265 = arith.constant 48 : index
        %get3A_266 = tpu.vector_load %arg12[%get3A_264, %get3A_265] {strides = array<i32>} : memref<2x128xi32, #tpu.memory_space<vmem>>, vector<16xi32>,
        %broadcast_in_dim3A_267 = arith.constant true
        %broadcast_in_dim3A_268 = vector.broadcast %broadcast_in_dim3A_267 : i1 to vector<16xi1>
        %masked_cumsum3A_269 = tpu.scan <sum>, %get3A_262 masked %broadcast_in_dim3A_268 : vector<16xf32>, vector<16xi1> -> vector<16xf32>
        %sub3A_270 = arith.constant 1 : i32
        %sub3A_271 = vector.broadcast %sub3A_270 : i32 to vector<16xi32>
        %sub3A_272 = arith.subi %iota3A, %sub3A_271 : vector<16xi32>
        %max3A_273 = arith.constant 0 : i32
        %max3A_274 = vector.broadcast %max3A_273 : i32 to vector<16xi32>
        %max3A_275 = arith.maxsi %sub3A_272, %max3A_274 : vector<16xi32>
        %broadcast_in_dim3A_276 = vector.shape_cast %max3A_275 : vector<16xi32> to vector<16x1xi32>
        %gather3A_277 = vector.shape_cast %broadcast_in_dim3A_276 : vector<16x1xi32> to vector<16xi32>
        %gather3A_278 = tpu.dynamic_gather %get3A_266[%gather3A_277] in [0] : vector<16xi32>, vector<16xi32> -> vector<16xi32>
        %eq3A_279 = arith.constant 0 : i32
        %eq3A_280 = vector.broadcast %eq3A_279 : i32 to vector<16xi32>
        %eq3A_281 = arith.cmpi eq, %iota3A, %eq3A_280 : vector<16xi32>
        %ne3A_282 = arith.cmpi ne, %get3A_266, %gather3A_278 : vector<16xi32>
        %or3A_283 = arith.ori %eq3A_281, %ne3A_282 : vector<16xi1>
        %jit3A_284 = arith.constant 0 : i32
        %broadcast_in_dim3A_285 = vector.broadcast %jit3A_284 : i32 to vector<16xi32>
        %select_n3A_286 = arith.select %or3A_283, %iota3A, %broadcast_in_dim3A_285 : vector<16xi1>, vector<16xi32>
        %broadcast_in_dim3A_287 = arith.constant true
        %broadcast_in_dim3A_288 = vector.broadcast %broadcast_in_dim3A_287 : i1 to vector<16xi1>
        %masked_cummax3A_289 = arith.constant -2147483648 : i32
        %masked_cummax3A_290 = vector.broadcast %masked_cummax3A_289 : i32 to vector<16xi32>
        %masked_cummax3A_291 = arith.xori %select_n3A_286, %masked_cummax3A_290 : vector<16xi32>
        %masked_cummax3A_292 = tpu.scan <max>, %masked_cummax3A_291 masked %broadcast_in_dim3A_288 : vector<16xi32>, vector<16xi1> -> vector<16xi32>
        %masked_cummax3A_293 = arith.xori %masked_cummax3A_292, %masked_cummax3A_290 : vector<16xi32>
        %sub3A_294 = arith.subf %masked_cumsum3A_269, %get3A_262 : vector<16xf32>
        %broadcast_in_dim3A_295 = vector.shape_cast %masked_cummax3A_293 : vector<16xi32> to vector<16x1xi32>
        %gather3A_296 = vector.shape_cast %broadcast_in_dim3A_295 : vector<16x1xi32> to vector<16xi32>
        %gather3A_297 = tpu.dynamic_gather %sub3A_294[%gather3A_296] in [0] : vector<16xf32>, vector<16xi32> -> vector<16xf32>
        %sub3A_298 = arith.subf %masked_cumsum3A_269, %gather3A_297 : vector<16xf32>
        %add3A_299 = arith.constant 1 : i32
        %add3A_300 = vector.broadcast %add3A_299 : i32 to vector<16xi32>
        %add3A_301 = arith.addi %iota3A, %add3A_300 : vector<16xi32>
        %min3A_302 = arith.constant 15 : i32
        %min3A_303 = vector.broadcast %min3A_302 : i32 to vector<16xi32>
        %min3A_304 = arith.minsi %add3A_301, %min3A_303 : vector<16xi32>
        %broadcast_in_dim3A_305 = vector.shape_cast %min3A_304 : vector<16xi32> to vector<16x1xi32>
        %gather3A_306 = vector.shape_cast %broadcast_in_dim3A_305 : vector<16x1xi32> to vector<16xi32>
        %gather3A_307 = tpu.dynamic_gather %get3A_266[%gather3A_306] in [0] : vector<16xi32>, vector<16xi32> -> vector<16xi32>
        %eq3A_308 = arith.constant 15 : i32
        %eq3A_309 = vector.broadcast %eq3A_308 : i32 to vector<16xi32>
        %eq3A_310 = arith.cmpi eq, %iota3A, %eq3A_309 : vector<16xi32>
        %ne3A_311 = arith.cmpi ne, %get3A_266, %gather3A_307 : vector<16xi32>
        %or3A_312 = arith.ori %eq3A_310, %ne3A_311 : vector<16xi1>
        tpu.vector_store_idx %arg14[%get3A_266], %sub3A_298 masked %or3A_312 {add = true} : memref<512xf32, #tpu.memory_space<vmem>>[vector<16xi32>], vector<16xf32>, vector<16xi1>
        %get3A_313 = arith.constant 1 : i32
        %get3A_314 = arith.index_cast %get3A_313 : i32 to index
        %get3A_315 = arith.constant 64 : index
        %get3A_316 = tpu.vector_load %arg11[%get3A_314, %get3A_315] {strides = array<i32>} : memref<2x128xf32, #tpu.memory_space<vmem>>, vector<16xf32>,
        %get3A_317 = arith.constant 1 : i32
        %get3A_318 = arith.index_cast %get3A_317 : i32 to index
        %get3A_319 = arith.constant 64 : index
        %get3A_320 = tpu.vector_load %arg12[%get3A_318, %get3A_319] {strides = array<i32>} : memref<2x128xi32, #tpu.memory_space<vmem>>, vector<16xi32>,
        %broadcast_in_dim3A_321 = arith.constant true
        %broadcast_in_dim3A_322 = vector.broadcast %broadcast_in_dim3A_321 : i1 to vector<16xi1>
        %masked_cumsum3A_323 = tpu.scan <sum>, %get3A_316 masked %broadcast_in_dim3A_322 : vector<16xf32>, vector<16xi1> -> vector<16xf32>
        %sub3A_324 = arith.constant 1 : i32
        %sub3A_325 = vector.broadcast %sub3A_324 : i32 to vector<16xi32>
        %sub3A_326 = arith.subi %iota3A, %sub3A_325 : vector<16xi32>
        %max3A_327 = arith.constant 0 : i32
        %max3A_328 = vector.broadcast %max3A_327 : i32 to vector<16xi32>
        %max3A_329 = arith.maxsi %sub3A_326, %max3A_328 : vector<16xi32>
        %broadcast_in_dim3A_330 = vector.shape_cast %max3A_329 : vector<16xi32> to vector<16x1xi32>
        %gather3A_331 = vector.shape_cast %broadcast_in_dim3A_330 : vector<16x1xi32> to vector<16xi32>
        %gather3A_332 = tpu.dynamic_gather %get3A_320[%gather3A_331] in [0] : vector<16xi32>, vector<16xi32> -> vector<16xi32>
        %eq3A_333 = arith.constant 0 : i32
        %eq3A_334 = vector.broadcast %eq3A_333 : i32 to vector<16xi32>
        %eq3A_335 = arith.cmpi eq, %iota3A, %eq3A_334 : vector<16xi32>
        %ne3A_336 = arith.cmpi ne, %get3A_320, %gather3A_332 : vector<16xi32>
        %or3A_337 = arith.ori %eq3A_335, %ne3A_336 : vector<16xi1>
        %jit3A_338 = arith.constant 0 : i32
        %broadcast_in_dim3A_339 = vector.broadcast %jit3A_338 : i32 to vector<16xi32>
        %select_n3A_340 = arith.select %or3A_337, %iota3A, %broadcast_in_dim3A_339 : vector<16xi1>, vector<16xi32>
        %broadcast_in_dim3A_341 = arith.constant true
        %broadcast_in_dim3A_342 = vector.broadcast %broadcast_in_dim3A_341 : i1 to vector<16xi1>
        %masked_cummax3A_343 = arith.constant -2147483648 : i32
        %masked_cummax3A_344 = vector.broadcast %masked_cummax3A_343 : i32 to vector<16xi32>
        %masked_cummax3A_345 = arith.xori %select_n3A_340, %masked_cummax3A_344 : vector<16xi32>
        %masked_cummax3A_346 = tpu.scan <max>, %masked_cummax3A_345 masked %broadcast_in_dim3A_342 : vector<16xi32>, vector<16xi1> -> vector<16xi32>
        %masked_cummax3A_347 = arith.xori %masked_cummax3A_346, %masked_cummax3A_344 : vector<16xi32>
        %sub3A_348 = arith.subf %masked_cumsum3A_323, %get3A_316 : vector<16xf32>
        %broadcast_in_dim3A_349 = vector.shape_cast %masked_cummax3A_347 : vector<16xi32> to vector<16x1xi32>
        %gather3A_350 = vector.shape_cast %broadcast_in_dim3A_349 : vector<16x1xi32> to vector<16xi32>
        %gather3A_351 = tpu.dynamic_gather %sub3A_348[%gather3A_350] in [0] : vector<16xf32>, vector<16xi32> -> vector<16xf32>
        %sub3A_352 = arith.subf %masked_cumsum3A_323, %gather3A_351 : vector<16xf32>
        %add3A_353 = arith.constant 1 : i32
        %add3A_354 = vector.broadcast %add3A_353 : i32 to vector<16xi32>
        %add3A_355 = arith.addi %iota3A, %add3A_354 : vector<16xi32>
        %min3A_356 = arith.constant 15 : i32
        %min3A_357 = vector.broadcast %min3A_356 : i32 to vector<16xi32>
        %min3A_358 = arith.minsi %add3A_355, %min3A_357 : vector<16xi32>
        %broadcast_in_dim3A_359 = vector.shape_cast %min3A_358 : vector<16xi32> to vector<16x1xi32>
        %gather3A_360 = vector.shape_cast %broadcast_in_dim3A_359 : vector<16x1xi32> to vector<16xi32>
        %gather3A_361 = tpu.dynamic_gather %get3A_320[%gather3A_360] in [0] : vector<16xi32>, vector<16xi32> -> vector<16xi32>
        %eq3A_362 = arith.constant 15 : i32
        %eq3A_363 = vector.broadcast %eq3A_362 : i32 to vector<16xi32>
        %eq3A_364 = arith.cmpi eq, %iota3A, %eq3A_363 : vector<16xi32>
        %ne3A_365 = arith.cmpi ne, %get3A_320, %gather3A_361 : vector<16xi32>
        %or3A_366 = arith.ori %eq3A_364, %ne3A_365 : vector<16xi1>
        tpu.vector_store_idx %arg14[%get3A_320], %sub3A_352 masked %or3A_366 {add = true} : memref<512xf32, #tpu.memory_space<vmem>>[vector<16xi32>], vector<16xf32>, vector<16xi1>
        %get3A_367 = arith.constant 1 : i32
        %get3A_368 = arith.index_cast %get3A_367 : i32 to index
        %get3A_369 = arith.constant 80 : index
        %get3A_370 = tpu.vector_load %arg11[%get3A_368, %get3A_369] {strides = array<i32>} : memref<2x128xf32, #tpu.memory_space<vmem>>, vector<16xf32>,
        %get3A_371 = arith.constant 1 : i32
        %get3A_372 = arith.index_cast %get3A_371 : i32 to index
        %get3A_373 = arith.constant 80 : index
        %get3A_374 = tpu.vector_load %arg12[%get3A_372, %get3A_373] {strides = array<i32>} : memref<2x128xi32, #tpu.memory_space<vmem>>, vector<16xi32>,
        %broadcast_in_dim3A_375 = arith.constant true
        %broadcast_in_dim3A_376 = vector.broadcast %broadcast_in_dim3A_375 : i1 to vector<16xi1>
        %masked_cumsum3A_377 = tpu.scan <sum>, %get3A_370 masked %broadcast_in_dim3A_376 : vector<16xf32>, vector<16xi1> -> vector<16xf32>
        %sub3A_378 = arith.constant 1 : i32
        %sub3A_379 = vector.broadcast %sub3A_378 : i32 to vector<16xi32>
        %sub3A_380 = arith.subi %iota3A, %sub3A_379 : vector<16xi32>
        %max3A_381 = arith.constant 0 : i32
        %max3A_382 = vector.broadcast %max3A_381 : i32 to vector<16xi32>
        %max3A_383 = arith.maxsi %sub3A_380, %max3A_382 : vector<16xi32>
        %broadcast_in_dim3A_384 = vector.shape_cast %max3A_383 : vector<16xi32> to vector<16x1xi32>
        %gather3A_385 = vector.shape_cast %broadcast_in_dim3A_384 : vector<16x1xi32> to vector<16xi32>
        %gather3A_386 = tpu.dynamic_gather %get3A_374[%gather3A_385] in [0] : vector<16xi32>, vector<16xi32> -> vector<16xi32>
        %eq3A_387 = arith.constant 0 : i32
        %eq3A_388 = vector.broadcast %eq3A_387 : i32 to vector<16xi32>
        %eq3A_389 = arith.cmpi eq, %iota3A, %eq3A_388 : vector<16xi32>
        %ne3A_390 = arith.cmpi ne, %get3A_374, %gather3A_386 : vector<16xi32>
        %or3A_391 = arith.ori %eq3A_389, %ne3A_390 : vector<16xi1>
        %jit3A_392 = arith.constant 0 : i32
        %broadcast_in_dim3A_393 = vector.broadcast %jit3A_392 : i32 to vector<16xi32>
        %select_n3A_394 = arith.select %or3A_391, %iota3A, %broadcast_in_dim3A_393 : vector<16xi1>, vector<16xi32>
        %broadcast_in_dim3A_395 = arith.constant true
        %broadcast_in_dim3A_396 = vector.broadcast %broadcast_in_dim3A_395 : i1 to vector<16xi1>
        %masked_cummax3A_397 = arith.constant -2147483648 : i32
        %masked_cummax3A_398 = vector.broadcast %masked_cummax3A_397 : i32 to vector<16xi32>
        %masked_cummax3A_399 = arith.xori %select_n3A_394, %masked_cummax3A_398 : vector<16xi32>
        %masked_cummax3A_400 = tpu.scan <max>, %masked_cummax3A_399 masked %broadcast_in_dim3A_396 : vector<16xi32>, vector<16xi1> -> vector<16xi32>
        %masked_cummax3A_401 = arith.xori %masked_cummax3A_400, %masked_cummax3A_398 : vector<16xi32>
        %sub3A_402 = arith.subf %masked_cumsum3A_377, %get3A_370 : vector<16xf32>
        %broadcast_in_dim3A_403 = vector.shape_cast %masked_cummax3A_401 : vector<16xi32> to vector<16x1xi32>
        %gather3A_404 = vector.shape_cast %broadcast_in_dim3A_403 : vector<16x1xi32> to vector<16xi32>
        %gather3A_405 = tpu.dynamic_gather %sub3A_402[%gather3A_404] in [0] : vector<16xf32>, vector<16xi32> -> vector<16xf32>
        %sub3A_406 = arith.subf %masked_cumsum3A_377, %gather3A_405 : vector<16xf32>
        %add3A_407 = arith.constant 1 : i32
        %add3A_408 = vector.broadcast %add3A_407 : i32 to vector<16xi32>
        %add3A_409 = arith.addi %iota3A, %add3A_408 : vector<16xi32>
        %min3A_410 = arith.constant 15 : i32
        %min3A_411 = vector.broadcast %min3A_410 : i32 to vector<16xi32>
        %min3A_412 = arith.minsi %add3A_409, %min3A_411 : vector<16xi32>
        %broadcast_in_dim3A_413 = vector.shape_cast %min3A_412 : vector<16xi32> to vector<16x1xi32>
        %gather3A_414 = vector.shape_cast %broadcast_in_dim3A_413 : vector<16x1xi32> to vector<16xi32>
        %gather3A_415 = tpu.dynamic_gather %get3A_374[%gather3A_414] in [0] : vector<16xi32>, vector<16xi32> -> vector<16xi32>
        %eq3A_416 = arith.constant 15 : i32
        %eq3A_417 = vector.broadcast %eq3A_416 : i32 to vector<16xi32>
        %eq3A_418 = arith.cmpi eq, %iota3A, %eq3A_417 : vector<16xi32>
        %ne3A_419 = arith.cmpi ne, %get3A_374, %gather3A_415 : vector<16xi32>
        %or3A_420 = arith.ori %eq3A_418, %ne3A_419 : vector<16xi1>
        tpu.vector_store_idx %arg14[%get3A_374], %sub3A_406 masked %or3A_420 {add = true} : memref<512xf32, #tpu.memory_space<vmem>>[vector<16xi32>], vector<16xf32>, vector<16xi1>
        %get3A_421 = arith.constant 1 : i32
        %get3A_422 = arith.index_cast %get3A_421 : i32 to index
        %get3A_423 = arith.constant 96 : index
        %get3A_424 = tpu.vector_load %arg11[%get3A_422, %get3A_423] {strides = array<i32>} : memref<2x128xf32, #tpu.memory_space<vmem>>, vector<16xf32>,
        %get3A_425 = arith.constant 1 : i32
        %get3A_426 = arith.index_cast %get3A_425 : i32 to index
        %get3A_427 = arith.constant 96 : index
        %get3A_428 = tpu.vector_load %arg12[%get3A_426, %get3A_427] {strides = array<i32>} : memref<2x128xi32, #tpu.memory_space<vmem>>, vector<16xi32>,
        %broadcast_in_dim3A_429 = arith.constant true
        %broadcast_in_dim3A_430 = vector.broadcast %broadcast_in_dim3A_429 : i1 to vector<16xi1>
        %masked_cumsum3A_431 = tpu.scan <sum>, %get3A_424 masked %broadcast_in_dim3A_430 : vector<16xf32>, vector<16xi1> -> vector<16xf32>
        %sub3A_432 = arith.constant 1 : i32
        %sub3A_433 = vector.broadcast %sub3A_432 : i32 to vector<16xi32>
        %sub3A_434 = arith.subi %iota3A, %sub3A_433 : vector<16xi32>
        %max3A_435 = arith.constant 0 : i32
        %max3A_436 = vector.broadcast %max3A_435 : i32 to vector<16xi32>
        %max3A_437 = arith.maxsi %sub3A_434, %max3A_436 : vector<16xi32>
        %broadcast_in_dim3A_438 = vector.shape_cast %max3A_437 : vector<16xi32> to vector<16x1xi32>
        %gather3A_439 = vector.shape_cast %broadcast_in_dim3A_438 : vector<16x1xi32> to vector<16xi32>
        %gather3A_440 = tpu.dynamic_gather %get3A_428[%gather3A_439] in [0] : vector<16xi32>, vector<16xi32> -> vector<16xi32>
        %eq3A_441 = arith.constant 0 : i32
        %eq3A_442 = vector.broadcast %eq3A_441 : i32 to vector<16xi32>
        %eq3A_443 = arith.cmpi eq, %iota3A, %eq3A_442 : vector<16xi32>
        %ne3A_444 = arith.cmpi ne, %get3A_428, %gather3A_440 : vector<16xi32>
        %or3A_445 = arith.ori %eq3A_443, %ne3A_444 : vector<16xi1>
        %jit3A_446 = arith.constant 0 : i32
        %broadcast_in_dim3A_447 = vector.broadcast %jit3A_446 : i32 to vector<16xi32>
        %select_n3A_448 = arith.select %or3A_445, %iota3A, %broadcast_in_dim3A_447 : vector<16xi1>, vector<16xi32>
        %broadcast_in_dim3A_449 = arith.constant true
        %broadcast_in_dim3A_450 = vector.broadcast %broadcast_in_dim3A_449 : i1 to vector<16xi1>
        %masked_cummax3A_451 = arith.constant -2147483648 : i32
        %masked_cummax3A_452 = vector.broadcast %masked_cummax3A_451 : i32 to vector<16xi32>
        %masked_cummax3A_453 = arith.xori %select_n3A_448, %masked_cummax3A_452 : vector<16xi32>
        %masked_cummax3A_454 = tpu.scan <max>, %masked_cummax3A_453 masked %broadcast_in_dim3A_450 : vector<16xi32>, vector<16xi1> -> vector<16xi32>
        %masked_cummax3A_455 = arith.xori %masked_cummax3A_454, %masked_cummax3A_452 : vector<16xi32>
        %sub3A_456 = arith.subf %masked_cumsum3A_431, %get3A_424 : vector<16xf32>
        %broadcast_in_dim3A_457 = vector.shape_cast %masked_cummax3A_455 : vector<16xi32> to vector<16x1xi32>
        %gather3A_458 = vector.shape_cast %broadcast_in_dim3A_457 : vector<16x1xi32> to vector<16xi32>
        %gather3A_459 = tpu.dynamic_gather %sub3A_456[%gather3A_458] in [0] : vector<16xf32>, vector<16xi32> -> vector<16xf32>
        %sub3A_460 = arith.subf %masked_cumsum3A_431, %gather3A_459 : vector<16xf32>
        %add3A_461 = arith.constant 1 : i32
        %add3A_462 = vector.broadcast %add3A_461 : i32 to vector<16xi32>
        %add3A_463 = arith.addi %iota3A, %add3A_462 : vector<16xi32>
        %min3A_464 = arith.constant 15 : i32
        %min3A_465 = vector.broadcast %min3A_464 : i32 to vector<16xi32>
        %min3A_466 = arith.minsi %add3A_463, %min3A_465 : vector<16xi32>
        %broadcast_in_dim3A_467 = vector.shape_cast %min3A_466 : vector<16xi32> to vector<16x1xi32>
        %gather3A_468 = vector.shape_cast %broadcast_in_dim3A_467 : vector<16x1xi32> to vector<16xi32>
        %gather3A_469 = tpu.dynamic_gather %get3A_428[%gather3A_468] in [0] : vector<16xi32>, vector<16xi32> -> vector<16xi32>
        %eq3A_470 = arith.constant 15 : i32
        %eq3A_471 = vector.broadcast %eq3A_470 : i32 to vector<16xi32>
        %eq3A_472 = arith.cmpi eq, %iota3A, %eq3A_471 : vector<16xi32>
        %ne3A_473 = arith.cmpi ne, %get3A_428, %gather3A_469 : vector<16xi32>
        %or3A_474 = arith.ori %eq3A_472, %ne3A_473 : vector<16xi1>
        tpu.vector_store_idx %arg14[%get3A_428], %sub3A_460 masked %or3A_474 {add = true} : memref<512xf32, #tpu.memory_space<vmem>>[vector<16xi32>], vector<16xf32>, vector<16xi1>
        %get3A_475 = arith.constant 1 : i32
        %get3A_476 = arith.index_cast %get3A_475 : i32 to index
        %get3A_477 = arith.constant 112 : index
        %get3A_478 = tpu.vector_load %arg11[%get3A_476, %get3A_477] {strides = array<i32>} : memref<2x128xf32, #tpu.memory_space<vmem>>, vector<16xf32>,
        %get3A_479 = arith.constant 1 : i32
        %get3A_480 = arith.index_cast %get3A_479 : i32 to index
        %get3A_481 = arith.constant 112 : index
        %get3A_482 = tpu.vector_load %arg12[%get3A_480, %get3A_481] {strides = array<i32>} : memref<2x128xi32, #tpu.memory_space<vmem>>, vector<16xi32>,
        %broadcast_in_dim3A_483 = arith.constant true
        %broadcast_in_dim3A_484 = vector.broadcast %broadcast_in_dim3A_483 : i1 to vector<16xi1>
        %masked_cumsum3A_485 = tpu.scan <sum>, %get3A_478 masked %broadcast_in_dim3A_484 : vector<16xf32>, vector<16xi1> -> vector<16xf32>
        %sub3A_486 = arith.constant 1 : i32
        %sub3A_487 = vector.broadcast %sub3A_486 : i32 to vector<16xi32>
        %sub3A_488 = arith.subi %iota3A, %sub3A_487 : vector<16xi32>
        %max3A_489 = arith.constant 0 : i32
        %max3A_490 = vector.broadcast %max3A_489 : i32 to vector<16xi32>
        %max3A_491 = arith.maxsi %sub3A_488, %max3A_490 : vector<16xi32>
        %broadcast_in_dim3A_492 = vector.shape_cast %max3A_491 : vector<16xi32> to vector<16x1xi32>
        %gather3A_493 = vector.shape_cast %broadcast_in_dim3A_492 : vector<16x1xi32> to vector<16xi32>
        %gather3A_494 = tpu.dynamic_gather %get3A_482[%gather3A_493] in [0] : vector<16xi32>, vector<16xi32> -> vector<16xi32>
        %eq3A_495 = arith.constant 0 : i32
        %eq3A_496 = vector.broadcast %eq3A_495 : i32 to vector<16xi32>
        %eq3A_497 = arith.cmpi eq, %iota3A, %eq3A_496 : vector<16xi32>
        %ne3A_498 = arith.cmpi ne, %get3A_482, %gather3A_494 : vector<16xi32>
        %or3A_499 = arith.ori %eq3A_497, %ne3A_498 : vector<16xi1>
        %jit3A_500 = arith.constant 0 : i32
        %broadcast_in_dim3A_501 = vector.broadcast %jit3A_500 : i32 to vector<16xi32>
        %select_n3A_502 = arith.select %or3A_499, %iota3A, %broadcast_in_dim3A_501 : vector<16xi1>, vector<16xi32>
        %broadcast_in_dim3A_503 = arith.constant true
        %broadcast_in_dim3A_504 = vector.broadcast %broadcast_in_dim3A_503 : i1 to vector<16xi1>
        %masked_cummax3A_505 = arith.constant -2147483648 : i32
        %masked_cummax3A_506 = vector.broadcast %masked_cummax3A_505 : i32 to vector<16xi32>
        %masked_cummax3A_507 = arith.xori %select_n3A_502, %masked_cummax3A_506 : vector<16xi32>
        %masked_cummax3A_508 = tpu.scan <max>, %masked_cummax3A_507 masked %broadcast_in_dim3A_504 : vector<16xi32>, vector<16xi1> -> vector<16xi32>
        %masked_cummax3A_509 = arith.xori %masked_cummax3A_508, %masked_cummax3A_506 : vector<16xi32>
        %sub3A_510 = arith.subf %masked_cumsum3A_485, %get3A_478 : vector<16xf32>
        %broadcast_in_dim3A_511 = vector.shape_cast %masked_cummax3A_509 : vector<16xi32> to vector<16x1xi32>
        %gather3A_512 = vector.shape_cast %broadcast_in_dim3A_511 : vector<16x1xi32> to vector<16xi32>
        %gather3A_513 = tpu.dynamic_gather %sub3A_510[%gather3A_512] in [0] : vector<16xf32>, vector<16xi32> -> vector<16xf32>
        %sub3A_514 = arith.subf %masked_cumsum3A_485, %gather3A_513 : vector<16xf32>
        %add3A_515 = arith.constant 1 : i32
        %add3A_516 = vector.broadcast %add3A_515 : i32 to vector<16xi32>
        %add3A_517 = arith.addi %iota3A, %add3A_516 : vector<16xi32>
        %min3A_518 = arith.constant 15 : i32
        %min3A_519 = vector.broadcast %min3A_518 : i32 to vector<16xi32>
        %min3A_520 = arith.minsi %add3A_517, %min3A_519 : vector<16xi32>
        %broadcast_in_dim3A_521 = vector.shape_cast %min3A_520 : vector<16xi32> to vector<16x1xi32>
        %gather3A_522 = vector.shape_cast %broadcast_in_dim3A_521 : vector<16x1xi32> to vector<16xi32>
        %gather3A_523 = tpu.dynamic_gather %get3A_482[%gather3A_522] in [0] : vector<16xi32>, vector<16xi32> -> vector<16xi32>
        %eq3A_524 = arith.constant 15 : i32
        %eq3A_525 = vector.broadcast %eq3A_524 : i32 to vector<16xi32>
        %eq3A_526 = arith.cmpi eq, %iota3A, %eq3A_525 : vector<16xi32>
        %ne3A_527 = arith.cmpi ne, %get3A_482, %gather3A_523 : vector<16xi32>
        %or3A_528 = arith.ori %eq3A_526, %ne3A_527 : vector<16xi1>
        tpu.vector_store_idx %arg14[%get3A_482], %sub3A_514 masked %or3A_528 {add = true} : memref<512xf32, #tpu.memory_space<vmem>>[vector<16xi32>], vector<16xf32>, vector<16xi1>
      } else {
      }
    }
    %scan3A_47 = arith.constant 13 : i32
    %barrier3A_48 = arith.constant 0 : index
    tpu.barrier barrier_id(%barrier3A_48)
    "tpu.region"() ({
      %run_scoped3A = tpu.sem_alloc : memref<!tpu.dma_semaphore, #tpu.memory_space<semaphore_mem>>
      %dma_start3A_51 = arith.constant 0 : i32
      %dma_start3A_52 = tpu.memref_slice %arg15[%mul3A_2, %dma_start3A_51] : memref<512x128xf32, #tpu.memory_space<vmem_shared>> -> memref<32x128xf32, #tpu.memory_space<vmem_shared>>
      %dma_start3A_53 = arith.constant 0 : i32
      %dma_start3A_54 = tpu.memref_slice %arg15[%mul3A_2, %dma_start3A_53] : memref<512x128xf32, #tpu.memory_space<vmem_shared>> -> memref<32x128xf32, #tpu.memory_space<vmem_shared>>
      tpu.enqueue_dma source(%dma_start3A_54 : memref<32x128xf32, #tpu.memory_space<vmem_shared>>) target(%arg13 : memref<32x128xf32, #tpu.memory_space<vmem>>) target_semaphore(%run_scoped3A : memref<!tpu.dma_semaphore, #tpu.memory_space<semaphore_mem>>)
      %dma_wait3A = arith.constant 0 : i32
      %dma_wait3A_55 = tpu.memref_slice %arg15[%mul3A_2, %dma_wait3A] : memref<512x128xf32, #tpu.memory_space<vmem_shared>> -> memref<32x128xf32, #tpu.memory_space<vmem_shared>>
      %dma_wait3A_56 = arith.constant 0 : i32
      %dma_wait3A_57 = tpu.memref_slice %arg15[%mul3A_2, %dma_wait3A_56] : memref<512x128xf32, #tpu.memory_space<vmem_shared>> -> memref<32x128xf32, #tpu.memory_space<vmem_shared>>
      tpu.wait_dma2 semaphore(%run_scoped3A : memref<!tpu.dma_semaphore, #tpu.memory_space<semaphore_mem>>) src(%dma_wait3A_57 : memref<32x128xf32, #tpu.memory_space<vmem_shared>>) dst(%arg13 : memref<32x128xf32, #tpu.memory_space<vmem>>)
      tpu.yield
    }) : () -> ()
    "tpu.region"() ({
      %run_scoped3A = tpu.sem_alloc : memref<!tpu.dma_semaphore, #tpu.memory_space<semaphore_mem>>
      %dma_start3A_51 = arith.constant 0 : i32
      %dma_start3A_52 = tpu.memref_slice %arg8[%arg0, %mul3A_2, %dma_start3A_51] : memref<2x512x128xf32, #tpu.memory_space<hbm>> -> memref<1x32x128xf32, #tpu.memory_space<hbm>>
      %dma_start3A_53 = tpu.memref_squeeze %dma_start3A_52 : memref<1x32x128xf32, #tpu.memory_space<hbm>> -> memref<32x128xf32, #tpu.memory_space<hbm>>
      %dma_start3A_54 = arith.constant 0 : i32
      %dma_start3A_55 = tpu.memref_slice %arg8[%arg0, %mul3A_2, %dma_start3A_54] : memref<2x512x128xf32, #tpu.memory_space<hbm>> -> memref<1x32x128xf32, #tpu.memory_space<hbm>>
      %dma_start3A_56 = tpu.memref_squeeze %dma_start3A_55 : memref<1x32x128xf32, #tpu.memory_space<hbm>> -> memref<32x128xf32, #tpu.memory_space<hbm>>
      tpu.enqueue_dma source(%arg13 : memref<32x128xf32, #tpu.memory_space<vmem>>) target(%dma_start3A_56 : memref<32x128xf32, #tpu.memory_space<hbm>>) target_semaphore(%run_scoped3A : memref<!tpu.dma_semaphore, #tpu.memory_space<semaphore_mem>>)
      %dma_wait3A = arith.constant 0 : i32
      %dma_wait3A_57 = tpu.memref_slice %arg8[%arg0, %mul3A_2, %dma_wait3A] : memref<2x512x128xf32, #tpu.memory_space<hbm>> -> memref<1x32x128xf32, #tpu.memory_space<hbm>>
      %dma_wait3A_58 = tpu.memref_squeeze %dma_wait3A_57 : memref<1x32x128xf32, #tpu.memory_space<hbm>> -> memref<32x128xf32, #tpu.memory_space<hbm>>
      %dma_wait3A_59 = arith.constant 0 : i32
      %dma_wait3A_60 = tpu.memref_slice %arg8[%arg0, %mul3A_2, %dma_wait3A_59] : memref<2x512x128xf32, #tpu.memory_space<hbm>> -> memref<1x32x128xf32, #tpu.memory_space<hbm>>
      %dma_wait3A_61 = tpu.memref_squeeze %dma_wait3A_60 : memref<1x32x128xf32, #tpu.memory_space<hbm>> -> memref<32x128xf32, #tpu.memory_space<hbm>>
      tpu.wait_dma2 semaphore(%run_scoped3A : memref<!tpu.dma_semaphore, #tpu.memory_space<semaphore_mem>>) src(%arg13 : memref<32x128xf32, #tpu.memory_space<vmem>>) dst(%dma_wait3A_61 : memref<32x128xf32, #tpu.memory_space<hbm>>)
      tpu.yield
    }) : () -> ()
    %mul3A_49 = arith.constant 512 : i32
    %mul3A_50 = arith.muli %add3A, %mul3A_49 : i32
    "tpu.region"() ({
      %run_scoped3A = tpu.sem_alloc : memref<!tpu.dma_semaphore, #tpu.memory_space<semaphore_mem>>
      %dma_start3A_51 = tpu.memref_slice %arg9[%mul3A_50] : memref<16384xf32, #tpu.memory_space<hbm>> -> memref<512xf32, #tpu.memory_space<hbm>>
      %dma_start3A_52 = tpu.memref_slice %arg9[%mul3A_50] : memref<16384xf32, #tpu.memory_space<hbm>> -> memref<512xf32, #tpu.memory_space<hbm>>
      tpu.enqueue_dma source(%arg14 : memref<512xf32, #tpu.memory_space<vmem>>) target(%dma_start3A_52 : memref<512xf32, #tpu.memory_space<hbm>>) target_semaphore(%run_scoped3A : memref<!tpu.dma_semaphore, #tpu.memory_space<semaphore_mem>>)
      %dma_wait3A = tpu.memref_slice %arg9[%mul3A_50] : memref<16384xf32, #tpu.memory_space<hbm>> -> memref<512xf32, #tpu.memory_space<hbm>>
      %dma_wait3A_53 = tpu.memref_slice %arg9[%mul3A_50] : memref<16384xf32, #tpu.memory_space<hbm>> -> memref<512xf32, #tpu.memory_space<hbm>>
      tpu.wait_dma2 semaphore(%run_scoped3A : memref<!tpu.dma_semaphore, #tpu.memory_space<semaphore_mem>>) src(%arg14 : memref<512xf32, #tpu.memory_space<vmem>>) dst(%dma_wait3A_53 : memref<512xf32, #tpu.memory_space<hbm>>)
      tpu.yield
    }) : () -> ()
    return
  }
}

#map = affine_map<(d0, d1) -> (0, 0)>
#map1 = affine_map<(d0, d1) -> (0)>
#map2 = affine_map<(d0, d1) -> (0, 0, 0)>
module attributes {stable_mosaic.version = 14 : i64} {
  func.func @k(%arg0: i32, %arg1: i32, %arg2: memref<49152x128xf32, #tpu.memory_space<hbm>>, %arg3: memref<49152xf32, #tpu.memory_space<hbm>>, %arg4: memref<8x128xf32, #tpu.memory_space<hbm>>, %arg5: memref<8xf32, #tpu.memory_space<hbm>>, %arg6: memref<102400xi32, #tpu.memory_space<hbm>>, %arg7: memref<512x128xf32, #tpu.memory_space<hbm>>, %arg8: memref<2x512x128xf32, #tpu.memory_space<hbm>>, %arg9: memref<16384xf32, #tpu.memory_space<hbm>>, %arg10: memref<2x128x128xf32, #tpu.memory_space<vmem>>, %arg11: memref<2x128xf32, #tpu.memory_space<vmem>>, %arg12: memref<2x128xi32, #tpu.memory_space<vmem>>, %arg13: memref<32x128xf32, #tpu.memory_space<vmem>>, %arg14: memref<512xf32, #tpu.memory_space<vmem>>, %arg15: memref<512x128xf32, #tpu.memory_space<vmem_shared>>, %arg16: memref<!tpu.dma_semaphore, #tpu.memory_space<semaphore_mem>>, %arg17: memref<!tpu.dma_semaphore, #tpu.memory_space<semaphore_mem>>) attributes {dimension_semantics = [#tpu.dimension_semantics<core_parallel>, #tpu.dimension_semantics<subcore_parallel>], iteration_bounds = array<i64: 2, 16>, scalar_prefetch = 0 : i64, scratch_operands = 8 : i64, tpu.core_type = #tpu.core_type<sc_vector_subcore>, window_params = [{transform_indices = #map}, {transform_indices = #map1}, {transform_indices = #map}, {transform_indices = #map1}, {transform_indices = #map1}, {transform_indices = #map}, {transform_indices = #map2}, {transform_indices = #map1}]} {
    %mul3A = arith.constant 16 : i32
    %mul3A_0 = arith.muli %arg0, %mul3A : i32
    %add3A = arith.addi %mul3A_0, %arg1 : i32
    %mul3A_1 = arith.constant 32 : i32
    %mul3A_2 = arith.muli %arg1, %mul3A_1 : i32
    "tpu.region"() ({
      %run_scoped3A = tpu.sem_alloc : memref<!tpu.dma_semaphore, #tpu.memory_space<semaphore_mem>>
      %dma_start3A_51 = arith.constant 0 : i32
      %dma_start3A_52 = tpu.memref_slice %arg7[%mul3A_2, %dma_start3A_51] : memref<512x128xf32, #tpu.memory_space<hbm>> -> memref<32x128xf32, #tpu.memory_space<hbm>>
      %dma_start3A_53 = arith.constant 0 : i32
      %dma_start3A_54 = tpu.memref_slice %arg7[%mul3A_2, %dma_start3A_53] : memref<512x128xf32, #tpu.memory_space<hbm>> -> memref<32x128xf32, #tpu.memory_space<hbm>>
      tpu.enqueue_dma source(%dma_start3A_54 : memref<32x128xf32, #tpu.memory_space<hbm>>) target(%arg13 : memref<32x128xf32, #tpu.memory_space<vmem>>) target_semaphore(%run_scoped3A : memref<!tpu.dma_semaphore, #tpu.memory_space<semaphore_mem>>)
      %dma_wait3A = arith.constant 0 : i32
      %dma_wait3A_55 = tpu.memref_slice %arg7[%mul3A_2, %dma_wait3A] : memref<512x128xf32, #tpu.memory_space<hbm>> -> memref<32x128xf32, #tpu.memory_space<hbm>>
      %dma_wait3A_56 = arith.constant 0 : i32
      %dma_wait3A_57 = tpu.memref_slice %arg7[%mul3A_2, %dma_wait3A_56] : memref<512x128xf32, #tpu.memory_space<hbm>> -> memref<32x128xf32, #tpu.memory_space<hbm>>
      tpu.wait_dma2 semaphore(%run_scoped3A : memref<!tpu.dma_semaphore, #tpu.memory_space<semaphore_mem>>) src(%dma_wait3A_57 : memref<32x128xf32, #tpu.memory_space<hbm>>) dst(%arg13 : memref<32x128xf32, #tpu.memory_space<vmem>>)
      tpu.yield
    }) : () -> ()
    "tpu.region"() ({
      %run_scoped3A = tpu.sem_alloc : memref<!tpu.dma_semaphore, #tpu.memory_space<semaphore_mem>>
      %dma_start3A_51 = arith.constant 0 : i32
      %dma_start3A_52 = tpu.memref_slice %arg15[%mul3A_2, %dma_start3A_51] : memref<512x128xf32, #tpu.memory_space<vmem_shared>> -> memref<32x128xf32, #tpu.memory_space<vmem_shared>>
      %dma_start3A_53 = arith.constant 0 : i32
      %dma_start3A_54 = tpu.memref_slice %arg15[%mul3A_2, %dma_start3A_53] : memref<512x128xf32, #tpu.memory_space<vmem_shared>> -> memref<32x128xf32, #tpu.memory_space<vmem_shared>>
      tpu.enqueue_dma source(%arg13 : memref<32x128xf32, #tpu.memory_space<vmem>>) target(%dma_start3A_54 : memref<32x128xf32, #tpu.memory_space<vmem_shared>>) target_semaphore(%run_scoped3A : memref<!tpu.dma_semaphore, #tpu.memory_space<semaphore_mem>>)
      %dma_wait3A = arith.constant 0 : i32
      %dma_wait3A_55 = tpu.memref_slice %arg15[%mul3A_2, %dma_wait3A] : memref<512x128xf32, #tpu.memory_space<vmem_shared>> -> memref<32x128xf32, #tpu.memory_space<vmem_shared>>
      %dma_wait3A_56 = arith.constant 0 : i32
      %dma_wait3A_57 = tpu.memref_slice %arg15[%mul3A_2, %dma_wait3A_56] : memref<512x128xf32, #tpu.memory_space<vmem_shared>> -> memref<32x128xf32, #tpu.memory_space<vmem_shared>>
      tpu.wait_dma2 semaphore(%run_scoped3A : memref<!tpu.dma_semaphore, #tpu.memory_space<semaphore_mem>>) src(%arg13 : memref<32x128xf32, #tpu.memory_space<vmem>>) dst(%dma_wait3A_57 : memref<32x128xf32, #tpu.memory_space<vmem_shared>>)
      tpu.yield
    }) : () -> ()
    %scan3A = arith.constant 0 : i32
    %scan3A_3 = arith.constant 32 : i32
    %scan3A_4 = arith.addi %scan3A, %scan3A_3 : i32
    %scan3A_5 = arith.constant 1 : i32
    scf.for %scan3A_51 = %scan3A to %scan3A_4 step %scan3A_5  : i32 {
      %mul3A_52 = arith.constant 16 : i32
      %mul3A_53 = arith.muli %scan3A_51, %mul3A_52 : i32
      %add3A_54 = arith.constant 0 : i32
      %add3A_55 = arith.addi %add3A_54, %mul3A_53 : i32
      %broadcast_in_dim3A = arith.constant 0.000000e+00 : f32
      %broadcast_in_dim3A_56 = vector.broadcast %broadcast_in_dim3A : f32 to vector<16xf32>
      %swap3A = arith.index_cast %add3A_55 : i32 to index
      %swap3A_57 = tpu.vector_load %arg14[%swap3A] {strides = array<i32>} : memref<512xf32, #tpu.memory_space<vmem>>, vector<16xf32>,
      tpu.vector_store %arg14[%swap3A], %broadcast_in_dim3A_56 {strides = array<i32>} : memref<512xf32, #tpu.memory_space<vmem>>, vector<16xf32>,
    }
    %scan3A_6 = arith.constant 32 : i32
    %barrier3A = arith.constant 0 : index
    tpu.barrier barrier_id(%barrier3A)
    %iota3A = tpu.iota {dimensions = array<i32: 0>} : vector<16xi32>
    %mul3A_7 = arith.constant 1536 : i32
    %mul3A_8 = arith.muli %add3A, %mul3A_7 : i32
    %add3A_9 = arith.constant 0 : i32
    %add3A_10 = arith.addi %mul3A_8, %add3A_9 : i32
    %add3A_11 = arith.constant 0 : i32
    %add3A_12 = arith.addi %add3A_11, %add3A_10 : i32
    %dma_start3A = arith.constant 0 : i32
    %dma_start3A_13 = arith.constant 0 : i32
    %dma_start3A_14 = tpu.memref_slice %arg12[%dma_start3A, %dma_start3A_13] : memref<2x128xi32, #tpu.memory_space<vmem>> -> memref<1x128xi32, #tpu.memory_space<vmem>>
    %dma_start3A_15 = tpu.memref_squeeze %dma_start3A_14 : memref<1x128xi32, #tpu.memory_space<vmem>> -> memref<128xi32, #tpu.memory_space<vmem>>
    %dma_start3A_16 = tpu.memref_slice %arg6[%add3A_12] : memref<102400xi32, #tpu.memory_space<hbm>> -> memref<128xi32, #tpu.memory_space<hbm>>
    %dma_start3A_17 = arith.constant 0 : i32
    %dma_start3A_18 = tpu.memref_slice %arg12[%dma_start3A, %dma_start3A_17] : memref<2x128xi32, #tpu.memory_space<vmem>> -> memref<1x128xi32, #tpu.memory_space<vmem>>
    %dma_start3A_19 = tpu.memref_squeeze %dma_start3A_18 : memref<1x128xi32, #tpu.memory_space<vmem>> -> memref<128xi32, #tpu.memory_space<vmem>>
    %dma_start3A_20 = tpu.memref_slice %arg6[%add3A_12] : memref<102400xi32, #tpu.memory_space<hbm>> -> memref<128xi32, #tpu.memory_space<hbm>>
    tpu.enqueue_dma source(%dma_start3A_20 : memref<128xi32, #tpu.memory_space<hbm>>) target(%dma_start3A_19 : memref<128xi32, #tpu.memory_space<vmem>>) target_semaphore(%arg16 : memref<!tpu.dma_semaphore, #tpu.memory_space<semaphore_mem>>)
    %dma_start3A_21 = arith.constant 0 : i32
    %dma_start3A_22 = arith.constant 0 : i32
    %dma_start3A_23 = arith.constant 0 : i32
    %dma_start3A_24 = tpu.memref_slice %arg10[%dma_start3A_21, %dma_start3A_22, %dma_start3A_23] : memref<2x128x128xf32, #tpu.memory_space<vmem>> -> memref<1x128x128xf32, #tpu.memory_space<vmem>>
    %dma_start3A_25 = tpu.memref_squeeze %dma_start3A_24 : memref<1x128x128xf32, #tpu.memory_space<vmem>> -> memref<128x128xf32, #tpu.memory_space<vmem>>
    %dma_start3A_26 = arith.constant 0 : i32
    %dma_start3A_27 = tpu.memref_slice %arg2[%add3A_10, %dma_start3A_26] : memref<49152x128xf32, #tpu.memory_space<hbm>> -> memref<128x128xf32, #tpu.memory_space<hbm>>
    %dma_start3A_28 = arith.constant 0 : i32
    %dma_start3A_29 = arith.constant 0 : i32
    %dma_start3A_30 = tpu.memref_slice %arg10[%dma_start3A_21, %dma_start3A_28, %dma_start3A_29] : memref<2x128x128xf32, #tpu.memory_space<vmem>> -> memref<1x128x128xf32, #tpu.memory_space<vmem>>
    %dma_start3A_31 = tpu.memref_squeeze %dma_start3A_30 : memref<1x128x128xf32, #tpu.memory_space<vmem>> -> memref<128x128xf32, #tpu.memory_space<vmem>>
    %dma_start3A_32 = arith.constant 0 : i32
    %dma_start3A_33 = tpu.memref_slice %arg2[%add3A_10, %dma_start3A_32] : memref<49152x128xf32, #tpu.memory_space<hbm>> -> memref<128x128xf32, #tpu.memory_space<hbm>>
    tpu.enqueue_dma source(%dma_start3A_33 : memref<128x128xf32, #tpu.memory_space<hbm>>) target(%dma_start3A_31 : memref<128x128xf32, #tpu.memory_space<vmem>>) target_semaphore(%arg16 : memref<!tpu.dma_semaphore, #tpu.memory_space<semaphore_mem>>)
    %dma_start3A_34 = arith.constant 0 : i32
    %dma_start3A_35 = arith.constant 0 : i32
    %dma_start3A_36 = tpu.memref_slice %arg11[%dma_start3A_34, %dma_start3A_35] : memref<2x128xf32, #tpu.memory_space<vmem>> -> memref<1x128xf32, #tpu.memory_space<vmem>>
    %dma_start3A_37 = tpu.memref_squeeze %dma_start3A_36 : memref<1x128xf32, #tpu.memory_space<vmem>> -> memref<128xf32, #tpu.memory_space<vmem>>
    %dma_start3A_38 = tpu.memref_slice %arg3[%add3A_10] : memref<49152xf32, #tpu.memory_space<hbm>> -> memref<128xf32, #tpu.memory_space<hbm>>
    %dma_start3A_39 = arith.constant 0 : i32
    %dma_start3A_40 = tpu.memref_slice %arg11[%dma_start3A_34, %dma_start3A_39] : memref<2x128xf32, #tpu.memory_space<vmem>> -> memref<1x128xf32, #tpu.memory_space<vmem>>
    %dma_start3A_41 = tpu.memref_squeeze %dma_start3A_40 : memref<1x128xf32, #tpu.memory_space<vmem>> -> memref<128xf32, #tpu.memory_space<vmem>>
    %dma_start3A_42 = tpu.memref_slice %arg3[%add3A_10] : memref<49152xf32, #tpu.memory_space<hbm>> -> memref<128xf32, #tpu.memory_space<hbm>>
    tpu.enqueue_dma source(%dma_start3A_42 : memref<128xf32, #tpu.memory_space<hbm>>) target(%dma_start3A_41 : memref<128xf32, #tpu.memory_space<vmem>>) target_semaphore(%arg16 : memref<!tpu.dma_semaphore, #tpu.memory_space<semaphore_mem>>)
    %scan3A_43 = arith.constant 0 : i32
    %scan3A_44 = arith.constant 12 : i32
    %scan3A_45 = arith.addi %scan3A_43, %scan3A_44 : i32
    %scan3A_46 = arith.constant 1 : i32
    scf.for %scan3A_51 = %scan3A_43 to %scan3A_45 step %scan3A_46  : i32 {
      %mul3A_52 = arith.constant 1 : i32
      %mul3A_53 = arith.muli %scan3A_51, %mul3A_52 : i32
      %add3A_54 = arith.constant 0 : i32
      %add3A_55 = arith.addi %add3A_54, %mul3A_53 : i32
      %jit3A = arith.constant 2 : i32
      %eq3A = arith.constant 0 : i32
      %eq3A_56 = arith.cmpi eq, %jit3A, %eq3A : i32
      %jit3A_57 = arith.constant 1 : i32
      %select_n3A = arith.select %eq3A_56, %jit3A_57, %jit3A : i32
      %rem3A = arith.remsi %add3A_55, %select_n3A : i32
      %ne3A = arith.constant 0 : i32
      %ne3A_58 = arith.cmpi ne, %rem3A, %ne3A : i32
      %lt3A = arith.constant 0 : i32
      %lt3A_59 = arith.cmpi slt, %rem3A, %lt3A : i32
      %lt3A_60 = arith.constant 0 : i32
      %lt3A_61 = arith.cmpi slt, %select_n3A, %lt3A_60 : i32
      %ne3A_62 = arith.xori %lt3A_59, %lt3A_61 : i1
      %and3A = arith.andi %ne3A_62, %ne3A_58 : i1
      %add3A_63 = arith.addi %rem3A, %select_n3A : i32
      %select_n3A_64 = arith.select %and3A, %add3A_63, %rem3A : i32
      %eq3A_65 = arith.constant 0 : i32
      %eq3A_66 = arith.cmpi eq, %select_n3A_64, %eq3A_65 : i32
      %convert_element_type3A = arith.extui %eq3A_66 : i1 to i32
      %cond3A = arith.constant 0 : i32
      %cond3A_67 = arith.cmpi ne, %convert_element_type3A, %cond3A : i32
      scf.if %cond3A_67 {
        %add3A_89 = arith.constant 1 : i32
        %add3A_90 = arith.addi %add3A_55, %add3A_89 : i32
        %lt3A_91 = arith.constant 12 : i32
        %lt3A_92 = arith.cmpi slt, %add3A_90, %lt3A_91 : i32
        %convert_element_type3A_93 = arith.extui %lt3A_92 : i1 to i32
        %cond3A_94 = arith.constant 0 : i32
        %cond3A_95 = arith.cmpi ne, %convert_element_type3A_93, %cond3A_94 : i32
        scf.if %cond3A_95 {
          %add3A_557 = arith.constant 1 : i32
          %add3A_558 = arith.addi %add3A_55, %add3A_557 : i32
          %mul3A_559 = arith.constant 1536 : i32
          %mul3A_560 = arith.muli %add3A, %mul3A_559 : i32
          %mul3A_561 = arith.constant 128 : i32
          %mul3A_562 = arith.muli %add3A_558, %mul3A_561 : i32
          %add3A_563 = arith.addi %mul3A_560, %mul3A_562 : i32
          %add3A_564 = arith.constant 0 : i32
          %add3A_565 = arith.addi %add3A_564, %add3A_563 : i32
          %dma_start3A_566 = arith.constant 1 : i32
          %dma_start3A_567 = arith.constant 0 : i32
          %dma_start3A_568 = tpu.memref_slice %arg12[%dma_start3A_566, %dma_start3A_567] : memref<2x128xi32, #tpu.memory_space<vmem>> -> memref<1x128xi32, #tpu.memory_space<vmem>>
          %dma_start3A_569 = tpu.memref_squeeze %dma_start3A_568 : memref<1x128xi32, #tpu.memory_space<vmem>> -> memref<128xi32, #tpu.memory_space<vmem>>
          %dma_start3A_570 = tpu.memref_slice %arg6[%add3A_565] : memref<102400xi32, #tpu.memory_space<hbm>> -> memref<128xi32, #tpu.memory_space<hbm>>
          %dma_start3A_571 = arith.constant 0 : i32
          %dma_start3A_572 = tpu.memref_slice %arg12[%dma_start3A_566, %dma_start3A_571] : memref<2x128xi32, #tpu.memory_space<vmem>> -> memref<1x128xi32, #tpu.memory_space<vmem>>
          %dma_start3A_573 = tpu.memref_squeeze %dma_start3A_572 : memref<1x128xi32, #tpu.memory_space<vmem>> -> memref<128xi32, #tpu.memory_space<vmem>>
          %dma_start3A_574 = tpu.memref_slice %arg6[%add3A_565] : memref<102400xi32, #tpu.memory_space<hbm>> -> memref<128xi32, #tpu.memory_space<hbm>>
          tpu.enqueue_dma source(%dma_start3A_574 : memref<128xi32, #tpu.memory_space<hbm>>) target(%dma_start3A_573 : memref<128xi32, #tpu.memory_space<vmem>>) target_semaphore(%arg17 : memref<!tpu.dma_semaphore, #tpu.memory_space<semaphore_mem>>)
          %dma_start3A_575 = arith.constant 1 : i32
          %dma_start3A_576 = arith.constant 0 : i32
          %dma_start3A_577 = arith.constant 0 : i32
          %dma_start3A_578 = tpu.memref_slice %arg10[%dma_start3A_575, %dma_start3A_576, %dma_start3A_577] : memref<2x128x128xf32, #tpu.memory_space<vmem>> -> memref<1x128x128xf32, #tpu.memory_space<vmem>>
          %dma_start3A_579 = tpu.memref_squeeze %dma_start3A_578 : memref<1x128x128xf32, #tpu.memory_space<vmem>> -> memref<128x128xf32, #tpu.memory_space<vmem>>
          %dma_start3A_580 = arith.constant 0 : i32
          %dma_start3A_581 = tpu.memref_slice %arg2[%add3A_563, %dma_start3A_580] : memref<49152x128xf32, #tpu.memory_space<hbm>> -> memref<128x128xf32, #tpu.memory_space<hbm>>
          %dma_start3A_582 = arith.constant 0 : i32
          %dma_start3A_583 = arith.constant 0 : i32
          %dma_start3A_584 = tpu.memref_slice %arg10[%dma_start3A_575, %dma_start3A_582, %dma_start3A_583] : memref<2x128x128xf32, #tpu.memory_space<vmem>> -> memref<1x128x128xf32, #tpu.memory_space<vmem>>
          %dma_start3A_585 = tpu.memref_squeeze %dma_start3A_584 : memref<1x128x128xf32, #tpu.memory_space<vmem>> -> memref<128x128xf32, #tpu.memory_space<vmem>>
          %dma_start3A_586 = arith.constant 0 : i32
          %dma_start3A_587 = tpu.memref_slice %arg2[%add3A_563, %dma_start3A_586] : memref<49152x128xf32, #tpu.memory_space<hbm>> -> memref<128x128xf32, #tpu.memory_space<hbm>>
          tpu.enqueue_dma source(%dma_start3A_587 : memref<128x128xf32, #tpu.memory_space<hbm>>) target(%dma_start3A_585 : memref<128x128xf32, #tpu.memory_space<vmem>>) target_semaphore(%arg17 : memref<!tpu.dma_semaphore, #tpu.memory_space<semaphore_mem>>)
          %dma_start3A_588 = arith.constant 1 : i32
          %dma_start3A_589 = arith.constant 0 : i32
          %dma_start3A_590 = tpu.memref_slice %arg11[%dma_start3A_588, %dma_start3A_589] : memref<2x128xf32, #tpu.memory_space<vmem>> -> memref<1x128xf32, #tpu.memory_space<vmem>>
          %dma_start3A_591 = tpu.memref_squeeze %dma_start3A_590 : memref<1x128xf32, #tpu.memory_space<vmem>> -> memref<128xf32, #tpu.memory_space<vmem>>
          %dma_start3A_592 = tpu.memref_slice %arg3[%add3A_563] : memref<49152xf32, #tpu.memory_space<hbm>> -> memref<128xf32, #tpu.memory_space<hbm>>
          %dma_start3A_593 = arith.constant 0 : i32
          %dma_start3A_594 = tpu.memref_slice %arg11[%dma_start3A_588, %dma_start3A_593] : memref<2x128xf32, #tpu.memory_space<vmem>> -> memref<1x128xf32, #tpu.memory_space<vmem>>
          %dma_start3A_595 = tpu.memref_squeeze %dma_start3A_594 : memref<1x128xf32, #tpu.memory_space<vmem>> -> memref<128xf32, #tpu.memory_space<vmem>>
          %dma_start3A_596 = tpu.memref_slice %arg3[%add3A_563] : memref<49152xf32, #tpu.memory_space<hbm>> -> memref<128xf32, #tpu.memory_space<hbm>>
          tpu.enqueue_dma source(%dma_start3A_596 : memref<128xf32, #tpu.memory_space<hbm>>) target(%dma_start3A_595 : memref<128xf32, #tpu.memory_space<vmem>>) target_semaphore(%arg17 : memref<!tpu.dma_semaphore, #tpu.memory_space<semaphore_mem>>)
        } else {
        }
        %mul3A_96 = arith.constant 1536 : i32
        %mul3A_97 = arith.muli %add3A, %mul3A_96 : i32
        %mul3A_98 = arith.constant 128 : i32
        %mul3A_99 = arith.muli %add3A_55, %mul3A_98 : i32
        %add3A_100 = arith.addi %mul3A_97, %mul3A_99 : i32
        %add3A_101 = arith.constant 0 : i32
        %add3A_102 = arith.addi %add3A_101, %add3A_100 : i32
        %dma_wait3A = arith.constant 0 : i32
        %dma_wait3A_103 = arith.constant 0 : i32
        %dma_wait3A_104 = tpu.memref_slice %arg12[%dma_wait3A, %dma_wait3A_103] : memref<2x128xi32, #tpu.memory_space<vmem>> -> memref<1x128xi32, #tpu.memory_space<vmem>>
        %dma_wait3A_105 = tpu.memref_squeeze %dma_wait3A_104 : memref<1x128xi32, #tpu.memory_space<vmem>> -> memref<128xi32, #tpu.memory_space<vmem>>
        %dma_wait3A_106 = tpu.memref_slice %arg6[%add3A_102] : memref<102400xi32, #tpu.memory_space<hbm>> -> memref<128xi32, #tpu.memory_space<hbm>>
        %dma_wait3A_107 = arith.constant 0 : i32
        %dma_wait3A_108 = tpu.memref_slice %arg12[%dma_wait3A, %dma_wait3A_107] : memref<2x128xi32, #tpu.memory_space<vmem>> -> memref<1x128xi32, #tpu.memory_space<vmem>>
        %dma_wait3A_109 = tpu.memref_squeeze %dma_wait3A_108 : memref<1x128xi32, #tpu.memory_space<vmem>> -> memref<128xi32, #tpu.memory_space<vmem>>
        %dma_wait3A_110 = tpu.memref_slice %arg6[%add3A_102] : memref<102400xi32, #tpu.memory_space<hbm>> -> memref<128xi32, #tpu.memory_space<hbm>>
        tpu.wait_dma2 semaphore(%arg16 : memref<!tpu.dma_semaphore, #tpu.memory_space<semaphore_mem>>) src(%dma_wait3A_110 : memref<128xi32, #tpu.memory_space<hbm>>) dst(%dma_wait3A_109 : memref<128xi32, #tpu.memory_space<vmem>>)
        %dma_wait3A_111 = arith.constant 0 : i32
        %dma_wait3A_112 = arith.constant 0 : i32
        %dma_wait3A_113 = arith.constant 0 : i32
        %dma_wait3A_114 = tpu.memref_slice %arg10[%dma_wait3A_111, %dma_wait3A_112, %dma_wait3A_113] : memref<2x128x128xf32, #tpu.memory_space<vmem>> -> memref<1x128x128xf32, #tpu.memory_space<vmem>>
        %dma_wait3A_115 = tpu.memref_squeeze %dma_wait3A_114 : memref<1x128x128xf32, #tpu.memory_space<vmem>> -> memref<128x128xf32, #tpu.memory_space<vmem>>
        %dma_wait3A_116 = arith.constant 0 : i32
        %dma_wait3A_117 = tpu.memref_slice %arg2[%add3A_100, %dma_wait3A_116] : memref<49152x128xf32, #tpu.memory_space<hbm>> -> memref<128x128xf32, #tpu.memory_space<hbm>>
        %dma_wait3A_118 = arith.constant 0 : i32
        %dma_wait3A_119 = arith.constant 0 : i32
        %dma_wait3A_120 = tpu.memref_slice %arg10[%dma_wait3A_111, %dma_wait3A_118, %dma_wait3A_119] : memref<2x128x128xf32, #tpu.memory_space<vmem>> -> memref<1x128x128xf32, #tpu.memory_space<vmem>>
        %dma_wait3A_121 = tpu.memref_squeeze %dma_wait3A_120 : memref<1x128x128xf32, #tpu.memory_space<vmem>> -> memref<128x128xf32, #tpu.memory_space<vmem>>
        %dma_wait3A_122 = arith.constant 0 : i32
        %dma_wait3A_123 = tpu.memref_slice %arg2[%add3A_100, %dma_wait3A_122] : memref<49152x128xf32, #tpu.memory_space<hbm>> -> memref<128x128xf32, #tpu.memory_space<hbm>>
        tpu.wait_dma2 semaphore(%arg16 : memref<!tpu.dma_semaphore, #tpu.memory_space<semaphore_mem>>) src(%dma_wait3A_123 : memref<128x128xf32, #tpu.memory_space<hbm>>) dst(%dma_wait3A_121 : memref<128x128xf32, #tpu.memory_space<vmem>>)
        %dma_wait3A_124 = arith.constant 0 : i32
        %dma_wait3A_125 = arith.constant 0 : i32
        %dma_wait3A_126 = tpu.memref_slice %arg11[%dma_wait3A_124, %dma_wait3A_125] : memref<2x128xf32, #tpu.memory_space<vmem>> -> memref<1x128xf32, #tpu.memory_space<vmem>>
        %dma_wait3A_127 = tpu.memref_squeeze %dma_wait3A_126 : memref<1x128xf32, #tpu.memory_space<vmem>> -> memref<128xf32, #tpu.memory_space<vmem>>
        %dma_wait3A_128 = tpu.memref_slice %arg3[%add3A_100] : memref<49152xf32, #tpu.memory_space<hbm>> -> memref<128xf32, #tpu.memory_space<hbm>>
        %dma_wait3A_129 = arith.constant 0 : i32
        %dma_wait3A_130 = tpu.memref_slice %arg11[%dma_wait3A_124, %dma_wait3A_129] : memref<2x128xf32, #tpu.memory_space<vmem>> -> memref<1x128xf32, #tpu.memory_space<vmem>>
        %dma_wait3A_131 = tpu.memref_squeeze %dma_wait3A_130 : memref<1x128xf32, #tpu.memory_space<vmem>> -> memref<128xf32, #tpu.memory_space<vmem>>
        %dma_wait3A_132 = tpu.memref_slice %arg3[%add3A_100] : memref<49152xf32, #tpu.memory_space<hbm>> -> memref<128xf32, #tpu.memory_space<hbm>>
        tpu.wait_dma2 semaphore(%arg16 : memref<!tpu.dma_semaphore, #tpu.memory_space<semaphore_mem>>) src(%dma_wait3A_132 : memref<128xf32, #tpu.memory_space<hbm>>) dst(%dma_wait3A_131 : memref<128xf32, #tpu.memory_space<vmem>>)
        %run_scoped3A = arith.constant 0 : i32
        %run_scoped3A_133 = arith.constant 0 : i32
        "tpu.region"() ({
          %run_scoped3A_557 = tpu.sem_alloc : memref<!tpu.dma_semaphore, #tpu.memory_space<semaphore_mem>>
          %dma_start3A_558 = arith.constant 0 : i32
          %dma_start3A_559 = arith.constant 0 : i32
          %dma_start3A_560 = tpu.memref_slice %arg10[%run_scoped3A, %dma_start3A_558, %dma_start3A_559] : memref<2x128x128xf32, #tpu.memory_space<vmem>> -> memref<1x128x128xf32, #tpu.memory_space<vmem>>
          %dma_start3A_561 = tpu.memref_squeeze %dma_start3A_560 : memref<1x128x128xf32, #tpu.memory_space<vmem>> -> memref<128x128xf32, #tpu.memory_space<vmem>>
          %dma_start3A_562 = arith.constant 0 : i32
          %dma_start3A_563 = tpu.memref_slice %arg12[%run_scoped3A_133, %dma_start3A_562] : memref<2x128xi32, #tpu.memory_space<vmem>> -> memref<1x128xi32, #tpu.memory_space<vmem>>
          %dma_start3A_564 = tpu.memref_squeeze %dma_start3A_563 : memref<1x128xi32, #tpu.memory_space<vmem>> -> memref<128xi32, #tpu.memory_space<vmem>>
          %dma_start3A_565 = arith.constant 0 : i32
          %dma_start3A_566 = arith.constant 0 : i32
          %dma_start3A_567 = tpu.memref_slice %arg15[%dma_start3A_565, %dma_start3A_566] : memref<512x128xf32, #tpu.memory_space<vmem_shared>> -> memref<512x128xf32, #tpu.memory_space<vmem_shared>>
          tpu.enqueue_indirect_dma source(%dma_start3A_561 : memref<128x128xf32, #tpu.memory_space<vmem>>) target(%dma_start3A_567 : memref<512x128xf32, #tpu.memory_space<vmem_shared>>) offsets(%dma_start3A_564 : memref<128xi32, #tpu.memory_space<vmem>>) semaphore(%run_scoped3A_557 : memref<!tpu.dma_semaphore, #tpu.memory_space<semaphore_mem>>) {add = true}
          %dma_wait3A_568 = arith.constant 0 : i32
          %dma_wait3A_569 = arith.constant 0 : i32
          %dma_wait3A_570 = tpu.memref_slice %arg10[%run_scoped3A, %dma_wait3A_568, %dma_wait3A_569] : memref<2x128x128xf32, #tpu.memory_space<vmem>> -> memref<1x128x128xf32, #tpu.memory_space<vmem>>
          %dma_wait3A_571 = tpu.memref_squeeze %dma_wait3A_570 : memref<1x128x128xf32, #tpu.memory_space<vmem>> -> memref<128x128xf32, #tpu.memory_space<vmem>>
          %dma_wait3A_572 = arith.constant 0 : i32
          %dma_wait3A_573 = tpu.memref_slice %arg12[%run_scoped3A_133, %dma_wait3A_572] : memref<2x128xi32, #tpu.memory_space<vmem>> -> memref<1x128xi32, #tpu.memory_space<vmem>>
          %dma_wait3A_574 = tpu.memref_squeeze %dma_wait3A_573 : memref<1x128xi32, #tpu.memory_space<vmem>> -> memref<128xi32, #tpu.memory_space<vmem>>
          %dma_wait3A_575 = arith.constant 0 : i32
          %dma_wait3A_576 = arith.constant 0 : i32
          %dma_wait3A_577 = tpu.memref_slice %arg15[%dma_wait3A_575, %dma_wait3A_576] : memref<512x128xf32, #tpu.memory_space<vmem_shared>> -> memref<512x128xf32, #tpu.memory_space<vmem_shared>>
          tpu.wait_indirect_dma semaphore(%run_scoped3A_557 : memref<!tpu.dma_semaphore, #tpu.memory_space<semaphore_mem>>) src(%dma_wait3A_571 : memref<128x128xf32, #tpu.memory_space<vmem>>) dst(%dma_wait3A_577 : memref<512x128xf32, #tpu.memory_space<vmem_shared>>)
          tpu.yield
        }) : () -> ()
        %get3A = arith.constant 0 : i32
        %get3A_134 = arith.index_cast %get3A : i32 to index
        %get3A_135 = arith.constant 0 : index
        %get3A_136 = tpu.vector_load %arg11[%get3A_134, %get3A_135] {strides = array<i32>} : memref<2x128xf32, #tpu.memory_space<vmem>>, vector<16xf32>,
        %get3A_137 = arith.constant 0 : i32
        %get3A_138 = arith.index_cast %get3A_137 : i32 to index
        %get3A_139 = arith.constant 0 : index
        %get3A_140 = tpu.vector_load %arg12[%get3A_138, %get3A_139] {strides = array<i32>} : memref<2x128xi32, #tpu.memory_space<vmem>>, vector<16xi32>,
        %broadcast_in_dim3A = arith.constant true
        %broadcast_in_dim3A_141 = vector.broadcast %broadcast_in_dim3A : i1 to vector<16xi1>
        %masked_cumsum3A = tpu.scan <sum>, %get3A_136 masked %broadcast_in_dim3A_141 : vector<16xf32>, vector<16xi1> -> vector<16xf32>
        %sub3A = arith.constant 1 : i32
        %sub3A_142 = vector.broadcast %sub3A : i32 to vector<16xi32>
        %sub3A_143 = arith.subi %iota3A, %sub3A_142 : vector<16xi32>
        %max3A = arith.constant 0 : i32
        %max3A_144 = vector.broadcast %max3A : i32 to vector<16xi32>
        %max3A_145 = arith.maxsi %sub3A_143, %max3A_144 : vector<16xi32>
        %broadcast_in_dim3A_146 = vector.shape_cast %max3A_145 : vector<16xi32> to vector<16x1xi32>
        %gather3A = vector.shape_cast %broadcast_in_dim3A_146 : vector<16x1xi32> to vector<16xi32>
        %gather3A_147 = tpu.dynamic_gather %get3A_140[%gather3A] in [0] : vector<16xi32>, vector<16xi32> -> vector<16xi32>
        %eq3A_148 = arith.constant 0 : i32
        %eq3A_149 = vector.broadcast %eq3A_148 : i32 to vector<16xi32>
        %eq3A_150 = arith.cmpi eq, %iota3A, %eq3A_149 : vector<16xi32>
        %ne3A_151 = arith.cmpi ne, %get3A_140, %gather3A_147 : vector<16xi32>
        %or3A = arith.ori %eq3A_150, %ne3A_151 : vector<16xi1>
        %jit3A_152 = arith.constant 0 : i32
        %broadcast_in_dim3A_153 = vector.broadcast %jit3A_152 : i32 to vector<16xi32>
        %select_n3A_154 = arith.select %or3A, %iota3A, %broadcast_in_dim3A_153 : vector<16xi1>, vector<16xi32>
        %broadcast_in_dim3A_155 = arith.constant true
        %broadcast_in_dim3A_156 = vector.broadcast %broadcast_in_dim3A_155 : i1 to vector<16xi1>
        %masked_cummax3A = arith.constant -2147483648 : i32
        %masked_cummax3A_157 = vector.broadcast %masked_cummax3A : i32 to vector<16xi32>
        %masked_cummax3A_158 = arith.xori %select_n3A_154, %masked_cummax3A_157 : vector<16xi32>
        %masked_cummax3A_159 = tpu.scan <max>, %masked_cummax3A_158 masked %broadcast_in_dim3A_156 : vector<16xi32>, vector<16xi1> -> vector<16xi32>
        %masked_cummax3A_160 = arith.xori %masked_cummax3A_159, %masked_cummax3A_157 : vector<16xi32>
        %sub3A_161 = arith.subf %masked_cumsum3A, %get3A_136 : vector<16xf32>
        %broadcast_in_dim3A_162 = vector.shape_cast %masked_cummax3A_160 : vector<16xi32> to vector<16x1xi32>
        %gather3A_163 = vector.shape_cast %broadcast_in_dim3A_162 : vector<16x1xi32> to vector<16xi32>
        %gather3A_164 = tpu.dynamic_gather %sub3A_161[%gather3A_163] in [0] : vector<16xf32>, vector<16xi32> -> vector<16xf32>
        %sub3A_165 = arith.subf %masked_cumsum3A, %gather3A_164 : vector<16xf32>
        %add3A_166 = arith.constant 1 : i32
        %add3A_167 = vector.broadcast %add3A_166 : i32 to vector<16xi32>
        %add3A_168 = arith.addi %iota3A, %add3A_167 : vector<16xi32>
        %min3A = arith.constant 15 : i32
        %min3A_169 = vector.broadcast %min3A : i32 to vector<16xi32>
        %min3A_170 = arith.minsi %add3A_168, %min3A_169 : vector<16xi32>
        %broadcast_in_dim3A_171 = vector.shape_cast %min3A_170 : vector<16xi32> to vector<16x1xi32>
        %gather3A_172 = vector.shape_cast %broadcast_in_dim3A_171 : vector<16x1xi32> to vector<16xi32>
        %gather3A_173 = tpu.dynamic_gather %get3A_140[%gather3A_172] in [0] : vector<16xi32>, vector<16xi32> -> vector<16xi32>
        %eq3A_174 = arith.constant 15 : i32
        %eq3A_175 = vector.broadcast %eq3A_174 : i32 to vector<16xi32>
        %eq3A_176 = arith.cmpi eq, %iota3A, %eq3A_175 : vector<16xi32>
        %ne3A_177 = arith.cmpi ne, %get3A_140, %gather3A_173 : vector<16xi32>
        %or3A_178 = arith.ori %eq3A_176, %ne3A_177 : vector<16xi1>
        tpu.vector_store_idx %arg14[%get3A_140], %sub3A_165 masked %or3A_178 {add = true} : memref<512xf32, #tpu.memory_space<vmem>>[vector<16xi32>], vector<16xf32>, vector<16xi1>
        %get3A_179 = arith.constant 0 : i32
        %get3A_180 = arith.index_cast %get3A_179 : i32 to index
        %get3A_181 = arith.constant 16 : index
        %get3A_182 = tpu.vector_load %arg11[%get3A_180, %get3A_181] {strides = array<i32>} : memref<2x128xf32, #tpu.memory_space<vmem>>, vector<16xf32>,
        %get3A_183 = arith.constant 0 : i32
        %get3A_184 = arith.index_cast %get3A_183 : i32 to index
        %get3A_185 = arith.constant 16 : index
        %get3A_186 = tpu.vector_load %arg12[%get3A_184, %get3A_185] {strides = array<i32>} : memref<2x128xi32, #tpu.memory_space<vmem>>, vector<16xi32>,
        %broadcast_in_dim3A_187 = arith.constant true
        %broadcast_in_dim3A_188 = vector.broadcast %broadcast_in_dim3A_187 : i1 to vector<16xi1>
        %masked_cumsum3A_189 = tpu.scan <sum>, %get3A_182 masked %broadcast_in_dim3A_188 : vector<16xf32>, vector<16xi1> -> vector<16xf32>
        %sub3A_190 = arith.constant 1 : i32
        %sub3A_191 = vector.broadcast %sub3A_190 : i32 to vector<16xi32>
        %sub3A_192 = arith.subi %iota3A, %sub3A_191 : vector<16xi32>
        %max3A_193 = arith.constant 0 : i32
        %max3A_194 = vector.broadcast %max3A_193 : i32 to vector<16xi32>
        %max3A_195 = arith.maxsi %sub3A_192, %max3A_194 : vector<16xi32>
        %broadcast_in_dim3A_196 = vector.shape_cast %max3A_195 : vector<16xi32> to vector<16x1xi32>
        %gather3A_197 = vector.shape_cast %broadcast_in_dim3A_196 : vector<16x1xi32> to vector<16xi32>
        %gather3A_198 = tpu.dynamic_gather %get3A_186[%gather3A_197] in [0] : vector<16xi32>, vector<16xi32> -> vector<16xi32>
        %eq3A_199 = arith.constant 0 : i32
        %eq3A_200 = vector.broadcast %eq3A_199 : i32 to vector<16xi32>
        %eq3A_201 = arith.cmpi eq, %iota3A, %eq3A_200 : vector<16xi32>
        %ne3A_202 = arith.cmpi ne, %get3A_186, %gather3A_198 : vector<16xi32>
        %or3A_203 = arith.ori %eq3A_201, %ne3A_202 : vector<16xi1>
        %jit3A_204 = arith.constant 0 : i32
        %broadcast_in_dim3A_205 = vector.broadcast %jit3A_204 : i32 to vector<16xi32>
        %select_n3A_206 = arith.select %or3A_203, %iota3A, %broadcast_in_dim3A_205 : vector<16xi1>, vector<16xi32>
        %broadcast_in_dim3A_207 = arith.constant true
        %broadcast_in_dim3A_208 = vector.broadcast %broadcast_in_dim3A_207 : i1 to vector<16xi1>
        %masked_cummax3A_209 = arith.constant -2147483648 : i32
        %masked_cummax3A_210 = vector.broadcast %masked_cummax3A_209 : i32 to vector<16xi32>
        %masked_cummax3A_211 = arith.xori %select_n3A_206, %masked_cummax3A_210 : vector<16xi32>
        %masked_cummax3A_212 = tpu.scan <max>, %masked_cummax3A_211 masked %broadcast_in_dim3A_208 : vector<16xi32>, vector<16xi1> -> vector<16xi32>
        %masked_cummax3A_213 = arith.xori %masked_cummax3A_212, %masked_cummax3A_210 : vector<16xi32>
        %sub3A_214 = arith.subf %masked_cumsum3A_189, %get3A_182 : vector<16xf32>
        %broadcast_in_dim3A_215 = vector.shape_cast %masked_cummax3A_213 : vector<16xi32> to vector<16x1xi32>
        %gather3A_216 = vector.shape_cast %broadcast_in_dim3A_215 : vector<16x1xi32> to vector<16xi32>
        %gather3A_217 = tpu.dynamic_gather %sub3A_214[%gather3A_216] in [0] : vector<16xf32>, vector<16xi32> -> vector<16xf32>
        %sub3A_218 = arith.subf %masked_cumsum3A_189, %gather3A_217 : vector<16xf32>
        %add3A_219 = arith.constant 1 : i32
        %add3A_220 = vector.broadcast %add3A_219 : i32 to vector<16xi32>
        %add3A_221 = arith.addi %iota3A, %add3A_220 : vector<16xi32>
        %min3A_222 = arith.constant 15 : i32
        %min3A_223 = vector.broadcast %min3A_222 : i32 to vector<16xi32>
        %min3A_224 = arith.minsi %add3A_221, %min3A_223 : vector<16xi32>
        %broadcast_in_dim3A_225 = vector.shape_cast %min3A_224 : vector<16xi32> to vector<16x1xi32>
        %gather3A_226 = vector.shape_cast %broadcast_in_dim3A_225 : vector<16x1xi32> to vector<16xi32>
        %gather3A_227 = tpu.dynamic_gather %get3A_186[%gather3A_226] in [0] : vector<16xi32>, vector<16xi32> -> vector<16xi32>
        %eq3A_228 = arith.constant 15 : i32
        %eq3A_229 = vector.broadcast %eq3A_228 : i32 to vector<16xi32>
        %eq3A_230 = arith.cmpi eq, %iota3A, %eq3A_229 : vector<16xi32>
        %ne3A_231 = arith.cmpi ne, %get3A_186, %gather3A_227 : vector<16xi32>
        %or3A_232 = arith.ori %eq3A_230, %ne3A_231 : vector<16xi1>
        tpu.vector_store_idx %arg14[%get3A_186], %sub3A_218 masked %or3A_232 {add = true} : memref<512xf32, #tpu.memory_space<vmem>>[vector<16xi32>], vector<16xf32>, vector<16xi1>
        %get3A_233 = arith.constant 0 : i32
        %get3A_234 = arith.index_cast %get3A_233 : i32 to index
        %get3A_235 = arith.constant 32 : index
        %get3A_236 = tpu.vector_load %arg11[%get3A_234, %get3A_235] {strides = array<i32>} : memref<2x128xf32, #tpu.memory_space<vmem>>, vector<16xf32>,
        %get3A_237 = arith.constant 0 : i32
        %get3A_238 = arith.index_cast %get3A_237 : i32 to index
        %get3A_239 = arith.constant 32 : index
        %get3A_240 = tpu.vector_load %arg12[%get3A_238, %get3A_239] {strides = array<i32>} : memref<2x128xi32, #tpu.memory_space<vmem>>, vector<16xi32>,
        %broadcast_in_dim3A_241 = arith.constant true
        %broadcast_in_dim3A_242 = vector.broadcast %broadcast_in_dim3A_241 : i1 to vector<16xi1>
        %masked_cumsum3A_243 = tpu.scan <sum>, %get3A_236 masked %broadcast_in_dim3A_242 : vector<16xf32>, vector<16xi1> -> vector<16xf32>
        %sub3A_244 = arith.constant 1 : i32
        %sub3A_245 = vector.broadcast %sub3A_244 : i32 to vector<16xi32>
        %sub3A_246 = arith.subi %iota3A, %sub3A_245 : vector<16xi32>
        %max3A_247 = arith.constant 0 : i32
        %max3A_248 = vector.broadcast %max3A_247 : i32 to vector<16xi32>
        %max3A_249 = arith.maxsi %sub3A_246, %max3A_248 : vector<16xi32>
        %broadcast_in_dim3A_250 = vector.shape_cast %max3A_249 : vector<16xi32> to vector<16x1xi32>
        %gather3A_251 = vector.shape_cast %broadcast_in_dim3A_250 : vector<16x1xi32> to vector<16xi32>
        %gather3A_252 = tpu.dynamic_gather %get3A_240[%gather3A_251] in [0] : vector<16xi32>, vector<16xi32> -> vector<16xi32>
        %eq3A_253 = arith.constant 0 : i32
        %eq3A_254 = vector.broadcast %eq3A_253 : i32 to vector<16xi32>
        %eq3A_255 = arith.cmpi eq, %iota3A, %eq3A_254 : vector<16xi32>
        %ne3A_256 = arith.cmpi ne, %get3A_240, %gather3A_252 : vector<16xi32>
        %or3A_257 = arith.ori %eq3A_255, %ne3A_256 : vector<16xi1>
        %jit3A_258 = arith.constant 0 : i32
        %broadcast_in_dim3A_259 = vector.broadcast %jit3A_258 : i32 to vector<16xi32>
        %select_n3A_260 = arith.select %or3A_257, %iota3A, %broadcast_in_dim3A_259 : vector<16xi1>, vector<16xi32>
        %broadcast_in_dim3A_261 = arith.constant true
        %broadcast_in_dim3A_262 = vector.broadcast %broadcast_in_dim3A_261 : i1 to vector<16xi1>
        %masked_cummax3A_263 = arith.constant -2147483648 : i32
        %masked_cummax3A_264 = vector.broadcast %masked_cummax3A_263 : i32 to vector<16xi32>
        %masked_cummax3A_265 = arith.xori %select_n3A_260, %masked_cummax3A_264 : vector<16xi32>
        %masked_cummax3A_266 = tpu.scan <max>, %masked_cummax3A_265 masked %broadcast_in_dim3A_262 : vector<16xi32>, vector<16xi1> -> vector<16xi32>
        %masked_cummax3A_267 = arith.xori %masked_cummax3A_266, %masked_cummax3A_264 : vector<16xi32>
        %sub3A_268 = arith.subf %masked_cumsum3A_243, %get3A_236 : vector<16xf32>
        %broadcast_in_dim3A_269 = vector.shape_cast %masked_cummax3A_267 : vector<16xi32> to vector<16x1xi32>
        %gather3A_270 = vector.shape_cast %broadcast_in_dim3A_269 : vector<16x1xi32> to vector<16xi32>
        %gather3A_271 = tpu.dynamic_gather %sub3A_268[%gather3A_270] in [0] : vector<16xf32>, vector<16xi32> -> vector<16xf32>
        %sub3A_272 = arith.subf %masked_cumsum3A_243, %gather3A_271 : vector<16xf32>
        %add3A_273 = arith.constant 1 : i32
        %add3A_274 = vector.broadcast %add3A_273 : i32 to vector<16xi32>
        %add3A_275 = arith.addi %iota3A, %add3A_274 : vector<16xi32>
        %min3A_276 = arith.constant 15 : i32
        %min3A_277 = vector.broadcast %min3A_276 : i32 to vector<16xi32>
        %min3A_278 = arith.minsi %add3A_275, %min3A_277 : vector<16xi32>
        %broadcast_in_dim3A_279 = vector.shape_cast %min3A_278 : vector<16xi32> to vector<16x1xi32>
        %gather3A_280 = vector.shape_cast %broadcast_in_dim3A_279 : vector<16x1xi32> to vector<16xi32>
        %gather3A_281 = tpu.dynamic_gather %get3A_240[%gather3A_280] in [0] : vector<16xi32>, vector<16xi32> -> vector<16xi32>
        %eq3A_282 = arith.constant 15 : i32
        %eq3A_283 = vector.broadcast %eq3A_282 : i32 to vector<16xi32>
        %eq3A_284 = arith.cmpi eq, %iota3A, %eq3A_283 : vector<16xi32>
        %ne3A_285 = arith.cmpi ne, %get3A_240, %gather3A_281 : vector<16xi32>
        %or3A_286 = arith.ori %eq3A_284, %ne3A_285 : vector<16xi1>
        tpu.vector_store_idx %arg14[%get3A_240], %sub3A_272 masked %or3A_286 {add = true} : memref<512xf32, #tpu.memory_space<vmem>>[vector<16xi32>], vector<16xf32>, vector<16xi1>
        %get3A_287 = arith.constant 0 : i32
        %get3A_288 = arith.index_cast %get3A_287 : i32 to index
        %get3A_289 = arith.constant 48 : index
        %get3A_290 = tpu.vector_load %arg11[%get3A_288, %get3A_289] {strides = array<i32>} : memref<2x128xf32, #tpu.memory_space<vmem>>, vector<16xf32>,
        %get3A_291 = arith.constant 0 : i32
        %get3A_292 = arith.index_cast %get3A_291 : i32 to index
        %get3A_293 = arith.constant 48 : index
        %get3A_294 = tpu.vector_load %arg12[%get3A_292, %get3A_293] {strides = array<i32>} : memref<2x128xi32, #tpu.memory_space<vmem>>, vector<16xi32>,
        %broadcast_in_dim3A_295 = arith.constant true
        %broadcast_in_dim3A_296 = vector.broadcast %broadcast_in_dim3A_295 : i1 to vector<16xi1>
        %masked_cumsum3A_297 = tpu.scan <sum>, %get3A_290 masked %broadcast_in_dim3A_296 : vector<16xf32>, vector<16xi1> -> vector<16xf32>
        %sub3A_298 = arith.constant 1 : i32
        %sub3A_299 = vector.broadcast %sub3A_298 : i32 to vector<16xi32>
        %sub3A_300 = arith.subi %iota3A, %sub3A_299 : vector<16xi32>
        %max3A_301 = arith.constant 0 : i32
        %max3A_302 = vector.broadcast %max3A_301 : i32 to vector<16xi32>
        %max3A_303 = arith.maxsi %sub3A_300, %max3A_302 : vector<16xi32>
        %broadcast_in_dim3A_304 = vector.shape_cast %max3A_303 : vector<16xi32> to vector<16x1xi32>
        %gather3A_305 = vector.shape_cast %broadcast_in_dim3A_304 : vector<16x1xi32> to vector<16xi32>
        %gather3A_306 = tpu.dynamic_gather %get3A_294[%gather3A_305] in [0] : vector<16xi32>, vector<16xi32> -> vector<16xi32>
        %eq3A_307 = arith.constant 0 : i32
        %eq3A_308 = vector.broadcast %eq3A_307 : i32 to vector<16xi32>
        %eq3A_309 = arith.cmpi eq, %iota3A, %eq3A_308 : vector<16xi32>
        %ne3A_310 = arith.cmpi ne, %get3A_294, %gather3A_306 : vector<16xi32>
        %or3A_311 = arith.ori %eq3A_309, %ne3A_310 : vector<16xi1>
        %jit3A_312 = arith.constant 0 : i32
        %broadcast_in_dim3A_313 = vector.broadcast %jit3A_312 : i32 to vector<16xi32>
        %select_n3A_314 = arith.select %or3A_311, %iota3A, %broadcast_in_dim3A_313 : vector<16xi1>, vector<16xi32>
        %broadcast_in_dim3A_315 = arith.constant true
        %broadcast_in_dim3A_316 = vector.broadcast %broadcast_in_dim3A_315 : i1 to vector<16xi1>
        %masked_cummax3A_317 = arith.constant -2147483648 : i32
        %masked_cummax3A_318 = vector.broadcast %masked_cummax3A_317 : i32 to vector<16xi32>
        %masked_cummax3A_319 = arith.xori %select_n3A_314, %masked_cummax3A_318 : vector<16xi32>
        %masked_cummax3A_320 = tpu.scan <max>, %masked_cummax3A_319 masked %broadcast_in_dim3A_316 : vector<16xi32>, vector<16xi1> -> vector<16xi32>
        %masked_cummax3A_321 = arith.xori %masked_cummax3A_320, %masked_cummax3A_318 : vector<16xi32>
        %sub3A_322 = arith.subf %masked_cumsum3A_297, %get3A_290 : vector<16xf32>
        %broadcast_in_dim3A_323 = vector.shape_cast %masked_cummax3A_321 : vector<16xi32> to vector<16x1xi32>
        %gather3A_324 = vector.shape_cast %broadcast_in_dim3A_323 : vector<16x1xi32> to vector<16xi32>
        %gather3A_325 = tpu.dynamic_gather %sub3A_322[%gather3A_324] in [0] : vector<16xf32>, vector<16xi32> -> vector<16xf32>
        %sub3A_326 = arith.subf %masked_cumsum3A_297, %gather3A_325 : vector<16xf32>
        %add3A_327 = arith.constant 1 : i32
        %add3A_328 = vector.broadcast %add3A_327 : i32 to vector<16xi32>
        %add3A_329 = arith.addi %iota3A, %add3A_328 : vector<16xi32>
        %min3A_330 = arith.constant 15 : i32
        %min3A_331 = vector.broadcast %min3A_330 : i32 to vector<16xi32>
        %min3A_332 = arith.minsi %add3A_329, %min3A_331 : vector<16xi32>
        %broadcast_in_dim3A_333 = vector.shape_cast %min3A_332 : vector<16xi32> to vector<16x1xi32>
        %gather3A_334 = vector.shape_cast %broadcast_in_dim3A_333 : vector<16x1xi32> to vector<16xi32>
        %gather3A_335 = tpu.dynamic_gather %get3A_294[%gather3A_334] in [0] : vector<16xi32>, vector<16xi32> -> vector<16xi32>
        %eq3A_336 = arith.constant 15 : i32
        %eq3A_337 = vector.broadcast %eq3A_336 : i32 to vector<16xi32>
        %eq3A_338 = arith.cmpi eq, %iota3A, %eq3A_337 : vector<16xi32>
        %ne3A_339 = arith.cmpi ne, %get3A_294, %gather3A_335 : vector<16xi32>
        %or3A_340 = arith.ori %eq3A_338, %ne3A_339 : vector<16xi1>
        tpu.vector_store_idx %arg14[%get3A_294], %sub3A_326 masked %or3A_340 {add = true} : memref<512xf32, #tpu.memory_space<vmem>>[vector<16xi32>], vector<16xf32>, vector<16xi1>
        %get3A_341 = arith.constant 0 : i32
        %get3A_342 = arith.index_cast %get3A_341 : i32 to index
        %get3A_343 = arith.constant 64 : index
        %get3A_344 = tpu.vector_load %arg11[%get3A_342, %get3A_343] {strides = array<i32>} : memref<2x128xf32, #tpu.memory_space<vmem>>, vector<16xf32>,
        %get3A_345 = arith.constant 0 : i32
        %get3A_346 = arith.index_cast %get3A_345 : i32 to index
        %get3A_347 = arith.constant 64 : index
        %get3A_348 = tpu.vector_load %arg12[%get3A_346, %get3A_347] {strides = array<i32>} : memref<2x128xi32, #tpu.memory_space<vmem>>, vector<16xi32>,
        %broadcast_in_dim3A_349 = arith.constant true
        %broadcast_in_dim3A_350 = vector.broadcast %broadcast_in_dim3A_349 : i1 to vector<16xi1>
        %masked_cumsum3A_351 = tpu.scan <sum>, %get3A_344 masked %broadcast_in_dim3A_350 : vector<16xf32>, vector<16xi1> -> vector<16xf32>
        %sub3A_352 = arith.constant 1 : i32
        %sub3A_353 = vector.broadcast %sub3A_352 : i32 to vector<16xi32>
        %sub3A_354 = arith.subi %iota3A, %sub3A_353 : vector<16xi32>
        %max3A_355 = arith.constant 0 : i32
        %max3A_356 = vector.broadcast %max3A_355 : i32 to vector<16xi32>
        %max3A_357 = arith.maxsi %sub3A_354, %max3A_356 : vector<16xi32>
        %broadcast_in_dim3A_358 = vector.shape_cast %max3A_357 : vector<16xi32> to vector<16x1xi32>
        %gather3A_359 = vector.shape_cast %broadcast_in_dim3A_358 : vector<16x1xi32> to vector<16xi32>
        %gather3A_360 = tpu.dynamic_gather %get3A_348[%gather3A_359] in [0] : vector<16xi32>, vector<16xi32> -> vector<16xi32>
        %eq3A_361 = arith.constant 0 : i32
        %eq3A_362 = vector.broadcast %eq3A_361 : i32 to vector<16xi32>
        %eq3A_363 = arith.cmpi eq, %iota3A, %eq3A_362 : vector<16xi32>
        %ne3A_364 = arith.cmpi ne, %get3A_348, %gather3A_360 : vector<16xi32>
        %or3A_365 = arith.ori %eq3A_363, %ne3A_364 : vector<16xi1>
        %jit3A_366 = arith.constant 0 : i32
        %broadcast_in_dim3A_367 = vector.broadcast %jit3A_366 : i32 to vector<16xi32>
        %select_n3A_368 = arith.select %or3A_365, %iota3A, %broadcast_in_dim3A_367 : vector<16xi1>, vector<16xi32>
        %broadcast_in_dim3A_369 = arith.constant true
        %broadcast_in_dim3A_370 = vector.broadcast %broadcast_in_dim3A_369 : i1 to vector<16xi1>
        %masked_cummax3A_371 = arith.constant -2147483648 : i32
        %masked_cummax3A_372 = vector.broadcast %masked_cummax3A_371 : i32 to vector<16xi32>
        %masked_cummax3A_373 = arith.xori %select_n3A_368, %masked_cummax3A_372 : vector<16xi32>
        %masked_cummax3A_374 = tpu.scan <max>, %masked_cummax3A_373 masked %broadcast_in_dim3A_370 : vector<16xi32>, vector<16xi1> -> vector<16xi32>
        %masked_cummax3A_375 = arith.xori %masked_cummax3A_374, %masked_cummax3A_372 : vector<16xi32>
        %sub3A_376 = arith.subf %masked_cumsum3A_351, %get3A_344 : vector<16xf32>
        %broadcast_in_dim3A_377 = vector.shape_cast %masked_cummax3A_375 : vector<16xi32> to vector<16x1xi32>
        %gather3A_378 = vector.shape_cast %broadcast_in_dim3A_377 : vector<16x1xi32> to vector<16xi32>
        %gather3A_379 = tpu.dynamic_gather %sub3A_376[%gather3A_378] in [0] : vector<16xf32>, vector<16xi32> -> vector<16xf32>
        %sub3A_380 = arith.subf %masked_cumsum3A_351, %gather3A_379 : vector<16xf32>
        %add3A_381 = arith.constant 1 : i32
        %add3A_382 = vector.broadcast %add3A_381 : i32 to vector<16xi32>
        %add3A_383 = arith.addi %iota3A, %add3A_382 : vector<16xi32>
        %min3A_384 = arith.constant 15 : i32
        %min3A_385 = vector.broadcast %min3A_384 : i32 to vector<16xi32>
        %min3A_386 = arith.minsi %add3A_383, %min3A_385 : vector<16xi32>
        %broadcast_in_dim3A_387 = vector.shape_cast %min3A_386 : vector<16xi32> to vector<16x1xi32>
        %gather3A_388 = vector.shape_cast %broadcast_in_dim3A_387 : vector<16x1xi32> to vector<16xi32>
        %gather3A_389 = tpu.dynamic_gather %get3A_348[%gather3A_388] in [0] : vector<16xi32>, vector<16xi32> -> vector<16xi32>
        %eq3A_390 = arith.constant 15 : i32
        %eq3A_391 = vector.broadcast %eq3A_390 : i32 to vector<16xi32>
        %eq3A_392 = arith.cmpi eq, %iota3A, %eq3A_391 : vector<16xi32>
        %ne3A_393 = arith.cmpi ne, %get3A_348, %gather3A_389 : vector<16xi32>
        %or3A_394 = arith.ori %eq3A_392, %ne3A_393 : vector<16xi1>
        tpu.vector_store_idx %arg14[%get3A_348], %sub3A_380 masked %or3A_394 {add = true} : memref<512xf32, #tpu.memory_space<vmem>>[vector<16xi32>], vector<16xf32>, vector<16xi1>
        %get3A_395 = arith.constant 0 : i32
        %get3A_396 = arith.index_cast %get3A_395 : i32 to index
        %get3A_397 = arith.constant 80 : index
        %get3A_398 = tpu.vector_load %arg11[%get3A_396, %get3A_397] {strides = array<i32>} : memref<2x128xf32, #tpu.memory_space<vmem>>, vector<16xf32>,
        %get3A_399 = arith.constant 0 : i32
        %get3A_400 = arith.index_cast %get3A_399 : i32 to index
        %get3A_401 = arith.constant 80 : index
        %get3A_402 = tpu.vector_load %arg12[%get3A_400, %get3A_401] {strides = array<i32>} : memref<2x128xi32, #tpu.memory_space<vmem>>, vector<16xi32>,
        %broadcast_in_dim3A_403 = arith.constant true
        %broadcast_in_dim3A_404 = vector.broadcast %broadcast_in_dim3A_403 : i1 to vector<16xi1>
        %masked_cumsum3A_405 = tpu.scan <sum>, %get3A_398 masked %broadcast_in_dim3A_404 : vector<16xf32>, vector<16xi1> -> vector<16xf32>
        %sub3A_406 = arith.constant 1 : i32
        %sub3A_407 = vector.broadcast %sub3A_406 : i32 to vector<16xi32>
        %sub3A_408 = arith.subi %iota3A, %sub3A_407 : vector<16xi32>
        %max3A_409 = arith.constant 0 : i32
        %max3A_410 = vector.broadcast %max3A_409 : i32 to vector<16xi32>
        %max3A_411 = arith.maxsi %sub3A_408, %max3A_410 : vector<16xi32>
        %broadcast_in_dim3A_412 = vector.shape_cast %max3A_411 : vector<16xi32> to vector<16x1xi32>
        %gather3A_413 = vector.shape_cast %broadcast_in_dim3A_412 : vector<16x1xi32> to vector<16xi32>
        %gather3A_414 = tpu.dynamic_gather %get3A_402[%gather3A_413] in [0] : vector<16xi32>, vector<16xi32> -> vector<16xi32>
        %eq3A_415 = arith.constant 0 : i32
        %eq3A_416 = vector.broadcast %eq3A_415 : i32 to vector<16xi32>
        %eq3A_417 = arith.cmpi eq, %iota3A, %eq3A_416 : vector<16xi32>
        %ne3A_418 = arith.cmpi ne, %get3A_402, %gather3A_414 : vector<16xi32>
        %or3A_419 = arith.ori %eq3A_417, %ne3A_418 : vector<16xi1>
        %jit3A_420 = arith.constant 0 : i32
        %broadcast_in_dim3A_421 = vector.broadcast %jit3A_420 : i32 to vector<16xi32>
        %select_n3A_422 = arith.select %or3A_419, %iota3A, %broadcast_in_dim3A_421 : vector<16xi1>, vector<16xi32>
        %broadcast_in_dim3A_423 = arith.constant true
        %broadcast_in_dim3A_424 = vector.broadcast %broadcast_in_dim3A_423 : i1 to vector<16xi1>
        %masked_cummax3A_425 = arith.constant -2147483648 : i32
        %masked_cummax3A_426 = vector.broadcast %masked_cummax3A_425 : i32 to vector<16xi32>
        %masked_cummax3A_427 = arith.xori %select_n3A_422, %masked_cummax3A_426 : vector<16xi32>
        %masked_cummax3A_428 = tpu.scan <max>, %masked_cummax3A_427 masked %broadcast_in_dim3A_424 : vector<16xi32>, vector<16xi1> -> vector<16xi32>
        %masked_cummax3A_429 = arith.xori %masked_cummax3A_428, %masked_cummax3A_426 : vector<16xi32>
        %sub3A_430 = arith.subf %masked_cumsum3A_405, %get3A_398 : vector<16xf32>
        %broadcast_in_dim3A_431 = vector.shape_cast %masked_cummax3A_429 : vector<16xi32> to vector<16x1xi32>
        %gather3A_432 = vector.shape_cast %broadcast_in_dim3A_431 : vector<16x1xi32> to vector<16xi32>
        %gather3A_433 = tpu.dynamic_gather %sub3A_430[%gather3A_432] in [0] : vector<16xf32>, vector<16xi32> -> vector<16xf32>
        %sub3A_434 = arith.subf %masked_cumsum3A_405, %gather3A_433 : vector<16xf32>
        %add3A_435 = arith.constant 1 : i32
        %add3A_436 = vector.broadcast %add3A_435 : i32 to vector<16xi32>
        %add3A_437 = arith.addi %iota3A, %add3A_436 : vector<16xi32>
        %min3A_438 = arith.constant 15 : i32
        %min3A_439 = vector.broadcast %min3A_438 : i32 to vector<16xi32>
        %min3A_440 = arith.minsi %add3A_437, %min3A_439 : vector<16xi32>
        %broadcast_in_dim3A_441 = vector.shape_cast %min3A_440 : vector<16xi32> to vector<16x1xi32>
        %gather3A_442 = vector.shape_cast %broadcast_in_dim3A_441 : vector<16x1xi32> to vector<16xi32>
        %gather3A_443 = tpu.dynamic_gather %get3A_402[%gather3A_442] in [0] : vector<16xi32>, vector<16xi32> -> vector<16xi32>
        %eq3A_444 = arith.constant 15 : i32
        %eq3A_445 = vector.broadcast %eq3A_444 : i32 to vector<16xi32>
        %eq3A_446 = arith.cmpi eq, %iota3A, %eq3A_445 : vector<16xi32>
        %ne3A_447 = arith.cmpi ne, %get3A_402, %gather3A_443 : vector<16xi32>
        %or3A_448 = arith.ori %eq3A_446, %ne3A_447 : vector<16xi1>
        tpu.vector_store_idx %arg14[%get3A_402], %sub3A_434 masked %or3A_448 {add = true} : memref<512xf32, #tpu.memory_space<vmem>>[vector<16xi32>], vector<16xf32>, vector<16xi1>
        %get3A_449 = arith.constant 0 : i32
        %get3A_450 = arith.index_cast %get3A_449 : i32 to index
        %get3A_451 = arith.constant 96 : index
        %get3A_452 = tpu.vector_load %arg11[%get3A_450, %get3A_451] {strides = array<i32>} : memref<2x128xf32, #tpu.memory_space<vmem>>, vector<16xf32>,
        %get3A_453 = arith.constant 0 : i32
        %get3A_454 = arith.index_cast %get3A_453 : i32 to index
        %get3A_455 = arith.constant 96 : index
        %get3A_456 = tpu.vector_load %arg12[%get3A_454, %get3A_455] {strides = array<i32>} : memref<2x128xi32, #tpu.memory_space<vmem>>, vector<16xi32>,
        %broadcast_in_dim3A_457 = arith.constant true
        %broadcast_in_dim3A_458 = vector.broadcast %broadcast_in_dim3A_457 : i1 to vector<16xi1>
        %masked_cumsum3A_459 = tpu.scan <sum>, %get3A_452 masked %broadcast_in_dim3A_458 : vector<16xf32>, vector<16xi1> -> vector<16xf32>
        %sub3A_460 = arith.constant 1 : i32
        %sub3A_461 = vector.broadcast %sub3A_460 : i32 to vector<16xi32>
        %sub3A_462 = arith.subi %iota3A, %sub3A_461 : vector<16xi32>
        %max3A_463 = arith.constant 0 : i32
        %max3A_464 = vector.broadcast %max3A_463 : i32 to vector<16xi32>
        %max3A_465 = arith.maxsi %sub3A_462, %max3A_464 : vector<16xi32>
        %broadcast_in_dim3A_466 = vector.shape_cast %max3A_465 : vector<16xi32> to vector<16x1xi32>
        %gather3A_467 = vector.shape_cast %broadcast_in_dim3A_466 : vector<16x1xi32> to vector<16xi32>
        %gather3A_468 = tpu.dynamic_gather %get3A_456[%gather3A_467] in [0] : vector<16xi32>, vector<16xi32> -> vector<16xi32>
        %eq3A_469 = arith.constant 0 : i32
        %eq3A_470 = vector.broadcast %eq3A_469 : i32 to vector<16xi32>
        %eq3A_471 = arith.cmpi eq, %iota3A, %eq3A_470 : vector<16xi32>
        %ne3A_472 = arith.cmpi ne, %get3A_456, %gather3A_468 : vector<16xi32>
        %or3A_473 = arith.ori %eq3A_471, %ne3A_472 : vector<16xi1>
        %jit3A_474 = arith.constant 0 : i32
        %broadcast_in_dim3A_475 = vector.broadcast %jit3A_474 : i32 to vector<16xi32>
        %select_n3A_476 = arith.select %or3A_473, %iota3A, %broadcast_in_dim3A_475 : vector<16xi1>, vector<16xi32>
        %broadcast_in_dim3A_477 = arith.constant true
        %broadcast_in_dim3A_478 = vector.broadcast %broadcast_in_dim3A_477 : i1 to vector<16xi1>
        %masked_cummax3A_479 = arith.constant -2147483648 : i32
        %masked_cummax3A_480 = vector.broadcast %masked_cummax3A_479 : i32 to vector<16xi32>
        %masked_cummax3A_481 = arith.xori %select_n3A_476, %masked_cummax3A_480 : vector<16xi32>
        %masked_cummax3A_482 = tpu.scan <max>, %masked_cummax3A_481 masked %broadcast_in_dim3A_478 : vector<16xi32>, vector<16xi1> -> vector<16xi32>
        %masked_cummax3A_483 = arith.xori %masked_cummax3A_482, %masked_cummax3A_480 : vector<16xi32>
        %sub3A_484 = arith.subf %masked_cumsum3A_459, %get3A_452 : vector<16xf32>
        %broadcast_in_dim3A_485 = vector.shape_cast %masked_cummax3A_483 : vector<16xi32> to vector<16x1xi32>
        %gather3A_486 = vector.shape_cast %broadcast_in_dim3A_485 : vector<16x1xi32> to vector<16xi32>
        %gather3A_487 = tpu.dynamic_gather %sub3A_484[%gather3A_486] in [0] : vector<16xf32>, vector<16xi32> -> vector<16xf32>
        %sub3A_488 = arith.subf %masked_cumsum3A_459, %gather3A_487 : vector<16xf32>
        %add3A_489 = arith.constant 1 : i32
        %add3A_490 = vector.broadcast %add3A_489 : i32 to vector<16xi32>
        %add3A_491 = arith.addi %iota3A, %add3A_490 : vector<16xi32>
        %min3A_492 = arith.constant 15 : i32
        %min3A_493 = vector.broadcast %min3A_492 : i32 to vector<16xi32>
        %min3A_494 = arith.minsi %add3A_491, %min3A_493 : vector<16xi32>
        %broadcast_in_dim3A_495 = vector.shape_cast %min3A_494 : vector<16xi32> to vector<16x1xi32>
        %gather3A_496 = vector.shape_cast %broadcast_in_dim3A_495 : vector<16x1xi32> to vector<16xi32>
        %gather3A_497 = tpu.dynamic_gather %get3A_456[%gather3A_496] in [0] : vector<16xi32>, vector<16xi32> -> vector<16xi32>
        %eq3A_498 = arith.constant 15 : i32
        %eq3A_499 = vector.broadcast %eq3A_498 : i32 to vector<16xi32>
        %eq3A_500 = arith.cmpi eq, %iota3A, %eq3A_499 : vector<16xi32>
        %ne3A_501 = arith.cmpi ne, %get3A_456, %gather3A_497 : vector<16xi32>
        %or3A_502 = arith.ori %eq3A_500, %ne3A_501 : vector<16xi1>
        tpu.vector_store_idx %arg14[%get3A_456], %sub3A_488 masked %or3A_502 {add = true} : memref<512xf32, #tpu.memory_space<vmem>>[vector<16xi32>], vector<16xf32>, vector<16xi1>
        %get3A_503 = arith.constant 0 : i32
        %get3A_504 = arith.index_cast %get3A_503 : i32 to index
        %get3A_505 = arith.constant 112 : index
        %get3A_506 = tpu.vector_load %arg11[%get3A_504, %get3A_505] {strides = array<i32>} : memref<2x128xf32, #tpu.memory_space<vmem>>, vector<16xf32>,
        %get3A_507 = arith.constant 0 : i32
        %get3A_508 = arith.index_cast %get3A_507 : i32 to index
        %get3A_509 = arith.constant 112 : index
        %get3A_510 = tpu.vector_load %arg12[%get3A_508, %get3A_509] {strides = array<i32>} : memref<2x128xi32, #tpu.memory_space<vmem>>, vector<16xi32>,
        %broadcast_in_dim3A_511 = arith.constant true
        %broadcast_in_dim3A_512 = vector.broadcast %broadcast_in_dim3A_511 : i1 to vector<16xi1>
        %masked_cumsum3A_513 = tpu.scan <sum>, %get3A_506 masked %broadcast_in_dim3A_512 : vector<16xf32>, vector<16xi1> -> vector<16xf32>
        %sub3A_514 = arith.constant 1 : i32
        %sub3A_515 = vector.broadcast %sub3A_514 : i32 to vector<16xi32>
        %sub3A_516 = arith.subi %iota3A, %sub3A_515 : vector<16xi32>
        %max3A_517 = arith.constant 0 : i32
        %max3A_518 = vector.broadcast %max3A_517 : i32 to vector<16xi32>
        %max3A_519 = arith.maxsi %sub3A_516, %max3A_518 : vector<16xi32>
        %broadcast_in_dim3A_520 = vector.shape_cast %max3A_519 : vector<16xi32> to vector<16x1xi32>
        %gather3A_521 = vector.shape_cast %broadcast_in_dim3A_520 : vector<16x1xi32> to vector<16xi32>
        %gather3A_522 = tpu.dynamic_gather %get3A_510[%gather3A_521] in [0] : vector<16xi32>, vector<16xi32> -> vector<16xi32>
        %eq3A_523 = arith.constant 0 : i32
        %eq3A_524 = vector.broadcast %eq3A_523 : i32 to vector<16xi32>
        %eq3A_525 = arith.cmpi eq, %iota3A, %eq3A_524 : vector<16xi32>
        %ne3A_526 = arith.cmpi ne, %get3A_510, %gather3A_522 : vector<16xi32>
        %or3A_527 = arith.ori %eq3A_525, %ne3A_526 : vector<16xi1>
        %jit3A_528 = arith.constant 0 : i32
        %broadcast_in_dim3A_529 = vector.broadcast %jit3A_528 : i32 to vector<16xi32>
        %select_n3A_530 = arith.select %or3A_527, %iota3A, %broadcast_in_dim3A_529 : vector<16xi1>, vector<16xi32>
        %broadcast_in_dim3A_531 = arith.constant true
        %broadcast_in_dim3A_532 = vector.broadcast %broadcast_in_dim3A_531 : i1 to vector<16xi1>
        %masked_cummax3A_533 = arith.constant -2147483648 : i32
        %masked_cummax3A_534 = vector.broadcast %masked_cummax3A_533 : i32 to vector<16xi32>
        %masked_cummax3A_535 = arith.xori %select_n3A_530, %masked_cummax3A_534 : vector<16xi32>
        %masked_cummax3A_536 = tpu.scan <max>, %masked_cummax3A_535 masked %broadcast_in_dim3A_532 : vector<16xi32>, vector<16xi1> -> vector<16xi32>
        %masked_cummax3A_537 = arith.xori %masked_cummax3A_536, %masked_cummax3A_534 : vector<16xi32>
        %sub3A_538 = arith.subf %masked_cumsum3A_513, %get3A_506 : vector<16xf32>
        %broadcast_in_dim3A_539 = vector.shape_cast %masked_cummax3A_537 : vector<16xi32> to vector<16x1xi32>
        %gather3A_540 = vector.shape_cast %broadcast_in_dim3A_539 : vector<16x1xi32> to vector<16xi32>
        %gather3A_541 = tpu.dynamic_gather %sub3A_538[%gather3A_540] in [0] : vector<16xf32>, vector<16xi32> -> vector<16xf32>
        %sub3A_542 = arith.subf %masked_cumsum3A_513, %gather3A_541 : vector<16xf32>
        %add3A_543 = arith.constant 1 : i32
        %add3A_544 = vector.broadcast %add3A_543 : i32 to vector<16xi32>
        %add3A_545 = arith.addi %iota3A, %add3A_544 : vector<16xi32>
        %min3A_546 = arith.constant 15 : i32
        %min3A_547 = vector.broadcast %min3A_546 : i32 to vector<16xi32>
        %min3A_548 = arith.minsi %add3A_545, %min3A_547 : vector<16xi32>
        %broadcast_in_dim3A_549 = vector.shape_cast %min3A_548 : vector<16xi32> to vector<16x1xi32>
        %gather3A_550 = vector.shape_cast %broadcast_in_dim3A_549 : vector<16x1xi32> to vector<16xi32>
        %gather3A_551 = tpu.dynamic_gather %get3A_510[%gather3A_550] in [0] : vector<16xi32>, vector<16xi32> -> vector<16xi32>
        %eq3A_552 = arith.constant 15 : i32
        %eq3A_553 = vector.broadcast %eq3A_552 : i32 to vector<16xi32>
        %eq3A_554 = arith.cmpi eq, %iota3A, %eq3A_553 : vector<16xi32>
        %ne3A_555 = arith.cmpi ne, %get3A_510, %gather3A_551 : vector<16xi32>
        %or3A_556 = arith.ori %eq3A_554, %ne3A_555 : vector<16xi1>
        tpu.vector_store_idx %arg14[%get3A_510], %sub3A_542 masked %or3A_556 {add = true} : memref<512xf32, #tpu.memory_space<vmem>>[vector<16xi32>], vector<16xf32>, vector<16xi1>
      } else {
      }
      %jit3A_68 = arith.constant 2 : i32
      %eq3A_69 = arith.constant 0 : i32
      %eq3A_70 = arith.cmpi eq, %jit3A_68, %eq3A_69 : i32
      %jit3A_71 = arith.constant 1 : i32
      %select_n3A_72 = arith.select %eq3A_70, %jit3A_71, %jit3A_68 : i32
      %rem3A_73 = arith.remsi %add3A_55, %select_n3A_72 : i32
      %ne3A_74 = arith.constant 0 : i32
      %ne3A_75 = arith.cmpi ne, %rem3A_73, %ne3A_74 : i32
      %lt3A_76 = arith.constant 0 : i32
      %lt3A_77 = arith.cmpi slt, %rem3A_73, %lt3A_76 : i32
      %lt3A_78 = arith.constant 0 : i32
      %lt3A_79 = arith.cmpi slt, %select_n3A_72, %lt3A_78 : i32
      %ne3A_80 = arith.xori %lt3A_77, %lt3A_79 : i1
      %and3A_81 = arith.andi %ne3A_80, %ne3A_75 : i1
      %add3A_82 = arith.addi %rem3A_73, %select_n3A_72 : i32
      %select_n3A_83 = arith.select %and3A_81, %add3A_82, %rem3A_73 : i32
      %eq3A_84 = arith.constant 1 : i32
      %eq3A_85 = arith.cmpi eq, %select_n3A_83, %eq3A_84 : i32
      %convert_element_type3A_86 = arith.extui %eq3A_85 : i1 to i32
      %cond3A_87 = arith.constant 0 : i32
      %cond3A_88 = arith.cmpi ne, %convert_element_type3A_86, %cond3A_87 : i32
      scf.if %cond3A_88 {
        %add3A_89 = arith.constant 1 : i32
        %add3A_90 = arith.addi %add3A_55, %add3A_89 : i32
        %lt3A_91 = arith.constant 12 : i32
        %lt3A_92 = arith.cmpi slt, %add3A_90, %lt3A_91 : i32
        %convert_element_type3A_93 = arith.extui %lt3A_92 : i1 to i32
        %cond3A_94 = arith.constant 0 : i32
        %cond3A_95 = arith.cmpi ne, %convert_element_type3A_93, %cond3A_94 : i32
        scf.if %cond3A_95 {
          %add3A_557 = arith.constant 1 : i32
          %add3A_558 = arith.addi %add3A_55, %add3A_557 : i32
          %mul3A_559 = arith.constant 1536 : i32
          %mul3A_560 = arith.muli %add3A, %mul3A_559 : i32
          %mul3A_561 = arith.constant 128 : i32
          %mul3A_562 = arith.muli %add3A_558, %mul3A_561 : i32
          %add3A_563 = arith.addi %mul3A_560, %mul3A_562 : i32
          %add3A_564 = arith.constant 0 : i32
          %add3A_565 = arith.addi %add3A_564, %add3A_563 : i32
          %dma_start3A_566 = arith.constant 0 : i32
          %dma_start3A_567 = arith.constant 0 : i32
          %dma_start3A_568 = tpu.memref_slice %arg12[%dma_start3A_566, %dma_start3A_567] : memref<2x128xi32, #tpu.memory_space<vmem>> -> memref<1x128xi32, #tpu.memory_space<vmem>>
          %dma_start3A_569 = tpu.memref_squeeze %dma_start3A_568 : memref<1x128xi32, #tpu.memory_space<vmem>> -> memref<128xi32, #tpu.memory_space<vmem>>
          %dma_start3A_570 = tpu.memref_slice %arg6[%add3A_565] : memref<102400xi32, #tpu.memory_space<hbm>> -> memref<128xi32, #tpu.memory_space<hbm>>
          %dma_start3A_571 = arith.constant 0 : i32
          %dma_start3A_572 = tpu.memref_slice %arg12[%dma_start3A_566, %dma_start3A_571] : memref<2x128xi32, #tpu.memory_space<vmem>> -> memref<1x128xi32, #tpu.memory_space<vmem>>
          %dma_start3A_573 = tpu.memref_squeeze %dma_start3A_572 : memref<1x128xi32, #tpu.memory_space<vmem>> -> memref<128xi32, #tpu.memory_space<vmem>>
          %dma_start3A_574 = tpu.memref_slice %arg6[%add3A_565] : memref<102400xi32, #tpu.memory_space<hbm>> -> memref<128xi32, #tpu.memory_space<hbm>>
          tpu.enqueue_dma source(%dma_start3A_574 : memref<128xi32, #tpu.memory_space<hbm>>) target(%dma_start3A_573 : memref<128xi32, #tpu.memory_space<vmem>>) target_semaphore(%arg16 : memref<!tpu.dma_semaphore, #tpu.memory_space<semaphore_mem>>)
          %dma_start3A_575 = arith.constant 0 : i32
          %dma_start3A_576 = arith.constant 0 : i32
          %dma_start3A_577 = arith.constant 0 : i32
          %dma_start3A_578 = tpu.memref_slice %arg10[%dma_start3A_575, %dma_start3A_576, %dma_start3A_577] : memref<2x128x128xf32, #tpu.memory_space<vmem>> -> memref<1x128x128xf32, #tpu.memory_space<vmem>>
          %dma_start3A_579 = tpu.memref_squeeze %dma_start3A_578 : memref<1x128x128xf32, #tpu.memory_space<vmem>> -> memref<128x128xf32, #tpu.memory_space<vmem>>
          %dma_start3A_580 = arith.constant 0 : i32
          %dma_start3A_581 = tpu.memref_slice %arg2[%add3A_563, %dma_start3A_580] : memref<49152x128xf32, #tpu.memory_space<hbm>> -> memref<128x128xf32, #tpu.memory_space<hbm>>
          %dma_start3A_582 = arith.constant 0 : i32
          %dma_start3A_583 = arith.constant 0 : i32
          %dma_start3A_584 = tpu.memref_slice %arg10[%dma_start3A_575, %dma_start3A_582, %dma_start3A_583] : memref<2x128x128xf32, #tpu.memory_space<vmem>> -> memref<1x128x128xf32, #tpu.memory_space<vmem>>
          %dma_start3A_585 = tpu.memref_squeeze %dma_start3A_584 : memref<1x128x128xf32, #tpu.memory_space<vmem>> -> memref<128x128xf32, #tpu.memory_space<vmem>>
          %dma_start3A_586 = arith.constant 0 : i32
          %dma_start3A_587 = tpu.memref_slice %arg2[%add3A_563, %dma_start3A_586] : memref<49152x128xf32, #tpu.memory_space<hbm>> -> memref<128x128xf32, #tpu.memory_space<hbm>>
          tpu.enqueue_dma source(%dma_start3A_587 : memref<128x128xf32, #tpu.memory_space<hbm>>) target(%dma_start3A_585 : memref<128x128xf32, #tpu.memory_space<vmem>>) target_semaphore(%arg16 : memref<!tpu.dma_semaphore, #tpu.memory_space<semaphore_mem>>)
          %dma_start3A_588 = arith.constant 0 : i32
          %dma_start3A_589 = arith.constant 0 : i32
          %dma_start3A_590 = tpu.memref_slice %arg11[%dma_start3A_588, %dma_start3A_589] : memref<2x128xf32, #tpu.memory_space<vmem>> -> memref<1x128xf32, #tpu.memory_space<vmem>>
          %dma_start3A_591 = tpu.memref_squeeze %dma_start3A_590 : memref<1x128xf32, #tpu.memory_space<vmem>> -> memref<128xf32, #tpu.memory_space<vmem>>
          %dma_start3A_592 = tpu.memref_slice %arg3[%add3A_563] : memref<49152xf32, #tpu.memory_space<hbm>> -> memref<128xf32, #tpu.memory_space<hbm>>
          %dma_start3A_593 = arith.constant 0 : i32
          %dma_start3A_594 = tpu.memref_slice %arg11[%dma_start3A_588, %dma_start3A_593] : memref<2x128xf32, #tpu.memory_space<vmem>> -> memref<1x128xf32, #tpu.memory_space<vmem>>
          %dma_start3A_595 = tpu.memref_squeeze %dma_start3A_594 : memref<1x128xf32, #tpu.memory_space<vmem>> -> memref<128xf32, #tpu.memory_space<vmem>>
          %dma_start3A_596 = tpu.memref_slice %arg3[%add3A_563] : memref<49152xf32, #tpu.memory_space<hbm>> -> memref<128xf32, #tpu.memory_space<hbm>>
          tpu.enqueue_dma source(%dma_start3A_596 : memref<128xf32, #tpu.memory_space<hbm>>) target(%dma_start3A_595 : memref<128xf32, #tpu.memory_space<vmem>>) target_semaphore(%arg16 : memref<!tpu.dma_semaphore, #tpu.memory_space<semaphore_mem>>)
        } else {
        }
        %mul3A_96 = arith.constant 1536 : i32
        %mul3A_97 = arith.muli %add3A, %mul3A_96 : i32
        %mul3A_98 = arith.constant 128 : i32
        %mul3A_99 = arith.muli %add3A_55, %mul3A_98 : i32
        %add3A_100 = arith.addi %mul3A_97, %mul3A_99 : i32
        %add3A_101 = arith.constant 0 : i32
        %add3A_102 = arith.addi %add3A_101, %add3A_100 : i32
        %dma_wait3A = arith.constant 1 : i32
        %dma_wait3A_103 = arith.constant 0 : i32
        %dma_wait3A_104 = tpu.memref_slice %arg12[%dma_wait3A, %dma_wait3A_103] : memref<2x128xi32, #tpu.memory_space<vmem>> -> memref<1x128xi32, #tpu.memory_space<vmem>>
        %dma_wait3A_105 = tpu.memref_squeeze %dma_wait3A_104 : memref<1x128xi32, #tpu.memory_space<vmem>> -> memref<128xi32, #tpu.memory_space<vmem>>
        %dma_wait3A_106 = tpu.memref_slice %arg6[%add3A_102] : memref<102400xi32, #tpu.memory_space<hbm>> -> memref<128xi32, #tpu.memory_space<hbm>>
        %dma_wait3A_107 = arith.constant 0 : i32
        %dma_wait3A_108 = tpu.memref_slice %arg12[%dma_wait3A, %dma_wait3A_107] : memref<2x128xi32, #tpu.memory_space<vmem>> -> memref<1x128xi32, #tpu.memory_space<vmem>>
        %dma_wait3A_109 = tpu.memref_squeeze %dma_wait3A_108 : memref<1x128xi32, #tpu.memory_space<vmem>> -> memref<128xi32, #tpu.memory_space<vmem>>
        %dma_wait3A_110 = tpu.memref_slice %arg6[%add3A_102] : memref<102400xi32, #tpu.memory_space<hbm>> -> memref<128xi32, #tpu.memory_space<hbm>>
        tpu.wait_dma2 semaphore(%arg17 : memref<!tpu.dma_semaphore, #tpu.memory_space<semaphore_mem>>) src(%dma_wait3A_110 : memref<128xi32, #tpu.memory_space<hbm>>) dst(%dma_wait3A_109 : memref<128xi32, #tpu.memory_space<vmem>>)
        %dma_wait3A_111 = arith.constant 1 : i32
        %dma_wait3A_112 = arith.constant 0 : i32
        %dma_wait3A_113 = arith.constant 0 : i32
        %dma_wait3A_114 = tpu.memref_slice %arg10[%dma_wait3A_111, %dma_wait3A_112, %dma_wait3A_113] : memref<2x128x128xf32, #tpu.memory_space<vmem>> -> memref<1x128x128xf32, #tpu.memory_space<vmem>>
        %dma_wait3A_115 = tpu.memref_squeeze %dma_wait3A_114 : memref<1x128x128xf32, #tpu.memory_space<vmem>> -> memref<128x128xf32, #tpu.memory_space<vmem>>
        %dma_wait3A_116 = arith.constant 0 : i32
        %dma_wait3A_117 = tpu.memref_slice %arg2[%add3A_100, %dma_wait3A_116] : memref<49152x128xf32, #tpu.memory_space<hbm>> -> memref<128x128xf32, #tpu.memory_space<hbm>>
        %dma_wait3A_118 = arith.constant 0 : i32
        %dma_wait3A_119 = arith.constant 0 : i32
        %dma_wait3A_120 = tpu.memref_slice %arg10[%dma_wait3A_111, %dma_wait3A_118, %dma_wait3A_119] : memref<2x128x128xf32, #tpu.memory_space<vmem>> -> memref<1x128x128xf32, #tpu.memory_space<vmem>>
        %dma_wait3A_121 = tpu.memref_squeeze %dma_wait3A_120 : memref<1x128x128xf32, #tpu.memory_space<vmem>> -> memref<128x128xf32, #tpu.memory_space<vmem>>
        %dma_wait3A_122 = arith.constant 0 : i32
        %dma_wait3A_123 = tpu.memref_slice %arg2[%add3A_100, %dma_wait3A_122] : memref<49152x128xf32, #tpu.memory_space<hbm>> -> memref<128x128xf32, #tpu.memory_space<hbm>>
        tpu.wait_dma2 semaphore(%arg17 : memref<!tpu.dma_semaphore, #tpu.memory_space<semaphore_mem>>) src(%dma_wait3A_123 : memref<128x128xf32, #tpu.memory_space<hbm>>) dst(%dma_wait3A_121 : memref<128x128xf32, #tpu.memory_space<vmem>>)
        %dma_wait3A_124 = arith.constant 1 : i32
        %dma_wait3A_125 = arith.constant 0 : i32
        %dma_wait3A_126 = tpu.memref_slice %arg11[%dma_wait3A_124, %dma_wait3A_125] : memref<2x128xf32, #tpu.memory_space<vmem>> -> memref<1x128xf32, #tpu.memory_space<vmem>>
        %dma_wait3A_127 = tpu.memref_squeeze %dma_wait3A_126 : memref<1x128xf32, #tpu.memory_space<vmem>> -> memref<128xf32, #tpu.memory_space<vmem>>
        %dma_wait3A_128 = tpu.memref_slice %arg3[%add3A_100] : memref<49152xf32, #tpu.memory_space<hbm>> -> memref<128xf32, #tpu.memory_space<hbm>>
        %dma_wait3A_129 = arith.constant 0 : i32
        %dma_wait3A_130 = tpu.memref_slice %arg11[%dma_wait3A_124, %dma_wait3A_129] : memref<2x128xf32, #tpu.memory_space<vmem>> -> memref<1x128xf32, #tpu.memory_space<vmem>>
        %dma_wait3A_131 = tpu.memref_squeeze %dma_wait3A_130 : memref<1x128xf32, #tpu.memory_space<vmem>> -> memref<128xf32, #tpu.memory_space<vmem>>
        %dma_wait3A_132 = tpu.memref_slice %arg3[%add3A_100] : memref<49152xf32, #tpu.memory_space<hbm>> -> memref<128xf32, #tpu.memory_space<hbm>>
        tpu.wait_dma2 semaphore(%arg17 : memref<!tpu.dma_semaphore, #tpu.memory_space<semaphore_mem>>) src(%dma_wait3A_132 : memref<128xf32, #tpu.memory_space<hbm>>) dst(%dma_wait3A_131 : memref<128xf32, #tpu.memory_space<vmem>>)
        %run_scoped3A = arith.constant 1 : i32
        %run_scoped3A_133 = arith.constant 1 : i32
        "tpu.region"() ({
          %run_scoped3A_557 = tpu.sem_alloc : memref<!tpu.dma_semaphore, #tpu.memory_space<semaphore_mem>>
          %dma_start3A_558 = arith.constant 0 : i32
          %dma_start3A_559 = arith.constant 0 : i32
          %dma_start3A_560 = tpu.memref_slice %arg10[%run_scoped3A, %dma_start3A_558, %dma_start3A_559] : memref<2x128x128xf32, #tpu.memory_space<vmem>> -> memref<1x128x128xf32, #tpu.memory_space<vmem>>
          %dma_start3A_561 = tpu.memref_squeeze %dma_start3A_560 : memref<1x128x128xf32, #tpu.memory_space<vmem>> -> memref<128x128xf32, #tpu.memory_space<vmem>>
          %dma_start3A_562 = arith.constant 0 : i32
          %dma_start3A_563 = tpu.memref_slice %arg12[%run_scoped3A_133, %dma_start3A_562] : memref<2x128xi32, #tpu.memory_space<vmem>> -> memref<1x128xi32, #tpu.memory_space<vmem>>
          %dma_start3A_564 = tpu.memref_squeeze %dma_start3A_563 : memref<1x128xi32, #tpu.memory_space<vmem>> -> memref<128xi32, #tpu.memory_space<vmem>>
          %dma_start3A_565 = arith.constant 0 : i32
          %dma_start3A_566 = arith.constant 0 : i32
          %dma_start3A_567 = tpu.memref_slice %arg15[%dma_start3A_565, %dma_start3A_566] : memref<512x128xf32, #tpu.memory_space<vmem_shared>> -> memref<512x128xf32, #tpu.memory_space<vmem_shared>>
          tpu.enqueue_indirect_dma source(%dma_start3A_561 : memref<128x128xf32, #tpu.memory_space<vmem>>) target(%dma_start3A_567 : memref<512x128xf32, #tpu.memory_space<vmem_shared>>) offsets(%dma_start3A_564 : memref<128xi32, #tpu.memory_space<vmem>>) semaphore(%run_scoped3A_557 : memref<!tpu.dma_semaphore, #tpu.memory_space<semaphore_mem>>) {add = true}
          %dma_wait3A_568 = arith.constant 0 : i32
          %dma_wait3A_569 = arith.constant 0 : i32
          %dma_wait3A_570 = tpu.memref_slice %arg10[%run_scoped3A, %dma_wait3A_568, %dma_wait3A_569] : memref<2x128x128xf32, #tpu.memory_space<vmem>> -> memref<1x128x128xf32, #tpu.memory_space<vmem>>
          %dma_wait3A_571 = tpu.memref_squeeze %dma_wait3A_570 : memref<1x128x128xf32, #tpu.memory_space<vmem>> -> memref<128x128xf32, #tpu.memory_space<vmem>>
          %dma_wait3A_572 = arith.constant 0 : i32
          %dma_wait3A_573 = tpu.memref_slice %arg12[%run_scoped3A_133, %dma_wait3A_572] : memref<2x128xi32, #tpu.memory_space<vmem>> -> memref<1x128xi32, #tpu.memory_space<vmem>>
          %dma_wait3A_574 = tpu.memref_squeeze %dma_wait3A_573 : memref<1x128xi32, #tpu.memory_space<vmem>> -> memref<128xi32, #tpu.memory_space<vmem>>
          %dma_wait3A_575 = arith.constant 0 : i32
          %dma_wait3A_576 = arith.constant 0 : i32
          %dma_wait3A_577 = tpu.memref_slice %arg15[%dma_wait3A_575, %dma_wait3A_576] : memref<512x128xf32, #tpu.memory_space<vmem_shared>> -> memref<512x128xf32, #tpu.memory_space<vmem_shared>>
          tpu.wait_indirect_dma semaphore(%run_scoped3A_557 : memref<!tpu.dma_semaphore, #tpu.memory_space<semaphore_mem>>) src(%dma_wait3A_571 : memref<128x128xf32, #tpu.memory_space<vmem>>) dst(%dma_wait3A_577 : memref<512x128xf32, #tpu.memory_space<vmem_shared>>)
          tpu.yield
        }) : () -> ()
        %get3A = arith.constant 1 : i32
        %get3A_134 = arith.index_cast %get3A : i32 to index
        %get3A_135 = arith.constant 0 : index
        %get3A_136 = tpu.vector_load %arg11[%get3A_134, %get3A_135] {strides = array<i32>} : memref<2x128xf32, #tpu.memory_space<vmem>>, vector<16xf32>,
        %get3A_137 = arith.constant 1 : i32
        %get3A_138 = arith.index_cast %get3A_137 : i32 to index
        %get3A_139 = arith.constant 0 : index
        %get3A_140 = tpu.vector_load %arg12[%get3A_138, %get3A_139] {strides = array<i32>} : memref<2x128xi32, #tpu.memory_space<vmem>>, vector<16xi32>,
        %broadcast_in_dim3A = arith.constant true
        %broadcast_in_dim3A_141 = vector.broadcast %broadcast_in_dim3A : i1 to vector<16xi1>
        %masked_cumsum3A = tpu.scan <sum>, %get3A_136 masked %broadcast_in_dim3A_141 : vector<16xf32>, vector<16xi1> -> vector<16xf32>
        %sub3A = arith.constant 1 : i32
        %sub3A_142 = vector.broadcast %sub3A : i32 to vector<16xi32>
        %sub3A_143 = arith.subi %iota3A, %sub3A_142 : vector<16xi32>
        %max3A = arith.constant 0 : i32
        %max3A_144 = vector.broadcast %max3A : i32 to vector<16xi32>
        %max3A_145 = arith.maxsi %sub3A_143, %max3A_144 : vector<16xi32>
        %broadcast_in_dim3A_146 = vector.shape_cast %max3A_145 : vector<16xi32> to vector<16x1xi32>
        %gather3A = vector.shape_cast %broadcast_in_dim3A_146 : vector<16x1xi32> to vector<16xi32>
        %gather3A_147 = tpu.dynamic_gather %get3A_140[%gather3A] in [0] : vector<16xi32>, vector<16xi32> -> vector<16xi32>
        %eq3A_148 = arith.constant 0 : i32
        %eq3A_149 = vector.broadcast %eq3A_148 : i32 to vector<16xi32>
        %eq3A_150 = arith.cmpi eq, %iota3A, %eq3A_149 : vector<16xi32>
        %ne3A_151 = arith.cmpi ne, %get3A_140, %gather3A_147 : vector<16xi32>
        %or3A = arith.ori %eq3A_150, %ne3A_151 : vector<16xi1>
        %jit3A_152 = arith.constant 0 : i32
        %broadcast_in_dim3A_153 = vector.broadcast %jit3A_152 : i32 to vector<16xi32>
        %select_n3A_154 = arith.select %or3A, %iota3A, %broadcast_in_dim3A_153 : vector<16xi1>, vector<16xi32>
        %broadcast_in_dim3A_155 = arith.constant true
        %broadcast_in_dim3A_156 = vector.broadcast %broadcast_in_dim3A_155 : i1 to vector<16xi1>
        %masked_cummax3A = arith.constant -2147483648 : i32
        %masked_cummax3A_157 = vector.broadcast %masked_cummax3A : i32 to vector<16xi32>
        %masked_cummax3A_158 = arith.xori %select_n3A_154, %masked_cummax3A_157 : vector<16xi32>
        %masked_cummax3A_159 = tpu.scan <max>, %masked_cummax3A_158 masked %broadcast_in_dim3A_156 : vector<16xi32>, vector<16xi1> -> vector<16xi32>
        %masked_cummax3A_160 = arith.xori %masked_cummax3A_159, %masked_cummax3A_157 : vector<16xi32>
        %sub3A_161 = arith.subf %masked_cumsum3A, %get3A_136 : vector<16xf32>
        %broadcast_in_dim3A_162 = vector.shape_cast %masked_cummax3A_160 : vector<16xi32> to vector<16x1xi32>
        %gather3A_163 = vector.shape_cast %broadcast_in_dim3A_162 : vector<16x1xi32> to vector<16xi32>
        %gather3A_164 = tpu.dynamic_gather %sub3A_161[%gather3A_163] in [0] : vector<16xf32>, vector<16xi32> -> vector<16xf32>
        %sub3A_165 = arith.subf %masked_cumsum3A, %gather3A_164 : vector<16xf32>
        %add3A_166 = arith.constant 1 : i32
        %add3A_167 = vector.broadcast %add3A_166 : i32 to vector<16xi32>
        %add3A_168 = arith.addi %iota3A, %add3A_167 : vector<16xi32>
        %min3A = arith.constant 15 : i32
        %min3A_169 = vector.broadcast %min3A : i32 to vector<16xi32>
        %min3A_170 = arith.minsi %add3A_168, %min3A_169 : vector<16xi32>
        %broadcast_in_dim3A_171 = vector.shape_cast %min3A_170 : vector<16xi32> to vector<16x1xi32>
        %gather3A_172 = vector.shape_cast %broadcast_in_dim3A_171 : vector<16x1xi32> to vector<16xi32>
        %gather3A_173 = tpu.dynamic_gather %get3A_140[%gather3A_172] in [0] : vector<16xi32>, vector<16xi32> -> vector<16xi32>
        %eq3A_174 = arith.constant 15 : i32
        %eq3A_175 = vector.broadcast %eq3A_174 : i32 to vector<16xi32>
        %eq3A_176 = arith.cmpi eq, %iota3A, %eq3A_175 : vector<16xi32>
        %ne3A_177 = arith.cmpi ne, %get3A_140, %gather3A_173 : vector<16xi32>
        %or3A_178 = arith.ori %eq3A_176, %ne3A_177 : vector<16xi1>
        tpu.vector_store_idx %arg14[%get3A_140], %sub3A_165 masked %or3A_178 {add = true} : memref<512xf32, #tpu.memory_space<vmem>>[vector<16xi32>], vector<16xf32>, vector<16xi1>
        %get3A_179 = arith.constant 1 : i32
        %get3A_180 = arith.index_cast %get3A_179 : i32 to index
        %get3A_181 = arith.constant 16 : index
        %get3A_182 = tpu.vector_load %arg11[%get3A_180, %get3A_181] {strides = array<i32>} : memref<2x128xf32, #tpu.memory_space<vmem>>, vector<16xf32>,
        %get3A_183 = arith.constant 1 : i32
        %get3A_184 = arith.index_cast %get3A_183 : i32 to index
        %get3A_185 = arith.constant 16 : index
        %get3A_186 = tpu.vector_load %arg12[%get3A_184, %get3A_185] {strides = array<i32>} : memref<2x128xi32, #tpu.memory_space<vmem>>, vector<16xi32>,
        %broadcast_in_dim3A_187 = arith.constant true
        %broadcast_in_dim3A_188 = vector.broadcast %broadcast_in_dim3A_187 : i1 to vector<16xi1>
        %masked_cumsum3A_189 = tpu.scan <sum>, %get3A_182 masked %broadcast_in_dim3A_188 : vector<16xf32>, vector<16xi1> -> vector<16xf32>
        %sub3A_190 = arith.constant 1 : i32
        %sub3A_191 = vector.broadcast %sub3A_190 : i32 to vector<16xi32>
        %sub3A_192 = arith.subi %iota3A, %sub3A_191 : vector<16xi32>
        %max3A_193 = arith.constant 0 : i32
        %max3A_194 = vector.broadcast %max3A_193 : i32 to vector<16xi32>
        %max3A_195 = arith.maxsi %sub3A_192, %max3A_194 : vector<16xi32>
        %broadcast_in_dim3A_196 = vector.shape_cast %max3A_195 : vector<16xi32> to vector<16x1xi32>
        %gather3A_197 = vector.shape_cast %broadcast_in_dim3A_196 : vector<16x1xi32> to vector<16xi32>
        %gather3A_198 = tpu.dynamic_gather %get3A_186[%gather3A_197] in [0] : vector<16xi32>, vector<16xi32> -> vector<16xi32>
        %eq3A_199 = arith.constant 0 : i32
        %eq3A_200 = vector.broadcast %eq3A_199 : i32 to vector<16xi32>
        %eq3A_201 = arith.cmpi eq, %iota3A, %eq3A_200 : vector<16xi32>
        %ne3A_202 = arith.cmpi ne, %get3A_186, %gather3A_198 : vector<16xi32>
        %or3A_203 = arith.ori %eq3A_201, %ne3A_202 : vector<16xi1>
        %jit3A_204 = arith.constant 0 : i32
        %broadcast_in_dim3A_205 = vector.broadcast %jit3A_204 : i32 to vector<16xi32>
        %select_n3A_206 = arith.select %or3A_203, %iota3A, %broadcast_in_dim3A_205 : vector<16xi1>, vector<16xi32>
        %broadcast_in_dim3A_207 = arith.constant true
        %broadcast_in_dim3A_208 = vector.broadcast %broadcast_in_dim3A_207 : i1 to vector<16xi1>
        %masked_cummax3A_209 = arith.constant -2147483648 : i32
        %masked_cummax3A_210 = vector.broadcast %masked_cummax3A_209 : i32 to vector<16xi32>
        %masked_cummax3A_211 = arith.xori %select_n3A_206, %masked_cummax3A_210 : vector<16xi32>
        %masked_cummax3A_212 = tpu.scan <max>, %masked_cummax3A_211 masked %broadcast_in_dim3A_208 : vector<16xi32>, vector<16xi1> -> vector<16xi32>
        %masked_cummax3A_213 = arith.xori %masked_cummax3A_212, %masked_cummax3A_210 : vector<16xi32>
        %sub3A_214 = arith.subf %masked_cumsum3A_189, %get3A_182 : vector<16xf32>
        %broadcast_in_dim3A_215 = vector.shape_cast %masked_cummax3A_213 : vector<16xi32> to vector<16x1xi32>
        %gather3A_216 = vector.shape_cast %broadcast_in_dim3A_215 : vector<16x1xi32> to vector<16xi32>
        %gather3A_217 = tpu.dynamic_gather %sub3A_214[%gather3A_216] in [0] : vector<16xf32>, vector<16xi32> -> vector<16xf32>
        %sub3A_218 = arith.subf %masked_cumsum3A_189, %gather3A_217 : vector<16xf32>
        %add3A_219 = arith.constant 1 : i32
        %add3A_220 = vector.broadcast %add3A_219 : i32 to vector<16xi32>
        %add3A_221 = arith.addi %iota3A, %add3A_220 : vector<16xi32>
        %min3A_222 = arith.constant 15 : i32
        %min3A_223 = vector.broadcast %min3A_222 : i32 to vector<16xi32>
        %min3A_224 = arith.minsi %add3A_221, %min3A_223 : vector<16xi32>
        %broadcast_in_dim3A_225 = vector.shape_cast %min3A_224 : vector<16xi32> to vector<16x1xi32>
        %gather3A_226 = vector.shape_cast %broadcast_in_dim3A_225 : vector<16x1xi32> to vector<16xi32>
        %gather3A_227 = tpu.dynamic_gather %get3A_186[%gather3A_226] in [0] : vector<16xi32>, vector<16xi32> -> vector<16xi32>
        %eq3A_228 = arith.constant 15 : i32
        %eq3A_229 = vector.broadcast %eq3A_228 : i32 to vector<16xi32>
        %eq3A_230 = arith.cmpi eq, %iota3A, %eq3A_229 : vector<16xi32>
        %ne3A_231 = arith.cmpi ne, %get3A_186, %gather3A_227 : vector<16xi32>
        %or3A_232 = arith.ori %eq3A_230, %ne3A_231 : vector<16xi1>
        tpu.vector_store_idx %arg14[%get3A_186], %sub3A_218 masked %or3A_232 {add = true} : memref<512xf32, #tpu.memory_space<vmem>>[vector<16xi32>], vector<16xf32>, vector<16xi1>
        %get3A_233 = arith.constant 1 : i32
        %get3A_234 = arith.index_cast %get3A_233 : i32 to index
        %get3A_235 = arith.constant 32 : index
        %get3A_236 = tpu.vector_load %arg11[%get3A_234, %get3A_235] {strides = array<i32>} : memref<2x128xf32, #tpu.memory_space<vmem>>, vector<16xf32>,
        %get3A_237 = arith.constant 1 : i32
        %get3A_238 = arith.index_cast %get3A_237 : i32 to index
        %get3A_239 = arith.constant 32 : index
        %get3A_240 = tpu.vector_load %arg12[%get3A_238, %get3A_239] {strides = array<i32>} : memref<2x128xi32, #tpu.memory_space<vmem>>, vector<16xi32>,
        %broadcast_in_dim3A_241 = arith.constant true
        %broadcast_in_dim3A_242 = vector.broadcast %broadcast_in_dim3A_241 : i1 to vector<16xi1>
        %masked_cumsum3A_243 = tpu.scan <sum>, %get3A_236 masked %broadcast_in_dim3A_242 : vector<16xf32>, vector<16xi1> -> vector<16xf32>
        %sub3A_244 = arith.constant 1 : i32
        %sub3A_245 = vector.broadcast %sub3A_244 : i32 to vector<16xi32>
        %sub3A_246 = arith.subi %iota3A, %sub3A_245 : vector<16xi32>
        %max3A_247 = arith.constant 0 : i32
        %max3A_248 = vector.broadcast %max3A_247 : i32 to vector<16xi32>
        %max3A_249 = arith.maxsi %sub3A_246, %max3A_248 : vector<16xi32>
        %broadcast_in_dim3A_250 = vector.shape_cast %max3A_249 : vector<16xi32> to vector<16x1xi32>
        %gather3A_251 = vector.shape_cast %broadcast_in_dim3A_250 : vector<16x1xi32> to vector<16xi32>
        %gather3A_252 = tpu.dynamic_gather %get3A_240[%gather3A_251] in [0] : vector<16xi32>, vector<16xi32> -> vector<16xi32>
        %eq3A_253 = arith.constant 0 : i32
        %eq3A_254 = vector.broadcast %eq3A_253 : i32 to vector<16xi32>
        %eq3A_255 = arith.cmpi eq, %iota3A, %eq3A_254 : vector<16xi32>
        %ne3A_256 = arith.cmpi ne, %get3A_240, %gather3A_252 : vector<16xi32>
        %or3A_257 = arith.ori %eq3A_255, %ne3A_256 : vector<16xi1>
        %jit3A_258 = arith.constant 0 : i32
        %broadcast_in_dim3A_259 = vector.broadcast %jit3A_258 : i32 to vector<16xi32>
        %select_n3A_260 = arith.select %or3A_257, %iota3A, %broadcast_in_dim3A_259 : vector<16xi1>, vector<16xi32>
        %broadcast_in_dim3A_261 = arith.constant true
        %broadcast_in_dim3A_262 = vector.broadcast %broadcast_in_dim3A_261 : i1 to vector<16xi1>
        %masked_cummax3A_263 = arith.constant -2147483648 : i32
        %masked_cummax3A_264 = vector.broadcast %masked_cummax3A_263 : i32 to vector<16xi32>
        %masked_cummax3A_265 = arith.xori %select_n3A_260, %masked_cummax3A_264 : vector<16xi32>
        %masked_cummax3A_266 = tpu.scan <max>, %masked_cummax3A_265 masked %broadcast_in_dim3A_262 : vector<16xi32>, vector<16xi1> -> vector<16xi32>
        %masked_cummax3A_267 = arith.xori %masked_cummax3A_266, %masked_cummax3A_264 : vector<16xi32>
        %sub3A_268 = arith.subf %masked_cumsum3A_243, %get3A_236 : vector<16xf32>
        %broadcast_in_dim3A_269 = vector.shape_cast %masked_cummax3A_267 : vector<16xi32> to vector<16x1xi32>
        %gather3A_270 = vector.shape_cast %broadcast_in_dim3A_269 : vector<16x1xi32> to vector<16xi32>
        %gather3A_271 = tpu.dynamic_gather %sub3A_268[%gather3A_270] in [0] : vector<16xf32>, vector<16xi32> -> vector<16xf32>
        %sub3A_272 = arith.subf %masked_cumsum3A_243, %gather3A_271 : vector<16xf32>
        %add3A_273 = arith.constant 1 : i32
        %add3A_274 = vector.broadcast %add3A_273 : i32 to vector<16xi32>
        %add3A_275 = arith.addi %iota3A, %add3A_274 : vector<16xi32>
        %min3A_276 = arith.constant 15 : i32
        %min3A_277 = vector.broadcast %min3A_276 : i32 to vector<16xi32>
        %min3A_278 = arith.minsi %add3A_275, %min3A_277 : vector<16xi32>
        %broadcast_in_dim3A_279 = vector.shape_cast %min3A_278 : vector<16xi32> to vector<16x1xi32>
        %gather3A_280 = vector.shape_cast %broadcast_in_dim3A_279 : vector<16x1xi32> to vector<16xi32>
        %gather3A_281 = tpu.dynamic_gather %get3A_240[%gather3A_280] in [0] : vector<16xi32>, vector<16xi32> -> vector<16xi32>
        %eq3A_282 = arith.constant 15 : i32
        %eq3A_283 = vector.broadcast %eq3A_282 : i32 to vector<16xi32>
        %eq3A_284 = arith.cmpi eq, %iota3A, %eq3A_283 : vector<16xi32>
        %ne3A_285 = arith.cmpi ne, %get3A_240, %gather3A_281 : vector<16xi32>
        %or3A_286 = arith.ori %eq3A_284, %ne3A_285 : vector<16xi1>
        tpu.vector_store_idx %arg14[%get3A_240], %sub3A_272 masked %or3A_286 {add = true} : memref<512xf32, #tpu.memory_space<vmem>>[vector<16xi32>], vector<16xf32>, vector<16xi1>
        %get3A_287 = arith.constant 1 : i32
        %get3A_288 = arith.index_cast %get3A_287 : i32 to index
        %get3A_289 = arith.constant 48 : index
        %get3A_290 = tpu.vector_load %arg11[%get3A_288, %get3A_289] {strides = array<i32>} : memref<2x128xf32, #tpu.memory_space<vmem>>, vector<16xf32>,
        %get3A_291 = arith.constant 1 : i32
        %get3A_292 = arith.index_cast %get3A_291 : i32 to index
        %get3A_293 = arith.constant 48 : index
        %get3A_294 = tpu.vector_load %arg12[%get3A_292, %get3A_293] {strides = array<i32>} : memref<2x128xi32, #tpu.memory_space<vmem>>, vector<16xi32>,
        %broadcast_in_dim3A_295 = arith.constant true
        %broadcast_in_dim3A_296 = vector.broadcast %broadcast_in_dim3A_295 : i1 to vector<16xi1>
        %masked_cumsum3A_297 = tpu.scan <sum>, %get3A_290 masked %broadcast_in_dim3A_296 : vector<16xf32>, vector<16xi1> -> vector<16xf32>
        %sub3A_298 = arith.constant 1 : i32
        %sub3A_299 = vector.broadcast %sub3A_298 : i32 to vector<16xi32>
        %sub3A_300 = arith.subi %iota3A, %sub3A_299 : vector<16xi32>
        %max3A_301 = arith.constant 0 : i32
        %max3A_302 = vector.broadcast %max3A_301 : i32 to vector<16xi32>
        %max3A_303 = arith.maxsi %sub3A_300, %max3A_302 : vector<16xi32>
        %broadcast_in_dim3A_304 = vector.shape_cast %max3A_303 : vector<16xi32> to vector<16x1xi32>
        %gather3A_305 = vector.shape_cast %broadcast_in_dim3A_304 : vector<16x1xi32> to vector<16xi32>
        %gather3A_306 = tpu.dynamic_gather %get3A_294[%gather3A_305] in [0] : vector<16xi32>, vector<16xi32> -> vector<16xi32>
        %eq3A_307 = arith.constant 0 : i32
        %eq3A_308 = vector.broadcast %eq3A_307 : i32 to vector<16xi32>
        %eq3A_309 = arith.cmpi eq, %iota3A, %eq3A_308 : vector<16xi32>
        %ne3A_310 = arith.cmpi ne, %get3A_294, %gather3A_306 : vector<16xi32>
        %or3A_311 = arith.ori %eq3A_309, %ne3A_310 : vector<16xi1>
        %jit3A_312 = arith.constant 0 : i32
        %broadcast_in_dim3A_313 = vector.broadcast %jit3A_312 : i32 to vector<16xi32>
        %select_n3A_314 = arith.select %or3A_311, %iota3A, %broadcast_in_dim3A_313 : vector<16xi1>, vector<16xi32>
        %broadcast_in_dim3A_315 = arith.constant true
        %broadcast_in_dim3A_316 = vector.broadcast %broadcast_in_dim3A_315 : i1 to vector<16xi1>
        %masked_cummax3A_317 = arith.constant -2147483648 : i32
        %masked_cummax3A_318 = vector.broadcast %masked_cummax3A_317 : i32 to vector<16xi32>
        %masked_cummax3A_319 = arith.xori %select_n3A_314, %masked_cummax3A_318 : vector<16xi32>
        %masked_cummax3A_320 = tpu.scan <max>, %masked_cummax3A_319 masked %broadcast_in_dim3A_316 : vector<16xi32>, vector<16xi1> -> vector<16xi32>
        %masked_cummax3A_321 = arith.xori %masked_cummax3A_320, %masked_cummax3A_318 : vector<16xi32>
        %sub3A_322 = arith.subf %masked_cumsum3A_297, %get3A_290 : vector<16xf32>
        %broadcast_in_dim3A_323 = vector.shape_cast %masked_cummax3A_321 : vector<16xi32> to vector<16x1xi32>
        %gather3A_324 = vector.shape_cast %broadcast_in_dim3A_323 : vector<16x1xi32> to vector<16xi32>
        %gather3A_325 = tpu.dynamic_gather %sub3A_322[%gather3A_324] in [0] : vector<16xf32>, vector<16xi32> -> vector<16xf32>
        %sub3A_326 = arith.subf %masked_cumsum3A_297, %gather3A_325 : vector<16xf32>
        %add3A_327 = arith.constant 1 : i32
        %add3A_328 = vector.broadcast %add3A_327 : i32 to vector<16xi32>
        %add3A_329 = arith.addi %iota3A, %add3A_328 : vector<16xi32>
        %min3A_330 = arith.constant 15 : i32
        %min3A_331 = vector.broadcast %min3A_330 : i32 to vector<16xi32>
        %min3A_332 = arith.minsi %add3A_329, %min3A_331 : vector<16xi32>
        %broadcast_in_dim3A_333 = vector.shape_cast %min3A_332 : vector<16xi32> to vector<16x1xi32>
        %gather3A_334 = vector.shape_cast %broadcast_in_dim3A_333 : vector<16x1xi32> to vector<16xi32>
        %gather3A_335 = tpu.dynamic_gather %get3A_294[%gather3A_334] in [0] : vector<16xi32>, vector<16xi32> -> vector<16xi32>
        %eq3A_336 = arith.constant 15 : i32
        %eq3A_337 = vector.broadcast %eq3A_336 : i32 to vector<16xi32>
        %eq3A_338 = arith.cmpi eq, %iota3A, %eq3A_337 : vector<16xi32>
        %ne3A_339 = arith.cmpi ne, %get3A_294, %gather3A_335 : vector<16xi32>
        %or3A_340 = arith.ori %eq3A_338, %ne3A_339 : vector<16xi1>
        tpu.vector_store_idx %arg14[%get3A_294], %sub3A_326 masked %or3A_340 {add = true} : memref<512xf32, #tpu.memory_space<vmem>>[vector<16xi32>], vector<16xf32>, vector<16xi1>
        %get3A_341 = arith.constant 1 : i32
        %get3A_342 = arith.index_cast %get3A_341 : i32 to index
        %get3A_343 = arith.constant 64 : index
        %get3A_344 = tpu.vector_load %arg11[%get3A_342, %get3A_343] {strides = array<i32>} : memref<2x128xf32, #tpu.memory_space<vmem>>, vector<16xf32>,
        %get3A_345 = arith.constant 1 : i32
        %get3A_346 = arith.index_cast %get3A_345 : i32 to index
        %get3A_347 = arith.constant 64 : index
        %get3A_348 = tpu.vector_load %arg12[%get3A_346, %get3A_347] {strides = array<i32>} : memref<2x128xi32, #tpu.memory_space<vmem>>, vector<16xi32>,
        %broadcast_in_dim3A_349 = arith.constant true
        %broadcast_in_dim3A_350 = vector.broadcast %broadcast_in_dim3A_349 : i1 to vector<16xi1>
        %masked_cumsum3A_351 = tpu.scan <sum>, %get3A_344 masked %broadcast_in_dim3A_350 : vector<16xf32>, vector<16xi1> -> vector<16xf32>
        %sub3A_352 = arith.constant 1 : i32
        %sub3A_353 = vector.broadcast %sub3A_352 : i32 to vector<16xi32>
        %sub3A_354 = arith.subi %iota3A, %sub3A_353 : vector<16xi32>
        %max3A_355 = arith.constant 0 : i32
        %max3A_356 = vector.broadcast %max3A_355 : i32 to vector<16xi32>
        %max3A_357 = arith.maxsi %sub3A_354, %max3A_356 : vector<16xi32>
        %broadcast_in_dim3A_358 = vector.shape_cast %max3A_357 : vector<16xi32> to vector<16x1xi32>
        %gather3A_359 = vector.shape_cast %broadcast_in_dim3A_358 : vector<16x1xi32> to vector<16xi32>
        %gather3A_360 = tpu.dynamic_gather %get3A_348[%gather3A_359] in [0] : vector<16xi32>, vector<16xi32> -> vector<16xi32>
        %eq3A_361 = arith.constant 0 : i32
        %eq3A_362 = vector.broadcast %eq3A_361 : i32 to vector<16xi32>
        %eq3A_363 = arith.cmpi eq, %iota3A, %eq3A_362 : vector<16xi32>
        %ne3A_364 = arith.cmpi ne, %get3A_348, %gather3A_360 : vector<16xi32>
        %or3A_365 = arith.ori %eq3A_363, %ne3A_364 : vector<16xi1>
        %jit3A_366 = arith.constant 0 : i32
        %broadcast_in_dim3A_367 = vector.broadcast %jit3A_366 : i32 to vector<16xi32>
        %select_n3A_368 = arith.select %or3A_365, %iota3A, %broadcast_in_dim3A_367 : vector<16xi1>, vector<16xi32>
        %broadcast_in_dim3A_369 = arith.constant true
        %broadcast_in_dim3A_370 = vector.broadcast %broadcast_in_dim3A_369 : i1 to vector<16xi1>
        %masked_cummax3A_371 = arith.constant -2147483648 : i32
        %masked_cummax3A_372 = vector.broadcast %masked_cummax3A_371 : i32 to vector<16xi32>
        %masked_cummax3A_373 = arith.xori %select_n3A_368, %masked_cummax3A_372 : vector<16xi32>
        %masked_cummax3A_374 = tpu.scan <max>, %masked_cummax3A_373 masked %broadcast_in_dim3A_370 : vector<16xi32>, vector<16xi1> -> vector<16xi32>
        %masked_cummax3A_375 = arith.xori %masked_cummax3A_374, %masked_cummax3A_372 : vector<16xi32>
        %sub3A_376 = arith.subf %masked_cumsum3A_351, %get3A_344 : vector<16xf32>
        %broadcast_in_dim3A_377 = vector.shape_cast %masked_cummax3A_375 : vector<16xi32> to vector<16x1xi32>
        %gather3A_378 = vector.shape_cast %broadcast_in_dim3A_377 : vector<16x1xi32> to vector<16xi32>
        %gather3A_379 = tpu.dynamic_gather %sub3A_376[%gather3A_378] in [0] : vector<16xf32>, vector<16xi32> -> vector<16xf32>
        %sub3A_380 = arith.subf %masked_cumsum3A_351, %gather3A_379 : vector<16xf32>
        %add3A_381 = arith.constant 1 : i32
        %add3A_382 = vector.broadcast %add3A_381 : i32 to vector<16xi32>
        %add3A_383 = arith.addi %iota3A, %add3A_382 : vector<16xi32>
        %min3A_384 = arith.constant 15 : i32
        %min3A_385 = vector.broadcast %min3A_384 : i32 to vector<16xi32>
        %min3A_386 = arith.minsi %add3A_383, %min3A_385 : vector<16xi32>
        %broadcast_in_dim3A_387 = vector.shape_cast %min3A_386 : vector<16xi32> to vector<16x1xi32>
        %gather3A_388 = vector.shape_cast %broadcast_in_dim3A_387 : vector<16x1xi32> to vector<16xi32>
        %gather3A_389 = tpu.dynamic_gather %get3A_348[%gather3A_388] in [0] : vector<16xi32>, vector<16xi32> -> vector<16xi32>
        %eq3A_390 = arith.constant 15 : i32
        %eq3A_391 = vector.broadcast %eq3A_390 : i32 to vector<16xi32>
        %eq3A_392 = arith.cmpi eq, %iota3A, %eq3A_391 : vector<16xi32>
        %ne3A_393 = arith.cmpi ne, %get3A_348, %gather3A_389 : vector<16xi32>
        %or3A_394 = arith.ori %eq3A_392, %ne3A_393 : vector<16xi1>
        tpu.vector_store_idx %arg14[%get3A_348], %sub3A_380 masked %or3A_394 {add = true} : memref<512xf32, #tpu.memory_space<vmem>>[vector<16xi32>], vector<16xf32>, vector<16xi1>
        %get3A_395 = arith.constant 1 : i32
        %get3A_396 = arith.index_cast %get3A_395 : i32 to index
        %get3A_397 = arith.constant 80 : index
        %get3A_398 = tpu.vector_load %arg11[%get3A_396, %get3A_397] {strides = array<i32>} : memref<2x128xf32, #tpu.memory_space<vmem>>, vector<16xf32>,
        %get3A_399 = arith.constant 1 : i32
        %get3A_400 = arith.index_cast %get3A_399 : i32 to index
        %get3A_401 = arith.constant 80 : index
        %get3A_402 = tpu.vector_load %arg12[%get3A_400, %get3A_401] {strides = array<i32>} : memref<2x128xi32, #tpu.memory_space<vmem>>, vector<16xi32>,
        %broadcast_in_dim3A_403 = arith.constant true
        %broadcast_in_dim3A_404 = vector.broadcast %broadcast_in_dim3A_403 : i1 to vector<16xi1>
        %masked_cumsum3A_405 = tpu.scan <sum>, %get3A_398 masked %broadcast_in_dim3A_404 : vector<16xf32>, vector<16xi1> -> vector<16xf32>
        %sub3A_406 = arith.constant 1 : i32
        %sub3A_407 = vector.broadcast %sub3A_406 : i32 to vector<16xi32>
        %sub3A_408 = arith.subi %iota3A, %sub3A_407 : vector<16xi32>
        %max3A_409 = arith.constant 0 : i32
        %max3A_410 = vector.broadcast %max3A_409 : i32 to vector<16xi32>
        %max3A_411 = arith.maxsi %sub3A_408, %max3A_410 : vector<16xi32>
        %broadcast_in_dim3A_412 = vector.shape_cast %max3A_411 : vector<16xi32> to vector<16x1xi32>
        %gather3A_413 = vector.shape_cast %broadcast_in_dim3A_412 : vector<16x1xi32> to vector<16xi32>
        %gather3A_414 = tpu.dynamic_gather %get3A_402[%gather3A_413] in [0] : vector<16xi32>, vector<16xi32> -> vector<16xi32>
        %eq3A_415 = arith.constant 0 : i32
        %eq3A_416 = vector.broadcast %eq3A_415 : i32 to vector<16xi32>
        %eq3A_417 = arith.cmpi eq, %iota3A, %eq3A_416 : vector<16xi32>
        %ne3A_418 = arith.cmpi ne, %get3A_402, %gather3A_414 : vector<16xi32>
        %or3A_419 = arith.ori %eq3A_417, %ne3A_418 : vector<16xi1>
        %jit3A_420 = arith.constant 0 : i32
        %broadcast_in_dim3A_421 = vector.broadcast %jit3A_420 : i32 to vector<16xi32>
        %select_n3A_422 = arith.select %or3A_419, %iota3A, %broadcast_in_dim3A_421 : vector<16xi1>, vector<16xi32>
        %broadcast_in_dim3A_423 = arith.constant true
        %broadcast_in_dim3A_424 = vector.broadcast %broadcast_in_dim3A_423 : i1 to vector<16xi1>
        %masked_cummax3A_425 = arith.constant -2147483648 : i32
        %masked_cummax3A_426 = vector.broadcast %masked_cummax3A_425 : i32 to vector<16xi32>
        %masked_cummax3A_427 = arith.xori %select_n3A_422, %masked_cummax3A_426 : vector<16xi32>
        %masked_cummax3A_428 = tpu.scan <max>, %masked_cummax3A_427 masked %broadcast_in_dim3A_424 : vector<16xi32>, vector<16xi1> -> vector<16xi32>
        %masked_cummax3A_429 = arith.xori %masked_cummax3A_428, %masked_cummax3A_426 : vector<16xi32>
        %sub3A_430 = arith.subf %masked_cumsum3A_405, %get3A_398 : vector<16xf32>
        %broadcast_in_dim3A_431 = vector.shape_cast %masked_cummax3A_429 : vector<16xi32> to vector<16x1xi32>
        %gather3A_432 = vector.shape_cast %broadcast_in_dim3A_431 : vector<16x1xi32> to vector<16xi32>
        %gather3A_433 = tpu.dynamic_gather %sub3A_430[%gather3A_432] in [0] : vector<16xf32>, vector<16xi32> -> vector<16xf32>
        %sub3A_434 = arith.subf %masked_cumsum3A_405, %gather3A_433 : vector<16xf32>
        %add3A_435 = arith.constant 1 : i32
        %add3A_436 = vector.broadcast %add3A_435 : i32 to vector<16xi32>
        %add3A_437 = arith.addi %iota3A, %add3A_436 : vector<16xi32>
        %min3A_438 = arith.constant 15 : i32
        %min3A_439 = vector.broadcast %min3A_438 : i32 to vector<16xi32>
        %min3A_440 = arith.minsi %add3A_437, %min3A_439 : vector<16xi32>
        %broadcast_in_dim3A_441 = vector.shape_cast %min3A_440 : vector<16xi32> to vector<16x1xi32>
        %gather3A_442 = vector.shape_cast %broadcast_in_dim3A_441 : vector<16x1xi32> to vector<16xi32>
        %gather3A_443 = tpu.dynamic_gather %get3A_402[%gather3A_442] in [0] : vector<16xi32>, vector<16xi32> -> vector<16xi32>
        %eq3A_444 = arith.constant 15 : i32
        %eq3A_445 = vector.broadcast %eq3A_444 : i32 to vector<16xi32>
        %eq3A_446 = arith.cmpi eq, %iota3A, %eq3A_445 : vector<16xi32>
        %ne3A_447 = arith.cmpi ne, %get3A_402, %gather3A_443 : vector<16xi32>
        %or3A_448 = arith.ori %eq3A_446, %ne3A_447 : vector<16xi1>
        tpu.vector_store_idx %arg14[%get3A_402], %sub3A_434 masked %or3A_448 {add = true} : memref<512xf32, #tpu.memory_space<vmem>>[vector<16xi32>], vector<16xf32>, vector<16xi1>
        %get3A_449 = arith.constant 1 : i32
        %get3A_450 = arith.index_cast %get3A_449 : i32 to index
        %get3A_451 = arith.constant 96 : index
        %get3A_452 = tpu.vector_load %arg11[%get3A_450, %get3A_451] {strides = array<i32>} : memref<2x128xf32, #tpu.memory_space<vmem>>, vector<16xf32>,
        %get3A_453 = arith.constant 1 : i32
        %get3A_454 = arith.index_cast %get3A_453 : i32 to index
        %get3A_455 = arith.constant 96 : index
        %get3A_456 = tpu.vector_load %arg12[%get3A_454, %get3A_455] {strides = array<i32>} : memref<2x128xi32, #tpu.memory_space<vmem>>, vector<16xi32>,
        %broadcast_in_dim3A_457 = arith.constant true
        %broadcast_in_dim3A_458 = vector.broadcast %broadcast_in_dim3A_457 : i1 to vector<16xi1>
        %masked_cumsum3A_459 = tpu.scan <sum>, %get3A_452 masked %broadcast_in_dim3A_458 : vector<16xf32>, vector<16xi1> -> vector<16xf32>
        %sub3A_460 = arith.constant 1 : i32
        %sub3A_461 = vector.broadcast %sub3A_460 : i32 to vector<16xi32>
        %sub3A_462 = arith.subi %iota3A, %sub3A_461 : vector<16xi32>
        %max3A_463 = arith.constant 0 : i32
        %max3A_464 = vector.broadcast %max3A_463 : i32 to vector<16xi32>
        %max3A_465 = arith.maxsi %sub3A_462, %max3A_464 : vector<16xi32>
        %broadcast_in_dim3A_466 = vector.shape_cast %max3A_465 : vector<16xi32> to vector<16x1xi32>
        %gather3A_467 = vector.shape_cast %broadcast_in_dim3A_466 : vector<16x1xi32> to vector<16xi32>
        %gather3A_468 = tpu.dynamic_gather %get3A_456[%gather3A_467] in [0] : vector<16xi32>, vector<16xi32> -> vector<16xi32>
        %eq3A_469 = arith.constant 0 : i32
        %eq3A_470 = vector.broadcast %eq3A_469 : i32 to vector<16xi32>
        %eq3A_471 = arith.cmpi eq, %iota3A, %eq3A_470 : vector<16xi32>
        %ne3A_472 = arith.cmpi ne, %get3A_456, %gather3A_468 : vector<16xi32>
        %or3A_473 = arith.ori %eq3A_471, %ne3A_472 : vector<16xi1>
        %jit3A_474 = arith.constant 0 : i32
        %broadcast_in_dim3A_475 = vector.broadcast %jit3A_474 : i32 to vector<16xi32>
        %select_n3A_476 = arith.select %or3A_473, %iota3A, %broadcast_in_dim3A_475 : vector<16xi1>, vector<16xi32>
        %broadcast_in_dim3A_477 = arith.constant true
        %broadcast_in_dim3A_478 = vector.broadcast %broadcast_in_dim3A_477 : i1 to vector<16xi1>
        %masked_cummax3A_479 = arith.constant -2147483648 : i32
        %masked_cummax3A_480 = vector.broadcast %masked_cummax3A_479 : i32 to vector<16xi32>
        %masked_cummax3A_481 = arith.xori %select_n3A_476, %masked_cummax3A_480 : vector<16xi32>
        %masked_cummax3A_482 = tpu.scan <max>, %masked_cummax3A_481 masked %broadcast_in_dim3A_478 : vector<16xi32>, vector<16xi1> -> vector<16xi32>
        %masked_cummax3A_483 = arith.xori %masked_cummax3A_482, %masked_cummax3A_480 : vector<16xi32>
        %sub3A_484 = arith.subf %masked_cumsum3A_459, %get3A_452 : vector<16xf32>
        %broadcast_in_dim3A_485 = vector.shape_cast %masked_cummax3A_483 : vector<16xi32> to vector<16x1xi32>
        %gather3A_486 = vector.shape_cast %broadcast_in_dim3A_485 : vector<16x1xi32> to vector<16xi32>
        %gather3A_487 = tpu.dynamic_gather %sub3A_484[%gather3A_486] in [0] : vector<16xf32>, vector<16xi32> -> vector<16xf32>
        %sub3A_488 = arith.subf %masked_cumsum3A_459, %gather3A_487 : vector<16xf32>
        %add3A_489 = arith.constant 1 : i32
        %add3A_490 = vector.broadcast %add3A_489 : i32 to vector<16xi32>
        %add3A_491 = arith.addi %iota3A, %add3A_490 : vector<16xi32>
        %min3A_492 = arith.constant 15 : i32
        %min3A_493 = vector.broadcast %min3A_492 : i32 to vector<16xi32>
        %min3A_494 = arith.minsi %add3A_491, %min3A_493 : vector<16xi32>
        %broadcast_in_dim3A_495 = vector.shape_cast %min3A_494 : vector<16xi32> to vector<16x1xi32>
        %gather3A_496 = vector.shape_cast %broadcast_in_dim3A_495 : vector<16x1xi32> to vector<16xi32>
        %gather3A_497 = tpu.dynamic_gather %get3A_456[%gather3A_496] in [0] : vector<16xi32>, vector<16xi32> -> vector<16xi32>
        %eq3A_498 = arith.constant 15 : i32
        %eq3A_499 = vector.broadcast %eq3A_498 : i32 to vector<16xi32>
        %eq3A_500 = arith.cmpi eq, %iota3A, %eq3A_499 : vector<16xi32>
        %ne3A_501 = arith.cmpi ne, %get3A_456, %gather3A_497 : vector<16xi32>
        %or3A_502 = arith.ori %eq3A_500, %ne3A_501 : vector<16xi1>
        tpu.vector_store_idx %arg14[%get3A_456], %sub3A_488 masked %or3A_502 {add = true} : memref<512xf32, #tpu.memory_space<vmem>>[vector<16xi32>], vector<16xf32>, vector<16xi1>
        %get3A_503 = arith.constant 1 : i32
        %get3A_504 = arith.index_cast %get3A_503 : i32 to index
        %get3A_505 = arith.constant 112 : index
        %get3A_506 = tpu.vector_load %arg11[%get3A_504, %get3A_505] {strides = array<i32>} : memref<2x128xf32, #tpu.memory_space<vmem>>, vector<16xf32>,
        %get3A_507 = arith.constant 1 : i32
        %get3A_508 = arith.index_cast %get3A_507 : i32 to index
        %get3A_509 = arith.constant 112 : index
        %get3A_510 = tpu.vector_load %arg12[%get3A_508, %get3A_509] {strides = array<i32>} : memref<2x128xi32, #tpu.memory_space<vmem>>, vector<16xi32>,
        %broadcast_in_dim3A_511 = arith.constant true
        %broadcast_in_dim3A_512 = vector.broadcast %broadcast_in_dim3A_511 : i1 to vector<16xi1>
        %masked_cumsum3A_513 = tpu.scan <sum>, %get3A_506 masked %broadcast_in_dim3A_512 : vector<16xf32>, vector<16xi1> -> vector<16xf32>
        %sub3A_514 = arith.constant 1 : i32
        %sub3A_515 = vector.broadcast %sub3A_514 : i32 to vector<16xi32>
        %sub3A_516 = arith.subi %iota3A, %sub3A_515 : vector<16xi32>
        %max3A_517 = arith.constant 0 : i32
        %max3A_518 = vector.broadcast %max3A_517 : i32 to vector<16xi32>
        %max3A_519 = arith.maxsi %sub3A_516, %max3A_518 : vector<16xi32>
        %broadcast_in_dim3A_520 = vector.shape_cast %max3A_519 : vector<16xi32> to vector<16x1xi32>
        %gather3A_521 = vector.shape_cast %broadcast_in_dim3A_520 : vector<16x1xi32> to vector<16xi32>
        %gather3A_522 = tpu.dynamic_gather %get3A_510[%gather3A_521] in [0] : vector<16xi32>, vector<16xi32> -> vector<16xi32>
        %eq3A_523 = arith.constant 0 : i32
        %eq3A_524 = vector.broadcast %eq3A_523 : i32 to vector<16xi32>
        %eq3A_525 = arith.cmpi eq, %iota3A, %eq3A_524 : vector<16xi32>
        %ne3A_526 = arith.cmpi ne, %get3A_510, %gather3A_522 : vector<16xi32>
        %or3A_527 = arith.ori %eq3A_525, %ne3A_526 : vector<16xi1>
        %jit3A_528 = arith.constant 0 : i32
        %broadcast_in_dim3A_529 = vector.broadcast %jit3A_528 : i32 to vector<16xi32>
        %select_n3A_530 = arith.select %or3A_527, %iota3A, %broadcast_in_dim3A_529 : vector<16xi1>, vector<16xi32>
        %broadcast_in_dim3A_531 = arith.constant true
        %broadcast_in_dim3A_532 = vector.broadcast %broadcast_in_dim3A_531 : i1 to vector<16xi1>
        %masked_cummax3A_533 = arith.constant -2147483648 : i32
        %masked_cummax3A_534 = vector.broadcast %masked_cummax3A_533 : i32 to vector<16xi32>
        %masked_cummax3A_535 = arith.xori %select_n3A_530, %masked_cummax3A_534 : vector<16xi32>
        %masked_cummax3A_536 = tpu.scan <max>, %masked_cummax3A_535 masked %broadcast_in_dim3A_532 : vector<16xi32>, vector<16xi1> -> vector<16xi32>
        %masked_cummax3A_537 = arith.xori %masked_cummax3A_536, %masked_cummax3A_534 : vector<16xi32>
        %sub3A_538 = arith.subf %masked_cumsum3A_513, %get3A_506 : vector<16xf32>
        %broadcast_in_dim3A_539 = vector.shape_cast %masked_cummax3A_537 : vector<16xi32> to vector<16x1xi32>
        %gather3A_540 = vector.shape_cast %broadcast_in_dim3A_539 : vector<16x1xi32> to vector<16xi32>
        %gather3A_541 = tpu.dynamic_gather %sub3A_538[%gather3A_540] in [0] : vector<16xf32>, vector<16xi32> -> vector<16xf32>
        %sub3A_542 = arith.subf %masked_cumsum3A_513, %gather3A_541 : vector<16xf32>
        %add3A_543 = arith.constant 1 : i32
        %add3A_544 = vector.broadcast %add3A_543 : i32 to vector<16xi32>
        %add3A_545 = arith.addi %iota3A, %add3A_544 : vector<16xi32>
        %min3A_546 = arith.constant 15 : i32
        %min3A_547 = vector.broadcast %min3A_546 : i32 to vector<16xi32>
        %min3A_548 = arith.minsi %add3A_545, %min3A_547 : vector<16xi32>
        %broadcast_in_dim3A_549 = vector.shape_cast %min3A_548 : vector<16xi32> to vector<16x1xi32>
        %gather3A_550 = vector.shape_cast %broadcast_in_dim3A_549 : vector<16x1xi32> to vector<16xi32>
        %gather3A_551 = tpu.dynamic_gather %get3A_510[%gather3A_550] in [0] : vector<16xi32>, vector<16xi32> -> vector<16xi32>
        %eq3A_552 = arith.constant 15 : i32
        %eq3A_553 = vector.broadcast %eq3A_552 : i32 to vector<16xi32>
        %eq3A_554 = arith.cmpi eq, %iota3A, %eq3A_553 : vector<16xi32>
        %ne3A_555 = arith.cmpi ne, %get3A_510, %gather3A_551 : vector<16xi32>
        %or3A_556 = arith.ori %eq3A_554, %ne3A_555 : vector<16xi1>
        tpu.vector_store_idx %arg14[%get3A_510], %sub3A_542 masked %or3A_556 {add = true} : memref<512xf32, #tpu.memory_space<vmem>>[vector<16xi32>], vector<16xf32>, vector<16xi1>
      } else {
      }
    }
    %scan3A_47 = arith.constant 12 : i32
    %barrier3A_48 = arith.constant 0 : index
    tpu.barrier barrier_id(%barrier3A_48)
    "tpu.region"() ({
      %run_scoped3A = tpu.sem_alloc : memref<!tpu.dma_semaphore, #tpu.memory_space<semaphore_mem>>
      %dma_start3A_51 = arith.constant 0 : i32
      %dma_start3A_52 = tpu.memref_slice %arg15[%mul3A_2, %dma_start3A_51] : memref<512x128xf32, #tpu.memory_space<vmem_shared>> -> memref<32x128xf32, #tpu.memory_space<vmem_shared>>
      %dma_start3A_53 = arith.constant 0 : i32
      %dma_start3A_54 = tpu.memref_slice %arg15[%mul3A_2, %dma_start3A_53] : memref<512x128xf32, #tpu.memory_space<vmem_shared>> -> memref<32x128xf32, #tpu.memory_space<vmem_shared>>
      tpu.enqueue_dma source(%dma_start3A_54 : memref<32x128xf32, #tpu.memory_space<vmem_shared>>) target(%arg13 : memref<32x128xf32, #tpu.memory_space<vmem>>) target_semaphore(%run_scoped3A : memref<!tpu.dma_semaphore, #tpu.memory_space<semaphore_mem>>)
      %dma_wait3A = arith.constant 0 : i32
      %dma_wait3A_55 = tpu.memref_slice %arg15[%mul3A_2, %dma_wait3A] : memref<512x128xf32, #tpu.memory_space<vmem_shared>> -> memref<32x128xf32, #tpu.memory_space<vmem_shared>>
      %dma_wait3A_56 = arith.constant 0 : i32
      %dma_wait3A_57 = tpu.memref_slice %arg15[%mul3A_2, %dma_wait3A_56] : memref<512x128xf32, #tpu.memory_space<vmem_shared>> -> memref<32x128xf32, #tpu.memory_space<vmem_shared>>
      tpu.wait_dma2 semaphore(%run_scoped3A : memref<!tpu.dma_semaphore, #tpu.memory_space<semaphore_mem>>) src(%dma_wait3A_57 : memref<32x128xf32, #tpu.memory_space<vmem_shared>>) dst(%arg13 : memref<32x128xf32, #tpu.memory_space<vmem>>)
      tpu.yield
    }) : () -> ()
    "tpu.region"() ({
      %run_scoped3A = tpu.sem_alloc : memref<!tpu.dma_semaphore, #tpu.memory_space<semaphore_mem>>
      %dma_start3A_51 = arith.constant 0 : i32
      %dma_start3A_52 = tpu.memref_slice %arg8[%arg0, %mul3A_2, %dma_start3A_51] : memref<2x512x128xf32, #tpu.memory_space<hbm>> -> memref<1x32x128xf32, #tpu.memory_space<hbm>>
      %dma_start3A_53 = tpu.memref_squeeze %dma_start3A_52 : memref<1x32x128xf32, #tpu.memory_space<hbm>> -> memref<32x128xf32, #tpu.memory_space<hbm>>
      %dma_start3A_54 = arith.constant 0 : i32
      %dma_start3A_55 = tpu.memref_slice %arg8[%arg0, %mul3A_2, %dma_start3A_54] : memref<2x512x128xf32, #tpu.memory_space<hbm>> -> memref<1x32x128xf32, #tpu.memory_space<hbm>>
      %dma_start3A_56 = tpu.memref_squeeze %dma_start3A_55 : memref<1x32x128xf32, #tpu.memory_space<hbm>> -> memref<32x128xf32, #tpu.memory_space<hbm>>
      tpu.enqueue_dma source(%arg13 : memref<32x128xf32, #tpu.memory_space<vmem>>) target(%dma_start3A_56 : memref<32x128xf32, #tpu.memory_space<hbm>>) target_semaphore(%run_scoped3A : memref<!tpu.dma_semaphore, #tpu.memory_space<semaphore_mem>>)
      %dma_wait3A = arith.constant 0 : i32
      %dma_wait3A_57 = tpu.memref_slice %arg8[%arg0, %mul3A_2, %dma_wait3A] : memref<2x512x128xf32, #tpu.memory_space<hbm>> -> memref<1x32x128xf32, #tpu.memory_space<hbm>>
      %dma_wait3A_58 = tpu.memref_squeeze %dma_wait3A_57 : memref<1x32x128xf32, #tpu.memory_space<hbm>> -> memref<32x128xf32, #tpu.memory_space<hbm>>
      %dma_wait3A_59 = arith.constant 0 : i32
      %dma_wait3A_60 = tpu.memref_slice %arg8[%arg0, %mul3A_2, %dma_wait3A_59] : memref<2x512x128xf32, #tpu.memory_space<hbm>> -> memref<1x32x128xf32, #tpu.memory_space<hbm>>
      %dma_wait3A_61 = tpu.memref_squeeze %dma_wait3A_60 : memref<1x32x128xf32, #tpu.memory_space<hbm>> -> memref<32x128xf32, #tpu.memory_space<hbm>>
      tpu.wait_dma2 semaphore(%run_scoped3A : memref<!tpu.dma_semaphore, #tpu.memory_space<semaphore_mem>>) src(%arg13 : memref<32x128xf32, #tpu.memory_space<vmem>>) dst(%dma_wait3A_61 : memref<32x128xf32, #tpu.memory_space<hbm>>)
      tpu.yield
    }) : () -> ()
    %mul3A_49 = arith.constant 512 : i32
    %mul3A_50 = arith.muli %add3A, %mul3A_49 : i32
    "tpu.region"() ({
      %run_scoped3A = tpu.sem_alloc : memref<!tpu.dma_semaphore, #tpu.memory_space<semaphore_mem>>
      %dma_start3A_51 = tpu.memref_slice %arg9[%mul3A_50] : memref<16384xf32, #tpu.memory_space<hbm>> -> memref<512xf32, #tpu.memory_space<hbm>>
      %dma_start3A_52 = tpu.memref_slice %arg9[%mul3A_50] : memref<16384xf32, #tpu.memory_space<hbm>> -> memref<512xf32, #tpu.memory_space<hbm>>
      tpu.enqueue_dma source(%arg14 : memref<512xf32, #tpu.memory_space<vmem>>) target(%dma_start3A_52 : memref<512xf32, #tpu.memory_space<hbm>>) target_semaphore(%run_scoped3A : memref<!tpu.dma_semaphore, #tpu.memory_space<semaphore_mem>>)
      %dma_wait3A = tpu.memref_slice %arg9[%mul3A_50] : memref<16384xf32, #tpu.memory_space<hbm>> -> memref<512xf32, #tpu.memory_space<hbm>>
      %dma_wait3A_53 = tpu.memref_slice %arg9[%mul3A_50] : memref<16384xf32, #tpu.memory_space<hbm>> -> memref<512xf32, #tpu.memory_space<hbm>>
      tpu.wait_dma2 semaphore(%run_scoped3A : memref<!tpu.dma_semaphore, #tpu.memory_space<semaphore_mem>>) src(%arg14 : memref<512xf32, #tpu.memory_space<vmem>>) dst(%dma_wait3A_53 : memref<512xf32, #tpu.memory_space<hbm>>)
      tpu.yield
    }) : () -> ()
    return
  }
}

module attributes {stable_mosaic.version = 14 : i64} {
  func.func @_tc_scores_body(%arg0: i32, %arg1: memref<4096x128xf32, #tpu.memory_space<vmem>>, %arg2: memref<128x64xf32, #tpu.memory_space<vmem>>, %arg3: memref<1x64xf32, #tpu.memory_space<vmem>>, %arg4: memref<1x64xf32, #tpu.memory_space<vmem>>, %arg5: memref<1x1xf32, #tpu.memory_space<vmem>>, %arg6: memref<4096x128xf32, #tpu.memory_space<vmem>>, %arg7: memref<4096xf32, #tpu.memory_space<vmem>>) attributes {dimension_semantics = [#tpu.dimension_semantics<arbitrary>], iteration_bounds = array<i64: 12>, scalar_prefetch = 0 : i64, scratch_operands = 0 : i64, tpu.core_type = #tpu.core_type<tc>, window_params = [{transform_indices = @transform_0, window_bounds = array<i64: 4096, 128>}, {pipeline_mode = #tpu.pipeline_mode<synchronous>, transform_indices = @transform_1, window_bounds = array<i64: 128, 64>}, {pipeline_mode = #tpu.pipeline_mode<synchronous>, transform_indices = @transform_2, window_bounds = array<i64: 1, 64>}, {pipeline_mode = #tpu.pipeline_mode<synchronous>, transform_indices = @transform_3, window_bounds = array<i64: 1, 64>}, {pipeline_mode = #tpu.pipeline_mode<synchronous>, transform_indices = @transform_4, window_bounds = array<i64: 1, 1>}, {transform_indices = @transform_5, window_bounds = array<i64: 4096, 128>}, {transform_indices = @transform_6, window_bounds = array<i64: 4096>}]} {
    %get3A = arith.constant 0 : index
    %get3A_0 = arith.constant 0 : index
    %get3A_1 = vector.load %arg1[%get3A, %get3A_0] : memref<4096x128xf32, #tpu.memory_space<vmem>>, vector<4096x128xf32>
    %get3A_2 = arith.constant 0 : index
    %get3A_3 = arith.constant 0 : index
    %get3A_4 = vector.load %arg2[%get3A_2, %get3A_3] : memref<128x64xf32, #tpu.memory_space<vmem>>, vector<128x64xf32>
    %dot_general3A = arith.constant dense<0.000000e+00> : vector<4096x64xf32>
    %dot_general3A_5 = tpu.matmul %get3A_1, %get3A_4, %dot_general3A {dimension_numbers = #tpu.dot_dimension_numbers<[1], [0], [0], [1], [0, 0, 1, 1], [], []>, transpose_lhs_hint = false} : vector<4096x128xf32>, vector<128x64xf32>, vector<4096x64xf32> -> vector<4096x64xf32>
    %get3A_6 = arith.constant 0 : index
    %get3A_7 = arith.constant 0 : index
    %get3A_8 = vector.load %arg3[%get3A_6, %get3A_7] : memref<1x64xf32, #tpu.memory_space<vmem>>, vector<1x64xf32>
    %add3A = vector.broadcast %get3A_8 : vector<1x64xf32> to vector<4096x64xf32>
    %add3A_9 = arith.addf %dot_general3A_5, %add3A : vector<4096x64xf32>
    %tanh3A = math.tanh %add3A_9 : vector<4096x64xf32>
    %get3A_10 = arith.constant 0 : index
    %get3A_11 = arith.constant 0 : index
    %get3A_12 = vector.load %arg4[%get3A_10, %get3A_11] : memref<1x64xf32, #tpu.memory_space<vmem>>, vector<1x64xf32>
    %mul3A = vector.broadcast %get3A_12 : vector<1x64xf32> to vector<4096x64xf32>
    %mul3A_13 = arith.mulf %tanh3A, %mul3A : vector<4096x64xf32>
    %reduce_sum3A = arith.constant dense<0.000000e+00> : vector<4096xf32>
    %reduce_sum3A_14 = vector.multi_reduction <add>, %mul3A_13, %reduce_sum3A [1] : vector<4096x64xf32> to vector<4096xf32>
    %broadcast_in_dim3A = vector.shape_cast %reduce_sum3A_14 : vector<4096xf32> to vector<4096x1xf32>
    %get3A_15 = arith.constant 0 : index
    %get3A_16 = arith.constant 0 : index
    %get3A_17 = vector.load %arg5[%get3A_15, %get3A_16] : memref<1x1xf32, #tpu.memory_space<vmem>>, vector<1x1xf32>
    %add3A_18 = vector.broadcast %get3A_17 : vector<1x1xf32> to vector<4096x1xf32>
    %add3A_19 = arith.addf %broadcast_in_dim3A, %add3A_18 : vector<4096x1xf32>
    %exp3A = math.exp %add3A_19 : vector<4096x1xf32>
    %mul3A_20 = vector.broadcast %exp3A : vector<4096x1xf32> to vector<4096x128xf32>
    %mul3A_21 = arith.mulf %get3A_1, %mul3A_20 : vector<4096x128xf32>
    %swap3A = arith.constant 0 : index
    %swap3A_22 = arith.constant 0 : index
    %swap3A_23 = vector.load %arg6[%swap3A, %swap3A_22] : memref<4096x128xf32, #tpu.memory_space<vmem>>, vector<4096x128xf32>
    tpu.vector_store %arg6[%swap3A, %swap3A_22], %mul3A_21 {strides = array<i32>} : memref<4096x128xf32, #tpu.memory_space<vmem>>, vector<4096x128xf32>,
    %mul3A_24 = arith.constant 4096 : i32
    %mul3A_25 = arith.muli %arg0, %mul3A_24 : i32
    %add3A_26 = arith.constant 49152 : i32
    %add3A_27 = arith.addi %add3A_26, %mul3A_25 : i32
    %iota3A = tpu.iota {dimensions = array<i32: 1>} : vector<1x4096xi32>
    %iota3A_28 = vector.shape_cast %iota3A : vector<1x4096xi32> to vector<4096xi32>
    %add3A_29 = vector.broadcast %add3A_27 : i32 to vector<4096xi32>
    %add3A_30 = arith.addi %add3A_29, %iota3A_28 : vector<4096xi32>
    %lt3A = arith.constant 100000 : i32
    %lt3A_31 = vector.broadcast %lt3A : i32 to vector<4096xi32>
    %lt3A_32 = arith.cmpi slt, %add3A_30, %lt3A_31 : vector<4096xi32>
    %squeeze3A = vector.shape_cast %exp3A : vector<4096x1xf32> to vector<4096xf32>
    %jit3A = arith.constant 0.000000e+00 : f32
    %broadcast_in_dim3A_33 = vector.broadcast %jit3A : f32 to vector<4096xf32>
    %select_n3A = arith.select %lt3A_32, %squeeze3A, %broadcast_in_dim3A_33 : vector<4096xi1>, vector<4096xf32>
    %swap3A_34 = arith.constant 0 : index
    %swap3A_35 = vector.load %arg7[%swap3A_34] : memref<4096xf32, #tpu.memory_space<vmem>>, vector<4096xf32>
    tpu.vector_store %arg7[%swap3A_34], %select_n3A {strides = array<i32>} : memref<4096xf32, #tpu.memory_space<vmem>>, vector<4096xf32>,
    return
  }
  func.func @transform_0(%arg0: i32) -> (i32, i32) {
    %add3A = arith.constant 12 : i32
    %add3A_0 = arith.addi %arg0, %add3A : i32
    %c0_i32 = arith.constant 0 : i32
    %c0_i32_1 = arith.constant 0 : i32
    return %add3A_0, %c0_i32 : i32, i32
  }
  func.func @transform_1(%arg0: i32) -> (i32, i32) {
    %c0_i32 = arith.constant 0 : i32
    %c0_i32_0 = arith.constant 0 : i32
    %c0_i32_1 = arith.constant 0 : i32
    return %c0_i32, %c0_i32_0 : i32, i32
  }
  func.func @transform_2(%arg0: i32) -> (i32, i32) {
    %c0_i32 = arith.constant 0 : i32
    %c0_i32_0 = arith.constant 0 : i32
    %c0_i32_1 = arith.constant 0 : i32
    return %c0_i32, %c0_i32_0 : i32, i32
  }
  func.func @transform_3(%arg0: i32) -> (i32, i32) {
    %c0_i32 = arith.constant 0 : i32
    %c0_i32_0 = arith.constant 0 : i32
    %c0_i32_1 = arith.constant 0 : i32
    return %c0_i32, %c0_i32_0 : i32, i32
  }
  func.func @transform_4(%arg0: i32) -> (i32, i32) {
    %c0_i32 = arith.constant 0 : i32
    %c0_i32_0 = arith.constant 0 : i32
    %c0_i32_1 = arith.constant 0 : i32
    return %c0_i32, %c0_i32_0 : i32, i32
  }
  func.func @transform_5(%arg0: i32) -> (i32, i32) {
    %c0_i32 = arith.constant 0 : i32
    %c0_i32_0 = arith.constant 0 : i32
    return %arg0, %c0_i32 : i32, i32
  }
  func.func @transform_6(%arg0: i32) -> i32 {
    %c0_i32 = arith.constant 0 : i32
    return %arg0 : i32
  }
}

module attributes {stable_mosaic.version = 14 : i64} {
  func.func @_tc_scores_body(%arg0: i32, %arg1: memref<4096x128xf32, #tpu.memory_space<vmem>>, %arg2: memref<128x64xf32, #tpu.memory_space<vmem>>, %arg3: memref<1x64xf32, #tpu.memory_space<vmem>>, %arg4: memref<1x64xf32, #tpu.memory_space<vmem>>, %arg5: memref<1x1xf32, #tpu.memory_space<vmem>>, %arg6: memref<4096x128xf32, #tpu.memory_space<vmem>>, %arg7: memref<4096xf32, #tpu.memory_space<vmem>>) attributes {dimension_semantics = [#tpu.dimension_semantics<arbitrary>], iteration_bounds = array<i64: 1>, scalar_prefetch = 0 : i64, scratch_operands = 0 : i64, tpu.core_type = #tpu.core_type<tc>, window_params = [{transform_indices = @transform_0, window_bounds = array<i64: 4096, 128>}, {pipeline_mode = #tpu.pipeline_mode<synchronous>, transform_indices = @transform_1, window_bounds = array<i64: 128, 64>}, {pipeline_mode = #tpu.pipeline_mode<synchronous>, transform_indices = @transform_2, window_bounds = array<i64: 1, 64>}, {pipeline_mode = #tpu.pipeline_mode<synchronous>, transform_indices = @transform_3, window_bounds = array<i64: 1, 64>}, {pipeline_mode = #tpu.pipeline_mode<synchronous>, transform_indices = @transform_4, window_bounds = array<i64: 1, 1>}, {transform_indices = @transform_5, window_bounds = array<i64: 4096, 128>}, {transform_indices = @transform_6, window_bounds = array<i64: 4096>}]} {
    %get3A = arith.constant 0 : index
    %get3A_0 = arith.constant 0 : index
    %get3A_1 = vector.load %arg1[%get3A, %get3A_0] : memref<4096x128xf32, #tpu.memory_space<vmem>>, vector<4096x128xf32>
    %get3A_2 = arith.constant 0 : index
    %get3A_3 = arith.constant 0 : index
    %get3A_4 = vector.load %arg2[%get3A_2, %get3A_3] : memref<128x64xf32, #tpu.memory_space<vmem>>, vector<128x64xf32>
    %dot_general3A = arith.constant dense<0.000000e+00> : vector<4096x64xf32>
    %dot_general3A_5 = tpu.matmul %get3A_1, %get3A_4, %dot_general3A {dimension_numbers = #tpu.dot_dimension_numbers<[1], [0], [0], [1], [0, 0, 1, 1], [], []>, transpose_lhs_hint = false} : vector<4096x128xf32>, vector<128x64xf32>, vector<4096x64xf32> -> vector<4096x64xf32>
    %get3A_6 = arith.constant 0 : index
    %get3A_7 = arith.constant 0 : index
    %get3A_8 = vector.load %arg3[%get3A_6, %get3A_7] : memref<1x64xf32, #tpu.memory_space<vmem>>, vector<1x64xf32>
    %add3A = vector.broadcast %get3A_8 : vector<1x64xf32> to vector<4096x64xf32>
    %add3A_9 = arith.addf %dot_general3A_5, %add3A : vector<4096x64xf32>
    %tanh3A = math.tanh %add3A_9 : vector<4096x64xf32>
    %get3A_10 = arith.constant 0 : index
    %get3A_11 = arith.constant 0 : index
    %get3A_12 = vector.load %arg4[%get3A_10, %get3A_11] : memref<1x64xf32, #tpu.memory_space<vmem>>, vector<1x64xf32>
    %mul3A = vector.broadcast %get3A_12 : vector<1x64xf32> to vector<4096x64xf32>
    %mul3A_13 = arith.mulf %tanh3A, %mul3A : vector<4096x64xf32>
    %reduce_sum3A = arith.constant dense<0.000000e+00> : vector<4096xf32>
    %reduce_sum3A_14 = vector.multi_reduction <add>, %mul3A_13, %reduce_sum3A [1] : vector<4096x64xf32> to vector<4096xf32>
    %broadcast_in_dim3A = vector.shape_cast %reduce_sum3A_14 : vector<4096xf32> to vector<4096x1xf32>
    %get3A_15 = arith.constant 0 : index
    %get3A_16 = arith.constant 0 : index
    %get3A_17 = vector.load %arg5[%get3A_15, %get3A_16] : memref<1x1xf32, #tpu.memory_space<vmem>>, vector<1x1xf32>
    %add3A_18 = vector.broadcast %get3A_17 : vector<1x1xf32> to vector<4096x1xf32>
    %add3A_19 = arith.addf %broadcast_in_dim3A, %add3A_18 : vector<4096x1xf32>
    %exp3A = math.exp %add3A_19 : vector<4096x1xf32>
    %mul3A_20 = vector.broadcast %exp3A : vector<4096x1xf32> to vector<4096x128xf32>
    %mul3A_21 = arith.mulf %get3A_1, %mul3A_20 : vector<4096x128xf32>
    %swap3A = arith.constant 0 : index
    %swap3A_22 = arith.constant 0 : index
    %swap3A_23 = vector.load %arg6[%swap3A, %swap3A_22] : memref<4096x128xf32, #tpu.memory_space<vmem>>, vector<4096x128xf32>
    tpu.vector_store %arg6[%swap3A, %swap3A_22], %mul3A_21 {strides = array<i32>} : memref<4096x128xf32, #tpu.memory_space<vmem>>, vector<4096x128xf32>,
    %mul3A_24 = arith.constant 4096 : i32
    %mul3A_25 = arith.muli %arg0, %mul3A_24 : i32
    %add3A_26 = arith.constant 98304 : i32
    %add3A_27 = arith.addi %add3A_26, %mul3A_25 : i32
    %iota3A = tpu.iota {dimensions = array<i32: 1>} : vector<1x4096xi32>
    %iota3A_28 = vector.shape_cast %iota3A : vector<1x4096xi32> to vector<4096xi32>
    %add3A_29 = vector.broadcast %add3A_27 : i32 to vector<4096xi32>
    %add3A_30 = arith.addi %add3A_29, %iota3A_28 : vector<4096xi32>
    %lt3A = arith.constant 100000 : i32
    %lt3A_31 = vector.broadcast %lt3A : i32 to vector<4096xi32>
    %lt3A_32 = arith.cmpi slt, %add3A_30, %lt3A_31 : vector<4096xi32>
    %squeeze3A = vector.shape_cast %exp3A : vector<4096x1xf32> to vector<4096xf32>
    %jit3A = arith.constant 0.000000e+00 : f32
    %broadcast_in_dim3A_33 = vector.broadcast %jit3A : f32 to vector<4096xf32>
    %select_n3A = arith.select %lt3A_32, %squeeze3A, %broadcast_in_dim3A_33 : vector<4096xi1>, vector<4096xf32>
    %swap3A_34 = arith.constant 0 : index
    %swap3A_35 = vector.load %arg7[%swap3A_34] : memref<4096xf32, #tpu.memory_space<vmem>>, vector<4096xf32>
    tpu.vector_store %arg7[%swap3A_34], %select_n3A {strides = array<i32>} : memref<4096xf32, #tpu.memory_space<vmem>>, vector<4096xf32>,
    return
  }
  func.func @transform_0(%arg0: i32) -> (i32, i32) {
    %add3A = arith.constant 0 : i32
    %add3A_0 = arith.addi %arg0, %add3A : i32
    %c0_i32 = arith.constant 0 : i32
    %c0_i32_1 = arith.constant 0 : i32
    return %add3A_0, %c0_i32 : i32, i32
  }
  func.func @transform_1(%arg0: i32) -> (i32, i32) {
    %c0_i32 = arith.constant 0 : i32
    %c0_i32_0 = arith.constant 0 : i32
    %c0_i32_1 = arith.constant 0 : i32
    return %c0_i32, %c0_i32_0 : i32, i32
  }
  func.func @transform_2(%arg0: i32) -> (i32, i32) {
    %c0_i32 = arith.constant 0 : i32
    %c0_i32_0 = arith.constant 0 : i32
    %c0_i32_1 = arith.constant 0 : i32
    return %c0_i32, %c0_i32_0 : i32, i32
  }
  func.func @transform_3(%arg0: i32) -> (i32, i32) {
    %c0_i32 = arith.constant 0 : i32
    %c0_i32_0 = arith.constant 0 : i32
    %c0_i32_1 = arith.constant 0 : i32
    return %c0_i32, %c0_i32_0 : i32, i32
  }
  func.func @transform_4(%arg0: i32) -> (i32, i32) {
    %c0_i32 = arith.constant 0 : i32
    %c0_i32_0 = arith.constant 0 : i32
    %c0_i32_1 = arith.constant 0 : i32
    return %c0_i32, %c0_i32_0 : i32, i32
  }
  func.func @transform_5(%arg0: i32) -> (i32, i32) {
    %c0_i32 = arith.constant 0 : i32
    %c0_i32_0 = arith.constant 0 : i32
    return %arg0, %c0_i32 : i32, i32
  }
  func.func @transform_6(%arg0: i32) -> i32 {
    %c0_i32 = arith.constant 0 : i32
    return %arg0 : i32
  }
}

module attributes {stable_mosaic.version = 14 : i64} {
  func.func @_tc_scores_body(%arg0: i32, %arg1: memref<4096x128xf32, #tpu.memory_space<vmem>>, %arg2: memref<128x64xf32, #tpu.memory_space<vmem>>, %arg3: memref<1x64xf32, #tpu.memory_space<vmem>>, %arg4: memref<1x64xf32, #tpu.memory_space<vmem>>, %arg5: memref<1x1xf32, #tpu.memory_space<vmem>>, %arg6: memref<4096x128xf32, #tpu.memory_space<vmem>>, %arg7: memref<4096xf32, #tpu.memory_space<vmem>>) attributes {dimension_semantics = [#tpu.dimension_semantics<arbitrary>], iteration_bounds = array<i64: 12>, scalar_prefetch = 0 : i64, scratch_operands = 0 : i64, tpu.core_type = #tpu.core_type<tc>, window_params = [{transform_indices = @transform_0, window_bounds = array<i64: 4096, 128>}, {pipeline_mode = #tpu.pipeline_mode<synchronous>, transform_indices = @transform_1, window_bounds = array<i64: 128, 64>}, {pipeline_mode = #tpu.pipeline_mode<synchronous>, transform_indices = @transform_2, window_bounds = array<i64: 1, 64>}, {pipeline_mode = #tpu.pipeline_mode<synchronous>, transform_indices = @transform_3, window_bounds = array<i64: 1, 64>}, {pipeline_mode = #tpu.pipeline_mode<synchronous>, transform_indices = @transform_4, window_bounds = array<i64: 1, 1>}, {transform_indices = @transform_5, window_bounds = array<i64: 4096, 128>}, {transform_indices = @transform_6, window_bounds = array<i64: 4096>}]} {
    %get3A = arith.constant 0 : index
    %get3A_0 = arith.constant 0 : index
    %get3A_1 = vector.load %arg1[%get3A, %get3A_0] : memref<4096x128xf32, #tpu.memory_space<vmem>>, vector<4096x128xf32>
    %get3A_2 = arith.constant 0 : index
    %get3A_3 = arith.constant 0 : index
    %get3A_4 = vector.load %arg2[%get3A_2, %get3A_3] : memref<128x64xf32, #tpu.memory_space<vmem>>, vector<128x64xf32>
    %dot_general3A = arith.constant dense<0.000000e+00> : vector<4096x64xf32>
    %dot_general3A_5 = tpu.matmul %get3A_1, %get3A_4, %dot_general3A {dimension_numbers = #tpu.dot_dimension_numbers<[1], [0], [0], [1], [0, 0, 1, 1], [], []>, transpose_lhs_hint = false} : vector<4096x128xf32>, vector<128x64xf32>, vector<4096x64xf32> -> vector<4096x64xf32>
    %get3A_6 = arith.constant 0 : index
    %get3A_7 = arith.constant 0 : index
    %get3A_8 = vector.load %arg3[%get3A_6, %get3A_7] : memref<1x64xf32, #tpu.memory_space<vmem>>, vector<1x64xf32>
    %add3A = vector.broadcast %get3A_8 : vector<1x64xf32> to vector<4096x64xf32>
    %add3A_9 = arith.addf %dot_general3A_5, %add3A : vector<4096x64xf32>
    %tanh3A = math.tanh %add3A_9 : vector<4096x64xf32>
    %get3A_10 = arith.constant 0 : index
    %get3A_11 = arith.constant 0 : index
    %get3A_12 = vector.load %arg4[%get3A_10, %get3A_11] : memref<1x64xf32, #tpu.memory_space<vmem>>, vector<1x64xf32>
    %mul3A = vector.broadcast %get3A_12 : vector<1x64xf32> to vector<4096x64xf32>
    %mul3A_13 = arith.mulf %tanh3A, %mul3A : vector<4096x64xf32>
    %reduce_sum3A = arith.constant dense<0.000000e+00> : vector<4096xf32>
    %reduce_sum3A_14 = vector.multi_reduction <add>, %mul3A_13, %reduce_sum3A [1] : vector<4096x64xf32> to vector<4096xf32>
    %broadcast_in_dim3A = vector.shape_cast %reduce_sum3A_14 : vector<4096xf32> to vector<4096x1xf32>
    %get3A_15 = arith.constant 0 : index
    %get3A_16 = arith.constant 0 : index
    %get3A_17 = vector.load %arg5[%get3A_15, %get3A_16] : memref<1x1xf32, #tpu.memory_space<vmem>>, vector<1x1xf32>
    %add3A_18 = vector.broadcast %get3A_17 : vector<1x1xf32> to vector<4096x1xf32>
    %add3A_19 = arith.addf %broadcast_in_dim3A, %add3A_18 : vector<4096x1xf32>
    %exp3A = math.exp %add3A_19 : vector<4096x1xf32>
    %mul3A_20 = vector.broadcast %exp3A : vector<4096x1xf32> to vector<4096x128xf32>
    %mul3A_21 = arith.mulf %get3A_1, %mul3A_20 : vector<4096x128xf32>
    %swap3A = arith.constant 0 : index
    %swap3A_22 = arith.constant 0 : index
    %swap3A_23 = vector.load %arg6[%swap3A, %swap3A_22] : memref<4096x128xf32, #tpu.memory_space<vmem>>, vector<4096x128xf32>
    tpu.vector_store %arg6[%swap3A, %swap3A_22], %mul3A_21 {strides = array<i32>} : memref<4096x128xf32, #tpu.memory_space<vmem>>, vector<4096x128xf32>,
    %mul3A_24 = arith.constant 4096 : i32
    %mul3A_25 = arith.muli %arg0, %mul3A_24 : i32
    %add3A_26 = arith.constant 0 : i32
    %add3A_27 = arith.addi %add3A_26, %mul3A_25 : i32
    %iota3A = tpu.iota {dimensions = array<i32: 1>} : vector<1x4096xi32>
    %iota3A_28 = vector.shape_cast %iota3A : vector<1x4096xi32> to vector<4096xi32>
    %add3A_29 = vector.broadcast %add3A_27 : i32 to vector<4096xi32>
    %add3A_30 = arith.addi %add3A_29, %iota3A_28 : vector<4096xi32>
    %lt3A = arith.constant 100000 : i32
    %lt3A_31 = vector.broadcast %lt3A : i32 to vector<4096xi32>
    %lt3A_32 = arith.cmpi slt, %add3A_30, %lt3A_31 : vector<4096xi32>
    %squeeze3A = vector.shape_cast %exp3A : vector<4096x1xf32> to vector<4096xf32>
    %jit3A = arith.constant 0.000000e+00 : f32
    %broadcast_in_dim3A_33 = vector.broadcast %jit3A : f32 to vector<4096xf32>
    %select_n3A = arith.select %lt3A_32, %squeeze3A, %broadcast_in_dim3A_33 : vector<4096xi1>, vector<4096xf32>
    %swap3A_34 = arith.constant 0 : index
    %swap3A_35 = vector.load %arg7[%swap3A_34] : memref<4096xf32, #tpu.memory_space<vmem>>, vector<4096xf32>
    tpu.vector_store %arg7[%swap3A_34], %select_n3A {strides = array<i32>} : memref<4096xf32, #tpu.memory_space<vmem>>, vector<4096xf32>,
    return
  }
  func.func @transform_0(%arg0: i32) -> (i32, i32) {
    %add3A = arith.constant 0 : i32
    %add3A_0 = arith.addi %arg0, %add3A : i32
    %c0_i32 = arith.constant 0 : i32
    %c0_i32_1 = arith.constant 0 : i32
    return %add3A_0, %c0_i32 : i32, i32
  }
  func.func @transform_1(%arg0: i32) -> (i32, i32) {
    %c0_i32 = arith.constant 0 : i32
    %c0_i32_0 = arith.constant 0 : i32
    %c0_i32_1 = arith.constant 0 : i32
    return %c0_i32, %c0_i32_0 : i32, i32
  }
  func.func @transform_2(%arg0: i32) -> (i32, i32) {
    %c0_i32 = arith.constant 0 : i32
    %c0_i32_0 = arith.constant 0 : i32
    %c0_i32_1 = arith.constant 0 : i32
    return %c0_i32, %c0_i32_0 : i32, i32
  }
  func.func @transform_3(%arg0: i32) -> (i32, i32) {
    %c0_i32 = arith.constant 0 : i32
    %c0_i32_0 = arith.constant 0 : i32
    %c0_i32_1 = arith.constant 0 : i32
    return %c0_i32, %c0_i32_0 : i32, i32
  }
  func.func @transform_4(%arg0: i32) -> (i32, i32) {
    %c0_i32 = arith.constant 0 : i32
    %c0_i32_0 = arith.constant 0 : i32
    %c0_i32_1 = arith.constant 0 : i32
    return %c0_i32, %c0_i32_0 : i32, i32
  }
  func.func @transform_5(%arg0: i32) -> (i32, i32) {
    %c0_i32 = arith.constant 0 : i32
    %c0_i32_0 = arith.constant 0 : i32
    return %arg0, %c0_i32 : i32, i32
  }
  func.func @transform_6(%arg0: i32) -> i32 {
    %c0_i32 = arith.constant 0 : i32
    return %arg0 : i32
  }
}

module attributes {stable_mosaic.version = 14 : i64} {
  func.func @_combine_body(%arg0: memref<2x512x128xf32, #tpu.memory_space<vmem>>, %arg1: memref<32x512xf32, #tpu.memory_space<vmem>>, %arg2: memref<2x512x128xf32, #tpu.memory_space<vmem>>, %arg3: memref<32x512xf32, #tpu.memory_space<vmem>>, %arg4: memref<512x128xf32, #tpu.memory_space<vmem>>) attributes {dimension_semantics = [], scalar_prefetch = 0 : i64, scratch_operands = 0 : i64, tpu.core_type = #tpu.core_type<tc>} {
    %get3A = arith.constant 0 : index
    %get3A_0 = arith.constant 0 : index
    %get3A_1 = arith.constant 0 : index
    %get3A_2 = vector.load %arg0[%get3A, %get3A_0, %get3A_1] : memref<2x512x128xf32, #tpu.memory_space<vmem>>, vector<1x512x128xf32>
    %get3A_3 = vector.shape_cast %get3A_2 : vector<1x512x128xf32> to vector<512x128xf32>
    %get3A_4 = arith.constant 1 : index
    %get3A_5 = arith.constant 0 : index
    %get3A_6 = arith.constant 0 : index
    %get3A_7 = vector.load %arg0[%get3A_4, %get3A_5, %get3A_6] : memref<2x512x128xf32, #tpu.memory_space<vmem>>, vector<1x512x128xf32>
    %get3A_8 = vector.shape_cast %get3A_7 : vector<1x512x128xf32> to vector<512x128xf32>
    %add3A = arith.addf %get3A_3, %get3A_8 : vector<512x128xf32>
    %get3A_9 = arith.constant 0 : index
    %get3A_10 = arith.constant 0 : index
    %get3A_11 = arith.constant 0 : index
    %get3A_12 = vector.load %arg2[%get3A_9, %get3A_10, %get3A_11] : memref<2x512x128xf32, #tpu.memory_space<vmem>>, vector<1x512x128xf32>
    %get3A_13 = vector.shape_cast %get3A_12 : vector<1x512x128xf32> to vector<512x128xf32>
    %add3A_14 = arith.addf %add3A, %get3A_13 : vector<512x128xf32>
    %get3A_15 = arith.constant 1 : index
    %get3A_16 = arith.constant 0 : index
    %get3A_17 = arith.constant 0 : index
    %get3A_18 = vector.load %arg2[%get3A_15, %get3A_16, %get3A_17] : memref<2x512x128xf32, #tpu.memory_space<vmem>>, vector<1x512x128xf32>
    %get3A_19 = vector.shape_cast %get3A_18 : vector<1x512x128xf32> to vector<512x128xf32>
    %add3A_20 = arith.addf %add3A_14, %get3A_19 : vector<512x128xf32>
    %get3A_21 = arith.constant 0 : index
    %get3A_22 = arith.constant 0 : index
    %get3A_23 = vector.load %arg1[%get3A_21, %get3A_22] : memref<32x512xf32, #tpu.memory_space<vmem>>, vector<32x512xf32>
    %get3A_24 = arith.constant 0 : index
    %get3A_25 = arith.constant 0 : index
    %get3A_26 = vector.load %arg3[%get3A_24, %get3A_25] : memref<32x512xf32, #tpu.memory_space<vmem>>, vector<32x512xf32>
    %add3A_27 = arith.addf %get3A_23, %get3A_26 : vector<32x512xf32>
    %broadcast_in_dim3A = arith.constant 1.000000e+00 : f32
    %broadcast_in_dim3A_28 = vector.broadcast %broadcast_in_dim3A : f32 to vector<32x1xf32>
    %dot_general3A = arith.constant dense<0.000000e+00> : vector<512x1xf32>
    %dot_general3A_29 = tpu.matmul %add3A_27, %broadcast_in_dim3A_28, %dot_general3A {dimension_numbers = #tpu.dot_dimension_numbers<[0], [0], [1], [1], [0, 1, 1, 1], [], []>, transpose_lhs_hint = false} : vector<32x512xf32>, vector<32x1xf32>, vector<512x1xf32> -> vector<512x1xf32>
    %gt3A = arith.constant 0.000000e+00 : f32
    %gt3A_30 = vector.broadcast %gt3A : f32 to vector<512x1xf32>
    %gt3A_31 = arith.cmpf ogt, %dot_general3A_29, %gt3A_30 : vector<512x1xf32>
    %div3A = vector.broadcast %dot_general3A_29 : vector<512x1xf32> to vector<512x128xf32>
    %div3A_32 = arith.divf %add3A_20, %div3A : vector<512x128xf32>
    %jit3A = arith.constant 0.000000e+00 : f32
    %broadcast_in_dim3A_33 = vector.shape_cast %gt3A_31 : vector<512x1xi1> to vector<512x1xi1>
    %broadcast_in_dim3A_34 = vector.broadcast %broadcast_in_dim3A_33 : vector<512x1xi1> to vector<512x128xi1>
    %broadcast_in_dim3A_35 = vector.broadcast %jit3A : f32 to vector<512x128xf32>
    %select_n3A = arith.select %broadcast_in_dim3A_34, %div3A_32, %broadcast_in_dim3A_35 : vector<512x128xi1>, vector<512x128xf32>
    %swap3A = arith.constant 0 : index
    %swap3A_36 = arith.constant 0 : index
    %swap3A_37 = vector.load %arg4[%swap3A, %swap3A_36] : memref<512x128xf32, #tpu.memory_space<vmem>>, vector<512x128xf32>
    tpu.vector_store %arg4[%swap3A, %swap3A_36], %select_n3A {strides = array<i32>} : memref<512x128xf32, #tpu.memory_space<vmem>>, vector<512x128xf32>,
    return
  }
}

</mosaic_0001>

<sc_bundles>
// kernel: kernel.11.cloned.1.call-start
scs
__scs_entry_jumppad:
0x0: {  	(pc) =	sbr.rel $0x88, $3  }
0x1: {  	(tag) =	ssettag $0x0;
	lr =	simm.s32 $0x1  }
0x2: {  	[smem:$0x3F9B] =	sst lr;
	_ =	strace $0xD0000000  }
0x3: {  	_ = 	snop  }
0x4: {  	_ = 	snop  }
0x5: {  	_ = 	snop  }
0x6: {  	_ = 	snop  }
0x7: {  	_ = 	snop  }
__scs_overlays_trampoline_lowered:
0x8: {  	[smem:$0x3FAA] =	sst s0  }
0x9: {  	[smem:$0x3FAB] =	sst s1  }
0xa: {  	[smem:$0x3FAC] =	sst s2  }
0xb: {  	[smem:$0x3FAD] =	sst s3  }
0xc: {  	[smem:$0x3FAE] =	sst s4  }
0xd: {  	[smem:$0x3FAF] =	sst s5  }
0xe: {  	[smem:$0x3FB0] =	sst s6  }
0xf: {  	[smem:$0x3FB1] =	sst s7  }
0x10: {  	[smem:$0x3FB2] =	sst s8  }
0x11: {  	[smem:$0x3FB3] =	sst s9;
	s0 =	simm.s32 @!p0 $0x0  }
0x12: {  	s1 =	sld [smem:$0x3F99];
	s0 =	simm.s32 @p0 $0x1  }
0x13: {  	[smem:$0x3FB4] =	sst s0;
	s0 =	simm.s32 @!p1 $0x0  }
0x14: {  	s2 =	sld [smem:$0x3F98];
	s0 =	simm.s32 @p1 $0x1  }
0x15: {  	[smem:$0x3FB5] =	sst s0;
	s0 =	simm.s32 @!p2 $0x0  }
0x16: {  	s3 =	sld [smem:$0x3FDB];
	s0 =	simm.s32 @p2 $0x1  }
0x17: {  	s4 =	simm.s32 $0x1BF5;
	[smem:$0x3FB7] =	sst s0  }
0x18: {  	s0 =	sld [smem:$0x3F9A];
	_ =	swait.ge [sflag:s4], $0x0  }
0x19: {  	s7 =	sld [smem:$0x3F9B]  }
0x1a: {  	s8 =	sadd.s32 $0xFFFFE003, lr  }
0x1b: {  	s9 =	sadd.s32 $0xFFFFFEF7, lr;
	s5 =	simm.s32 $0xFFFFFFFF;
	p2 =	slt.u32 s8, $0xFFFFF086  }
0x1c: {  	p1 =	slt.u32 s9, $0xF7A;
	s5 =	simm.s32 @!p2 $0x0  }
0x1d: {  	s5 =	simm.s32 @p1 $0x1;
	p0 =	seq.s32 s7, s2  }
0x1e: {  	s7 =	smul.u32 @!p0 $0xF7A, s2;
	p2 =	seq.s32 @!p0 s5, $0x0  }
0x1f: {  	s9 =	smul.u32 $0xF7A, s1;
	s8 =	simm.s32 @!p0 $0x1BF5;
	p2 =	por !p2, p0  }
0x20: {  	[sflag:s8] =	ssyncset.s32 @!p0 $0xFFFFF086;
	s6 =	sadd.s32 @!p0 s3, s7;
	s7 =	simm.s32 @!p0 $0x108  }
0x21: {  	s3 =	sadd.s32 s3, s9;
	s6 =	sadd.s32 @!p0 $0x88, s6;
	s7 =	simm.s32 @p2 $0x1082  }
0x22: {  	[simem:s7], [sflag:s8] =	dma.local @!p0 [hbm:s6], $0xF7A  }
0x23: {  	s9 =	sor.u32 $0xD0000000, s2;
	s6 =	simm.s32 $0x108;
	_ =	swait.ge @!p0 [sflag:s8], $0x0  }
0x24: {  	s3 =	sadd.s32 $0x88, s3;
	s6 =	simm.s32 @!p1 $0x1082;
	[sflag:s4] =	ssyncset.s32 $0xFFFFF086  }
0x25: {  	[simem:s6], [sflag:s4] =	dma.local [hbm:s3], $0xF7A  }
0x26: {  	[smem:$0x3F9B] =	sst s1;
	(tag) =	ssettag s2;
	_ =	strace s9  }
0x27: {  	s1 =	sld [smem:$0x3FAB]  }
0x28: {  	s2 =	sld [smem:$0x3FAC]  }
0x29: {  	s4 =	sld [smem:$0x3FAE]  }
0x2a: {  	p0 =	seq.s32 s5, $0x0;
	s5 =	sld [smem:$0x3FAF]  }
0x2b: {  	s6 =	sld [smem:$0x3FB0]  }
0x2c: {  	s7 =	sld [smem:$0x3FB1]  }
0x2d: {  	s3 =	simm.s32 $0x108;
	s8 =	sld [smem:$0x3FB2]  }
0x2e: {  	s3 =	simm.s32 @!p0 $0x1082;
	s9 =	sld [smem:$0x3FB3]  }
0x2f: {  	lr =	sadd.s32 s0, s3;
	s0 =	sld [smem:$0x3FAA]  }
0x30: {  	s3 =	sld [smem:$0x3FAD]  }
0x31: {  	[smem:$0x3FB6] =	sst s10  }
0x32: {  	s10 =	sld [smem:$0x3FB4];
	_ =	sdelay $0x3  }
0x33: {  	p0 =	seq.s32 s10, $0x1;
	s10 =	sld [smem:$0x3FB6];
	_ =	sdelay $0x3  }
0x34: {  	[smem:$0x3FB6] =	sst s10  }
0x35: {  	s10 =	sld [smem:$0x3FB5];
	_ =	sdelay $0x3  }
0x36: {  	p1 =	seq.s32 s10, $0x1;
	s10 =	sld [smem:$0x3FB6];
	_ =	sdelay $0x3  }
0x37: {  	[smem:$0x3FB6] =	sst s10  }
0x38: {  	s10 =	sld [smem:$0x3FB7]  }
0x39: {  	_ = 	snop;
	(pc) =	sbr.ind lr, $3  }
0x3a: {  	_ = 	snop  }
0x3b: {  	_ = 	snop  }
0x3c: {  	p2 =	seq.s32 s10, $0x1;
	s10 =	sld [smem:$0x3FB6]  }
0x3d: {  	_ =	shalt  }
0x3e: {  	_ =	shalt  }
0x3f: {  	_ =	shalt  }
0x40: {  	_ =	shalt  }
0x41: {  	_ =	shalt  }
0x42: {  	_ =	shalt  }
0x43: {  	_ =	shalt  }
0x44: {  	_ =	shalt  }
0x45: {  	_ =	shalt  }
0x46: {  	_ =	shalt  }
0x47: {  	_ =	shalt  }
0x48: {  	_ =	shalt  }
0x49: {  	_ =	shalt  }
0x4a: {  	_ =	shalt  }
0x4b: {  	_ =	shalt  }
0x4c: {  	_ =	shalt  }
0x4d: {  	_ =	shalt  }
0x4e: {  	_ =	shalt  }
0x4f: {  	_ =	shalt  }
0x50: {  	_ =	shalt  }
0x51: {  	_ =	shalt  }
0x52: {  	_ =	shalt  }
0x53: {  	_ =	shalt  }
0x54: {  	_ =	shalt  }
0x55: {  	_ =	shalt  }
0x56: {  	_ =	shalt  }
0x57: {  	_ =	shalt  }
0x58: {  	_ =	shalt  }
0x59: {  	_ =	shalt  }
0x5a: {  	_ =	shalt  }
0x5b: {  	_ =	shalt  }
0x5c: {  	_ =	shalt  }
0x5d: {  	_ =	shalt  }
0x5e: {  	_ =	shalt  }
0x5f: {  	_ =	shalt  }
0x60: {  	_ =	shalt  }
0x61: {  	_ =	shalt  }
0x62: {  	_ =	shalt  }
0x63: {  	_ =	shalt  }
0x64: {  	_ =	shalt  }
0x65: {  	_ =	shalt  }
0x66: {  	_ =	shalt  }
0x67: {  	_ =	shalt  }
0x68: {  	_ =	shalt  }
0x69: {  	_ =	shalt  }
0x6a: {  	_ =	shalt  }
0x6b: {  	_ =	shalt  }
0x6c: {  	_ =	shalt  }
0x6d: {  	_ =	shalt  }
0x6e: {  	_ =	shalt  }
0x6f: {  	_ =	shalt  }
0x70: {  	_ =	shalt  }
0x71: {  	_ =	shalt  }
0x72: {  	_ =	shalt  }
0x73: {  	_ =	shalt  }
0x74: {  	_ =	shalt  }
0x75: {  	_ =	shalt  }
0x76: {  	_ =	shalt  }
0x77: {  	_ =	shalt  }
0x78: {  	_ =	shalt  }
0x79: {  	_ =	shalt  }
0x7a: {  	_ =	shalt  }
0x7b: {  	_ =	shalt  }
0x7c: {  	_ =	shalt  }
0x7d: {  	_ =	shalt  }
0x7e: {  	_ =	shalt  }
0x7f: {  	_ =	shalt  }
0x80: {  	_ =	shalt  }
0x81: {  	_ =	shalt  }
0x82: {  	_ =	shalt  }
0x83: {  	_ =	shalt  }
0x84: {  	_ =	shalt  }
0x85: {  	_ =	shalt  }
0x86: {  	_ =	shalt  }
0x87: {  	_ =	shalt  }
.Lfunc_end0:
.L_simem_size_0:
called_computation.1_lowered:
.L_overlay_start_0:
0x88: {  	s2 =	sld [smem:$0x3FD9]  }
0x89: {  	s3 =	sld [smem:$0x3FFE];
	_ =	sdelay $0x1  }
0x8a: {  	s1 =	srdreg.scid  }
0x8b: {  	s0 =	sand.u32 $0x1, s1  }
0x8c: {  	s17 =	sshll.u32 s0, $0xA;
	s2 =	sadd.s32 s3, s2  }
0x8d: {  	s2 =	sadd.s32 s2, s17  }
0x8e: {  	[smem:$0x3FC2] =	sst s2  }
0x8f: {  	_ = 	snop  }
0x90: {  	s2 =	sld [smem:$0x3FD0];
	(tm) =	ssettm $0x1  }
0x91: {  	s18 =	sld [smem:$0x3FFB];
	_ =	sdelay $0x3  }
0x92: {  	_ =	strace s18  }
0x93: {  	s3 =	sld [smem:$0x3FFC];
	_ =	sdelay $0x3  }
0x94: {  	_ =	strace s3  }
0x95: {  	s3 =	sld [smem:$0x3FFD];
	_ =	sdelay $0x3  }
0x96: {  	_ =	strace s3  }
0x97: {  	_ =	strace $0x8FFFFFFF  }
0x98: {  	s19 =	sld [smem:$0x3FDB];
	_ =	sdelay $0x1  }
0x99: {  	s4 =	simm.s32 $_scs_section_size  }
0x9a: {  	s5 =	simm.s32 $_size__tile_overlayer_lowered;
	s6 =	simm.s32 $_tile_overlayer_lowered  }
0x9b: {  	s22 =	simm.s32 $0x1BFF;
	s21 =	sshll.u32 s6, $0x1;
	s3 =	sadd.s32 s4, s19  }
0x9c: {  	s7 =	simm.s32 $0x0;
	s20 =	sshll.u32 s5, $0x1;
	s5 =	sadd.s32 s21, s3  }
0x9d: {  	[timem:s7], [sflag:s22] =	dma.local [hbm:s5], s20  }
0x9e: {  	_ =	swait.ge [sflag:s22], s20  }
0x9f: {  	s4 =	ssub.s32 $0x0, s20;
	[sflag:s22] =	ssyncset.done $0x0  }
0xa0: {  	[sflag:s22] =	ssyncadd.s32 s4;
	_ =	sdelay $0x1  }
0xa1: {  	s23 =	simm.s32 $0x1B8B  }
0xa2: {  	_ =	swait.ge [sflag:s23], $0x1  }
0xa3: {  	[sflag:s23] =	ssyncset.done $0x0  }
0xa4: {  	s25 =	simm.s32 $0x1B8E;
	s24 =	sld [smem:$0x3FFE];
	[sflag:s23] =	ssyncadd.s32 $0xFFFFFFFF  }
0xa5: {  	s26 =	simm.s32 $execute0_lowered;
	[smem:$0x3FD2] =	sst s25  }
0xa6: {  	s5 =	sshll.u32 s26, $0x1;
	_ =	strace $0x80000046;
	[dreg:$0x1] =	wrdreg $0xFFFFFFFF  }
0xa7: {  	s28 =	simm.s32 $_size_execute0_lowered;
	s3 =	sadd.s32 s3, s5;
	[dreg:$0x0] =	wrdreg $0x0  }
0xa8: {  	s5 =	sshll.u32 s28, $0x1;
	[dreg:$0x2] =	wrdreg s3  }
0xa9: {  	[dreg:$0x3] =	wrdreg s5  }
0xaa: {  	[dreg:$0x4] =	wrdreg $0xC0  }
0xab: {  	_ =	task [dreg:s7], $0x5FFFF  }
0xac: {  	[dreg:$0x1] =	wrdreg $0xFFFFFFFF  }
0xad: {  	[dreg:$0x0] =	wrdreg $0x60  }
0xae: {  	[dreg:$0x2] =	wrdreg s24  }
0xaf: {  	[dreg:$0x3] =	wrdreg s2  }
0xb0: {  	[dreg:$0x4] =	wrdreg $0x94000  }
0xb1: {  	[dreg:$0x5] =	wrdreg $0xA  }
0xb2: {  	_ =	task.clear_ibuf [dreg:s7], $0x6FFFF;
	_ =	strace $0x90000046  }
0xb3: {  	s29 =	simm.s32 $0xA;
	_ =	strace $0x80000048  }
0xb4: {  	_ =	swait.ge [sflag:s29], $0x1  }
0xb5: {  	[sflag:s29] =	ssyncadd.s32 $0xFFFFFFFF  }
0xb6: {  	_ =	strace $0x90000048  }
0xb7: {  	_ =	sfence  }
0xb8: {  	s30 =	sld [smem:$0x0];
	_ =	sdelay $0x2  }
0xb9: {  	s31 =	sshll.u32 s1, $0xD;
	s1 =	sshrl.u32 s1, $0x2  }
0xba: {  	s3 =	sand.u32 $0x4000, s31;
	s1 =	sadd.s32 s1, s30  }
0xbb: {  	s0 =	sor.u32 s3, s0;
	s1 =	sshll.u32 s1, $0x11  }
0xbc: {  	s0 =	sor.u32 s1, s0  }
0xbd: {  	s0 =	sadd.s32 $0x8F2B, s0  }
0xbe: {  	[sflag:s0] =	ssyncadd.remote.s32 $0x1  }
0xbf: {  	_ =	sfence.sel $0xFFFF  }
0xc0: {  	[dreg:$0x0] =	wrdreg $0xFFFFFFFF;
	(pc) =	sbr.abs _section_cstart, $3  }
0xc1: {  	[dreg:$0x1] =	wrdreg $0xFFFFFFFF  }
0xc2: {  	_ =	task.clear_ibuf [dreg:s7], $0x2FFFF;
	_ =	strace $0x9FFFFFFF  }
0xc3: {  	(tm) =	ssettm $0x7FFFFFFF  }
tec
execute0_lowered:
.L_overlay_start_1:
0x0: {  	(tag) =	ssettag $0x1  }
0x1: {  	s0 =	rddreg [dreg:$0x0]  }
0x2: {  	s2 =	rddreg [dreg:$0x1]  }
0x3: {  	s1 =	rddreg [dreg:$0x2]  }
0x4: {  	s3 =	srdreg.scid;
	s21 =	stileid.u32  }
0x5: {  	s28 =	simm.s32 $0x8180;
	s29 =	simm.s32 $0x4000;
	s30 =	simm.s32 $0x0  }
0x6: {  	s13 =	sand.u32 $0x1, s3;
	s3 =	simm.s32 $0x0;
	s5 =	sadd.s32 $0xC5C00, s0  }
0x7: {  	s9 =	sshll.u32 s21, $0x9;
	s7 =	sadd.s32 $0x2A00, s0;
	s23 =	sshll.u32 s21, $0xC  }
0x8: {  	s4 =	sshll.u32 s13, $0x4;
	[smem:$0x7FF] =	sst s3;
	s17 =	sadd.s32 s9, s0  }
0x9: {  	s22 =	ssub.s32 $0x2, s13;
	s2 =	sadd.s32 s2, s9;
	s26 =	sshll.u32 s13, $0xD  }
0xa: {  	s8 =	sor.u32 s21, s4;
	_ =	strace $0x80000047;
	s4 =	sadd.s32 $0x5C00, s0  }
0xb: {  	s11 =	sshrl.u32 s22, $0x1;
	[dreg:$0x5] =	wrdreg s2;
	s31 =	sadd.s32 s26, s17  }
0xc: {  	s21 =	simm.s32 $0x3;
	s26 =	simm.s32 $0x80;
	s6 =	sshll.u32 s8, $0xB  }
0xd: {  	s14 =	sshll.u32 s8, $0x4;
	s10 =	sshll.u32 s8, $0x6;
	s19 =	smul.u32 $0x6000, s8  }
0xe: {  	v2 =	vimm.s32 $0xFFEDCBA9;
	v3 =	vimm.s32 $0x87654321;
	s20 =	ssub.s32 s22, s11;
	s17 =	sadd.s32 $0xD7E00, s31;
	s15 =	sadd.s32 s6, s0  }
0xf: {  	v1 =	vimm.s32 $0xEDCBA987;
	v2 =	vunpack.c.l.s4.s8 v2;
	v3 =	vunpack.c.l.s4.s8 v3;
	s16 =	sadd.s32 s14, s0;
	s6 =	smul.u32 $0x600, s8;
	s0 =	sadd.s32 s10, s0  }
0x10: {  	v0 =	vimm.s32 $0x65432100;
	v1 =	vunpack.c.l.s4.s8 v1;
	s10 =	sadd.s32 s23, s1;
	s25 =	sadd.s32 s14, s7;
	s11 =	sadd.s32 s4, s19  }
.Ltmp0:
0x11: {  	v0 =	vunpack.c.l.s4.s8 v0;
	v2 =	vunpack.c.0.s8.s32 v2;
	v3 =	vunpack.c.0.s8.s32 v3;
	s14 =	sadd.s32 $0x3000, s25;
	s15 =	sadd.s32 $0xC7400, s15;
	(pc) =	sbr.rel .LBB2_1-.Ltmp0, $4  }
0x12: {  	v1 =	vunpack.c.0.s8.s32 v1;
	s16 =	sadd.s32 $0xD7400, s16;
	s19 =	smax.u32 s20, $0x1;
	s12 =	sshrl.u32 s6, $0x3  }
0x13: {  	vm0 =	vcmask $0x3F3C;
	v4 =	vunpack.c.0.s8.s32 v0;
	v3 =	vcombine.low v3, v2;
	s20 =	simm.s32 $0x8200;
	s25 =	simm.s32 $0x2;
	s18 =	sadd.s32 s7, s12  }
0x14: {  	v0 =	vimm.f32 $0.0e+00;
	v1 =	vand.u32 $0xF, v1;
	v2 =	vlaneseq.u32;
	s13 =	sor.u32 $0x80, s6;
	s12 =	sadd.s32 s5, s12;
	s24 =	sadd.s32 $0x1800, s18  }
0x15: {  	v1 =	vcombine.low v4, v1;
	v2 =	vor.u32 $0x80000000, v2;
	v3 =	vand.u32 $0xF, v3;
	s18 =	sadd.s32 $0xD7600, s0;
	[dreg:$0x4] =	wrdreg s24;
	s24 =	simm.s32 $0x9200  }
.LBB2_6:
0x16: {  	[bflag:$0x0] =	sbarrier.arrive $0xFFFF  }
0x17: {  	[tilespmem:s20], [sflag:$0x3] =	stream.linear.gather [spmem:s10], $0x1000, $0x38;
	[tilespmem:$0xA400] =	vst v63  }
0x18: {  	_ =	swait.ge [sflag:s21], $0x1000  }
0x19: {  	[sflag:s21] =	ssyncset.done $0x0  }
0x1a: {  	[sflag:s21] =	ssyncadd.s32 $0xFFFFF000  }
0x1b: {  	[hbm4b:s17+s3] =	stream.linear.scatter [tilespmem:s20], [sflag:$0x3], $0x1000, $0x38;
	[tilespmem:$0xA400] =	vst v63  }
0x1c: {  	s30 =	sadd.s32 $0x1, s30;
	_ =	swait.ge [sflag:s21], $0x1000  }
0x1d: {  	p0 =	sne.s32 s30, s19;
	[sflag:s21] =	ssyncset.done $0x0  }
.Ltmp1:
0x1e: {  	[sflag:s21] =	ssyncadd.s32 $0xFFFFF000;
	(pc) =	sbr.rel @!p0 .LBB2_7-.Ltmp1, $4  }
0x1f: {  	[hbm4b:s18+s3] =	stream.linear.scatter [tilespmem:s24], [sflag:$0x3], $0x200, $0x38;
	[tilespmem:$0xA400] =	vst v63  }
0x20: {  	_ =	swait.ge [sflag:s21], $0x200  }
0x21: {  	[sflag:s21] =	ssyncset.done $0x0  }
0x22: {  	[sflag:s21] =	ssyncadd.s32 $0xFFFFFE00  }
.LBB2_1:
0x23: {  	s0 =	rddreg [dreg:$0x5]  }
0x24: {  	[tilespmem:s20], [sflag:$0x3] =	stream.linear.gather [hbm4b:s0+s3], $0x1000, $0x38;
	[tilespmem:$0xA400] =	vst v63  }
0x25: {  	_ =	swait.ge [sflag:s21], $0x1000  }
0x26: {  	[sflag:s21] =	ssyncset.done $0x0  }
0x27: {  	[sflag:s21] =	ssyncadd.s32 $0xFFFFF000  }
0x28: {  	[spmem:s10] =	stream.linear.scatter [tilespmem:s20], [sflag:$0x3], $0x1000, $0x38;
	[tilespmem:$0xA400] =	vst v63  }
0x29: {  	_ =	swait.ge [sflag:s21], $0x1000  }
0x2a: {  	[sflag:s21] =	ssyncset.done $0x0  }
0x2b: {  	[sflag:s21] =	ssyncadd.s32 $0xFFFFF000  }
0x2c: {  	[tilespmem:$0x9200] =	vst v0  }
0x2d: {  	[tilespmem:$0x9210] =	vst v0  }
0x2e: {  	[tilespmem:$0x9220] =	vst v0  }
0x2f: {  	[tilespmem:$0x9230] =	vst v0  }
0x30: {  	[tilespmem:$0x9240] =	vst v0  }
0x31: {  	[tilespmem:$0x9250] =	vst v0  }
0x32: {  	[tilespmem:$0x9260] =	vst v0  }
0x33: {  	[tilespmem:$0x9270] =	vst v0  }
0x34: {  	[tilespmem:$0x9280] =	vst v0  }
0x35: {  	[tilespmem:$0x9290] =	vst v0  }
0x36: {  	[tilespmem:$0x92A0] =	vst v0  }
0x37: {  	[tilespmem:$0x92B0] =	vst v0  }
0x38: {  	[tilespmem:$0x92C0] =	vst v0  }
0x39: {  	[tilespmem:$0x92D0] =	vst v0  }
0x3a: {  	[tilespmem:$0x92E0] =	vst v0  }
0x3b: {  	[tilespmem:$0x92F0] =	vst v0  }
0x3c: {  	[tilespmem:$0x9300] =	vst v0  }
0x3d: {  	[tilespmem:$0x9310] =	vst v0  }
0x3e: {  	[tilespmem:$0x9320] =	vst v0  }
0x3f: {  	[tilespmem:$0x9330] =	vst v0  }
0x40: {  	[tilespmem:$0x9340] =	vst v0  }
0x41: {  	[tilespmem:$0x9350] =	vst v0  }
0x42: {  	[tilespmem:$0x9360] =	vst v0  }
0x43: {  	[tilespmem:$0x9370] =	vst v0  }
0x44: {  	[tilespmem:$0x9380] =	vst v0  }
0x45: {  	[tilespmem:$0x9390] =	vst v0  }
0x46: {  	[tilespmem:$0x93A0] =	vst v0  }
0x47: {  	[tilespmem:$0x93B0] =	vst v0  }
0x48: {  	[tilespmem:$0x93C0] =	vst v0  }
0x49: {  	[tilespmem:$0x93D0] =	vst v0  }
0x4a: {  	[tilespmem:$0x93E0] =	vst v0  }
0x4b: {  	[tilespmem:$0x93F0] =	vst v0  }
0x4c: {  	[bflag:$0x0] =	sbarrier.arrive $0xFFFF  }
0x4d: {  	s2 =	simm.s32 $0x8100;
	s22 =	rddreg [dreg:$0x4]  }
0x4e: {  	[tilespmem:s2], [sflag:$0x1] =	stream.linear.gather [hbm4b:s22+s3], $0x80, $0x38;
	[tilespmem:$0xA400] =	vst v63  }
.Ltmp2:
0x4f: {  	_ = 	snop;
	(pc) =	sbr.rel .LBB2_2-.Ltmp2, $4  }
0x50: {  	_ = 	snop  }
0x51: {  	[tilespmem:s3], [sflag:$0x1] =	stream.linear.gather [hbm4b:s11+s3], $0x4000, $0x38;
	[tilespmem:$0xA400] =	vst v63  }
0x52: {  	s23 =	simm.s32 $0x8000;
	s31 =	simm.s32 $0x0  }
0x53: {  	[tilespmem:s23], [sflag:$0x1] =	stream.linear.gather [hbm4b:s12+s3], $0x80, $0x38;
	[tilespmem:$0xA400] =	vst v63  }
.LBB2_4:
0x54: {  	s0 =	sadd.s32 $0x1, s31;
	p0 =	seq.s32 s31, $0xC  }
0x55: {  	p2 =	seq.s32 @!p0 s0, $0xC  }
0x56: {  	p1 =	por !p2, p0  }
0x57: {  	s2 =	simm.s32 @!p1 $0x0;
	s8 =	simm.s32 @!p1 $0x8100  }
0x58: {  	[tilespmem:s8], [sflag:$0x1] =	stream.linear.gather @!p1 [hbm4b:s14+s2], $0x80, $0x38;
	[tilespmem:$0xA400] =	vst v63  }
0x59: {  	p2 =	por p2, p0  }
0x5a: {  	[tilespmem:s2], [sflag:$0x1] =	stream.linear.gather @!p1 [hbm4b:s15+s2], $0x4000, $0x38;
	[tilespmem:$0xA400] =	vst v63  }
0x5b: {  	s2 =	sshll.u32 @!p2 s0, $0x7  }
0x5c: {  	s2 =	sadd.s32 @!p2 s6, s2  }
0x5d: {  	s8 =	sshrl.u32 @!p2 s2, $0x3  }
0x5e: {  	s22 =	simm.s32 @!p2 $0x0;
	s9 =	sadd.s32 @!p2 s7, s8  }
0x5f: {  	s23 =	simm.s32 @!p2 $0x8100;
	s2 =	sshll.u32 @!p2 s2, $0x4;
	s9 =	sadd.s32 @!p2 $0x1800, s9  }
0x60: {  	[tilespmem:s23], [sflag:$0x1] =	stream.linear.gather @!p2 [hbm4b:s9+s22], $0x80, $0x38;
	[tilespmem:$0xA400] =	vst v63  }
0x61: {  	s2 =	sadd.s32 @!p2 s4, s2  }
0x62: {  	[tilespmem:s22], [sflag:$0x1] =	stream.linear.gather @!p2 [hbm4b:s2+s22], $0x4000, $0x38;
	[tilespmem:$0xA400] =	vst v63  }
0x63: {  	s2 =	sadd.s32 @!p2 s5, s8;
	s8 =	smov.u32 s16  }
0x64: {  	s9 =	simm.s32 @!p0 $0x8000;
	s8 =	smov.u32 @p1 s2;
	s2 =	simm.s32 @!p0 $0x0  }
0x65: {  	[tilespmem:s9], [sflag:$0x1] =	stream.linear.gather @!p0 [hbm4b:s8+s2], $0x80, $0x38;
	[tilespmem:$0xA400] =	vst v63  }
0x66: {  	_ =	swait.ge [sflag:s25], $0x80  }
0x67: {  	[sflag:s25] =	ssyncset.done $0x0  }
0x68: {  	[sflag:s25] =	ssyncadd.s32 $0xFFFFFF80  }
0x69: {  	_ =	swait.ge [sflag:s25], $0x4000  }
0x6a: {  	[sflag:s25] =	ssyncset.done $0x0  }
0x6b: {  	[sflag:s25] =	ssyncadd.s32 $0xFFFFC000  }
0x6c: {  	_ =	swait.ge [sflag:s25], $0x80  }
0x6d: {  	[sflag:s25] =	ssyncset.done $0x0  }
0x6e: {  	[sflag:s25] =	ssyncadd.s32 $0xFFFFFF80  }
0x6f: {  	[spmem:s1] =	stream.indirect.scatter.add.f32 [tilespmem:s29], [sflag:$0x3], $0x80, s28, s26, $0xb8;
	[tilespmem:$0xA400] =	vst v63  }
0x70: {  	_ =	swait.ge [sflag:s21], $0x4000  }
0x71: {  	[sflag:s21] =	ssyncset.done $0x0  }
0x72: {  	[sflag:s21] =	ssyncadd.s32 $0xFFFFC000  }
0x73: {  	v4 =	vld [tilespmem:$0x8080];
	_ =	sdelay $0x1  }
0x74: {  	v5 =	vld [tilespmem:$0x8180];
	_ =	sdelay $0x2  }
0x75: {  	(xrf2) =	vadd.scan.msk.f32 $0xffff, v4;
	_ =	sdelay $0x1  }
0x76: {  	v6 =	vperm.xlane v5, v1;
	_ =	sdelay $0x1  }
0x77: {  	vm1 =	veq.s32 v5, v6  }
0x78: {  	v6 =	vsel vm1, $0x80000000, v2  }
0x79: {  	(xrf0) =	vmax.scan.msk.u32 $0xffff, v6;
	_ =	sdelay $0x1  }
0x7a: {  	v34 =	vperm.xlane v5, v3;
	_ =	sdelay $0x1  }
0x7b: {  	vm1 =	vne.s32 v5, v34;
	v7, _, _ =	vpop (xrf2)  }
0x7c: {  	vm1 =	vmor vm1, vm0;
	v4 =	vsub.f32 v7, v4  }
0x7d: {  	v35, _, _ =	vpop (xrf0)  }
0x7e: {  	v4 =	vperm.xlane v4, v35;
	_ =	sdelay $0x1  }
0x7f: {  	v4 =	vsub.f32 v7, v4;
	_ =	sdelay $0x1  }
0x80: {  	[tilespmem:v5+s24+$0x0] =	vst.idx.add.f32.msk vm1, v4  }
0x81: {  	v4 =	vld [tilespmem:$0x8090];
	_ =	sdelay $0x1  }
0x82: {  	v5 =	vld [tilespmem:$0x8190];
	_ =	sdelay $0x2  }
0x83: {  	(xrf2) =	vadd.scan.msk.f32 $0xffff, v4;
	_ =	sdelay $0x1  }
0x84: {  	v36 =	vperm.xlane v5, v1;
	_ =	sdelay $0x1  }
0x85: {  	vm1 =	veq.s32 v5, v36  }
0x86: {  	v6 =	vsel vm1, $0x80000000, v2  }
0x87: {  	(xrf0) =	vmax.scan.msk.u32 $0xffff, v6;
	_ =	sdelay $0x1  }
0x88: {  	v37 =	vperm.xlane v5, v3;
	_ =	sdelay $0x1  }
0x89: {  	vm1 =	vne.s32 v5, v37;
	v38, _, _ =	vpop (xrf2)  }
0x8a: {  	vm1 =	vmor vm1, vm0;
	v4 =	vsub.f32 v38, v4  }
0x8b: {  	v39, _, _ =	vpop (xrf0)  }
0x8c: {  	v4 =	vperm.xlane v4, v39;
	_ =	sdelay $0x1  }
0x8d: {  	v4 =	vsub.f32 v38, v4;
	_ =	sdelay $0x1  }
0x8e: {  	[tilespmem:v5+s24+$0x0] =	vst.idx.add.f32.msk vm1, v4  }
0x8f: {  	v4 =	vld [tilespmem:$0x80A0];
	_ =	sdelay $0x1  }
0x90: {  	v5 =	vld [tilespmem:$0x81A0];
	_ =	sdelay $0x2  }
0x91: {  	(xrf2) =	vadd.scan.msk.f32 $0xffff, v4;
	_ =	sdelay $0x1  }
0x92: {  	v40 =	vperm.xlane v5, v1;
	_ =	sdelay $0x1  }
0x93: {  	vm1 =	veq.s32 v5, v40  }
0x94: {  	v6 =	vsel vm1, $0x80000000, v2  }
0x95: {  	(xrf0) =	vmax.scan.msk.u32 $0xffff, v6;
	_ =	sdelay $0x1  }
0x96: {  	v41 =	vperm.xlane v5, v3;
	_ =	sdelay $0x1  }
0x97: {  	vm1 =	vne.s32 v5, v41;
	v42, _, _ =	vpop (xrf2)  }
0x98: {  	vm1 =	vmor vm1, vm0;
	v4 =	vsub.f32 v42, v4  }
0x99: {  	v43, _, _ =	vpop (xrf0)  }
0x9a: {  	v4 =	vperm.xlane v4, v43;
	_ =	sdelay $0x1  }
0x9b: {  	v4 =	vsub.f32 v42, v4;
	_ =	sdelay $0x1  }
0x9c: {  	[tilespmem:v5+s24+$0x0] =	vst.idx.add.f32.msk vm1, v4  }
0x9d: {  	v4 =	vld [tilespmem:$0x80B0];
	_ =	sdelay $0x1  }
0x9e: {  	v5 =	vld [tilespmem:$0x81B0];
	_ =	sdelay $0x2  }
0x9f: {  	(xrf2) =	vadd.scan.msk.f32 $0xffff, v4;
	_ =	sdelay $0x1  }
0xa0: {  	v44 =	vperm.xlane v5, v1;
	_ =	sdelay $0x1  }
0xa1: {  	vm1 =	veq.s32 v5, v44  }
0xa2: {  	v6 =	vsel vm1, $0x80000000, v2  }
0xa3: {  	(xrf0) =	vmax.scan.msk.u32 $0xffff, v6;
	_ =	sdelay $0x1  }
0xa4: {  	v45 =	vperm.xlane v5, v3;
	_ =	sdelay $0x1  }
0xa5: {  	vm1 =	vne.s32 v5, v45;
	v46, _, _ =	vpop (xrf2)  }
0xa6: {  	vm1 =	vmor vm1, vm0;
	v4 =	vsub.f32 v46, v4  }
0xa7: {  	v47, _, _ =	vpop (xrf0)  }
0xa8: {  	v4 =	vperm.xlane v4, v47;
	_ =	sdelay $0x1  }
0xa9: {  	v4 =	vsub.f32 v46, v4;
	_ =	sdelay $0x1  }
0xaa: {  	[tilespmem:v5+s24+$0x0] =	vst.idx.add.f32.msk vm1, v4  }
0xab: {  	v4 =	vld [tilespmem:$0x80C0];
	_ =	sdelay $0x1  }
0xac: {  	v5 =	vld [tilespmem:$0x81C0];
	_ =	sdelay $0x2  }
0xad: {  	(xrf2) =	vadd.scan.msk.f32 $0xffff, v4;
	_ =	sdelay $0x1  }
0xae: {  	v48 =	vperm.xlane v5, v1;
	_ =	sdelay $0x1  }
0xaf: {  	vm1 =	veq.s32 v5, v48  }
0xb0: {  	v6 =	vsel vm1, $0x80000000, v2  }
0xb1: {  	(xrf0) =	vmax.scan.msk.u32 $0xffff, v6;
	_ =	sdelay $0x1  }
0xb2: {  	v49 =	vperm.xlane v5, v3;
	_ =	sdelay $0x1  }
0xb3: {  	vm1 =	vne.s32 v5, v49;
	v50, _, _ =	vpop (xrf2)  }
0xb4: {  	vm1 =	vmor vm1, vm0;
	v4 =	vsub.f32 v50, v4  }
0xb5: {  	v51, _, _ =	vpop (xrf0)  }
0xb6: {  	v4 =	vperm.xlane v4, v51;
	_ =	sdelay $0x1  }
0xb7: {  	v4 =	vsub.f32 v50, v4;
	_ =	sdelay $0x1  }
0xb8: {  	[tilespmem:v5+s24+$0x0] =	vst.idx.add.f32.msk vm1, v4  }
0xb9: {  	v4 =	vld [tilespmem:$0x80D0];
	_ =	sdelay $0x1  }
0xba: {  	v5 =	vld [tilespmem:$0x81D0];
	_ =	sdelay $0x2  }
0xbb: {  	(xrf2) =	vadd.scan.msk.f32 $0xffff, v4;
	_ =	sdelay $0x1  }
0xbc: {  	v52 =	vperm.xlane v5, v1;
	_ =	sdelay $0x1  }
0xbd: {  	vm1 =	veq.s32 v5, v52  }
0xbe: {  	v6 =	vsel vm1, $0x80000000, v2  }
0xbf: {  	(xrf0) =	vmax.scan.msk.u32 $0xffff, v6;
	_ =	sdelay $0x1  }
0xc0: {  	v53 =	vperm.xlane v5, v3;
	_ =	sdelay $0x1  }
0xc1: {  	vm1 =	vne.s32 v5, v53;
	v54, _, _ =	vpop (xrf2)  }
0xc2: {  	vm1 =	vmor vm1, vm0;
	v4 =	vsub.f32 v54, v4  }
0xc3: {  	v55, _, _ =	vpop (xrf0)  }
0xc4: {  	v4 =	vperm.xlane v4, v55;
	_ =	sdelay $0x1  }
0xc5: {  	v4 =	vsub.f32 v54, v4;
	_ =	sdelay $0x1  }
0xc6: {  	[tilespmem:v5+s24+$0x0] =	vst.idx.add.f32.msk vm1, v4  }
0xc7: {  	v4 =	vld [tilespmem:$0x80E0];
	_ =	sdelay $0x1  }
0xc8: {  	v5 =	vld [tilespmem:$0x81E0];
	_ =	sdelay $0x2  }
0xc9: {  	(xrf2) =	vadd.scan.msk.f32 $0xffff, v4;
	_ =	sdelay $0x1  }
0xca: {  	v56 =	vperm.xlane v5, v1;
	_ =	sdelay $0x1  }
0xcb: {  	vm1 =	veq.s32 v5, v56  }
0xcc: {  	v6 =	vsel vm1, $0x80000000, v2  }
0xcd: {  	(xrf0) =	vmax.scan.msk.u32 $0xffff, v6;
	_ =	sdelay $0x1  }
0xce: {  	v57 =	vperm.xlane v5, v3;
	_ =	sdelay $0x1  }
0xcf: {  	vm1 =	vne.s32 v5, v57;
	v58, _, _ =	vpop (xrf2)  }
0xd0: {  	vm1 =	vmor vm1, vm0;
	v4 =	vsub.f32 v58, v4  }
0xd1: {  	v59, _, _ =	vpop (xrf0)  }
0xd2: {  	v4 =	vperm.xlane v4, v59;
	_ =	sdelay $0x1  }
0xd3: {  	v4 =	vsub.f32 v58, v4;
	_ =	sdelay $0x1  }
0xd4: {  	[tilespmem:v5+s24+$0x0] =	vst.idx.add.f32.msk vm1, v4  }
0xd5: {  	v4 =	vld [tilespmem:$0x80F0];
	_ =	sdelay $0x1  }
0xd6: {  	v5 =	vld [tilespmem:$0x81F0];
	_ =	sdelay $0x2  }
0xd7: {  	(xrf2) =	vadd.scan.msk.f32 $0xffff, v4;
	_ =	sdelay $0x1  }
0xd8: {  	v60 =	vperm.xlane v5, v1;
	_ =	sdelay $0x1  }
0xd9: {  	vm1 =	veq.s32 v5, v60  }
0xda: {  	v6 =	vsel vm1, $0x80000000, v2  }
0xdb: {  	(xrf0) =	vmax.scan.msk.u32 $0xffff, v6;
	_ =	sdelay $0x1  }
0xdc: {  	v61 =	vperm.xlane v5, v3;
	_ =	sdelay $0x1  }
0xdd: {  	vm1 =	vne.s32 v5, v61;
	v62, _, _ =	vpop (xrf2)  }
0xde: {  	vm1 =	vmor vm1, vm0;
	v4 =	vsub.f32 v62, v4  }
0xdf: {  	v63, _, _ =	vpop (xrf0)  }
0xe0: {  	v4 =	vperm.xlane v4, v63;
	_ =	sdelay $0x1  }
0xe1: {  	v4 =	vsub.f32 v62, v4;
	_ =	sdelay $0x1  }
0xe2: {  	s31 =	smov.u32 s0;
	[tilespmem:v5+s24+$0x0] =	vst.idx.add.f32.msk vm1, v4  }
.LBB2_5:
0xe3: {  	p0 =	sne.s32 s31, $0xD  }
.Ltmp3:
0xe4: {  	_ = 	snop;
	(pc) =	sbr.rel @!p0 .LBB2_6-.Ltmp3, $1  }
0xe5: {  	_ =	sdelay $0x3  }
.LBB2_2:
0xe6: {  	s0 =	sand.u32 $0x1, s31  }
0xe7: {  	p0 =	seq.s32 s0, $0x1  }
0xe8: {  	p1 =	seq.s32 @!p0 s31, $0xC  }
0xe9: {  	p1 =	por p1, p0  }
0xea: {  	s2 =	sshll.u32 @!p1 s31, $0x7  }
0xeb: {  	s2 =	sadd.s32 @!p1 s2, s13  }
0xec: {  	s22 =	sshrl.u32 @!p1 s2, $0x3  }
0xed: {  	s8 =	simm.s32 @!p1 $0x0;
	s23 =	sadd.s32 @!p1 s7, s22  }
0xee: {  	s9 =	simm.s32 @!p1 $0x8180;
	s2 =	sshll.u32 @!p1 s2, $0x4;
	s23 =	sadd.s32 @!p1 $0x1800, s23  }
0xef: {  	[tilespmem:s9], [sflag:$0x2] =	stream.linear.gather @!p1 [hbm4b:s23+s8], $0x80, $0x38;
	[tilespmem:$0xA400] =	vst v63  }
0xf0: {  	s2 =	sadd.s32 @!p1 s4, s2;
	s9 =	simm.s32 @!p1 $0x4000  }
0xf1: {  	[tilespmem:s9], [sflag:$0x2] =	stream.linear.gather @!p1 [hbm4b:s2+s8], $0x4000, $0x38;
	[tilespmem:$0xA400] =	vst v63  }
0xf2: {  	s2 =	sadd.s32 @!p1 s5, s22;
	s9 =	simm.s32 @!p1 $0x8080  }
0xf3: {  	[tilespmem:s9], [sflag:$0x2] =	stream.linear.gather @!p1 [hbm4b:s2+s8], $0x80, $0x38;
	[tilespmem:$0xA400] =	vst v63  }
0xf4: {  	s2 =	simm.s32 @!p0 $0x1  }
0xf5: {  	_ =	swait.ge @!p0 [sflag:s2], $0x80  }
0xf6: {  	[sflag:s2] =	ssyncset.done @!p0 $0x0  }
0xf7: {  	[sflag:s2] =	ssyncadd.s32 @!p0 $0xFFFFFF80  }
0xf8: {  	_ =	swait.ge @!p0 [sflag:s2], $0x4000  }
0xf9: {  	[sflag:s2] =	ssyncset.done @!p0 $0x0  }
0xfa: {  	[sflag:s2] =	ssyncadd.s32 @!p0 $0xFFFFC000  }
0xfb: {  	_ =	swait.ge @!p0 [sflag:s2], $0x80  }
0xfc: {  	s8 =	simm.s32 @!p0 $0x8100;
	[sflag:s2] =	ssyncset.done @!p0 $0x0  }
0xfd: {  	s9 =	simm.s32 @!p0 $0x0;
	[sflag:s2] =	ssyncadd.s32 @!p0 $0xFFFFFF80;
	s2 =	simm.s32 @!p0 $0x80  }
0xfe: {  	[spmem:s1] =	stream.indirect.scatter.add.f32 @!p0 [tilespmem:s9], [sflag:$0x3], $0x80, s8, s2, $0xb8;
	[tilespmem:$0xA400] =	vst v63  }
0xff: {  	s2 =	simm.s32 @!p0 $0x3  }
0x100: {  	_ =	swait.ge @!p0 [sflag:s2], $0x4000  }
0x101: {  	[sflag:s2] =	ssyncset.done @!p0 $0x0  }
0x102: {  	v4 =	vimm.s32 @!p0 $0xEDCBA987;
	[sflag:s2] =	ssyncadd.s32 @!p0 $0xFFFFC000  }
0x103: {  	v6 =	vimm.s32 @!p0 $0x65432100;
	v4 =	vunpack.c.l.s4.s8 @!p0 v4;
	v5 =	vld @!p0 [tilespmem:$0x8000]  }
0x104: {  	v6 =	vunpack.c.l.s4.s8 @!p0 v6  }
0x105: {  	v4 =	vunpack.c.0.s8.s32 @!p0 v4;
	v7 =	vld @!p0 [tilespmem:$0x8100]  }
0x106: {  	v6 =	vunpack.c.0.s8.s32 @!p0 v6  }
0x107: {  	v4 =	vand.u32 @!p0 $0xF, v4  }
0x108: {  	v8 =	vimm.s32 @!p0 $0x87654321;
	v4 =	vcombine.low @!p0 v6, v4;
	v6 =	vimm.s32 @!p0 $0xFFEDCBA9;
	(xrf2) =	vadd.scan.msk.f32 @!p0 $0xffff, v5  }
0x109: {  	v8 =	vunpack.c.l.s4.s8 @!p0 v8;
	v6 =	vunpack.c.l.s4.s8 @!p0 v6  }
0x10a: {  	v9 =	vperm.xlane @!p0 v7, v4  }
0x10b: {  	v10 =	vlaneseq.u32 @!p0;
	v8 =	vunpack.c.0.s8.s32 @!p0 v8;
	v6 =	vunpack.c.0.s8.s32 @!p0 v6  }
0x10c: {  	vm1 =	veq.s32 @!p0 v7, v9;
	v9 =	vor.u32 @!p0 $0x80000000, v10  }
0x10d: {  	v6 =	vcombine.low @!p0 v8, v6;
	v10 =	vsel @!p0 vm1, $0x80000000, v9  }
0x10e: {  	(xrf0) =	vmax.scan.msk.u32 @!p0 $0xffff, v10  }
0x10f: {  	v6 =	vand.u32 @!p0 $0xF, v6  }
0x110: {  	v8 =	vperm.xlane @!p0 v7, v6;
	_ =	sdelay $0x1  }
0x111: {  	vm2 =	vne.s32 @!p0 v7, v8;
	vm1 =	vcmask @!p0 $0x3F3C;
	v10, _, _ =	vpop @!p0 (xrf2)  }
0x112: {  	vm2 =	vmor @!p0 vm2, vm1;
	v5 =	vsub.f32 @!p0 v10, v5  }
0x113: {  	v8, _, _ =	vpop @!p0 (xrf0)  }
0x114: {  	v5 =	vperm.xlane @!p0 v5, v8;
	_ =	sdelay $0x1  }
0x115: {  	v5 =	vsub.f32 @!p0 v10, v5  }
0x116: {  	s2 =	simm.s32 @!p0 $0x9200  }
0x117: {  	[tilespmem:v7+s2+$0x0] =	vst.idx.add.f32.msk @!p0 vm2, v5  }
0x118: {  	v5 =	vld @!p0 [tilespmem:$0x8010];
	_ =	sdelay $0x1  }
0x119: {  	v7 =	vld @!p0 [tilespmem:$0x8110];
	_ =	sdelay $0x2  }
0x11a: {  	(xrf2) =	vadd.scan.msk.f32 @!p0 $0xffff, v5;
	_ =	sdelay $0x1  }
0x11b: {  	v8 =	vperm.xlane @!p0 v7, v4;
	_ =	sdelay $0x1  }
0x11c: {  	vm2 =	veq.s32 @!p0 v7, v8  }
0x11d: {  	v8 =	vsel @!p0 vm2, $0x80000000, v9  }
0x11e: {  	(xrf0) =	vmax.scan.msk.u32 @!p0 $0xffff, v8;
	_ =	sdelay $0x1  }
0x11f: {  	v8 =	vperm.xlane @!p0 v7, v6;
	_ =	sdelay $0x1  }
0x120: {  	vm2 =	vne.s32 @!p0 v7, v8;
	v10, _, _ =	vpop @!p0 (xrf2)  }
0x121: {  	vm2 =	vmor @!p0 vm2, vm1;
	v5 =	vsub.f32 @!p0 v10, v5  }
0x122: {  	v8, _, _ =	vpop @!p0 (xrf0)  }
0x123: {  	v5 =	vperm.xlane @!p0 v5, v8;
	_ =	sdelay $0x1  }
0x124: {  	v5 =	vsub.f32 @!p0 v10, v5;
	_ =	sdelay $0x1  }
0x125: {  	[tilespmem:v7+s2+$0x0] =	vst.idx.add.f32.msk @!p0 vm2, v5  }
0x126: {  	v5 =	vld @!p0 [tilespmem:$0x8020];
	_ =	sdelay $0x1  }
0x127: {  	v7 =	vld @!p0 [tilespmem:$0x8120];
	_ =	sdelay $0x2  }
0x128: {  	(xrf2) =	vadd.scan.msk.f32 @!p0 $0xffff, v5;
	_ =	sdelay $0x1  }
0x129: {  	v8 =	vperm.xlane @!p0 v7, v4;
	_ =	sdelay $0x1  }
0x12a: {  	vm2 =	veq.s32 @!p0 v7, v8  }
0x12b: {  	v8 =	vsel @!p0 vm2, $0x80000000, v9  }
0x12c: {  	(xrf0) =	vmax.scan.msk.u32 @!p0 $0xffff, v8;
	_ =	sdelay $0x1  }
0x12d: {  	v8 =	vperm.xlane @!p0 v7, v6;
	_ =	sdelay $0x1  }
0x12e: {  	vm2 =	vne.s32 @!p0 v7, v8;
	v10, _, _ =	vpop @!p0 (xrf2)  }
0x12f: {  	vm2 =	vmor @!p0 vm2, vm1;
	v5 =	vsub.f32 @!p0 v10, v5  }
0x130: {  	v8, _, _ =	vpop @!p0 (xrf0)  }
0x131: {  	v5 =	vperm.xlane @!p0 v5, v8;
	_ =	sdelay $0x1  }
0x132: {  	v5 =	vsub.f32 @!p0 v10, v5;
	_ =	sdelay $0x1  }
0x133: {  	[tilespmem:v7+s2+$0x0] =	vst.idx.add.f32.msk @!p0 vm2, v5  }
0x134: {  	v5 =	vld @!p0 [tilespmem:$0x8030];
	_ =	sdelay $0x1  }
0x135: {  	v7 =	vld @!p0 [tilespmem:$0x8130];
	_ =	sdelay $0x2  }
0x136: {  	(xrf2) =	vadd.scan.msk.f32 @!p0 $0xffff, v5;
	_ =	sdelay $0x1  }
0x137: {  	v8 =	vperm.xlane @!p0 v7, v4;
	_ =	sdelay $0x1  }
0x138: {  	vm2 =	veq.s32 @!p0 v7, v8  }
0x139: {  	v8 =	vsel @!p0 vm2, $0x80000000, v9  }
0x13a: {  	(xrf0) =	vmax.scan.msk.u32 @!p0 $0xffff, v8;
	_ =	sdelay $0x1  }
0x13b: {  	v8 =	vperm.xlane @!p0 v7, v6;
	_ =	sdelay $0x1  }
0x13c: {  	vm2 =	vne.s32 @!p0 v7, v8;
	v10, _, _ =	vpop @!p0 (xrf2)  }
0x13d: {  	vm2 =	vmor @!p0 vm2, vm1;
	v5 =	vsub.f32 @!p0 v10, v5  }
0x13e: {  	v8, _, _ =	vpop @!p0 (xrf0)  }
0x13f: {  	v5 =	vperm.xlane @!p0 v5, v8;
	_ =	sdelay $0x1  }
0x140: {  	v5 =	vsub.f32 @!p0 v10, v5;
	_ =	sdelay $0x1  }
0x141: {  	[tilespmem:v7+s2+$0x0] =	vst.idx.add.f32.msk @!p0 vm2, v5  }
0x142: {  	v5 =	vld @!p0 [tilespmem:$0x8040];
	_ =	sdelay $0x1  }
0x143: {  	v7 =	vld @!p0 [tilespmem:$0x8140];
	_ =	sdelay $0x2  }
0x144: {  	(xrf2) =	vadd.scan.msk.f32 @!p0 $0xffff, v5;
	_ =	sdelay $0x1  }
0x145: {  	v8 =	vperm.xlane @!p0 v7, v4;
	_ =	sdelay $0x1  }
0x146: {  	vm2 =	veq.s32 @!p0 v7, v8  }
0x147: {  	v8 =	vsel @!p0 vm2, $0x80000000, v9  }
0x148: {  	(xrf0) =	vmax.scan.msk.u32 @!p0 $0xffff, v8;
	_ =	sdelay $0x1  }
0x149: {  	v8 =	vperm.xlane @!p0 v7, v6;
	_ =	sdelay $0x1  }
0x14a: {  	vm2 =	vne.s32 @!p0 v7, v8;
	v10, _, _ =	vpop @!p0 (xrf2)  }
0x14b: {  	vm2 =	vmor @!p0 vm2, vm1;
	v5 =	vsub.f32 @!p0 v10, v5  }
0x14c: {  	v8, _, _ =	vpop @!p0 (xrf0)  }
0x14d: {  	v5 =	vperm.xlane @!p0 v5, v8;
	_ =	sdelay $0x1  }
0x14e: {  	v5 =	vsub.f32 @!p0 v10, v5;
	_ =	sdelay $0x1  }
0x14f: {  	[tilespmem:v7+s2+$0x0] =	vst.idx.add.f32.msk @!p0 vm2, v5  }
0x150: {  	v5 =	vld @!p0 [tilespmem:$0x8050];
	_ =	sdelay $0x1  }
0x151: {  	v7 =	vld @!p0 [tilespmem:$0x8150];
	_ =	sdelay $0x2  }
0x152: {  	(xrf2) =	vadd.scan.msk.f32 @!p0 $0xffff, v5;
	_ =	sdelay $0x1  }
0x153: {  	v8 =	vperm.xlane @!p0 v7, v4;
	_ =	sdelay $0x1  }
0x154: {  	vm2 =	veq.s32 @!p0 v7, v8  }
0x155: {  	v8 =	vsel @!p0 vm2, $0x80000000, v9  }
0x156: {  	(xrf0) =	vmax.scan.msk.u32 @!p0 $0xffff, v8;
	_ =	sdelay $0x1  }
0x157: {  	v8 =	vperm.xlane @!p0 v7, v6;
	_ =	sdelay $0x1  }
0x158: {  	vm2 =	vne.s32 @!p0 v7, v8;
	v10, _, _ =	vpop @!p0 (xrf2)  }
0x159: {  	vm2 =	vmor @!p0 vm2, vm1;
	v5 =	vsub.f32 @!p0 v10, v5  }
0x15a: {  	v8, _, _ =	vpop @!p0 (xrf0)  }
0x15b: {  	v5 =	vperm.xlane @!p0 v5, v8;
	_ =	sdelay $0x1  }
0x15c: {  	v5 =	vsub.f32 @!p0 v10, v5;
	_ =	sdelay $0x1  }
0x15d: {  	[tilespmem:v7+s2+$0x0] =	vst.idx.add.f32.msk @!p0 vm2, v5  }
0x15e: {  	v5 =	vld @!p0 [tilespmem:$0x8060];
	_ =	sdelay $0x1  }
0x15f: {  	v7 =	vld @!p0 [tilespmem:$0x8160];
	_ =	sdelay $0x2  }
0x160: {  	(xrf2) =	vadd.scan.msk.f32 @!p0 $0xffff, v5;
	_ =	sdelay $0x1  }
0x161: {  	v8 =	vperm.xlane @!p0 v7, v4;
	_ =	sdelay $0x1  }
0x162: {  	vm2 =	veq.s32 @!p0 v7, v8  }
0x163: {  	v8 =	vsel @!p0 vm2, $0x80000000, v9  }
0x164: {  	(xrf0) =	vmax.scan.msk.u32 @!p0 $0xffff, v8;
	_ =	sdelay $0x1  }
0x165: {  	v8 =	vperm.xlane @!p0 v7, v6;
	_ =	sdelay $0x1  }
0x166: {  	vm2 =	vne.s32 @!p0 v7, v8;
	v10, _, _ =	vpop @!p0 (xrf2)  }
0x167: {  	vm2 =	vmor @!p0 vm2, vm1;
	v5 =	vsub.f32 @!p0 v10, v5  }
0x168: {  	v8, _, _ =	vpop @!p0 (xrf0)  }
0x169: {  	v5 =	vperm.xlane @!p0 v5, v8;
	_ =	sdelay $0x1  }
0x16a: {  	v5 =	vsub.f32 @!p0 v10, v5;
	_ =	sdelay $0x1  }
0x16b: {  	[tilespmem:v7+s2+$0x0] =	vst.idx.add.f32.msk @!p0 vm2, v5  }
0x16c: {  	v5 =	vld @!p0 [tilespmem:$0x8070];
	_ =	sdelay $0x1  }
0x16d: {  	v7 =	vld @!p0 [tilespmem:$0x8170];
	_ =	sdelay $0x2  }
0x16e: {  	(xrf2) =	vadd.scan.msk.f32 @!p0 $0xffff, v5;
	_ =	sdelay $0x1  }
0x16f: {  	v4 =	vperm.xlane @!p0 v7, v4;
	_ =	sdelay $0x1  }
0x170: {  	vm2 =	veq.s32 @!p0 v7, v4  }
0x171: {  	v4 =	vsel @!p0 vm2, $0x80000000, v9  }
0x172: {  	(xrf0) =	vmax.scan.msk.u32 @!p0 $0xffff, v4;
	_ =	sdelay $0x1  }
0x173: {  	v4 =	vperm.xlane @!p0 v7, v6;
	_ =	sdelay $0x1  }
0x174: {  	vm2 =	vne.s32 @!p0 v7, v4;
	v6, _, _ =	vpop @!p0 (xrf2)  }
0x175: {  	p1 =	sne.s32 @!p0 s0, $0x0;
	vm1 =	vmor @!p0 vm2, vm1;
	v4 =	vsub.f32 @!p0 v6, v5  }
0x176: {  	p1 =	por p0, p1;
	v5, _, _ =	vpop @!p0 (xrf0)  }
.Ltmp4:
0x177: {  	v4 =	vperm.xlane @!p0 v4, v5;
	(pc) =	sbr.rel @p1 .LBB2_4-.Ltmp4, $3  }
0x178: {  	_ = 	snop  }
0x179: {  	v4 =	vsub.f32 @!p0 v6, v4;
	_ =	sdelay $0x1  }
0x17a: {  	[tilespmem:v7+s2+$0x0] =	vst.idx.add.f32.msk @!p0 vm1, v4  }
.Ltmp5:
0x17b: {  	(pc) =	sbr.rel .LBB2_5-.Ltmp5, $2  }
0x17c: {  	_ =	sdelay $0x2  }
0x17d: {  	s31 =	sor.u32 $0x1, s31  }
.LBB2_7:
0x17e: {  	_ =	sfence.sel $0x180000  }
0x17f: {  	[bflag:$0x0] =	sbarrier.arrive $0xFFFF  }
0x180: {  	_ =	strace $0x90000047  }
0x181: {  	s0 =	stileid.u32;
	[bflag:$0x2] =	sbarrier.arrive $0xFFFF  }
0x182: {  	p0 =	sne.s32 s0, $0x0;
	s0 =	rddreg [dreg:$0x3]  }
0x183: {  	s0 =	sadd.s32 @!p0 $0x100000, s0  }
0x184: {  	[sflag:s0] =	ssyncadd.tile.s32 @!p0 $0x1;
	_ =	shalt  }
.Lfunc_end2:
_tile_overlayer_lowered:
.L_overlay_start_2:
0x185: {  	(tag) =	ssettag $0x2  }
0x186: {  	s0 =	rddreg [dreg:$0x0];
	s2 =	stileid.u32  }
0x187: {  	s1 =	rddreg [dreg:$0x1];
	p0 =	sne.s32 s2, $0x0  }
0x188: {  	s3 =	rddreg [dreg:$0x2];
	[bflag:$0x3] =	sbarrier.arrive $0xFFFF;
	s2 =	simm.s32 @!p0 $0x1C03  }
0x189: {  	[timem:s3], [sflag:s2] =	dma.local @!p0 [hbm:s0], s1  }
0x18a: {  	s0 =	simm.s32 @!p0 $0x3  }
0x18b: {  	_ =	swait.ge @!p0 [sflag:s0], s1  }
0x18c: {  	s1 =	ssub.s32 @!p0 $0x0, s1;
	[sflag:s0] =	ssyncset.done @!p0 $0x0  }
0x18d: {  	[sflag:s0] =	ssyncadd.s32 @!p0 s1  }
0x18e: {  	[bflag:$0x3] =	sbarrier.arrive $0xFFFF  }
0x18f: {  	_ =	shalt  }

// kernel: kernel.8.cloned.1.call-start
scs
__scs_entry_jumppad:
0x0: {  	(pc) =	sbr.rel $0x88, $3  }
0x1: {  	(tag) =	ssettag $0x0;
	lr =	simm.s32 $0x1  }
0x2: {  	[smem:$0x3F9B] =	sst lr;
	_ =	strace $0xD0000000  }
0x3: {  	_ = 	snop  }
0x4: {  	_ = 	snop  }
0x5: {  	_ = 	snop  }
0x6: {  	_ = 	snop  }
0x7: {  	_ = 	snop  }
__scs_overlays_trampoline_lowered:
0x8: {  	[smem:$0x3FAA] =	sst s0  }
0x9: {  	[smem:$0x3FAB] =	sst s1  }
0xa: {  	[smem:$0x3FAC] =	sst s2  }
0xb: {  	[smem:$0x3FAD] =	sst s3  }
0xc: {  	[smem:$0x3FAE] =	sst s4  }
0xd: {  	[smem:$0x3FAF] =	sst s5  }
0xe: {  	[smem:$0x3FB0] =	sst s6  }
0xf: {  	[smem:$0x3FB1] =	sst s7  }
0x10: {  	[smem:$0x3FB2] =	sst s8  }
0x11: {  	[smem:$0x3FB3] =	sst s9;
	s0 =	simm.s32 @!p0 $0x0  }
0x12: {  	s1 =	sld [smem:$0x3F99];
	s0 =	simm.s32 @p0 $0x1  }
0x13: {  	[smem:$0x3FB4] =	sst s0;
	s0 =	simm.s32 @!p1 $0x0  }
0x14: {  	s2 =	sld [smem:$0x3F98];
	s0 =	simm.s32 @p1 $0x1  }
0x15: {  	[smem:$0x3FB5] =	sst s0;
	s0 =	simm.s32 @!p2 $0x0  }
0x16: {  	s3 =	sld [smem:$0x3FDB];
	s0 =	simm.s32 @p2 $0x1  }
0x17: {  	s4 =	simm.s32 $0x1BF5;
	[smem:$0x3FB7] =	sst s0  }
0x18: {  	s0 =	sld [smem:$0x3F9A];
	_ =	swait.ge [sflag:s4], $0x0  }
0x19: {  	s7 =	sld [smem:$0x3F9B]  }
0x1a: {  	s8 =	sadd.s32 $0xFFFFE003, lr  }
0x1b: {  	s9 =	sadd.s32 $0xFFFFFEF7, lr;
	s5 =	simm.s32 $0xFFFFFFFF;
	p2 =	slt.u32 s8, $0xFFFFF086  }
0x1c: {  	p1 =	slt.u32 s9, $0xF7A;
	s5 =	simm.s32 @!p2 $0x0  }
0x1d: {  	s5 =	simm.s32 @p1 $0x1;
	p0 =	seq.s32 s7, s2  }
0x1e: {  	s7 =	smul.u32 @!p0 $0xF7A, s2;
	p2 =	seq.s32 @!p0 s5, $0x0  }
0x1f: {  	s9 =	smul.u32 $0xF7A, s1;
	s8 =	simm.s32 @!p0 $0x1BF5;
	p2 =	por !p2, p0  }
0x20: {  	[sflag:s8] =	ssyncset.s32 @!p0 $0xFFFFF086;
	s6 =	sadd.s32 @!p0 s3, s7;
	s7 =	simm.s32 @!p0 $0x108  }
0x21: {  	s3 =	sadd.s32 s3, s9;
	s6 =	sadd.s32 @!p0 $0x88, s6;
	s7 =	simm.s32 @p2 $0x1082  }
0x22: {  	[simem:s7], [sflag:s8] =	dma.local @!p0 [hbm:s6], $0xF7A  }
0x23: {  	s9 =	sor.u32 $0xD0000000, s2;
	s6 =	simm.s32 $0x108;
	_ =	swait.ge @!p0 [sflag:s8], $0x0  }
0x24: {  	s3 =	sadd.s32 $0x88, s3;
	s6 =	simm.s32 @!p1 $0x1082;
	[sflag:s4] =	ssyncset.s32 $0xFFFFF086  }
0x25: {  	[simem:s6], [sflag:s4] =	dma.local [hbm:s3], $0xF7A  }
0x26: {  	[smem:$0x3F9B] =	sst s1;
	(tag) =	ssettag s2;
	_ =	strace s9  }
0x27: {  	s1 =	sld [smem:$0x3FAB]  }
0x28: {  	s2 =	sld [smem:$0x3FAC]  }
0x29: {  	s4 =	sld [smem:$0x3FAE]  }
0x2a: {  	p0 =	seq.s32 s5, $0x0;
	s5 =	sld [smem:$0x3FAF]  }
0x2b: {  	s6 =	sld [smem:$0x3FB0]  }
0x2c: {  	s7 =	sld [smem:$0x3FB1]  }
0x2d: {  	s3 =	simm.s32 $0x108;
	s8 =	sld [smem:$0x3FB2]  }
0x2e: {  	s3 =	simm.s32 @!p0 $0x1082;
	s9 =	sld [smem:$0x3FB3]  }
0x2f: {  	lr =	sadd.s32 s0, s3;
	s0 =	sld [smem:$0x3FAA]  }
0x30: {  	s3 =	sld [smem:$0x3FAD]  }
0x31: {  	[smem:$0x3FB6] =	sst s10  }
0x32: {  	s10 =	sld [smem:$0x3FB4];
	_ =	sdelay $0x3  }
0x33: {  	p0 =	seq.s32 s10, $0x1;
	s10 =	sld [smem:$0x3FB6];
	_ =	sdelay $0x3  }
0x34: {  	[smem:$0x3FB6] =	sst s10  }
0x35: {  	s10 =	sld [smem:$0x3FB5];
	_ =	sdelay $0x3  }
0x36: {  	p1 =	seq.s32 s10, $0x1;
	s10 =	sld [smem:$0x3FB6];
	_ =	sdelay $0x3  }
0x37: {  	[smem:$0x3FB6] =	sst s10  }
0x38: {  	s10 =	sld [smem:$0x3FB7]  }
0x39: {  	_ = 	snop;
	(pc) =	sbr.ind lr, $3  }
0x3a: {  	_ = 	snop  }
0x3b: {  	_ = 	snop  }
0x3c: {  	p2 =	seq.s32 s10, $0x1;
	s10 =	sld [smem:$0x3FB6]  }
0x3d: {  	_ =	shalt  }
0x3e: {  	_ =	shalt  }
0x3f: {  	_ =	shalt  }
0x40: {  	_ =	shalt  }
0x41: {  	_ =	shalt  }
0x42: {  	_ =	shalt  }
0x43: {  	_ =	shalt  }
0x44: {  	_ =	shalt  }
0x45: {  	_ =	shalt  }
0x46: {  	_ =	shalt  }
0x47: {  	_ =	shalt  }
0x48: {  	_ =	shalt  }
0x49: {  	_ =	shalt  }
0x4a: {  	_ =	shalt  }
0x4b: {  	_ =	shalt  }
0x4c: {  	_ =	shalt  }
0x4d: {  	_ =	shalt  }
0x4e: {  	_ =	shalt  }
0x4f: {  	_ =	shalt  }
0x50: {  	_ =	shalt  }
0x51: {  	_ =	shalt  }
0x52: {  	_ =	shalt  }
0x53: {  	_ =	shalt  }
0x54: {  	_ =	shalt  }
0x55: {  	_ =	shalt  }
0x56: {  	_ =	shalt  }
0x57: {  	_ =	shalt  }
0x58: {  	_ =	shalt  }
0x59: {  	_ =	shalt  }
0x5a: {  	_ =	shalt  }
0x5b: {  	_ =	shalt  }
0x5c: {  	_ =	shalt  }
0x5d: {  	_ =	shalt  }
0x5e: {  	_ =	shalt  }
0x5f: {  	_ =	shalt  }
0x60: {  	_ =	shalt  }
0x61: {  	_ =	shalt  }
0x62: {  	_ =	shalt  }
0x63: {  	_ =	shalt  }
0x64: {  	_ =	shalt  }
0x65: {  	_ =	shalt  }
0x66: {  	_ =	shalt  }
0x67: {  	_ =	shalt  }
0x68: {  	_ =	shalt  }
0x69: {  	_ =	shalt  }
0x6a: {  	_ =	shalt  }
0x6b: {  	_ =	shalt  }
0x6c: {  	_ =	shalt  }
0x6d: {  	_ =	shalt  }
0x6e: {  	_ =	shalt  }
0x6f: {  	_ =	shalt  }
0x70: {  	_ =	shalt  }
0x71: {  	_ =	shalt  }
0x72: {  	_ =	shalt  }
0x73: {  	_ =	shalt  }
0x74: {  	_ =	shalt  }
0x75: {  	_ =	shalt  }
0x76: {  	_ =	shalt  }
0x77: {  	_ =	shalt  }
0x78: {  	_ =	shalt  }
0x79: {  	_ =	shalt  }
0x7a: {  	_ =	shalt  }
0x7b: {  	_ =	shalt  }
0x7c: {  	_ =	shalt  }
0x7d: {  	_ =	shalt  }
0x7e: {  	_ =	shalt  }
0x7f: {  	_ =	shalt  }
0x80: {  	_ =	shalt  }
0x81: {  	_ =	shalt  }
0x82: {  	_ =	shalt  }
0x83: {  	_ =	shalt  }
0x84: {  	_ =	shalt  }
0x85: {  	_ =	shalt  }
0x86: {  	_ =	shalt  }
0x87: {  	_ =	shalt  }
.Lfunc_end0:
.L_simem_size_0:
called_computation_lowered:
.L_overlay_start_0:
0x88: {  	s2 =	sld [smem:$0x3FD9]  }
0x89: {  	s3 =	sld [smem:$0x3FFE];
	_ =	sdelay $0x1  }
0x8a: {  	s1 =	srdreg.scid  }
0x8b: {  	s0 =	sand.u32 $0x1, s1  }
0x8c: {  	s17 =	sshll.u32 s0, $0xA;
	s2 =	sadd.s32 s3, s2  }
0x8d: {  	s2 =	sadd.s32 s2, s17  }
0x8e: {  	[smem:$0x3FC2] =	sst s2  }
0x8f: {  	_ = 	snop  }
0x90: {  	s18 =	sld [smem:$0x3FD0];
	(tm) =	ssettm $0x1  }
0x91: {  	s19 =	sld [smem:$0x3FFB];
	_ =	sdelay $0x3  }
0x92: {  	_ =	strace s19  }
0x93: {  	s2 =	sld [smem:$0x3FFC];
	_ =	sdelay $0x3  }
0x94: {  	_ =	strace s2  }
0x95: {  	s2 =	sld [smem:$0x3FFD];
	_ =	sdelay $0x3  }
0x96: {  	_ =	strace s2  }
0x97: {  	_ =	strace $0x8FFFFFFF  }
0x98: {  	s20 =	sld [smem:$0x3FDB];
	_ =	sdelay $0x1  }
0x99: {  	s4 =	simm.s32 $_scs_section_size  }
0x9a: {  	s5 =	simm.s32 $_size__tile_overlayer_lowered;
	s6 =	simm.s32 $_tile_overlayer_lowered  }
0x9b: {  	s7 =	simm.s32 $0x1BFF;
	s21 =	sshll.u32 s6, $0x1;
	s4 =	sadd.s32 s4, s20  }
0x9c: {  	s22 =	simm.s32 $0x0;
	s5 =	sshll.u32 s5, $0x1;
	s6 =	sadd.s32 s21, s4  }
0x9d: {  	[timem:s22], [sflag:s7] =	dma.local [hbm:s6], s5  }
0x9e: {  	_ =	swait.ge [sflag:s7], s5  }
0x9f: {  	s5 =	ssub.s32 $0x0, s5;
	[sflag:s7] =	ssyncset.done $0x0  }
0xa0: {  	[sflag:s7] =	ssyncadd.s32 s5;
	_ =	sdelay $0x1  }
0xa1: {  	s23 =	simm.s32 $0x1B8B  }
0xa2: {  	_ =	swait.ge [sflag:s23], $0x1  }
0xa3: {  	[sflag:s23] =	ssyncset.done $0x0  }
0xa4: {  	[sflag:s23] =	ssyncadd.s32 $0xFFFFFFFF  }
0xa5: {  	s5 =	sld [smem:$0x0]  }
0xa6: {  	s6 =	sand.u32 $0xFFFFFFFE, s1  }
0xa7: {  	p0 =	sne.s32 s1, s6  }
0xa8: {  	s6 =	sshll.u32 @p0 s6, $0xE  }
0xa9: {  	s6 =	sadd.s32 @p0 $0x11B8D, s6;
	s7 =	sshll.u32 @p0 s5, $0x11  }
0xaa: {  	s6 =	sor.u32 @p0 s7, s6  }
0xab: {  	[sflag:s6] =	ssyncadd.remote.s32 @p0 $0x1;
	_ =	sdelay $0x1  }
0xac: {  	s6 =	simm.s32 @p0 $0x1B8D  }
0xad: {  	_ =	swait.eq @p0 [sflag:s6], $0x1  }
0xae: {  	[sflag:s6] =	ssyncadd.s32 @p0 $0xFFFFFFFF  }
0xaf: {  	s7 =	sshll.u32 @!p0 s1, $0xE  }
0xb0: {  	s7 =	sor.u32 @!p0 $0x4000, s7;
	s6 =	simm.s32 @!p0 $0x1B8D  }
0xb1: {  	s5 =	sshll.u32 @!p0 s5, $0x11;
	s7 =	sadd.s32 @!p0 $0x11B8D, s7;
	_ =	swait.eq @!p0 [sflag:s6], $0x1  }
0xb2: {  	s5 =	sor.u32 @!p0 s5, s7;
	[sflag:s6] =	ssyncadd.s32 @!p0 $0xFFFFFFFF  }
0xb3: {  	s25 =	simm.s32 $0x1B8E;
	s24 =	sld [smem:$0x3FFE];
	[sflag:s5] =	ssyncadd.remote.s32 @!p0 $0x1  }
0xb4: {  	s26 =	simm.s32 $execute0_lowered;
	[smem:$0x3FD2] =	sst s25  }
0xb5: {  	s6 =	sshll.u32 s26, $0x1;
	_ =	strace $0x80000049;
	[dreg:$0x1] =	wrdreg $0xFFFFFFFF  }
0xb6: {  	s28 =	simm.s32 $_size_execute0_lowered;
	s4 =	sadd.s32 s4, s6;
	[dreg:$0x0] =	wrdreg $0x0  }
0xb7: {  	s6 =	sshll.u32 s28, $0x1;
	[dreg:$0x2] =	wrdreg s4  }
0xb8: {  	[dreg:$0x3] =	wrdreg s6  }
0xb9: {  	[dreg:$0x4] =	wrdreg $0xC0  }
0xba: {  	_ =	task [dreg:s22], $0x5FFFF  }
0xbb: {  	[dreg:$0x1] =	wrdreg $0xFFFFFFFF  }
0xbc: {  	[dreg:$0x0] =	wrdreg $0x60  }
0xbd: {  	[dreg:$0x2] =	wrdreg s24  }
0xbe: {  	[dreg:$0x3] =	wrdreg s18  }
0xbf: {  	[dreg:$0x4] =	wrdreg $0x94000  }
0xc0: {  	[dreg:$0x5] =	wrdreg $0x9  }
0xc1: {  	_ =	task.clear_ibuf [dreg:s22], $0x6FFFF;
	_ =	strace $0x90000049  }
0xc2: {  	s29 =	simm.s32 $0x9;
	_ =	strace $0x8000004B  }
0xc3: {  	_ =	swait.ge [sflag:s29], $0x1  }
0xc4: {  	[sflag:s29] =	ssyncadd.s32 $0xFFFFFFFF  }
0xc5: {  	_ =	strace $0x9000004B  }
0xc6: {  	_ =	sfence  }
0xc7: {  	s30 =	sld [smem:$0x0];
	_ =	sdelay $0x2  }
0xc8: {  	s31 =	sshll.u32 s1, $0xD;
	s1 =	sshrl.u32 s1, $0x2  }
0xc9: {  	s4 =	sand.u32 $0x4000, s31;
	s1 =	sadd.s32 s1, s30  }
0xca: {  	s0 =	sor.u32 s4, s0;
	s1 =	sshll.u32 s1, $0x11  }
0xcb: {  	s0 =	sor.u32 s1, s0  }
0xcc: {  	s0 =	sadd.s32 $0x8F2B, s0  }
0xcd: {  	[sflag:s0] =	ssyncadd.remote.s32 $0x1  }
0xce: {  	_ =	sfence.sel $0xFFFF  }
0xcf: {  	[dreg:$0x0] =	wrdreg $0xFFFFFFFF;
	(pc) =	sbr.abs _section_cstart, $3  }
0xd0: {  	[dreg:$0x1] =	wrdreg $0xFFFFFFFF  }
0xd1: {  	_ =	task.clear_ibuf [dreg:s22], $0x2FFFF;
	_ =	strace $0x9FFFFFFF  }
0xd2: {  	(tm) =	ssettm $0x7FFFFFFF  }
0xd3: {  	_ =	shalt  }
tec
execute0_lowered:
.L_overlay_start_1:
0x0: {  	(tag) =	ssettag $0x1  }
0x1: {  	s0 =	rddreg [dreg:$0x0]  }
0x2: {  	s3 =	rddreg [dreg:$0x1]  }
0x3: {  	s1 =	rddreg [dreg:$0x2];
	s2 =	simm.s32 $0x0;
	s4 =	srdreg.scid  }
0x4: {  	s17 =	stileid.u32;
	s19 =	simm.s32 $0x2;
	s20 =	simm.s32 $0x80  }
0x5: {  	[smem:$0x7FF] =	sst s2;
	s11 =	sadd.s32 $0xDBE00, s0;
	s13 =	sadd.s32 $0x19BE00, s0  }
0x6: {  	s6 =	sand.u32 $0x1, s4;
	s14 =	sadd.s32 $0x2A00, s0;
	s28 =	smul.u32 $0x600, s17  }
0x7: {  	s21 =	sshll.u32 s17, $0x9;
	s23 =	sshll.u32 s17, $0xC;
	s29 =	smul.u32 $0x6000, s17  }
0x8: {  	_ =	strace $0x8000004A;
	s5 =	sshll.u32 s6, $0x4;
	s7 =	sadd.s32 s21, s0  }
0x9: {  	s8 =	ssub.s32 $0x2, s6;
	s4 =	sadd.s32 s3, s21;
	s16 =	smul.u32 $0x60000, s6  }
0xa: {  	s24 =	sshll.u32 s6, $0xD;
	s25 =	smul.u32 $0x6000, s6;
	s21 =	simm.s32 $0x8180  }
0xb: {  	s5 =	sor.u32 s17, s5;
	s10 =	sshrl.u32 s8, $0x1;
	s3 =	sadd.s32 s24, s7  }
0xc: {  	s17 =	simm.s32 $0x8100;
	s24 =	simm.s32 $0x8080;
	s12 =	smul.u32 $0x600, s5  }
0xd: {  	s9 =	sshll.u32 s5, $0x6;
	s15 =	ssub.s32 s8, s10;
	s22 =	smul.u32 $0x6000, s5  }
0xe: {  	v2 =	vimm.s32 $0xFFEDCBA9;
	v3 =	vimm.s32 $0x87654321;
	s5 =	sadd.s32 s23, s1;
	s7 =	sadd.s32 $0x19E000, s3;
	s30 =	sadd.s32 s16, s11  }
0xf: {  	v1 =	vimm.s32 $0xEDCBA987;
	v2 =	vunpack.c.l.s4.s8 v2;
	v3 =	vunpack.c.l.s4.s8 v3;
	s16 =	simm.s32 $0x3;
	s23 =	simm.s32 $0x9200;
	s0 =	sadd.s32 s9, s0  }
0x10: {  	v0 =	vimm.s32 $0x65432100;
	v1 =	vunpack.c.l.s4.s8 v1;
	s26 =	sshrl.u32 s12, $0x3;
	s8 =	sadd.s32 s11, s22;
	s12 =	sadd.s32 s28, s25  }
.Ltmp0:
0x11: {  	v0 =	vunpack.c.l.s4.s8 v0;
	v2 =	vunpack.c.0.s8.s32 v2;
	v3 =	vunpack.c.0.s8.s32 v3;
	s10 =	sadd.s32 $0x19D800, s0;
	s11 =	smax.u32 s15, $0x1;
	(pc) =	sbr.rel .LBB2_1-.Ltmp0, $4  }
0x12: {  	v1 =	vunpack.c.0.s8.s32 v1;
	s0 =	sadd.s32 s29, s30;
	s15 =	simm.s32 $0x8200;
	s22 =	simm.s32 $0x4000  }
0x13: {  	vm0 =	vcmask $0x3F3C;
	v4 =	vunpack.c.0.s8.s32 v0;
	v3 =	vcombine.low v3, v2;
	s25 =	simm.s32 $0x1;
	s6 =	sadd.s32 s14, s26;
	s12 =	sor.u32 $0x80, s12  }
0x14: {  	v0 =	vimm.f32 $0.0e+00;
	v1 =	vand.u32 $0xF, v1;
	v2 =	vlaneseq.u32;
	s9 =	sadd.s32 s13, s26;
	s26 =	simm.s32 $0x0;
	s31 =	sshrl.u32 s12, $0x3  }
0x15: {  	v1 =	vcombine.low v4, v1;
	v2 =	vor.u32 $0x80000000, v2;
	v3 =	vand.u32 $0xF, v3;
	s12 =	sadd.s32 $0x800, s0;
	s13 =	sadd.s32 s31, s13;
	s14 =	sadd.s32 s31, s14  }
.LBB2_6:
0x16: {  	[bflag:$0x0] =	sbarrier.arrive $0xFFFF  }
0x17: {  	[tilespmem:s15], [sflag:$0x3] =	stream.linear.gather [spmem:s5], $0x1000, $0x38;
	[tilespmem:$0xA400] =	vst v63  }
0x18: {  	_ =	swait.ge [sflag:s16], $0x1000  }
0x19: {  	[sflag:s16] =	ssyncset.done $0x0  }
0x1a: {  	[sflag:s16] =	ssyncadd.s32 $0xFFFFF000  }
0x1b: {  	[hbm4b:s7+s2] =	stream.linear.scatter [tilespmem:s15], [sflag:$0x3], $0x1000, $0x38;
	[tilespmem:$0xA400] =	vst v63  }
0x1c: {  	s26 =	sadd.s32 $0x1, s26;
	_ =	swait.ge [sflag:s16], $0x1000  }
0x1d: {  	p0 =	sne.s32 s26, s11;
	[sflag:s16] =	ssyncset.done $0x0  }
.Ltmp1:
0x1e: {  	[sflag:s16] =	ssyncadd.s32 $0xFFFFF000;
	(pc) =	sbr.rel @!p0 .LBB2_7-.Ltmp1, $4  }
0x1f: {  	[hbm4b:s10+s2] =	stream.linear.scatter [tilespmem:s23], [sflag:$0x3], $0x200, $0x38;
	[tilespmem:$0xA400] =	vst v63  }
0x20: {  	_ =	swait.ge [sflag:s16], $0x200  }
0x21: {  	[sflag:s16] =	ssyncset.done $0x0  }
0x22: {  	[sflag:s16] =	ssyncadd.s32 $0xFFFFFE00  }
.LBB2_1:
0x23: {  	[tilespmem:s15], [sflag:$0x3] =	stream.linear.gather [hbm4b:s4+s2], $0x1000, $0x38;
	[tilespmem:$0xA400] =	vst v63  }
0x24: {  	_ =	swait.ge [sflag:s16], $0x1000  }
0x25: {  	[sflag:s16] =	ssyncset.done $0x0  }
0x26: {  	[sflag:s16] =	ssyncadd.s32 $0xFFFFF000  }
0x27: {  	[spmem:s5] =	stream.linear.scatter [tilespmem:s15], [sflag:$0x3], $0x1000, $0x38;
	[tilespmem:$0xA400] =	vst v63  }
0x28: {  	_ =	swait.ge [sflag:s16], $0x1000  }
0x29: {  	[sflag:s16] =	ssyncset.done $0x0  }
0x2a: {  	[sflag:s16] =	ssyncadd.s32 $0xFFFFF000  }
0x2b: {  	[tilespmem:$0x9200] =	vst v0  }
0x2c: {  	[tilespmem:$0x9210] =	vst v0  }
0x2d: {  	[tilespmem:$0x9220] =	vst v0  }
0x2e: {  	[tilespmem:$0x9230] =	vst v0  }
0x2f: {  	[tilespmem:$0x9240] =	vst v0  }
0x30: {  	[tilespmem:$0x9250] =	vst v0  }
0x31: {  	[tilespmem:$0x9260] =	vst v0  }
0x32: {  	[tilespmem:$0x9270] =	vst v0  }
0x33: {  	[tilespmem:$0x9280] =	vst v0  }
0x34: {  	[tilespmem:$0x9290] =	vst v0  }
0x35: {  	[tilespmem:$0x92A0] =	vst v0  }
0x36: {  	[tilespmem:$0x92B0] =	vst v0  }
0x37: {  	[tilespmem:$0x92C0] =	vst v0  }
0x38: {  	[tilespmem:$0x92D0] =	vst v0  }
0x39: {  	[tilespmem:$0x92E0] =	vst v0  }
0x3a: {  	[tilespmem:$0x92F0] =	vst v0  }
0x3b: {  	[tilespmem:$0x9300] =	vst v0  }
0x3c: {  	[tilespmem:$0x9310] =	vst v0  }
0x3d: {  	[tilespmem:$0x9320] =	vst v0  }
0x3e: {  	[tilespmem:$0x9330] =	vst v0  }
0x3f: {  	[tilespmem:$0x9340] =	vst v0  }
0x40: {  	[tilespmem:$0x9350] =	vst v0  }
0x41: {  	[tilespmem:$0x9360] =	vst v0  }
0x42: {  	[tilespmem:$0x9370] =	vst v0  }
0x43: {  	[tilespmem:$0x9380] =	vst v0  }
0x44: {  	[tilespmem:$0x9390] =	vst v0  }
0x45: {  	[tilespmem:$0x93A0] =	vst v0  }
0x46: {  	[tilespmem:$0x93B0] =	vst v0  }
0x47: {  	[tilespmem:$0x93C0] =	vst v0  }
0x48: {  	[tilespmem:$0x93D0] =	vst v0  }
0x49: {  	[tilespmem:$0x93E0] =	vst v0  }
0x4a: {  	[tilespmem:$0x93F0] =	vst v0  }
0x4b: {  	[bflag:$0x0] =	sbarrier.arrive $0xFFFF  }
0x4c: {  	[tilespmem:s17], [sflag:$0x1] =	stream.linear.gather [hbm4b:s6+s2], $0x80, $0x38;
	[tilespmem:$0xA400] =	vst v63  }
.Ltmp2:
0x4d: {  	_ = 	snop;
	(pc) =	sbr.rel .LBB2_2-.Ltmp2, $4  }
0x4e: {  	s0 =	simm.s32 $0x8000  }
0x4f: {  	[tilespmem:s2], [sflag:$0x1] =	stream.linear.gather [hbm4b:s8+s2], $0x4000, $0x38;
	[tilespmem:$0xA400] =	vst v63  }
0x50: {  	s28 =	simm.s32 $0x0;
	s29 =	smov.u32 s12;
	s30 =	simm.s32 $0x0  }
0x51: {  	[tilespmem:s0], [sflag:$0x1] =	stream.linear.gather [hbm4b:s9+s2], $0x80, $0x38;
	[tilespmem:$0xA400] =	vst v63  }
.LBB2_4:
0x52: {  	p0 =	seq.s32 s28, $0xB0  }
0x53: {  	s0 =	sadd.s32 @!p0 s28, s14;
	s3 =	simm.s32 @!p0 $0x0;
	s18 =	simm.s32 @!p0 $0x8100  }
0x54: {  	[tilespmem:s18], [sflag:$0x1] =	stream.linear.gather @!p0 [hbm4b:s0+s3], $0x80, $0x38;
	[tilespmem:$0xA400] =	vst v63  }
0x55: {  	_ = 	snop  }
0x56: {  	[tilespmem:s3], [sflag:$0x1] =	stream.linear.gather @!p0 [hbm4b:s29+s3], $0x4000, $0x38;
	[tilespmem:$0xA400] =	vst v63  }
0x57: {  	s0 =	sadd.s32 @!p0 s28, s13;
	s18 =	simm.s32 @!p0 $0x8000  }
0x58: {  	[tilespmem:s18], [sflag:$0x1] =	stream.linear.gather @!p0 [hbm4b:s0+s3], $0x80, $0x38;
	[tilespmem:$0xA400] =	vst v63  }
0x59: {  	_ =	swait.ge [sflag:s19], $0x80  }
0x5a: {  	[sflag:s19] =	ssyncset.done $0x0  }
0x5b: {  	[sflag:s19] =	ssyncadd.s32 $0xFFFFFF80  }
0x5c: {  	_ =	swait.ge [sflag:s19], $0x4000  }
0x5d: {  	[sflag:s19] =	ssyncset.done $0x0  }
0x5e: {  	[sflag:s19] =	ssyncadd.s32 $0xFFFFC000  }
0x5f: {  	_ =	swait.ge [sflag:s19], $0x80  }
0x60: {  	[sflag:s19] =	ssyncset.done $0x0  }
0x61: {  	[sflag:s19] =	ssyncadd.s32 $0xFFFFFF80  }
0x62: {  	[spmem:s1] =	stream.indirect.scatter.add.f32 [tilespmem:s22], [sflag:$0x3], $0x80, s21, s20, $0xb8;
	[tilespmem:$0xA400] =	vst v63  }
0x63: {  	_ =	swait.ge [sflag:s16], $0x4000  }
0x64: {  	[sflag:s16] =	ssyncset.done $0x0  }
0x65: {  	[sflag:s16] =	ssyncadd.s32 $0xFFFFC000  }
0x66: {  	v4 =	vld [tilespmem:$0x8080];
	_ =	sdelay $0x1  }
0x67: {  	v5 =	vld [tilespmem:$0x8180];
	_ =	sdelay $0x2  }
0x68: {  	(xrf2) =	vadd.scan.msk.f32 $0xffff, v4;
	_ =	sdelay $0x1  }
0x69: {  	v6 =	vperm.xlane v5, v1;
	_ =	sdelay $0x1  }
0x6a: {  	vm1 =	veq.s32 v5, v6  }
0x6b: {  	v6 =	vsel vm1, $0x80000000, v2  }
0x6c: {  	(xrf0) =	vmax.scan.msk.u32 $0xffff, v6;
	_ =	sdelay $0x1  }
0x6d: {  	v42 =	vperm.xlane v5, v3;
	_ =	sdelay $0x1  }
0x6e: {  	vm1 =	vne.s32 v5, v42;
	v7, _, _ =	vpop (xrf2)  }
0x6f: {  	vm1 =	vmor vm1, vm0;
	v4 =	vsub.f32 v7, v4  }
0x70: {  	v43, _, _ =	vpop (xrf0)  }
0x71: {  	v4 =	vperm.xlane v4, v43;
	_ =	sdelay $0x1  }
0x72: {  	v4 =	vsub.f32 v7, v4;
	_ =	sdelay $0x1  }
0x73: {  	[tilespmem:v5+s23+$0x0] =	vst.idx.add.f32.msk vm1, v4  }
0x74: {  	v4 =	vld [tilespmem:$0x8090];
	_ =	sdelay $0x1  }
0x75: {  	v5 =	vld [tilespmem:$0x8190];
	_ =	sdelay $0x2  }
0x76: {  	(xrf2) =	vadd.scan.msk.f32 $0xffff, v4;
	_ =	sdelay $0x1  }
0x77: {  	v44 =	vperm.xlane v5, v1;
	_ =	sdelay $0x1  }
0x78: {  	vm1 =	veq.s32 v5, v44  }
0x79: {  	v6 =	vsel vm1, $0x80000000, v2  }
0x7a: {  	(xrf0) =	vmax.scan.msk.u32 $0xffff, v6;
	_ =	sdelay $0x1  }
0x7b: {  	v45 =	vperm.xlane v5, v3;
	_ =	sdelay $0x1  }
0x7c: {  	vm1 =	vne.s32 v5, v45;
	v46, _, _ =	vpop (xrf2)  }
0x7d: {  	vm1 =	vmor vm1, vm0;
	v4 =	vsub.f32 v46, v4  }
0x7e: {  	v47, _, _ =	vpop (xrf0)  }
0x7f: {  	v4 =	vperm.xlane v4, v47;
	_ =	sdelay $0x1  }
0x80: {  	v4 =	vsub.f32 v46, v4;
	_ =	sdelay $0x1  }
0x81: {  	[tilespmem:v5+s23+$0x0] =	vst.idx.add.f32.msk vm1, v4  }
0x82: {  	v4 =	vld [tilespmem:$0x80A0];
	_ =	sdelay $0x1  }
0x83: {  	v5 =	vld [tilespmem:$0x81A0];
	_ =	sdelay $0x2  }
0x84: {  	(xrf2) =	vadd.scan.msk.f32 $0xffff, v4;
	_ =	sdelay $0x1  }
0x85: {  	v48 =	vperm.xlane v5, v1;
	_ =	sdelay $0x1  }
0x86: {  	vm1 =	veq.s32 v5, v48  }
0x87: {  	v6 =	vsel vm1, $0x80000000, v2  }
0x88: {  	(xrf0) =	vmax.scan.msk.u32 $0xffff, v6;
	_ =	sdelay $0x1  }
0x89: {  	v49 =	vperm.xlane v5, v3;
	_ =	sdelay $0x1  }
0x8a: {  	vm1 =	vne.s32 v5, v49;
	v50, _, _ =	vpop (xrf2)  }
0x8b: {  	vm1 =	vmor vm1, vm0;
	v4 =	vsub.f32 v50, v4  }
0x8c: {  	v51, _, _ =	vpop (xrf0)  }
0x8d: {  	v4 =	vperm.xlane v4, v51;
	_ =	sdelay $0x1  }
0x8e: {  	v4 =	vsub.f32 v50, v4;
	_ =	sdelay $0x1  }
0x8f: {  	[tilespmem:v5+s23+$0x0] =	vst.idx.add.f32.msk vm1, v4  }
0x90: {  	v4 =	vld [tilespmem:$0x80B0];
	_ =	sdelay $0x1  }
0x91: {  	v5 =	vld [tilespmem:$0x81B0];
	_ =	sdelay $0x2  }
0x92: {  	(xrf2) =	vadd.scan.msk.f32 $0xffff, v4;
	_ =	sdelay $0x1  }
0x93: {  	v52 =	vperm.xlane v5, v1;
	_ =	sdelay $0x1  }
0x94: {  	vm1 =	veq.s32 v5, v52  }
0x95: {  	v6 =	vsel vm1, $0x80000000, v2  }
0x96: {  	(xrf0) =	vmax.scan.msk.u32 $0xffff, v6;
	_ =	sdelay $0x1  }
0x97: {  	v53 =	vperm.xlane v5, v3;
	_ =	sdelay $0x1  }
0x98: {  	vm1 =	vne.s32 v5, v53;
	v54, _, _ =	vpop (xrf2)  }
0x99: {  	vm1 =	vmor vm1, vm0;
	v4 =	vsub.f32 v54, v4  }
0x9a: {  	v55, _, _ =	vpop (xrf0)  }
0x9b: {  	v4 =	vperm.xlane v4, v55;
	_ =	sdelay $0x1  }
0x9c: {  	v4 =	vsub.f32 v54, v4;
	_ =	sdelay $0x1  }
0x9d: {  	[tilespmem:v5+s23+$0x0] =	vst.idx.add.f32.msk vm1, v4  }
0x9e: {  	v4 =	vld [tilespmem:$0x80C0];
	_ =	sdelay $0x1  }
0x9f: {  	v5 =	vld [tilespmem:$0x81C0];
	_ =	sdelay $0x2  }
0xa0: {  	(xrf2) =	vadd.scan.msk.f32 $0xffff, v4;
	_ =	sdelay $0x1  }
0xa1: {  	v56 =	vperm.xlane v5, v1;
	_ =	sdelay $0x1  }
0xa2: {  	vm1 =	veq.s32 v5, v56  }
0xa3: {  	v6 =	vsel vm1, $0x80000000, v2  }
0xa4: {  	(xrf0) =	vmax.scan.msk.u32 $0xffff, v6;
	_ =	sdelay $0x1  }
0xa5: {  	v57 =	vperm.xlane v5, v3;
	_ =	sdelay $0x1  }
0xa6: {  	vm1 =	vne.s32 v5, v57;
	v58, _, _ =	vpop (xrf2)  }
0xa7: {  	vm1 =	vmor vm1, vm0;
	v4 =	vsub.f32 v58, v4  }
0xa8: {  	v59, _, _ =	vpop (xrf0)  }
0xa9: {  	v4 =	vperm.xlane v4, v59;
	_ =	sdelay $0x1  }
0xaa: {  	v4 =	vsub.f32 v58, v4;
	_ =	sdelay $0x1  }
0xab: {  	[tilespmem:v5+s23+$0x0] =	vst.idx.add.f32.msk vm1, v4  }
0xac: {  	v4 =	vld [tilespmem:$0x80D0];
	_ =	sdelay $0x1  }
0xad: {  	v5 =	vld [tilespmem:$0x81D0];
	_ =	sdelay $0x2  }
0xae: {  	(xrf2) =	vadd.scan.msk.f32 $0xffff, v4;
	_ =	sdelay $0x1  }
0xaf: {  	v60 =	vperm.xlane v5, v1;
	_ =	sdelay $0x1  }
0xb0: {  	vm1 =	veq.s32 v5, v60  }
0xb1: {  	v6 =	vsel vm1, $0x80000000, v2  }
0xb2: {  	(xrf0) =	vmax.scan.msk.u32 $0xffff, v6;
	_ =	sdelay $0x1  }
0xb3: {  	v61 =	vperm.xlane v5, v3;
	_ =	sdelay $0x1  }
0xb4: {  	vm1 =	vne.s32 v5, v61;
	v62, _, _ =	vpop (xrf2)  }
0xb5: {  	vm1 =	vmor vm1, vm0;
	v4 =	vsub.f32 v62, v4  }
0xb6: {  	v63, _, _ =	vpop (xrf0)  }
0xb7: {  	v4 =	vperm.xlane v4, v63;
	_ =	sdelay $0x1  }
0xb8: {  	v4 =	vsub.f32 v62, v4  }
0xb9: {  	s31 =	simm.s32 $0x81F0  }
0xba: {  	s0 =	simm.s32 $0x80F0;
	s3 =	simm.s32 $0x81E0;
	s18 =	simm.s32 $0x80E0;
	[tilespmem:v5+s23+$0x0] =	vst.idx.add.f32.msk vm1, v4  }
.LBB2_5:
0xbb: {  	v4 =	vld [tilespmem:s18+$0x0];
	_ =	sdelay $0x1  }
0xbc: {  	v5 =	vld [tilespmem:s3+$0x0];
	_ =	sdelay $0x2  }
0xbd: {  	(xrf2) =	vadd.scan.msk.f32 $0xffff, v4;
	_ =	sdelay $0x1  }
0xbe: {  	v6 =	vperm.xlane v5, v1;
	_ =	sdelay $0x1  }
0xbf: {  	vm1 =	veq.s32 v5, v6  }
0xc0: {  	v6 =	vsel vm1, $0x80000000, v2  }
0xc1: {  	(xrf0) =	vmax.scan.msk.u32 $0xffff, v6;
	_ =	sdelay $0x1  }
0xc2: {  	v58 =	vperm.xlane v5, v3;
	_ =	sdelay $0x1  }
0xc3: {  	vm1 =	vne.s32 v5, v58;
	v7, _, _ =	vpop (xrf2)  }
0xc4: {  	vm1 =	vmor vm1, vm0;
	v4 =	vsub.f32 v7, v4  }
0xc5: {  	v59, _, _ =	vpop (xrf0)  }
0xc6: {  	v4 =	vperm.xlane v4, v59;
	_ =	sdelay $0x1  }
0xc7: {  	v4 =	vsub.f32 v7, v4;
	_ =	sdelay $0x1  }
0xc8: {  	[tilespmem:v5+s23+$0x0] =	vst.idx.add.f32.msk vm1, v4  }
0xc9: {  	v4 =	vld [tilespmem:s0+$0x0];
	_ =	sdelay $0x1  }
0xca: {  	v5 =	vld [tilespmem:s31+$0x0];
	_ =	sdelay $0x2  }
0xcb: {  	(xrf2) =	vadd.scan.msk.f32 $0xffff, v4;
	_ =	sdelay $0x1  }
0xcc: {  	v60 =	vperm.xlane v5, v1;
	_ =	sdelay $0x1  }
0xcd: {  	vm1 =	veq.s32 v5, v60  }
0xce: {  	v6 =	vsel vm1, $0x80000000, v2  }
0xcf: {  	(xrf0) =	vmax.scan.msk.u32 $0xffff, v6;
	_ =	sdelay $0x1  }
0xd0: {  	v61 =	vperm.xlane v5, v3;
	_ =	sdelay $0x1  }
0xd1: {  	vm1 =	vne.s32 v5, v61;
	v62, _, _ =	vpop (xrf2)  }
0xd2: {  	s28 =	sadd.s32 $0x10, s28;
	vm1 =	vmor vm1, vm0;
	v4 =	vsub.f32 v62, v4  }
0xd3: {  	p0 =	sne.s32 s28, $0xC0;
	v63, _, _ =	vpop (xrf0)  }
.Ltmp3:
0xd4: {  	v4 =	vperm.xlane v4, v63;
	(pc) =	sbr.rel @!p0 .LBB2_6-.Ltmp3, $3  }
0xd5: {  	_ = 	snop  }
0xd6: {  	v4 =	vsub.f32 v62, v4;
	_ =	sdelay $0x1  }
0xd7: {  	s30 =	sadd.s32 $0x1, s30;
	s29 =	sadd.s32 $0x800, s29;
	[tilespmem:v5+s23+$0x0] =	vst.idx.add.f32.msk vm1, v4  }
.LBB2_2:
0xd8: {  	s0 =	sand.u32 $0x1, s30  }
0xd9: {  	p0 =	seq.s32 s0, $0x1  }
.Ltmp4:
0xda: {  	_ = 	snop;
	(pc) =	sbr.rel @p0 .LBB2_4-.Ltmp4, $1  }
0xdb: {  	_ =	sdelay $0x3  }
0xdc: {  	s0 =	sadd.s32 s28, s14  }
0xdd: {  	[tilespmem:s21], [sflag:$0x2] =	stream.linear.gather [hbm4b:s0+s2], $0x80, $0x38;
	[tilespmem:$0xA400] =	vst v63  }
0xde: {  	_ = 	snop  }
0xdf: {  	[tilespmem:s22], [sflag:$0x2] =	stream.linear.gather [hbm4b:s29+s2], $0x4000, $0x38;
	[tilespmem:$0xA400] =	vst v63  }
0xe0: {  	s18 =	sadd.s32 s28, s13  }
0xe1: {  	[tilespmem:s24], [sflag:$0x2] =	stream.linear.gather [hbm4b:s18+s2], $0x80, $0x38;
	[tilespmem:$0xA400] =	vst v63  }
0xe2: {  	_ =	swait.ge [sflag:s25], $0x80  }
0xe3: {  	[sflag:s25] =	ssyncset.done $0x0  }
0xe4: {  	[sflag:s25] =	ssyncadd.s32 $0xFFFFFF80  }
0xe5: {  	_ =	swait.ge [sflag:s25], $0x4000  }
0xe6: {  	[sflag:s25] =	ssyncset.done $0x0  }
0xe7: {  	[sflag:s25] =	ssyncadd.s32 $0xFFFFC000  }
0xe8: {  	_ =	swait.ge [sflag:s25], $0x80  }
0xe9: {  	[sflag:s25] =	ssyncset.done $0x0  }
0xea: {  	[sflag:s25] =	ssyncadd.s32 $0xFFFFFF80  }
0xeb: {  	[spmem:s1] =	stream.indirect.scatter.add.f32 [tilespmem:s2], [sflag:$0x3], $0x80, s17, s20, $0xb8;
	[tilespmem:$0xA400] =	vst v63  }
0xec: {  	_ =	swait.ge [sflag:s16], $0x4000  }
0xed: {  	[sflag:s16] =	ssyncset.done $0x0  }
0xee: {  	[sflag:s16] =	ssyncadd.s32 $0xFFFFC000  }
0xef: {  	v4 =	vld [tilespmem:$0x8000];
	_ =	sdelay $0x1  }
0xf0: {  	v5 =	vld [tilespmem:$0x8100];
	_ =	sdelay $0x2  }
0xf1: {  	(xrf2) =	vadd.scan.msk.f32 $0xffff, v4;
	_ =	sdelay $0x1  }
0xf2: {  	v6 =	vperm.xlane v5, v1;
	_ =	sdelay $0x1  }
0xf3: {  	vm1 =	veq.s32 v5, v6  }
0xf4: {  	v6 =	vsel vm1, $0x80000000, v2  }
0xf5: {  	(xrf0) =	vmax.scan.msk.u32 $0xffff, v6;
	_ =	sdelay $0x1  }
0xf6: {  	v42 =	vperm.xlane v5, v3;
	_ =	sdelay $0x1  }
0xf7: {  	vm1 =	vne.s32 v5, v42;
	v7, _, _ =	vpop (xrf2)  }
0xf8: {  	vm1 =	vmor vm1, vm0;
	v4 =	vsub.f32 v7, v4  }
0xf9: {  	v43, _, _ =	vpop (xrf0)  }
0xfa: {  	v4 =	vperm.xlane v4, v43;
	_ =	sdelay $0x1  }
0xfb: {  	v4 =	vsub.f32 v7, v4;
	_ =	sdelay $0x1  }
0xfc: {  	[tilespmem:v5+s23+$0x0] =	vst.idx.add.f32.msk vm1, v4  }
0xfd: {  	v4 =	vld [tilespmem:$0x8010];
	_ =	sdelay $0x1  }
0xfe: {  	v5 =	vld [tilespmem:$0x8110];
	_ =	sdelay $0x2  }
0xff: {  	(xrf2) =	vadd.scan.msk.f32 $0xffff, v4;
	_ =	sdelay $0x1  }
0x100: {  	v44 =	vperm.xlane v5, v1;
	_ =	sdelay $0x1  }
0x101: {  	vm1 =	veq.s32 v5, v44  }
0x102: {  	v6 =	vsel vm1, $0x80000000, v2  }
0x103: {  	(xrf0) =	vmax.scan.msk.u32 $0xffff, v6;
	_ =	sdelay $0x1  }
0x104: {  	v45 =	vperm.xlane v5, v3;
	_ =	sdelay $0x1  }
0x105: {  	vm1 =	vne.s32 v5, v45;
	v46, _, _ =	vpop (xrf2)  }
0x106: {  	vm1 =	vmor vm1, vm0;
	v4 =	vsub.f32 v46, v4  }
0x107: {  	v47, _, _ =	vpop (xrf0)  }
0x108: {  	v4 =	vperm.xlane v4, v47;
	_ =	sdelay $0x1  }
0x109: {  	v4 =	vsub.f32 v46, v4;
	_ =	sdelay $0x1  }
0x10a: {  	[tilespmem:v5+s23+$0x0] =	vst.idx.add.f32.msk vm1, v4  }
0x10b: {  	v4 =	vld [tilespmem:$0x8020];
	_ =	sdelay $0x1  }
0x10c: {  	v5 =	vld [tilespmem:$0x8120];
	_ =	sdelay $0x2  }
0x10d: {  	(xrf2) =	vadd.scan.msk.f32 $0xffff, v4;
	_ =	sdelay $0x1  }
0x10e: {  	v48 =	vperm.xlane v5, v1;
	_ =	sdelay $0x1  }
0x10f: {  	vm1 =	veq.s32 v5, v48  }
0x110: {  	v6 =	vsel vm1, $0x80000000, v2  }
0x111: {  	(xrf0) =	vmax.scan.msk.u32 $0xffff, v6;
	_ =	sdelay $0x1  }
0x112: {  	v49 =	vperm.xlane v5, v3;
	_ =	sdelay $0x1  }
0x113: {  	vm1 =	vne.s32 v5, v49;
	v50, _, _ =	vpop (xrf2)  }
0x114: {  	vm1 =	vmor vm1, vm0;
	v4 =	vsub.f32 v50, v4  }
0x115: {  	v51, _, _ =	vpop (xrf0)  }
0x116: {  	v4 =	vperm.xlane v4, v51;
	_ =	sdelay $0x1  }
0x117: {  	v4 =	vsub.f32 v50, v4;
	_ =	sdelay $0x1  }
0x118: {  	[tilespmem:v5+s23+$0x0] =	vst.idx.add.f32.msk vm1, v4  }
0x119: {  	v4 =	vld [tilespmem:$0x8030];
	_ =	sdelay $0x1  }
0x11a: {  	v5 =	vld [tilespmem:$0x8130];
	_ =	sdelay $0x2  }
0x11b: {  	(xrf2) =	vadd.scan.msk.f32 $0xffff, v4;
	_ =	sdelay $0x1  }
0x11c: {  	v52 =	vperm.xlane v5, v1;
	_ =	sdelay $0x1  }
0x11d: {  	vm1 =	veq.s32 v5, v52  }
0x11e: {  	v6 =	vsel vm1, $0x80000000, v2  }
0x11f: {  	(xrf0) =	vmax.scan.msk.u32 $0xffff, v6;
	_ =	sdelay $0x1  }
0x120: {  	v53 =	vperm.xlane v5, v3;
	_ =	sdelay $0x1  }
0x121: {  	vm1 =	vne.s32 v5, v53;
	v54, _, _ =	vpop (xrf2)  }
0x122: {  	vm1 =	vmor vm1, vm0;
	v4 =	vsub.f32 v54, v4  }
0x123: {  	v55, _, _ =	vpop (xrf0)  }
0x124: {  	v4 =	vperm.xlane v4, v55;
	_ =	sdelay $0x1  }
0x125: {  	v4 =	vsub.f32 v54, v4;
	_ =	sdelay $0x1  }
0x126: {  	[tilespmem:v5+s23+$0x0] =	vst.idx.add.f32.msk vm1, v4  }
0x127: {  	v4 =	vld [tilespmem:$0x8040];
	_ =	sdelay $0x1  }
0x128: {  	v5 =	vld [tilespmem:$0x8140];
	_ =	sdelay $0x2  }
0x129: {  	(xrf2) =	vadd.scan.msk.f32 $0xffff, v4;
	_ =	sdelay $0x1  }
0x12a: {  	v56 =	vperm.xlane v5, v1;
	_ =	sdelay $0x1  }
0x12b: {  	vm1 =	veq.s32 v5, v56  }
0x12c: {  	v6 =	vsel vm1, $0x80000000, v2  }
0x12d: {  	(xrf0) =	vmax.scan.msk.u32 $0xffff, v6;
	_ =	sdelay $0x1  }
0x12e: {  	v57 =	vperm.xlane v5, v3;
	_ =	sdelay $0x1  }
0x12f: {  	vm1 =	vne.s32 v5, v57;
	v58, _, _ =	vpop (xrf2)  }
0x130: {  	vm1 =	vmor vm1, vm0;
	v4 =	vsub.f32 v58, v4  }
0x131: {  	v59, _, _ =	vpop (xrf0)  }
0x132: {  	v4 =	vperm.xlane v4, v59;
	_ =	sdelay $0x1  }
0x133: {  	v4 =	vsub.f32 v58, v4;
	_ =	sdelay $0x1  }
0x134: {  	[tilespmem:v5+s23+$0x0] =	vst.idx.add.f32.msk vm1, v4  }
0x135: {  	v4 =	vld [tilespmem:$0x8050];
	_ =	sdelay $0x1  }
0x136: {  	v5 =	vld [tilespmem:$0x8150];
	_ =	sdelay $0x2  }
0x137: {  	(xrf2) =	vadd.scan.msk.f32 $0xffff, v4;
	_ =	sdelay $0x1  }
0x138: {  	v60 =	vperm.xlane v5, v1;
	_ =	sdelay $0x1  }
0x139: {  	vm1 =	veq.s32 v5, v60  }
0x13a: {  	v6 =	vsel vm1, $0x80000000, v2  }
0x13b: {  	(xrf0) =	vmax.scan.msk.u32 $0xffff, v6;
	_ =	sdelay $0x1  }
0x13c: {  	v61 =	vperm.xlane v5, v3;
	_ =	sdelay $0x1  }
0x13d: {  	vm1 =	vne.s32 v5, v61;
	v62, _, _ =	vpop (xrf2)  }
0x13e: {  	vm1 =	vmor vm1, vm0;
	v4 =	vsub.f32 v62, v4  }
0x13f: {  	v63, _, _ =	vpop (xrf0)  }
.Ltmp5:
0x140: {  	v4 =	vperm.xlane v4, v63;
	(pc) =	sbr.rel .LBB2_5-.Ltmp5, $4  }
0x141: {  	_ = 	snop  }
0x142: {  	v4 =	vsub.f32 v62, v4  }
0x143: {  	s31 =	simm.s32 $0x8170  }
0x144: {  	s3 =	simm.s32 $0x8160;
	s0 =	simm.s32 $0x8070;
	s18 =	simm.s32 $0x8060;
	[tilespmem:v5+s23+$0x0] =	vst.idx.add.f32.msk vm1, v4  }
.LBB2_7:
0x145: {  	_ =	sfence.sel $0x180000  }
0x146: {  	[bflag:$0x0] =	sbarrier.arrive $0xFFFF  }
0x147: {  	_ =	strace $0x9000004A  }
0x148: {  	s0 =	stileid.u32;
	[bflag:$0x2] =	sbarrier.arrive $0xFFFF  }
0x149: {  	p0 =	sne.s32 s0, $0x0;
	s0 =	rddreg [dreg:$0x3]  }
0x14a: {  	s0 =	sadd.s32 @!p0 $0x100000, s0  }
0x14b: {  	[sflag:s0] =	ssyncadd.tile.s32 @!p0 $0x1;
	_ =	shalt  }
.Lfunc_end2:
_tile_overlayer_lowered:
.L_overlay_start_2:
0x14c: {  	(tag) =	ssettag $0x2  }
0x14d: {  	s0 =	rddreg [dreg:$0x0];
	s2 =	stileid.u32  }
0x14e: {  	s1 =	rddreg [dreg:$0x1];
	p0 =	sne.s32 s2, $0x0  }
0x14f: {  	s3 =	rddreg [dreg:$0x2];
	[bflag:$0x3] =	sbarrier.arrive $0xFFFF;
	s2 =	simm.s32 @!p0 $0x1C03  }
0x150: {  	[timem:s3], [sflag:s2] =	dma.local @!p0 [hbm:s0], s1  }
0x151: {  	s0 =	simm.s32 @!p0 $0x3  }
0x152: {  	_ =	swait.ge @!p0 [sflag:s0], s1  }
0x153: {  	s1 =	ssub.s32 @!p0 $0x0, s1;
	[sflag:s0] =	ssyncset.done @!p0 $0x0  }
0x154: {  	[sflag:s0] =	ssyncadd.s32 @!p0 s1  }
0x155: {  	[bflag:$0x3] =	sbarrier.arrive $0xFFFF  }
0x156: {  	_ =	shalt  }

</sc_bundles>
